<compile_context>
chip_gen: v7x
topology: tpu7x:2x2x1
jax: 0.10.2.dev20260603
libtpu: 0.0.44.dev20260713+nightly
codegen_flags: <defaults>
</compile_context>

<pallas_src>
import functools

import jax
import jax.numpy as jnp
import numpy as np
from jax import lax
from jax.experimental import pallas as pl
from jax.experimental.pallas import tpu as pltpu
from jax.experimental.pallas import tpu_sc as plsc

N = 10000
E = 320000
F = 128
D = 64
NLAYERS = 5
EMB = D * NLAYERS
G = 200
GAMMA = 0.1
LOG2 = float(np.log(2.0))

NC = 2
NS = 16
NW = NC * NS
BLK = 128
NBLK_W = 80
EP = NW * NBLK_W * BLK
NPAD = 10240
ZROWS = NPAD // NS

NBUF = 8



def _agg_body(z_hbm, src_hbm, dst_hbm, out_hbm,
              src_v, dst_v, rows_v, acc_sh, gsem, ssem):
    c = lax.axis_index("c")
    s = lax.axis_index("s")
    wid = c * NS + s
    cp_src = pltpu.async_copy(src_hbm.at[wid], src_v, ssem)
    cp_dst = pltpu.async_copy(dst_hbm.at[wid], dst_v, ssem)
    zv = jnp.zeros((16,), jnp.float32)

    def zrow(r, carry):
        for k in range(D // 16):
            rows_v[0, r, pl.ds(k * 16, 16)] = zv
        return carry

    lax.fori_loop(0, BLK, zrow, 0)
    for t in range(ZROWS // BLK):
        pltpu.sync_copy(rows_v.at[0],
                        acc_sh.at[pl.ds(s * ZROWS + t * BLK, BLK)])
    cp_src.wait()
    cp_dst.wait()
    plsc.subcore_barrier()

    for b in range(NBUF):
        pltpu.async_copy(z_hbm.at[src_v.at[b]], rows_v.at[b], gsem)

    def step(j, carry):
        b = lax.rem(j, NBUF)
        pltpu.make_async_copy(z_hbm.at[src_v.at[j]], rows_v.at[b],
                              gsem).wait()
        pltpu.async_copy(rows_v.at[b], acc_sh.at[dst_v.at[j]], ssem,
                         add=True)
        k = j - 1

        @pl.when(jnp.logical_and(k >= 0, k + NBUF < NBLK_W))
        def _refill():
            kb = lax.rem(k, NBUF)
            pltpu.make_async_copy(rows_v.at[kb], acc_sh.at[dst_v.at[k]],
                                  ssem).wait()
            pltpu.async_copy(z_hbm.at[src_v.at[k + NBUF]], rows_v.at[kb],
                             gsem)

        return carry

    lax.fori_loop(0, NBLK_W, step, 0)

    def drain(j, carry):
        b = lax.rem(j, NBUF)
        pltpu.make_async_copy(rows_v.at[b], acc_sh.at[dst_v.at[j]],
                              ssem).wait()
        return carry

    lax.fori_loop(NBLK_W - NBUF, NBLK_W, drain, 0)
    plsc.subcore_barrier()
    pltpu.sync_copy(acc_sh.at[pl.ds(s * ZROWS, ZROWS)],
                    out_hbm.at[c].at[pl.ds(s * ZROWS, ZROWS)])


_agg = pl.kernel(
    _agg_body,
    out_type=jax.ShapeDtypeStruct((NC, NPAD, D), jnp.float32),
    mesh=plsc.VectorSubcoreMesh(core_axis_name="c", subcore_axis_name="s"),
    scratch_types=[
        pltpu.VMEM((NBLK_W, BLK), jnp.int32),
        pltpu.VMEM((NBLK_W, BLK), jnp.int32),
        pltpu.VMEM((NBUF, BLK, D), jnp.float32),
        pltpu.VMEM_SHARED((NPAD, D), jnp.float32),
        pltpu.SemaphoreType.DMA,
        pltpu.SemaphoreType.DMA,
    ],
    compiler_params=pltpu.CompilerParams(use_tc_tiling_on_sc=False),
)



def _pre_body(x_ref, w_ref, o_ref):
    o_ref[...] = jnp.dot(x_ref[...], w_ref[...],
                         preferred_element_type=jnp.float32)


_pre = pl.pallas_call(
    _pre_body,
    out_shape=jax.ShapeDtypeStruct((N, D), jnp.float32),
)


def _bn_mlp(z, a0, a1, b1, w2, b2, gm, bt):
    u = jnp.maximum(z + a0 + a1 + b1, 0.0)
    v = jnp.dot(u, w2, preferred_element_type=jnp.float32) + b2
    xr = jnp.maximum(v, 0.0)
    mean = jnp.mean(xr, axis=0, keepdims=True)
    xc = xr - mean
    var = jnp.mean(xc * xc, axis=0, keepdims=True)
    return xc / jnp.sqrt(var + 1e-5) * gm + bt


def _layer_body(z_ref, a0_ref, a1_ref, b1_ref, w2_ref, b2_ref, gm_ref,
                bt_ref, w1n_ref, x_ref, zn_ref):
    xbn = _bn_mlp(z_ref[...], a0_ref[...], a1_ref[...], b1_ref[...],
                  w2_ref[...], b2_ref[...], gm_ref[...], bt_ref[...])
    x_ref[...] = xbn
    zn_ref[...] = jnp.dot(xbn, w1n_ref[...],
                          preferred_element_type=jnp.float32)


_layer = pl.pallas_call(
    _layer_body,
    out_shape=(jax.ShapeDtypeStruct((N, D), jnp.float32),
               jax.ShapeDtypeStruct((N, D), jnp.float32)),
)


def _layer_last_body(z_ref, a0_ref, a1_ref, b1_ref, w2_ref, b2_ref, gm_ref,
                     bt_ref, x_ref):
    x_ref[...] = _bn_mlp(z_ref[...], a0_ref[...], a1_ref[...], b1_ref[...],
                         w2_ref[...], b2_ref[...], gm_ref[...], bt_ref[...])


_layer_last = pl.pallas_call(
    _layer_last_body,
    out_shape=jax.ShapeDtypeStruct((N, D), jnp.float32),
)


def _sigmoid(t):
    return 1.0 / (1.0 + jnp.exp(-t))


def _pool_body(x0, x1, x2, x3, x4, gi_ref, pn_ref,
               gw1, gb1, gw2, gb2, gsw, gsb, pw1, pb1, pw2, pb2,
               y_ref, genc_ref, prior_ref):
    M = jnp.concatenate([x0[...], x1[...], x2[...], x3[...], x4[...]],
                        axis=1)
    seg = lax.broadcasted_iota(jnp.int32, (G, N), 0)
    pt = (gi_ref[...] == seg).astype(jnp.float32)
    y = lax.dot_general(pt, M, (((1,), (0,)), ((), ())),
                        precision=lax.Precision.HIGHEST,
                        preferred_element_type=jnp.float32)
    y_ref[...] = y
    h = jnp.maximum(jnp.dot(y, gw1[...],
                            preferred_element_type=jnp.float32) + gb1[...],
                    0.0)
    h = jnp.maximum(jnp.dot(h, gw2[...],
                            preferred_element_type=jnp.float32) + gb2[...],
                    0.0)
    genc_ref[...] = h + jnp.dot(y, gsw[...],
                                preferred_element_type=jnp.float32) + gsb[...]

    def prior_d(t):
        hh = _sigmoid(jnp.dot(t, pw1[...],
                              preferred_element_type=jnp.float32) + pb1[...])
        return _sigmoid(jnp.dot(hh, pw2[...],
                                preferred_element_type=jnp.float32) + pb2[...])

    term_a = jnp.mean(jnp.log(prior_d(pn_ref[...])))
    term_b = jnp.mean(jnp.log(1.0 - prior_d(y)))
    prior_ref[...] = jnp.full((1, 1), -(term_a + term_b) * GAMMA,
                              jnp.float32)


_pool = pl.pallas_call(
    _pool_body,
    out_shape=(jax.ShapeDtypeStruct((G, EMB), jnp.float32),
               jax.ShapeDtypeStruct((G, EMB), jnp.float32),
               jax.ShapeDtypeStruct((1, 1), jnp.float32)),
)

BLKN = 2000
NB = N // BLKN


def _softplus(t):
    return jnp.maximum(t, 0.0) + jnp.log1p(jnp.exp(-jnp.abs(t)))


def _loss_body(x0, x1, x2, x3, x4, gi_ref, genc_ref,
               lw1, lb1, lw2, lb2, lsw, lsb, epos_ref, eneg_ref):
    i = pl.program_id(0)
    Mb = jnp.concatenate([x0[...], x1[...], x2[...], x3[...], x4[...]],
                         axis=1)
    h = jnp.maximum(jnp.dot(Mb, lw1[...],
                            preferred_element_type=jnp.float32) + lb1[...],
                    0.0)
    h = jnp.maximum(jnp.dot(h, lw2[...],
                            preferred_element_type=jnp.float32) + lb2[...],
                    0.0)
    lenc = h + jnp.dot(Mb, lsw[...],
                       preferred_element_type=jnp.float32) + lsb[...]
    res = lax.dot_general(genc_ref[...], lenc, (((1,), (1,)), ((), ())),
                          preferred_element_type=jnp.float32)
    seg = lax.broadcasted_iota(jnp.int32, (G, BLKN), 0)
    pos = (gi_ref[0] == seg).astype(jnp.float32)
    rp = res * pos
    ep = jnp.sum(LOG2 - _softplus(-rp))
    qn = res * (1.0 - pos)
    en = jnp.sum(_softplus(-qn) + qn - LOG2)

    @pl.when(i == 0)
    def _init():
        epos_ref[...] = jnp.zeros((1, 1), jnp.float32)
        eneg_ref[...] = jnp.zeros((1, 1), jnp.float32)

    epos_ref[...] = epos_ref[...] + ep
    eneg_ref[...] = eneg_ref[...] + en


_loss = pl.pallas_call(
    _loss_body,
    grid=(NB,),
    in_specs=[pl.BlockSpec((BLKN, D), lambda i: (i, 0))] * 5
    + [pl.BlockSpec((1, 1, BLKN), lambda i: (i, 0, 0)),
       pl.BlockSpec((G, EMB), lambda i: (0, 0)),
       pl.BlockSpec((EMB, EMB), lambda i: (0, 0)),
       pl.BlockSpec((1, EMB), lambda i: (0, 0)),
       pl.BlockSpec((EMB, EMB), lambda i: (0, 0)),
       pl.BlockSpec((1, EMB), lambda i: (0, 0)),
       pl.BlockSpec((EMB, EMB), lambda i: (0, 0)),
       pl.BlockSpec((1, EMB), lambda i: (0, 0))],
    out_specs=(pl.BlockSpec((1, 1), lambda i: (0, 0)),
               pl.BlockSpec((1, 1), lambda i: (0, 0))),
    out_shape=(jax.ShapeDtypeStruct((1, 1), jnp.float32),
               jax.ShapeDtypeStruct((1, 1), jnp.float32)),
)


def kernel(node_features, edge_index, graph_index, prior_noise, params):
    p = params
    src = edge_index[0].astype(jnp.int32)
    dst = edge_index[1].astype(jnp.int32)
    pad = EP - E
    pad_i = jnp.arange(pad, dtype=jnp.int32)
    src2 = jnp.concatenate([src, pad_i % N]).reshape(NW, NBLK_W, BLK)
    dst2 = jnp.concatenate([dst, N + (pad_i % 16)]).reshape(NW, NBLK_W, BLK)
    gi_row = graph_index.astype(jnp.int32).reshape(1, N)

    z = _pre(node_features, p['conv0_w1'])
    xs = []
    for l in range(NLAYERS):
        apart = _agg(z, src2, dst2)[:, :N, :]
        b1 = p['conv%d_b1' % l].reshape(1, D)
        w2 = p['conv%d_w2' % l]
        b2 = p['conv%d_b2' % l].reshape(1, D)
        gm = p['bn%d_gamma' % l].reshape(1, D)
        bt = p['bn%d_beta' % l].reshape(1, D)
        if l < NLAYERS - 1:
            x, z = _layer(z, apart[0], apart[1], b1, w2, b2, gm, bt,
                          p['conv%d_w1' % (l + 1)])
        else:
            x = _layer_last(z, apart[0], apart[1], b1, w2, b2, gm, bt)
        xs.append(x)

    y, genc, prior = _pool(
        xs[0], xs[1], xs[2], xs[3], xs[4], gi_row, prior_noise,
        p['gd_w1'], p['gd_b1'].reshape(1, EMB),
        p['gd_w2'], p['gd_b2'].reshape(1, EMB),
        p['gd_skip_w'], p['gd_skip_b'].reshape(1, EMB),
        p['pd_w1'], p['pd_b1'].reshape(1, EMB),
        p['pd_w2'], p['pd_b2'].reshape(1, 1))
    epos, eneg = _loss(
        xs[0], xs[1], xs[2], xs[3], xs[4], gi_row.reshape(NB, 1, BLKN), genc,
        p['ld_w1'], p['ld_b1'].reshape(1, EMB),
        p['ld_w2'], p['ld_b2'].reshape(1, EMB),
        p['ld_skip_w'], p['ld_skip_b'].reshape(1, EMB))
    e_pos = epos[0, 0] / N
    e_neg = eneg[0, 0] / (N * (G - 1))
    return (e_neg - e_pos) + prior[0, 0]

# --- scband reference (transcript-rebuilt; emitter-appended) ---
"""Pipeline reference for scband-sub-info-graph-1151051235811 (READ-ONLY COPY).

The authoritative reference and input builder live on the scoring server;
editing this copy changes nothing except your own understanding.
"""

import jax, jax.numpy as jnp
import numpy as np

N_NODES = 10000
N_EDGES = 320000
NUM_FEATURES = 128
DIM = 64
NUM_LAYERS = 5
EMB = DIM * NUM_LAYERS
NUM_GRAPHS = 200
GAMMA = 0.1
LOG2 = float(np.log(2.0))


def _glorot(key, shape):
    lim = float(np.sqrt(6.0 / (shape[0] + shape[1])))
    return jax.random.uniform(key, shape, jnp.float32, -lim, lim)


def _make_params(key):
    ks = jax.random.split(key, 32)
    p = {}
    i = 0
    for l in range(NUM_LAYERS):
        d_in = NUM_FEATURES if l == 0 else DIM
        p['conv%d_w1' % l] = _glorot(ks[i], (d_in, DIM)); i += 1
        p['conv%d_b1' % l] = jnp.zeros((DIM,), jnp.float32)
        p['conv%d_w2' % l] = _glorot(ks[i], (DIM, DIM)); i += 1
        p['conv%d_b2' % l] = jnp.zeros((DIM,), jnp.float32)
        p['bn%d_gamma' % l] = jnp.ones((DIM,), jnp.float32)
        p['bn%d_beta' % l] = jnp.zeros((DIM,), jnp.float32)
    for name, d_out in (('ld', EMB), ('gd', EMB), ('pd', 1)):
        p[name + '_w1'] = _glorot(ks[i], (EMB, EMB)); i += 1
        p[name + '_b1'] = jnp.zeros((EMB,), jnp.float32)
        p[name + '_w2'] = _glorot(ks[i], (EMB, d_out)); i += 1
        p[name + '_b2'] = jnp.zeros((d_out,), jnp.float32)
    for name in ('ld', 'gd'):
        p[name + '_skip_w'] = _glorot(ks[i], (EMB, EMB)); i += 1
        p[name + '_skip_b'] = jnp.zeros((EMB,), jnp.float32)
    return p


def setup_inputs(seed: int = 0):
    key = jax.random.key(seed)
    k1, k2, k3, k4, k5 = jax.random.split(key, 5)
    node_features = jax.random.normal(k1, (N_NODES, NUM_FEATURES), jnp.float32)
    edge_index = jax.random.randint(k2, (2, N_EDGES), 0, N_NODES)
    graph_index = jnp.sort(jax.random.randint(k3, (N_NODES,), 0, NUM_GRAPHS))
    prior_noise = jax.random.uniform(k4, (NUM_GRAPHS, EMB), jnp.float32)
    params = _make_params(k5)
    return {'node_features': node_features, 'edge_index': edge_index,
            'graph_index': graph_index, 'prior_noise': prior_noise, 'params': params}


def _batch_norm(x, gamma, beta):
    mean = jnp.mean(x, axis=0)
    var = jnp.var(x, axis=0)
    return (x - mean) / jnp.sqrt(var + 1e-5) * gamma + beta


def _mlp_skip(x, p, name):
    h = jax.nn.relu(x @ p[name + '_w1'] + p[name + '_b1'])
    h = jax.nn.relu(h @ p[name + '_w2'] + p[name + '_b2'])
    return h + (x @ p[name + '_skip_w'] + p[name + '_skip_b'])


def _prior_d(x, p):
    h = jax.nn.sigmoid(x @ p['pd_w1'] + p['pd_b1'])
    return jax.nn.sigmoid(h @ p['pd_w2'] + p['pd_b2'])


def _forward(node_features, params, prior_noise, edge_index, graph_index):
    src = edge_index[0]
    dst = edge_index[1]
    x = node_features
    xs = []
    for l in range(NUM_LAYERS):
        # GINConv (eps=0): MLP((1+eps)*x_i + sum_{j in N(i)} x_j)
        agg = jnp.zeros_like(x).at[dst].add(x[src])
        h = x + agg
        h = jax.nn.relu(h @ params['conv%d_w1' % l] + params['conv%d_b1' % l])
        h = h @ params['conv%d_w2' % l] + params['conv%d_b2' % l]
        x = jax.nn.relu(h)
        x = _batch_norm(x, params['bn%d_gamma' % l], params['bn%d_beta' % l])
        xs.append(x)
    xpool = [jax.ops.segment_sum(t, graph_index, num_segments=NUM_GRAPHS) for t in xs]
    y = jnp.concatenate(xpool, axis=1)
    M = jnp.concatenate(xs, axis=1)
    g_enc = _mlp_skip(y, params, 'gd')
    l_enc = _mlp_skip(M, params, 'ld')
    # LocalMutualInformationLoss, JSD measure (InfoGraph local-global loss)
    res = l_enc @ g_enc.T
    pos_mask = (graph_index[:, None] == jnp.arange(NUM_GRAPHS)[None, :]).astype(res.dtype)
    neg_mask = 1.0 - pos_mask
    E_pos = jnp.sum(LOG2 - jax.nn.softplus(-(res * pos_mask))) / N_NODES
    qn = res * neg_mask
    E_neg = jnp.sum(jax.nn.softplus(-qn) + qn - LOG2) / (N_NODES * (NUM_GRAPHS - 1))
    local_global_loss = E_neg - E_pos
    # prior term (torch.rand_like replaced by deterministic uniform noise input)
    term_a = jnp.log(_prior_d(prior_noise, params)).mean()
    term_b = jnp.log(1.0 - _prior_d(y, params)).mean()
    prior = -(term_a + term_b) * GAMMA
    return local_global_loss + prior


def reference(node_features, edge_index, graph_index, prior_noise, params):
    return _forward(node_features, params, prior_noise, edge_index, graph_index)

if __name__ == "__main__":
    import jax
    _d = setup_inputs()
    print(jax.jit(kernel)(*tuple(_d.values())))

</pallas_src>

<mosaic_0001>
#map = affine_map<(d0, d1) -> (0, 0)>
#map1 = affine_map<(d0, d1) -> (0, 0, 0)>
module attributes {stable_mosaic.version = 14 : i64} {
  func.func @_agg_body(%arg0: i32, %arg1: i32, %arg2: memref<10000x64xf32, #tpu.memory_space<hbm>>, %arg3: memref<32x80x128xi32, #tpu.memory_space<hbm>>, %arg4: memref<32x80x128xi32, #tpu.memory_space<hbm>>, %arg5: memref<2x10240x64xf32, #tpu.memory_space<hbm>>, %arg6: memref<80x128xi32, #tpu.memory_space<vmem>>, %arg7: memref<80x128xi32, #tpu.memory_space<vmem>>, %arg8: memref<8x128x64xf32, #tpu.memory_space<vmem>>, %arg9: memref<10240x64xf32, #tpu.memory_space<vmem_shared>>, %arg10: memref<!tpu.dma_semaphore, #tpu.memory_space<semaphore_mem>>, %arg11: memref<!tpu.dma_semaphore, #tpu.memory_space<semaphore_mem>>) attributes {dimension_semantics = [#tpu.dimension_semantics<core_parallel>, #tpu.dimension_semantics<subcore_parallel>], iteration_bounds = array<i64: 2, 16>, scalar_prefetch = 0 : i64, scratch_operands = 6 : i64, tpu.core_type = #tpu.core_type<sc_vector_subcore>, window_params = [{transform_indices = #map}, {transform_indices = #map1}, {transform_indices = #map1}, {transform_indices = #map1}]} {
    %mul3A = arith.constant 16 : i32
    %mul3A_0 = arith.muli %arg0, %mul3A : i32
    %add3A = arith.addi %mul3A_0, %arg1 : i32
    %dma_start3A = arith.constant 0 : i32
    %dma_start3A_1 = arith.constant 0 : i32
    %dma_start3A_2 = tpu.memref_slice %arg3[%add3A, %dma_start3A, %dma_start3A_1] : memref<32x80x128xi32, #tpu.memory_space<hbm>> -> memref<1x80x128xi32, #tpu.memory_space<hbm>>
    %dma_start3A_3 = tpu.memref_squeeze %dma_start3A_2 : memref<1x80x128xi32, #tpu.memory_space<hbm>> -> memref<80x128xi32, #tpu.memory_space<hbm>>
    %dma_start3A_4 = arith.constant 0 : i32
    %dma_start3A_5 = arith.constant 0 : i32
    %dma_start3A_6 = tpu.memref_slice %arg3[%add3A, %dma_start3A_4, %dma_start3A_5] : memref<32x80x128xi32, #tpu.memory_space<hbm>> -> memref<1x80x128xi32, #tpu.memory_space<hbm>>
    %dma_start3A_7 = tpu.memref_squeeze %dma_start3A_6 : memref<1x80x128xi32, #tpu.memory_space<hbm>> -> memref<80x128xi32, #tpu.memory_space<hbm>>
    tpu.enqueue_dma source(%dma_start3A_7 : memref<80x128xi32, #tpu.memory_space<hbm>>) target(%arg6 : memref<80x128xi32, #tpu.memory_space<vmem>>) target_semaphore(%arg11 : memref<!tpu.dma_semaphore, #tpu.memory_space<semaphore_mem>>)
    %dma_start3A_8 = arith.constant 0 : i32
    %dma_start3A_9 = arith.constant 0 : i32
    %dma_start3A_10 = tpu.memref_slice %arg4[%add3A, %dma_start3A_8, %dma_start3A_9] : memref<32x80x128xi32, #tpu.memory_space<hbm>> -> memref<1x80x128xi32, #tpu.memory_space<hbm>>
    %dma_start3A_11 = tpu.memref_squeeze %dma_start3A_10 : memref<1x80x128xi32, #tpu.memory_space<hbm>> -> memref<80x128xi32, #tpu.memory_space<hbm>>
    %dma_start3A_12 = arith.constant 0 : i32
    %dma_start3A_13 = arith.constant 0 : i32
    %dma_start3A_14 = tpu.memref_slice %arg4[%add3A, %dma_start3A_12, %dma_start3A_13] : memref<32x80x128xi32, #tpu.memory_space<hbm>> -> memref<1x80x128xi32, #tpu.memory_space<hbm>>
    %dma_start3A_15 = tpu.memref_squeeze %dma_start3A_14 : memref<1x80x128xi32, #tpu.memory_space<hbm>> -> memref<80x128xi32, #tpu.memory_space<hbm>>
    tpu.enqueue_dma source(%dma_start3A_15 : memref<80x128xi32, #tpu.memory_space<hbm>>) target(%arg7 : memref<80x128xi32, #tpu.memory_space<vmem>>) target_semaphore(%arg11 : memref<!tpu.dma_semaphore, #tpu.memory_space<semaphore_mem>>)
    %broadcast_in_dim3A = arith.constant 0.000000e+00 : f32
    %broadcast_in_dim3A_16 = vector.broadcast %broadcast_in_dim3A : f32 to vector<16xf32>
    %scan3A = arith.constant 0 : i32
    %scan3A_17 = arith.constant 0 : i32
    %scan3A_18 = arith.constant 128 : i32
    %scan3A_19 = arith.addi %scan3A_17, %scan3A_18 : i32
    %scan3A_20 = arith.constant 1 : i32
    scf.for %scan3A_174 = %scan3A_17 to %scan3A_19 step %scan3A_20  : i32 {
      %swap3A = arith.constant 0 : i32
      %swap3A_175 = arith.index_cast %swap3A : i32 to index
      %swap3A_176 = arith.index_cast %scan3A_174 : i32 to index
      %swap3A_177 = arith.constant 0 : index
      %swap3A_178 = tpu.vector_load %arg8[%swap3A_175, %swap3A_176, %swap3A_177] {strides = array<i32>} : memref<8x128x64xf32, #tpu.memory_space<vmem>>, vector<1x1x16xf32>,
      %swap3A_179 = vector.shape_cast %swap3A_178 : vector<1x1x16xf32> to vector<16xf32>
      %swap3A_180 = vector.shape_cast %broadcast_in_dim3A_16 : vector<16xf32> to vector<1x1x16xf32>
      tpu.vector_store %arg8[%swap3A_175, %swap3A_176, %swap3A_177], %swap3A_180 {strides = array<i32>} : memref<8x128x64xf32, #tpu.memory_space<vmem>>, vector<1x1x16xf32>,
      %swap3A_181 = arith.constant 0 : i32
      %swap3A_182 = arith.index_cast %swap3A_181 : i32 to index
      %swap3A_183 = arith.index_cast %scan3A_174 : i32 to index
      %swap3A_184 = arith.constant 16 : index
      %swap3A_185 = tpu.vector_load %arg8[%swap3A_182, %swap3A_183, %swap3A_184] {strides = array<i32>} : memref<8x128x64xf32, #tpu.memory_space<vmem>>, vector<1x1x16xf32>,
      %swap3A_186 = vector.shape_cast %swap3A_185 : vector<1x1x16xf32> to vector<16xf32>
      %swap3A_187 = vector.shape_cast %broadcast_in_dim3A_16 : vector<16xf32> to vector<1x1x16xf32>
      tpu.vector_store %arg8[%swap3A_182, %swap3A_183, %swap3A_184], %swap3A_187 {strides = array<i32>} : memref<8x128x64xf32, #tpu.memory_space<vmem>>, vector<1x1x16xf32>,
      %swap3A_188 = arith.constant 0 : i32
      %swap3A_189 = arith.index_cast %swap3A_188 : i32 to index
      %swap3A_190 = arith.index_cast %scan3A_174 : i32 to index
      %swap3A_191 = arith.constant 32 : index
      %swap3A_192 = tpu.vector_load %arg8[%swap3A_189, %swap3A_190, %swap3A_191] {strides = array<i32>} : memref<8x128x64xf32, #tpu.memory_space<vmem>>, vector<1x1x16xf32>,
      %swap3A_193 = vector.shape_cast %swap3A_192 : vector<1x1x16xf32> to vector<16xf32>
      %swap3A_194 = vector.shape_cast %broadcast_in_dim3A_16 : vector<16xf32> to vector<1x1x16xf32>
      tpu.vector_store %arg8[%swap3A_189, %swap3A_190, %swap3A_191], %swap3A_194 {strides = array<i32>} : memref<8x128x64xf32, #tpu.memory_space<vmem>>, vector<1x1x16xf32>,
      %swap3A_195 = arith.constant 0 : i32
      %swap3A_196 = arith.index_cast %swap3A_195 : i32 to index
      %swap3A_197 = arith.index_cast %scan3A_174 : i32 to index
      %swap3A_198 = arith.constant 48 : index
      %swap3A_199 = tpu.vector_load %arg8[%swap3A_196, %swap3A_197, %swap3A_198] {strides = array<i32>} : memref<8x128x64xf32, #tpu.memory_space<vmem>>, vector<1x1x16xf32>,
      %swap3A_200 = vector.shape_cast %swap3A_199 : vector<1x1x16xf32> to vector<16xf32>
      %swap3A_201 = vector.shape_cast %broadcast_in_dim3A_16 : vector<16xf32> to vector<1x1x16xf32>
      tpu.vector_store %arg8[%swap3A_196, %swap3A_197, %swap3A_198], %swap3A_201 {strides = array<i32>} : memref<8x128x64xf32, #tpu.memory_space<vmem>>, vector<1x1x16xf32>,
    }
    %scan3A_21 = arith.constant 128 : i32
    %mul3A_22 = arith.constant 640 : i32
    %mul3A_23 = arith.muli %arg1, %mul3A_22 : i32
    %add3A_24 = arith.constant 0 : i32
    %add3A_25 = arith.addi %mul3A_23, %add3A_24 : i32
    %run_scoped3A = arith.constant 0 : i32
    "tpu.region"() ({
      %run_scoped3A_174 = tpu.sem_alloc : memref<!tpu.dma_semaphore, #tpu.memory_space<semaphore_mem>>
      %dma_start3A_175 = arith.constant 0 : i32
      %dma_start3A_176 = arith.constant 0 : i32
      %dma_start3A_177 = tpu.memref_slice %arg8[%run_scoped3A, %dma_start3A_175, %dma_start3A_176] : memref<8x128x64xf32, #tpu.memory_space<vmem>> -> memref<1x128x64xf32, #tpu.memory_space<vmem>>
      %dma_start3A_178 = tpu.memref_squeeze %dma_start3A_177 : memref<1x128x64xf32, #tpu.memory_space<vmem>> -> memref<128x64xf32, #tpu.memory_space<vmem>>
      %dma_start3A_179 = arith.constant 0 : i32
      %dma_start3A_180 = tpu.memref_slice %arg9[%add3A_25, %dma_start3A_179] : memref<10240x64xf32, #tpu.memory_space<vmem_shared>> -> memref<128x64xf32, #tpu.memory_space<vmem_shared>>
      %dma_start3A_181 = arith.constant 0 : i32
      %dma_start3A_182 = tpu.memref_slice %arg9[%add3A_25, %dma_start3A_181] : memref<10240x64xf32, #tpu.memory_space<vmem_shared>> -> memref<128x64xf32, #tpu.memory_space<vmem_shared>>
      %dma_start3A_183 = arith.constant 0 : i32
      %dma_start3A_184 = arith.constant 0 : i32
      %dma_start3A_185 = tpu.memref_slice %arg8[%run_scoped3A, %dma_start3A_183, %dma_start3A_184] : memref<8x128x64xf32, #tpu.memory_space<vmem>> -> memref<1x128x64xf32, #tpu.memory_space<vmem>>
      %dma_start3A_186 = tpu.memref_squeeze %dma_start3A_185 : memref<1x128x64xf32, #tpu.memory_space<vmem>> -> memref<128x64xf32, #tpu.memory_space<vmem>>
      tpu.enqueue_dma source(%dma_start3A_186 : memref<128x64xf32, #tpu.memory_space<vmem>>) target(%dma_start3A_182 : memref<128x64xf32, #tpu.memory_space<vmem_shared>>) target_semaphore(%run_scoped3A_174 : memref<!tpu.dma_semaphore, #tpu.memory_space<semaphore_mem>>)
      %dma_wait3A_187 = arith.constant 0 : i32
      %dma_wait3A_188 = arith.constant 0 : i32
      %dma_wait3A_189 = tpu.memref_slice %arg8[%run_scoped3A, %dma_wait3A_187, %dma_wait3A_188] : memref<8x128x64xf32, #tpu.memory_space<vmem>> -> memref<1x128x64xf32, #tpu.memory_space<vmem>>
      %dma_wait3A_190 = tpu.memref_squeeze %dma_wait3A_189 : memref<1x128x64xf32, #tpu.memory_space<vmem>> -> memref<128x64xf32, #tpu.memory_space<vmem>>
      %dma_wait3A_191 = arith.constant 0 : i32
      %dma_wait3A_192 = tpu.memref_slice %arg9[%add3A_25, %dma_wait3A_191] : memref<10240x64xf32, #tpu.memory_space<vmem_shared>> -> memref<128x64xf32, #tpu.memory_space<vmem_shared>>
      %dma_wait3A_193 = arith.constant 0 : i32
      %dma_wait3A_194 = tpu.memref_slice %arg9[%add3A_25, %dma_wait3A_193] : memref<10240x64xf32, #tpu.memory_space<vmem_shared>> -> memref<128x64xf32, #tpu.memory_space<vmem_shared>>
      %dma_wait3A_195 = arith.constant 0 : i32
      %dma_wait3A_196 = arith.constant 0 : i32
      %dma_wait3A_197 = tpu.memref_slice %arg8[%run_scoped3A, %dma_wait3A_195, %dma_wait3A_196] : memref<8x128x64xf32, #tpu.memory_space<vmem>> -> memref<1x128x64xf32, #tpu.memory_space<vmem>>
      %dma_wait3A_198 = tpu.memref_squeeze %dma_wait3A_197 : memref<1x128x64xf32, #tpu.memory_space<vmem>> -> memref<128x64xf32, #tpu.memory_space<vmem>>
      tpu.wait_dma2 semaphore(%run_scoped3A_174 : memref<!tpu.dma_semaphore, #tpu.memory_space<semaphore_mem>>) src(%dma_wait3A_198 : memref<128x64xf32, #tpu.memory_space<vmem>>) dst(%dma_wait3A_194 : memref<128x64xf32, #tpu.memory_space<vmem_shared>>)
      tpu.yield
    }) : () -> ()
    %mul3A_26 = arith.constant 640 : i32
    %mul3A_27 = arith.muli %arg1, %mul3A_26 : i32
    %add3A_28 = arith.constant 128 : i32
    %add3A_29 = arith.addi %mul3A_27, %add3A_28 : i32
    %run_scoped3A_30 = arith.constant 0 : i32
    "tpu.region"() ({
      %run_scoped3A_174 = tpu.sem_alloc : memref<!tpu.dma_semaphore, #tpu.memory_space<semaphore_mem>>
      %dma_start3A_175 = arith.constant 0 : i32
      %dma_start3A_176 = arith.constant 0 : i32
      %dma_start3A_177 = tpu.memref_slice %arg8[%run_scoped3A_30, %dma_start3A_175, %dma_start3A_176] : memref<8x128x64xf32, #tpu.memory_space<vmem>> -> memref<1x128x64xf32, #tpu.memory_space<vmem>>
      %dma_start3A_178 = tpu.memref_squeeze %dma_start3A_177 : memref<1x128x64xf32, #tpu.memory_space<vmem>> -> memref<128x64xf32, #tpu.memory_space<vmem>>
      %dma_start3A_179 = arith.constant 0 : i32
      %dma_start3A_180 = tpu.memref_slice %arg9[%add3A_29, %dma_start3A_179] : memref<10240x64xf32, #tpu.memory_space<vmem_shared>> -> memref<128x64xf32, #tpu.memory_space<vmem_shared>>
      %dma_start3A_181 = arith.constant 0 : i32
      %dma_start3A_182 = tpu.memref_slice %arg9[%add3A_29, %dma_start3A_181] : memref<10240x64xf32, #tpu.memory_space<vmem_shared>> -> memref<128x64xf32, #tpu.memory_space<vmem_shared>>
      %dma_start3A_183 = arith.constant 0 : i32
      %dma_start3A_184 = arith.constant 0 : i32
      %dma_start3A_185 = tpu.memref_slice %arg8[%run_scoped3A_30, %dma_start3A_183, %dma_start3A_184] : memref<8x128x64xf32, #tpu.memory_space<vmem>> -> memref<1x128x64xf32, #tpu.memory_space<vmem>>
      %dma_start3A_186 = tpu.memref_squeeze %dma_start3A_185 : memref<1x128x64xf32, #tpu.memory_space<vmem>> -> memref<128x64xf32, #tpu.memory_space<vmem>>
      tpu.enqueue_dma source(%dma_start3A_186 : memref<128x64xf32, #tpu.memory_space<vmem>>) target(%dma_start3A_182 : memref<128x64xf32, #tpu.memory_space<vmem_shared>>) target_semaphore(%run_scoped3A_174 : memref<!tpu.dma_semaphore, #tpu.memory_space<semaphore_mem>>)
      %dma_wait3A_187 = arith.constant 0 : i32
      %dma_wait3A_188 = arith.constant 0 : i32
      %dma_wait3A_189 = tpu.memref_slice %arg8[%run_scoped3A_30, %dma_wait3A_187, %dma_wait3A_188] : memref<8x128x64xf32, #tpu.memory_space<vmem>> -> memref<1x128x64xf32, #tpu.memory_space<vmem>>
      %dma_wait3A_190 = tpu.memref_squeeze %dma_wait3A_189 : memref<1x128x64xf32, #tpu.memory_space<vmem>> -> memref<128x64xf32, #tpu.memory_space<vmem>>
      %dma_wait3A_191 = arith.constant 0 : i32
      %dma_wait3A_192 = tpu.memref_slice %arg9[%add3A_29, %dma_wait3A_191] : memref<10240x64xf32, #tpu.memory_space<vmem_shared>> -> memref<128x64xf32, #tpu.memory_space<vmem_shared>>
      %dma_wait3A_193 = arith.constant 0 : i32
      %dma_wait3A_194 = tpu.memref_slice %arg9[%add3A_29, %dma_wait3A_193] : memref<10240x64xf32, #tpu.memory_space<vmem_shared>> -> memref<128x64xf32, #tpu.memory_space<vmem_shared>>
      %dma_wait3A_195 = arith.constant 0 : i32
      %dma_wait3A_196 = arith.constant 0 : i32
      %dma_wait3A_197 = tpu.memref_slice %arg8[%run_scoped3A_30, %dma_wait3A_195, %dma_wait3A_196] : memref<8x128x64xf32, #tpu.memory_space<vmem>> -> memref<1x128x64xf32, #tpu.memory_space<vmem>>
      %dma_wait3A_198 = tpu.memref_squeeze %dma_wait3A_197 : memref<1x128x64xf32, #tpu.memory_space<vmem>> -> memref<128x64xf32, #tpu.memory_space<vmem>>
      tpu.wait_dma2 semaphore(%run_scoped3A_174 : memref<!tpu.dma_semaphore, #tpu.memory_space<semaphore_mem>>) src(%dma_wait3A_198 : memref<128x64xf32, #tpu.memory_space<vmem>>) dst(%dma_wait3A_194 : memref<128x64xf32, #tpu.memory_space<vmem_shared>>)
      tpu.yield
    }) : () -> ()
    %mul3A_31 = arith.constant 640 : i32
    %mul3A_32 = arith.muli %arg1, %mul3A_31 : i32
    %add3A_33 = arith.constant 256 : i32
    %add3A_34 = arith.addi %mul3A_32, %add3A_33 : i32
    %run_scoped3A_35 = arith.constant 0 : i32
    "tpu.region"() ({
      %run_scoped3A_174 = tpu.sem_alloc : memref<!tpu.dma_semaphore, #tpu.memory_space<semaphore_mem>>
      %dma_start3A_175 = arith.constant 0 : i32
      %dma_start3A_176 = arith.constant 0 : i32
      %dma_start3A_177 = tpu.memref_slice %arg8[%run_scoped3A_35, %dma_start3A_175, %dma_start3A_176] : memref<8x128x64xf32, #tpu.memory_space<vmem>> -> memref<1x128x64xf32, #tpu.memory_space<vmem>>
      %dma_start3A_178 = tpu.memref_squeeze %dma_start3A_177 : memref<1x128x64xf32, #tpu.memory_space<vmem>> -> memref<128x64xf32, #tpu.memory_space<vmem>>
      %dma_start3A_179 = arith.constant 0 : i32
      %dma_start3A_180 = tpu.memref_slice %arg9[%add3A_34, %dma_start3A_179] : memref<10240x64xf32, #tpu.memory_space<vmem_shared>> -> memref<128x64xf32, #tpu.memory_space<vmem_shared>>
      %dma_start3A_181 = arith.constant 0 : i32
      %dma_start3A_182 = tpu.memref_slice %arg9[%add3A_34, %dma_start3A_181] : memref<10240x64xf32, #tpu.memory_space<vmem_shared>> -> memref<128x64xf32, #tpu.memory_space<vmem_shared>>
      %dma_start3A_183 = arith.constant 0 : i32
      %dma_start3A_184 = arith.constant 0 : i32
      %dma_start3A_185 = tpu.memref_slice %arg8[%run_scoped3A_35, %dma_start3A_183, %dma_start3A_184] : memref<8x128x64xf32, #tpu.memory_space<vmem>> -> memref<1x128x64xf32, #tpu.memory_space<vmem>>
      %dma_start3A_186 = tpu.memref_squeeze %dma_start3A_185 : memref<1x128x64xf32, #tpu.memory_space<vmem>> -> memref<128x64xf32, #tpu.memory_space<vmem>>
      tpu.enqueue_dma source(%dma_start3A_186 : memref<128x64xf32, #tpu.memory_space<vmem>>) target(%dma_start3A_182 : memref<128x64xf32, #tpu.memory_space<vmem_shared>>) target_semaphore(%run_scoped3A_174 : memref<!tpu.dma_semaphore, #tpu.memory_space<semaphore_mem>>)
      %dma_wait3A_187 = arith.constant 0 : i32
      %dma_wait3A_188 = arith.constant 0 : i32
      %dma_wait3A_189 = tpu.memref_slice %arg8[%run_scoped3A_35, %dma_wait3A_187, %dma_wait3A_188] : memref<8x128x64xf32, #tpu.memory_space<vmem>> -> memref<1x128x64xf32, #tpu.memory_space<vmem>>
      %dma_wait3A_190 = tpu.memref_squeeze %dma_wait3A_189 : memref<1x128x64xf32, #tpu.memory_space<vmem>> -> memref<128x64xf32, #tpu.memory_space<vmem>>
      %dma_wait3A_191 = arith.constant 0 : i32
      %dma_wait3A_192 = tpu.memref_slice %arg9[%add3A_34, %dma_wait3A_191] : memref<10240x64xf32, #tpu.memory_space<vmem_shared>> -> memref<128x64xf32, #tpu.memory_space<vmem_shared>>
      %dma_wait3A_193 = arith.constant 0 : i32
      %dma_wait3A_194 = tpu.memref_slice %arg9[%add3A_34, %dma_wait3A_193] : memref<10240x64xf32, #tpu.memory_space<vmem_shared>> -> memref<128x64xf32, #tpu.memory_space<vmem_shared>>
      %dma_wait3A_195 = arith.constant 0 : i32
      %dma_wait3A_196 = arith.constant 0 : i32
      %dma_wait3A_197 = tpu.memref_slice %arg8[%run_scoped3A_35, %dma_wait3A_195, %dma_wait3A_196] : memref<8x128x64xf32, #tpu.memory_space<vmem>> -> memref<1x128x64xf32, #tpu.memory_space<vmem>>
      %dma_wait3A_198 = tpu.memref_squeeze %dma_wait3A_197 : memref<1x128x64xf32, #tpu.memory_space<vmem>> -> memref<128x64xf32, #tpu.memory_space<vmem>>
      tpu.wait_dma2 semaphore(%run_scoped3A_174 : memref<!tpu.dma_semaphore, #tpu.memory_space<semaphore_mem>>) src(%dma_wait3A_198 : memref<128x64xf32, #tpu.memory_space<vmem>>) dst(%dma_wait3A_194 : memref<128x64xf32, #tpu.memory_space<vmem_shared>>)
      tpu.yield
    }) : () -> ()
    %mul3A_36 = arith.constant 640 : i32
    %mul3A_37 = arith.muli %arg1, %mul3A_36 : i32
    %add3A_38 = arith.constant 384 : i32
    %add3A_39 = arith.addi %mul3A_37, %add3A_38 : i32
    %run_scoped3A_40 = arith.constant 0 : i32
    "tpu.region"() ({
      %run_scoped3A_174 = tpu.sem_alloc : memref<!tpu.dma_semaphore, #tpu.memory_space<semaphore_mem>>
      %dma_start3A_175 = arith.constant 0 : i32
      %dma_start3A_176 = arith.constant 0 : i32
      %dma_start3A_177 = tpu.memref_slice %arg8[%run_scoped3A_40, %dma_start3A_175, %dma_start3A_176] : memref<8x128x64xf32, #tpu.memory_space<vmem>> -> memref<1x128x64xf32, #tpu.memory_space<vmem>>
      %dma_start3A_178 = tpu.memref_squeeze %dma_start3A_177 : memref<1x128x64xf32, #tpu.memory_space<vmem>> -> memref<128x64xf32, #tpu.memory_space<vmem>>
      %dma_start3A_179 = arith.constant 0 : i32
      %dma_start3A_180 = tpu.memref_slice %arg9[%add3A_39, %dma_start3A_179] : memref<10240x64xf32, #tpu.memory_space<vmem_shared>> -> memref<128x64xf32, #tpu.memory_space<vmem_shared>>
      %dma_start3A_181 = arith.constant 0 : i32
      %dma_start3A_182 = tpu.memref_slice %arg9[%add3A_39, %dma_start3A_181] : memref<10240x64xf32, #tpu.memory_space<vmem_shared>> -> memref<128x64xf32, #tpu.memory_space<vmem_shared>>
      %dma_start3A_183 = arith.constant 0 : i32
      %dma_start3A_184 = arith.constant 0 : i32
      %dma_start3A_185 = tpu.memref_slice %arg8[%run_scoped3A_40, %dma_start3A_183, %dma_start3A_184] : memref<8x128x64xf32, #tpu.memory_space<vmem>> -> memref<1x128x64xf32, #tpu.memory_space<vmem>>
      %dma_start3A_186 = tpu.memref_squeeze %dma_start3A_185 : memref<1x128x64xf32, #tpu.memory_space<vmem>> -> memref<128x64xf32, #tpu.memory_space<vmem>>
      tpu.enqueue_dma source(%dma_start3A_186 : memref<128x64xf32, #tpu.memory_space<vmem>>) target(%dma_start3A_182 : memref<128x64xf32, #tpu.memory_space<vmem_shared>>) target_semaphore(%run_scoped3A_174 : memref<!tpu.dma_semaphore, #tpu.memory_space<semaphore_mem>>)
      %dma_wait3A_187 = arith.constant 0 : i32
      %dma_wait3A_188 = arith.constant 0 : i32
      %dma_wait3A_189 = tpu.memref_slice %arg8[%run_scoped3A_40, %dma_wait3A_187, %dma_wait3A_188] : memref<8x128x64xf32, #tpu.memory_space<vmem>> -> memref<1x128x64xf32, #tpu.memory_space<vmem>>
      %dma_wait3A_190 = tpu.memref_squeeze %dma_wait3A_189 : memref<1x128x64xf32, #tpu.memory_space<vmem>> -> memref<128x64xf32, #tpu.memory_space<vmem>>
      %dma_wait3A_191 = arith.constant 0 : i32
      %dma_wait3A_192 = tpu.memref_slice %arg9[%add3A_39, %dma_wait3A_191] : memref<10240x64xf32, #tpu.memory_space<vmem_shared>> -> memref<128x64xf32, #tpu.memory_space<vmem_shared>>
      %dma_wait3A_193 = arith.constant 0 : i32
      %dma_wait3A_194 = tpu.memref_slice %arg9[%add3A_39, %dma_wait3A_193] : memref<10240x64xf32, #tpu.memory_space<vmem_shared>> -> memref<128x64xf32, #tpu.memory_space<vmem_shared>>
      %dma_wait3A_195 = arith.constant 0 : i32
      %dma_wait3A_196 = arith.constant 0 : i32
      %dma_wait3A_197 = tpu.memref_slice %arg8[%run_scoped3A_40, %dma_wait3A_195, %dma_wait3A_196] : memref<8x128x64xf32, #tpu.memory_space<vmem>> -> memref<1x128x64xf32, #tpu.memory_space<vmem>>
      %dma_wait3A_198 = tpu.memref_squeeze %dma_wait3A_197 : memref<1x128x64xf32, #tpu.memory_space<vmem>> -> memref<128x64xf32, #tpu.memory_space<vmem>>
      tpu.wait_dma2 semaphore(%run_scoped3A_174 : memref<!tpu.dma_semaphore, #tpu.memory_space<semaphore_mem>>) src(%dma_wait3A_198 : memref<128x64xf32, #tpu.memory_space<vmem>>) dst(%dma_wait3A_194 : memref<128x64xf32, #tpu.memory_space<vmem_shared>>)
      tpu.yield
    }) : () -> ()
    %mul3A_41 = arith.constant 640 : i32
    %mul3A_42 = arith.muli %arg1, %mul3A_41 : i32
    %add3A_43 = arith.constant 512 : i32
    %add3A_44 = arith.addi %mul3A_42, %add3A_43 : i32
    %run_scoped3A_45 = arith.constant 0 : i32
    "tpu.region"() ({
      %run_scoped3A_174 = tpu.sem_alloc : memref<!tpu.dma_semaphore, #tpu.memory_space<semaphore_mem>>
      %dma_start3A_175 = arith.constant 0 : i32
      %dma_start3A_176 = arith.constant 0 : i32
      %dma_start3A_177 = tpu.memref_slice %arg8[%run_scoped3A_45, %dma_start3A_175, %dma_start3A_176] : memref<8x128x64xf32, #tpu.memory_space<vmem>> -> memref<1x128x64xf32, #tpu.memory_space<vmem>>
      %dma_start3A_178 = tpu.memref_squeeze %dma_start3A_177 : memref<1x128x64xf32, #tpu.memory_space<vmem>> -> memref<128x64xf32, #tpu.memory_space<vmem>>
      %dma_start3A_179 = arith.constant 0 : i32
      %dma_start3A_180 = tpu.memref_slice %arg9[%add3A_44, %dma_start3A_179] : memref<10240x64xf32, #tpu.memory_space<vmem_shared>> -> memref<128x64xf32, #tpu.memory_space<vmem_shared>>
      %dma_start3A_181 = arith.constant 0 : i32
      %dma_start3A_182 = tpu.memref_slice %arg9[%add3A_44, %dma_start3A_181] : memref<10240x64xf32, #tpu.memory_space<vmem_shared>> -> memref<128x64xf32, #tpu.memory_space<vmem_shared>>
      %dma_start3A_183 = arith.constant 0 : i32
      %dma_start3A_184 = arith.constant 0 : i32
      %dma_start3A_185 = tpu.memref_slice %arg8[%run_scoped3A_45, %dma_start3A_183, %dma_start3A_184] : memref<8x128x64xf32, #tpu.memory_space<vmem>> -> memref<1x128x64xf32, #tpu.memory_space<vmem>>
      %dma_start3A_186 = tpu.memref_squeeze %dma_start3A_185 : memref<1x128x64xf32, #tpu.memory_space<vmem>> -> memref<128x64xf32, #tpu.memory_space<vmem>>
      tpu.enqueue_dma source(%dma_start3A_186 : memref<128x64xf32, #tpu.memory_space<vmem>>) target(%dma_start3A_182 : memref<128x64xf32, #tpu.memory_space<vmem_shared>>) target_semaphore(%run_scoped3A_174 : memref<!tpu.dma_semaphore, #tpu.memory_space<semaphore_mem>>)
      %dma_wait3A_187 = arith.constant 0 : i32
      %dma_wait3A_188 = arith.constant 0 : i32
      %dma_wait3A_189 = tpu.memref_slice %arg8[%run_scoped3A_45, %dma_wait3A_187, %dma_wait3A_188] : memref<8x128x64xf32, #tpu.memory_space<vmem>> -> memref<1x128x64xf32, #tpu.memory_space<vmem>>
      %dma_wait3A_190 = tpu.memref_squeeze %dma_wait3A_189 : memref<1x128x64xf32, #tpu.memory_space<vmem>> -> memref<128x64xf32, #tpu.memory_space<vmem>>
      %dma_wait3A_191 = arith.constant 0 : i32
      %dma_wait3A_192 = tpu.memref_slice %arg9[%add3A_44, %dma_wait3A_191] : memref<10240x64xf32, #tpu.memory_space<vmem_shared>> -> memref<128x64xf32, #tpu.memory_space<vmem_shared>>
      %dma_wait3A_193 = arith.constant 0 : i32
      %dma_wait3A_194 = tpu.memref_slice %arg9[%add3A_44, %dma_wait3A_193] : memref<10240x64xf32, #tpu.memory_space<vmem_shared>> -> memref<128x64xf32, #tpu.memory_space<vmem_shared>>
      %dma_wait3A_195 = arith.constant 0 : i32
      %dma_wait3A_196 = arith.constant 0 : i32
      %dma_wait3A_197 = tpu.memref_slice %arg8[%run_scoped3A_45, %dma_wait3A_195, %dma_wait3A_196] : memref<8x128x64xf32, #tpu.memory_space<vmem>> -> memref<1x128x64xf32, #tpu.memory_space<vmem>>
      %dma_wait3A_198 = tpu.memref_squeeze %dma_wait3A_197 : memref<1x128x64xf32, #tpu.memory_space<vmem>> -> memref<128x64xf32, #tpu.memory_space<vmem>>
      tpu.wait_dma2 semaphore(%run_scoped3A_174 : memref<!tpu.dma_semaphore, #tpu.memory_space<semaphore_mem>>) src(%dma_wait3A_198 : memref<128x64xf32, #tpu.memory_space<vmem>>) dst(%dma_wait3A_194 : memref<128x64xf32, #tpu.memory_space<vmem_shared>>)
      tpu.yield
    }) : () -> ()
    %dma_wait3A = arith.constant 0 : i32
    %dma_wait3A_46 = arith.constant 0 : i32
    %dma_wait3A_47 = tpu.memref_slice %arg3[%add3A, %dma_wait3A, %dma_wait3A_46] : memref<32x80x128xi32, #tpu.memory_space<hbm>> -> memref<1x80x128xi32, #tpu.memory_space<hbm>>
    %dma_wait3A_48 = tpu.memref_squeeze %dma_wait3A_47 : memref<1x80x128xi32, #tpu.memory_space<hbm>> -> memref<80x128xi32, #tpu.memory_space<hbm>>
    %dma_wait3A_49 = arith.constant 0 : i32
    %dma_wait3A_50 = arith.constant 0 : i32
    %dma_wait3A_51 = tpu.memref_slice %arg3[%add3A, %dma_wait3A_49, %dma_wait3A_50] : memref<32x80x128xi32, #tpu.memory_space<hbm>> -> memref<1x80x128xi32, #tpu.memory_space<hbm>>
    %dma_wait3A_52 = tpu.memref_squeeze %dma_wait3A_51 : memref<1x80x128xi32, #tpu.memory_space<hbm>> -> memref<80x128xi32, #tpu.memory_space<hbm>>
    tpu.wait_dma2 semaphore(%arg11 : memref<!tpu.dma_semaphore, #tpu.memory_space<semaphore_mem>>) src(%dma_wait3A_52 : memref<80x128xi32, #tpu.memory_space<hbm>>) dst(%arg6 : memref<80x128xi32, #tpu.memory_space<vmem>>)
    %dma_wait3A_53 = arith.constant 0 : i32
    %dma_wait3A_54 = arith.constant 0 : i32
    %dma_wait3A_55 = tpu.memref_slice %arg4[%add3A, %dma_wait3A_53, %dma_wait3A_54] : memref<32x80x128xi32, #tpu.memory_space<hbm>> -> memref<1x80x128xi32, #tpu.memory_space<hbm>>
    %dma_wait3A_56 = tpu.memref_squeeze %dma_wait3A_55 : memref<1x80x128xi32, #tpu.memory_space<hbm>> -> memref<80x128xi32, #tpu.memory_space<hbm>>
    %dma_wait3A_57 = arith.constant 0 : i32
    %dma_wait3A_58 = arith.constant 0 : i32
    %dma_wait3A_59 = tpu.memref_slice %arg4[%add3A, %dma_wait3A_57, %dma_wait3A_58] : memref<32x80x128xi32, #tpu.memory_space<hbm>> -> memref<1x80x128xi32, #tpu.memory_space<hbm>>
    %dma_wait3A_60 = tpu.memref_squeeze %dma_wait3A_59 : memref<1x80x128xi32, #tpu.memory_space<hbm>> -> memref<80x128xi32, #tpu.memory_space<hbm>>
    tpu.wait_dma2 semaphore(%arg11 : memref<!tpu.dma_semaphore, #tpu.memory_space<semaphore_mem>>) src(%dma_wait3A_60 : memref<80x128xi32, #tpu.memory_space<hbm>>) dst(%arg7 : memref<80x128xi32, #tpu.memory_space<vmem>>)
    %barrier3A = arith.constant 0 : index
    tpu.barrier barrier_id(%barrier3A)
    %dma_start3A_61 = arith.constant 0 : i32
    %dma_start3A_62 = arith.constant 0 : i32
    %dma_start3A_63 = arith.constant 0 : i32
    %dma_start3A_64 = arith.constant 0 : i32
    %dma_start3A_65 = tpu.memref_slice %arg8[%dma_start3A_62, %dma_start3A_63, %dma_start3A_64] : memref<8x128x64xf32, #tpu.memory_space<vmem>> -> memref<1x128x64xf32, #tpu.memory_space<vmem>>
    %dma_start3A_66 = tpu.memref_squeeze %dma_start3A_65 : memref<1x128x64xf32, #tpu.memory_space<vmem>> -> memref<128x64xf32, #tpu.memory_space<vmem>>
    %dma_start3A_67 = arith.constant 0 : i32
    %dma_start3A_68 = tpu.memref_slice %arg6[%dma_start3A_61, %dma_start3A_67] : memref<80x128xi32, #tpu.memory_space<vmem>> -> memref<1x128xi32, #tpu.memory_space<vmem>>
    %dma_start3A_69 = tpu.memref_squeeze %dma_start3A_68 : memref<1x128xi32, #tpu.memory_space<vmem>> -> memref<128xi32, #tpu.memory_space<vmem>>
    %dma_start3A_70 = arith.constant 0 : i32
    %dma_start3A_71 = arith.constant 0 : i32
    %dma_start3A_72 = tpu.memref_slice %arg2[%dma_start3A_70, %dma_start3A_71] : memref<10000x64xf32, #tpu.memory_space<hbm>> -> memref<10000x64xf32, #tpu.memory_space<hbm>>
    tpu.enqueue_indirect_dma source(%dma_start3A_72 : memref<10000x64xf32, #tpu.memory_space<hbm>>) target(%dma_start3A_66 : memref<128x64xf32, #tpu.memory_space<vmem>>) offsets(%dma_start3A_69 : memref<128xi32, #tpu.memory_space<vmem>>) semaphore(%arg10 : memref<!tpu.dma_semaphore, #tpu.memory_space<semaphore_mem>>)
    %dma_start3A_73 = arith.constant 1 : i32
    %dma_start3A_74 = arith.constant 1 : i32
    %dma_start3A_75 = arith.constant 0 : i32
    %dma_start3A_76 = arith.constant 0 : i32
    %dma_start3A_77 = tpu.memref_slice %arg8[%dma_start3A_74, %dma_start3A_75, %dma_start3A_76] : memref<8x128x64xf32, #tpu.memory_space<vmem>> -> memref<1x128x64xf32, #tpu.memory_space<vmem>>
    %dma_start3A_78 = tpu.memref_squeeze %dma_start3A_77 : memref<1x128x64xf32, #tpu.memory_space<vmem>> -> memref<128x64xf32, #tpu.memory_space<vmem>>
    %dma_start3A_79 = arith.constant 0 : i32
    %dma_start3A_80 = tpu.memref_slice %arg6[%dma_start3A_73, %dma_start3A_79] : memref<80x128xi32, #tpu.memory_space<vmem>> -> memref<1x128xi32, #tpu.memory_space<vmem>>
    %dma_start3A_81 = tpu.memref_squeeze %dma_start3A_80 : memref<1x128xi32, #tpu.memory_space<vmem>> -> memref<128xi32, #tpu.memory_space<vmem>>
    %dma_start3A_82 = arith.constant 0 : i32
    %dma_start3A_83 = arith.constant 0 : i32
    %dma_start3A_84 = tpu.memref_slice %arg2[%dma_start3A_82, %dma_start3A_83] : memref<10000x64xf32, #tpu.memory_space<hbm>> -> memref<10000x64xf32, #tpu.memory_space<hbm>>
    tpu.enqueue_indirect_dma source(%dma_start3A_84 : memref<10000x64xf32, #tpu.memory_space<hbm>>) target(%dma_start3A_78 : memref<128x64xf32, #tpu.memory_space<vmem>>) offsets(%dma_start3A_81 : memref<128xi32, #tpu.memory_space<vmem>>) semaphore(%arg10 : memref<!tpu.dma_semaphore, #tpu.memory_space<semaphore_mem>>)
    %dma_start3A_85 = arith.constant 2 : i32
    %dma_start3A_86 = arith.constant 2 : i32
    %dma_start3A_87 = arith.constant 0 : i32
    %dma_start3A_88 = arith.constant 0 : i32
    %dma_start3A_89 = tpu.memref_slice %arg8[%dma_start3A_86, %dma_start3A_87, %dma_start3A_88] : memref<8x128x64xf32, #tpu.memory_space<vmem>> -> memref<1x128x64xf32, #tpu.memory_space<vmem>>
    %dma_start3A_90 = tpu.memref_squeeze %dma_start3A_89 : memref<1x128x64xf32, #tpu.memory_space<vmem>> -> memref<128x64xf32, #tpu.memory_space<vmem>>
    %dma_start3A_91 = arith.constant 0 : i32
    %dma_start3A_92 = tpu.memref_slice %arg6[%dma_start3A_85, %dma_start3A_91] : memref<80x128xi32, #tpu.memory_space<vmem>> -> memref<1x128xi32, #tpu.memory_space<vmem>>
    %dma_start3A_93 = tpu.memref_squeeze %dma_start3A_92 : memref<1x128xi32, #tpu.memory_space<vmem>> -> memref<128xi32, #tpu.memory_space<vmem>>
    %dma_start3A_94 = arith.constant 0 : i32
    %dma_start3A_95 = arith.constant 0 : i32
    %dma_start3A_96 = tpu.memref_slice %arg2[%dma_start3A_94, %dma_start3A_95] : memref<10000x64xf32, #tpu.memory_space<hbm>> -> memref<10000x64xf32, #tpu.memory_space<hbm>>
    tpu.enqueue_indirect_dma source(%dma_start3A_96 : memref<10000x64xf32, #tpu.memory_space<hbm>>) target(%dma_start3A_90 : memref<128x64xf32, #tpu.memory_space<vmem>>) offsets(%dma_start3A_93 : memref<128xi32, #tpu.memory_space<vmem>>) semaphore(%arg10 : memref<!tpu.dma_semaphore, #tpu.memory_space<semaphore_mem>>)
    %dma_start3A_97 = arith.constant 3 : i32
    %dma_start3A_98 = arith.constant 3 : i32
    %dma_start3A_99 = arith.constant 0 : i32
    %dma_start3A_100 = arith.constant 0 : i32
    %dma_start3A_101 = tpu.memref_slice %arg8[%dma_start3A_98, %dma_start3A_99, %dma_start3A_100] : memref<8x128x64xf32, #tpu.memory_space<vmem>> -> memref<1x128x64xf32, #tpu.memory_space<vmem>>
    %dma_start3A_102 = tpu.memref_squeeze %dma_start3A_101 : memref<1x128x64xf32, #tpu.memory_space<vmem>> -> memref<128x64xf32, #tpu.memory_space<vmem>>
    %dma_start3A_103 = arith.constant 0 : i32
    %dma_start3A_104 = tpu.memref_slice %arg6[%dma_start3A_97, %dma_start3A_103] : memref<80x128xi32, #tpu.memory_space<vmem>> -> memref<1x128xi32, #tpu.memory_space<vmem>>
    %dma_start3A_105 = tpu.memref_squeeze %dma_start3A_104 : memref<1x128xi32, #tpu.memory_space<vmem>> -> memref<128xi32, #tpu.memory_space<vmem>>
    %dma_start3A_106 = arith.constant 0 : i32
    %dma_start3A_107 = arith.constant 0 : i32
    %dma_start3A_108 = tpu.memref_slice %arg2[%dma_start3A_106, %dma_start3A_107] : memref<10000x64xf32, #tpu.memory_space<hbm>> -> memref<10000x64xf32, #tpu.memory_space<hbm>>
    tpu.enqueue_indirect_dma source(%dma_start3A_108 : memref<10000x64xf32, #tpu.memory_space<hbm>>) target(%dma_start3A_102 : memref<128x64xf32, #tpu.memory_space<vmem>>) offsets(%dma_start3A_105 : memref<128xi32, #tpu.memory_space<vmem>>) semaphore(%arg10 : memref<!tpu.dma_semaphore, #tpu.memory_space<semaphore_mem>>)
    %dma_start3A_109 = arith.constant 4 : i32
    %dma_start3A_110 = arith.constant 4 : i32
    %dma_start3A_111 = arith.constant 0 : i32
    %dma_start3A_112 = arith.constant 0 : i32
    %dma_start3A_113 = tpu.memref_slice %arg8[%dma_start3A_110, %dma_start3A_111, %dma_start3A_112] : memref<8x128x64xf32, #tpu.memory_space<vmem>> -> memref<1x128x64xf32, #tpu.memory_space<vmem>>
    %dma_start3A_114 = tpu.memref_squeeze %dma_start3A_113 : memref<1x128x64xf32, #tpu.memory_space<vmem>> -> memref<128x64xf32, #tpu.memory_space<vmem>>
    %dma_start3A_115 = arith.constant 0 : i32
    %dma_start3A_116 = tpu.memref_slice %arg6[%dma_start3A_109, %dma_start3A_115] : memref<80x128xi32, #tpu.memory_space<vmem>> -> memref<1x128xi32, #tpu.memory_space<vmem>>
    %dma_start3A_117 = tpu.memref_squeeze %dma_start3A_116 : memref<1x128xi32, #tpu.memory_space<vmem>> -> memref<128xi32, #tpu.memory_space<vmem>>
    %dma_start3A_118 = arith.constant 0 : i32
    %dma_start3A_119 = arith.constant 0 : i32
    %dma_start3A_120 = tpu.memref_slice %arg2[%dma_start3A_118, %dma_start3A_119] : memref<10000x64xf32, #tpu.memory_space<hbm>> -> memref<10000x64xf32, #tpu.memory_space<hbm>>
    tpu.enqueue_indirect_dma source(%dma_start3A_120 : memref<10000x64xf32, #tpu.memory_space<hbm>>) target(%dma_start3A_114 : memref<128x64xf32, #tpu.memory_space<vmem>>) offsets(%dma_start3A_117 : memref<128xi32, #tpu.memory_space<vmem>>) semaphore(%arg10 : memref<!tpu.dma_semaphore, #tpu.memory_space<semaphore_mem>>)
    %dma_start3A_121 = arith.constant 5 : i32
    %dma_start3A_122 = arith.constant 5 : i32
    %dma_start3A_123 = arith.constant 0 : i32
    %dma_start3A_124 = arith.constant 0 : i32
    %dma_start3A_125 = tpu.memref_slice %arg8[%dma_start3A_122, %dma_start3A_123, %dma_start3A_124] : memref<8x128x64xf32, #tpu.memory_space<vmem>> -> memref<1x128x64xf32, #tpu.memory_space<vmem>>
    %dma_start3A_126 = tpu.memref_squeeze %dma_start3A_125 : memref<1x128x64xf32, #tpu.memory_space<vmem>> -> memref<128x64xf32, #tpu.memory_space<vmem>>
    %dma_start3A_127 = arith.constant 0 : i32
    %dma_start3A_128 = tpu.memref_slice %arg6[%dma_start3A_121, %dma_start3A_127] : memref<80x128xi32, #tpu.memory_space<vmem>> -> memref<1x128xi32, #tpu.memory_space<vmem>>
    %dma_start3A_129 = tpu.memref_squeeze %dma_start3A_128 : memref<1x128xi32, #tpu.memory_space<vmem>> -> memref<128xi32, #tpu.memory_space<vmem>>
    %dma_start3A_130 = arith.constant 0 : i32
    %dma_start3A_131 = arith.constant 0 : i32
    %dma_start3A_132 = tpu.memref_slice %arg2[%dma_start3A_130, %dma_start3A_131] : memref<10000x64xf32, #tpu.memory_space<hbm>> -> memref<10000x64xf32, #tpu.memory_space<hbm>>
    tpu.enqueue_indirect_dma source(%dma_start3A_132 : memref<10000x64xf32, #tpu.memory_space<hbm>>) target(%dma_start3A_126 : memref<128x64xf32, #tpu.memory_space<vmem>>) offsets(%dma_start3A_129 : memref<128xi32, #tpu.memory_space<vmem>>) semaphore(%arg10 : memref<!tpu.dma_semaphore, #tpu.memory_space<semaphore_mem>>)
    %dma_start3A_133 = arith.constant 6 : i32
    %dma_start3A_134 = arith.constant 6 : i32
    %dma_start3A_135 = arith.constant 0 : i32
    %dma_start3A_136 = arith.constant 0 : i32
    %dma_start3A_137 = tpu.memref_slice %arg8[%dma_start3A_134, %dma_start3A_135, %dma_start3A_136] : memref<8x128x64xf32, #tpu.memory_space<vmem>> -> memref<1x128x64xf32, #tpu.memory_space<vmem>>
    %dma_start3A_138 = tpu.memref_squeeze %dma_start3A_137 : memref<1x128x64xf32, #tpu.memory_space<vmem>> -> memref<128x64xf32, #tpu.memory_space<vmem>>
    %dma_start3A_139 = arith.constant 0 : i32
    %dma_start3A_140 = tpu.memref_slice %arg6[%dma_start3A_133, %dma_start3A_139] : memref<80x128xi32, #tpu.memory_space<vmem>> -> memref<1x128xi32, #tpu.memory_space<vmem>>
    %dma_start3A_141 = tpu.memref_squeeze %dma_start3A_140 : memref<1x128xi32, #tpu.memory_space<vmem>> -> memref<128xi32, #tpu.memory_space<vmem>>
    %dma_start3A_142 = arith.constant 0 : i32
    %dma_start3A_143 = arith.constant 0 : i32
    %dma_start3A_144 = tpu.memref_slice %arg2[%dma_start3A_142, %dma_start3A_143] : memref<10000x64xf32, #tpu.memory_space<hbm>> -> memref<10000x64xf32, #tpu.memory_space<hbm>>
    tpu.enqueue_indirect_dma source(%dma_start3A_144 : memref<10000x64xf32, #tpu.memory_space<hbm>>) target(%dma_start3A_138 : memref<128x64xf32, #tpu.memory_space<vmem>>) offsets(%dma_start3A_141 : memref<128xi32, #tpu.memory_space<vmem>>) semaphore(%arg10 : memref<!tpu.dma_semaphore, #tpu.memory_space<semaphore_mem>>)
    %dma_start3A_145 = arith.constant 7 : i32
    %dma_start3A_146 = arith.constant 7 : i32
    %dma_start3A_147 = arith.constant 0 : i32
    %dma_start3A_148 = arith.constant 0 : i32
    %dma_start3A_149 = tpu.memref_slice %arg8[%dma_start3A_146, %dma_start3A_147, %dma_start3A_148] : memref<8x128x64xf32, #tpu.memory_space<vmem>> -> memref<1x128x64xf32, #tpu.memory_space<vmem>>
    %dma_start3A_150 = tpu.memref_squeeze %dma_start3A_149 : memref<1x128x64xf32, #tpu.memory_space<vmem>> -> memref<128x64xf32, #tpu.memory_space<vmem>>
    %dma_start3A_151 = arith.constant 0 : i32
    %dma_start3A_152 = tpu.memref_slice %arg6[%dma_start3A_145, %dma_start3A_151] : memref<80x128xi32, #tpu.memory_space<vmem>> -> memref<1x128xi32, #tpu.memory_space<vmem>>
    %dma_start3A_153 = tpu.memref_squeeze %dma_start3A_152 : memref<1x128xi32, #tpu.memory_space<vmem>> -> memref<128xi32, #tpu.memory_space<vmem>>
    %dma_start3A_154 = arith.constant 0 : i32
    %dma_start3A_155 = arith.constant 0 : i32
    %dma_start3A_156 = tpu.memref_slice %arg2[%dma_start3A_154, %dma_start3A_155] : memref<10000x64xf32, #tpu.memory_space<hbm>> -> memref<10000x64xf32, #tpu.memory_space<hbm>>
    tpu.enqueue_indirect_dma source(%dma_start3A_156 : memref<10000x64xf32, #tpu.memory_space<hbm>>) target(%dma_start3A_150 : memref<128x64xf32, #tpu.memory_space<vmem>>) offsets(%dma_start3A_153 : memref<128xi32, #tpu.memory_space<vmem>>) semaphore(%arg10 : memref<!tpu.dma_semaphore, #tpu.memory_space<semaphore_mem>>)
    %scan3A_157 = arith.constant 0 : i32
    %scan3A_158 = arith.constant 0 : i32
    %scan3A_159 = arith.constant 80 : i32
    %scan3A_160 = arith.addi %scan3A_158, %scan3A_159 : i32
    %scan3A_161 = arith.constant 1 : i32
    scf.for %scan3A_174 = %scan3A_158 to %scan3A_160 step %scan3A_161  : i32 {
      %rem3A = arith.constant 8 : i32
      %rem3A_175 = arith.remsi %scan3A_174, %rem3A : i32
      %dma_wait3A_176 = arith.constant 0 : i32
      %dma_wait3A_177 = arith.constant 0 : i32
      %dma_wait3A_178 = tpu.memref_slice %arg8[%rem3A_175, %dma_wait3A_176, %dma_wait3A_177] : memref<8x128x64xf32, #tpu.memory_space<vmem>> -> memref<1x128x64xf32, #tpu.memory_space<vmem>>
      %dma_wait3A_179 = tpu.memref_squeeze %dma_wait3A_178 : memref<1x128x64xf32, #tpu.memory_space<vmem>> -> memref<128x64xf32, #tpu.memory_space<vmem>>
      %dma_wait3A_180 = arith.constant 0 : i32
      %dma_wait3A_181 = tpu.memref_slice %arg6[%scan3A_174, %dma_wait3A_180] : memref<80x128xi32, #tpu.memory_space<vmem>> -> memref<1x128xi32, #tpu.memory_space<vmem>>
      %dma_wait3A_182 = tpu.memref_squeeze %dma_wait3A_181 : memref<1x128xi32, #tpu.memory_space<vmem>> -> memref<128xi32, #tpu.memory_space<vmem>>
      %dma_wait3A_183 = arith.constant 0 : i32
      %dma_wait3A_184 = arith.constant 0 : i32
      %dma_wait3A_185 = tpu.memref_slice %arg2[%dma_wait3A_183, %dma_wait3A_184] : memref<10000x64xf32, #tpu.memory_space<hbm>> -> memref<10000x64xf32, #tpu.memory_space<hbm>>
      tpu.wait_indirect_dma semaphore(%arg10 : memref<!tpu.dma_semaphore, #tpu.memory_space<semaphore_mem>>) src(%dma_wait3A_185 : memref<10000x64xf32, #tpu.memory_space<hbm>>) dst(%dma_wait3A_179 : memref<128x64xf32, #tpu.memory_space<vmem>>)
      %dma_start3A_186 = arith.constant 0 : i32
      %dma_start3A_187 = arith.constant 0 : i32
      %dma_start3A_188 = tpu.memref_slice %arg8[%rem3A_175, %dma_start3A_186, %dma_start3A_187] : memref<8x128x64xf32, #tpu.memory_space<vmem>> -> memref<1x128x64xf32, #tpu.memory_space<vmem>>
      %dma_start3A_189 = tpu.memref_squeeze %dma_start3A_188 : memref<1x128x64xf32, #tpu.memory_space<vmem>> -> memref<128x64xf32, #tpu.memory_space<vmem>>
      %dma_start3A_190 = arith.constant 0 : i32
      %dma_start3A_191 = tpu.memref_slice %arg7[%scan3A_174, %dma_start3A_190] : memref<80x128xi32, #tpu.memory_space<vmem>> -> memref<1x128xi32, #tpu.memory_space<vmem>>
      %dma_start3A_192 = tpu.memref_squeeze %dma_start3A_191 : memref<1x128xi32, #tpu.memory_space<vmem>> -> memref<128xi32, #tpu.memory_space<vmem>>
      %dma_start3A_193 = arith.constant 0 : i32
      %dma_start3A_194 = arith.constant 0 : i32
      %dma_start3A_195 = tpu.memref_slice %arg9[%dma_start3A_193, %dma_start3A_194] : memref<10240x64xf32, #tpu.memory_space<vmem_shared>> -> memref<10240x64xf32, #tpu.memory_space<vmem_shared>>
      tpu.enqueue_indirect_dma source(%dma_start3A_189 : memref<128x64xf32, #tpu.memory_space<vmem>>) target(%dma_start3A_195 : memref<10240x64xf32, #tpu.memory_space<vmem_shared>>) offsets(%dma_start3A_192 : memref<128xi32, #tpu.memory_space<vmem>>) semaphore(%arg11 : memref<!tpu.dma_semaphore, #tpu.memory_space<semaphore_mem>>) {add = true}
      %sub3A = arith.constant 1 : i32
      %sub3A_196 = arith.subi %scan3A_174, %sub3A : i32
      %ge3A = arith.constant 0 : i32
      %ge3A_197 = arith.cmpi sge, %sub3A_196, %ge3A : i32
      %add3A_198 = arith.constant 8 : i32
      %add3A_199 = arith.addi %sub3A_196, %add3A_198 : i32
      %lt3A = arith.constant 80 : i32
      %lt3A_200 = arith.cmpi slt, %add3A_199, %lt3A : i32
      %and3A = arith.andi %ge3A_197, %lt3A_200 : i1
      %convert_element_type3A = arith.extui %and3A : i1 to i32
      %cond3A = arith.constant 0 : i32
      %cond3A_201 = arith.cmpi ne, %convert_element_type3A, %cond3A : i32
      scf.if %cond3A_201 {
        %rem3A_202 = arith.constant 8 : i32
        %rem3A_203 = arith.remsi %sub3A_196, %rem3A_202 : i32
        %dma_wait3A_204 = arith.constant 0 : i32
        %dma_wait3A_205 = arith.constant 0 : i32
        %dma_wait3A_206 = tpu.memref_slice %arg8[%rem3A_203, %dma_wait3A_204, %dma_wait3A_205] : memref<8x128x64xf32, #tpu.memory_space<vmem>> -> memref<1x128x64xf32, #tpu.memory_space<vmem>>
        %dma_wait3A_207 = tpu.memref_squeeze %dma_wait3A_206 : memref<1x128x64xf32, #tpu.memory_space<vmem>> -> memref<128x64xf32, #tpu.memory_space<vmem>>
        %dma_wait3A_208 = arith.constant 0 : i32
        %dma_wait3A_209 = tpu.memref_slice %arg7[%sub3A_196, %dma_wait3A_208] : memref<80x128xi32, #tpu.memory_space<vmem>> -> memref<1x128xi32, #tpu.memory_space<vmem>>
        %dma_wait3A_210 = tpu.memref_squeeze %dma_wait3A_209 : memref<1x128xi32, #tpu.memory_space<vmem>> -> memref<128xi32, #tpu.memory_space<vmem>>
        %dma_wait3A_211 = arith.constant 0 : i32
        %dma_wait3A_212 = arith.constant 0 : i32
        %dma_wait3A_213 = tpu.memref_slice %arg9[%dma_wait3A_211, %dma_wait3A_212] : memref<10240x64xf32, #tpu.memory_space<vmem_shared>> -> memref<10240x64xf32, #tpu.memory_space<vmem_shared>>
        tpu.wait_indirect_dma semaphore(%arg11 : memref<!tpu.dma_semaphore, #tpu.memory_space<semaphore_mem>>) src(%dma_wait3A_207 : memref<128x64xf32, #tpu.memory_space<vmem>>) dst(%dma_wait3A_213 : memref<10240x64xf32, #tpu.memory_space<vmem_shared>>)
        %add3A_214 = arith.constant 8 : i32
        %add3A_215 = arith.addi %sub3A_196, %add3A_214 : i32
        %dma_start3A_216 = arith.constant 0 : i32
        %dma_start3A_217 = arith.constant 0 : i32
        %dma_start3A_218 = tpu.memref_slice %arg8[%rem3A_203, %dma_start3A_216, %dma_start3A_217] : memref<8x128x64xf32, #tpu.memory_space<vmem>> -> memref<1x128x64xf32, #tpu.memory_space<vmem>>
        %dma_start3A_219 = tpu.memref_squeeze %dma_start3A_218 : memref<1x128x64xf32, #tpu.memory_space<vmem>> -> memref<128x64xf32, #tpu.memory_space<vmem>>
        %dma_start3A_220 = arith.constant 0 : i32
        %dma_start3A_221 = tpu.memref_slice %arg6[%add3A_215, %dma_start3A_220] : memref<80x128xi32, #tpu.memory_space<vmem>> -> memref<1x128xi32, #tpu.memory_space<vmem>>
        %dma_start3A_222 = tpu.memref_squeeze %dma_start3A_221 : memref<1x128xi32, #tpu.memory_space<vmem>> -> memref<128xi32, #tpu.memory_space<vmem>>
        %dma_start3A_223 = arith.constant 0 : i32
        %dma_start3A_224 = arith.constant 0 : i32
        %dma_start3A_225 = tpu.memref_slice %arg2[%dma_start3A_223, %dma_start3A_224] : memref<10000x64xf32, #tpu.memory_space<hbm>> -> memref<10000x64xf32, #tpu.memory_space<hbm>>
        tpu.enqueue_indirect_dma source(%dma_start3A_225 : memref<10000x64xf32, #tpu.memory_space<hbm>>) target(%dma_start3A_219 : memref<128x64xf32, #tpu.memory_space<vmem>>) offsets(%dma_start3A_222 : memref<128xi32, #tpu.memory_space<vmem>>) semaphore(%arg10 : memref<!tpu.dma_semaphore, #tpu.memory_space<semaphore_mem>>)
      } else {
      }
    }
    %scan3A_162 = arith.constant 80 : i32
    %scan3A_163 = arith.constant 0 : i32
    %scan3A_164 = arith.constant 72 : i32
    %scan3A_165 = arith.constant 8 : i32
    %scan3A_166 = arith.addi %scan3A_164, %scan3A_165 : i32
    %scan3A_167 = arith.constant 1 : i32
    scf.for %scan3A_174 = %scan3A_164 to %scan3A_166 step %scan3A_167  : i32 {
      %rem3A = arith.constant 8 : i32
      %rem3A_175 = arith.remsi %scan3A_174, %rem3A : i32
      %dma_wait3A_176 = arith.constant 0 : i32
      %dma_wait3A_177 = arith.constant 0 : i32
      %dma_wait3A_178 = tpu.memref_slice %arg8[%rem3A_175, %dma_wait3A_176, %dma_wait3A_177] : memref<8x128x64xf32, #tpu.memory_space<vmem>> -> memref<1x128x64xf32, #tpu.memory_space<vmem>>
      %dma_wait3A_179 = tpu.memref_squeeze %dma_wait3A_178 : memref<1x128x64xf32, #tpu.memory_space<vmem>> -> memref<128x64xf32, #tpu.memory_space<vmem>>
      %dma_wait3A_180 = arith.constant 0 : i32
      %dma_wait3A_181 = tpu.memref_slice %arg7[%scan3A_174, %dma_wait3A_180] : memref<80x128xi32, #tpu.memory_space<vmem>> -> memref<1x128xi32, #tpu.memory_space<vmem>>
      %dma_wait3A_182 = tpu.memref_squeeze %dma_wait3A_181 : memref<1x128xi32, #tpu.memory_space<vmem>> -> memref<128xi32, #tpu.memory_space<vmem>>
      %dma_wait3A_183 = arith.constant 0 : i32
      %dma_wait3A_184 = arith.constant 0 : i32
      %dma_wait3A_185 = tpu.memref_slice %arg9[%dma_wait3A_183, %dma_wait3A_184] : memref<10240x64xf32, #tpu.memory_space<vmem_shared>> -> memref<10240x64xf32, #tpu.memory_space<vmem_shared>>
      tpu.wait_indirect_dma semaphore(%arg11 : memref<!tpu.dma_semaphore, #tpu.memory_space<semaphore_mem>>) src(%dma_wait3A_179 : memref<128x64xf32, #tpu.memory_space<vmem>>) dst(%dma_wait3A_185 : memref<10240x64xf32, #tpu.memory_space<vmem_shared>>)
    }
    %scan3A_168 = arith.constant 8 : i32
    %barrier3A_169 = arith.constant 0 : index
    tpu.barrier barrier_id(%barrier3A_169)
    %mul3A_170 = arith.constant 640 : i32
    %mul3A_171 = arith.muli %arg1, %mul3A_170 : i32
    %mul3A_172 = arith.constant 640 : i32
    %mul3A_173 = arith.muli %arg1, %mul3A_172 : i32
    "tpu.region"() ({
      %run_scoped3A_174 = tpu.sem_alloc : memref<!tpu.dma_semaphore, #tpu.memory_space<semaphore_mem>>
      %dma_start3A_175 = arith.constant 0 : i32
      %dma_start3A_176 = arith.constant 0 : i32
      %dma_start3A_177 = tpu.memref_slice %arg5[%arg0, %dma_start3A_175, %dma_start3A_176] : memref<2x10240x64xf32, #tpu.memory_space<hbm>> -> memref<1x10240x64xf32, #tpu.memory_space<hbm>>
      %dma_start3A_178 = tpu.memref_squeeze %dma_start3A_177 : memref<1x10240x64xf32, #tpu.memory_space<hbm>> -> memref<10240x64xf32, #tpu.memory_space<hbm>>
      %dma_start3A_179 = arith.constant 0 : i32
      %dma_start3A_180 = tpu.memref_slice %dma_start3A_178[%mul3A_173, %dma_start3A_179] : memref<10240x64xf32, #tpu.memory_space<hbm>> -> memref<640x64xf32, #tpu.memory_space<hbm>>
      %dma_start3A_181 = arith.constant 0 : i32
      %dma_start3A_182 = tpu.memref_slice %arg9[%mul3A_171, %dma_start3A_181] : memref<10240x64xf32, #tpu.memory_space<vmem_shared>> -> memref<640x64xf32, #tpu.memory_space<vmem_shared>>
      tpu.enqueue_dma source(%dma_start3A_182 : memref<640x64xf32, #tpu.memory_space<vmem_shared>>) target(%dma_start3A_180 : memref<640x64xf32, #tpu.memory_space<hbm>>) target_semaphore(%run_scoped3A_174 : memref<!tpu.dma_semaphore, #tpu.memory_space<semaphore_mem>>)
      %dma_wait3A_183 = arith.constant 0 : i32
      %dma_wait3A_184 = arith.constant 0 : i32
      %dma_wait3A_185 = tpu.memref_slice %arg5[%arg0, %dma_wait3A_183, %dma_wait3A_184] : memref<2x10240x64xf32, #tpu.memory_space<hbm>> -> memref<1x10240x64xf32, #tpu.memory_space<hbm>>
      %dma_wait3A_186 = tpu.memref_squeeze %dma_wait3A_185 : memref<1x10240x64xf32, #tpu.memory_space<hbm>> -> memref<10240x64xf32, #tpu.memory_space<hbm>>
      %dma_wait3A_187 = arith.constant 0 : i32
      %dma_wait3A_188 = tpu.memref_slice %dma_wait3A_186[%mul3A_173, %dma_wait3A_187] : memref<10240x64xf32, #tpu.memory_space<hbm>> -> memref<640x64xf32, #tpu.memory_space<hbm>>
      %dma_wait3A_189 = arith.constant 0 : i32
      %dma_wait3A_190 = tpu.memref_slice %arg9[%mul3A_171, %dma_wait3A_189] : memref<10240x64xf32, #tpu.memory_space<vmem_shared>> -> memref<640x64xf32, #tpu.memory_space<vmem_shared>>
      tpu.wait_dma2 semaphore(%run_scoped3A_174 : memref<!tpu.dma_semaphore, #tpu.memory_space<semaphore_mem>>) src(%dma_wait3A_190 : memref<640x64xf32, #tpu.memory_space<vmem_shared>>) dst(%dma_wait3A_188 : memref<640x64xf32, #tpu.memory_space<hbm>>)
      tpu.yield
    }) : () -> ()
    return
  }
}

#map = affine_map<(d0, d1) -> (0, 0)>
#map1 = affine_map<(d0, d1) -> (0, 0, 0)>
module attributes {stable_mosaic.version = 14 : i64} {
  func.func @_agg_body(%arg0: i32, %arg1: i32, %arg2: memref<10000x64xf32, #tpu.memory_space<hbm>>, %arg3: memref<32x80x128xi32, #tpu.memory_space<hbm>>, %arg4: memref<32x80x128xi32, #tpu.memory_space<hbm>>, %arg5: memref<2x10240x64xf32, #tpu.memory_space<hbm>>, %arg6: memref<80x128xi32, #tpu.memory_space<vmem>>, %arg7: memref<80x128xi32, #tpu.memory_space<vmem>>, %arg8: memref<8x128x64xf32, #tpu.memory_space<vmem>>, %arg9: memref<10240x64xf32, #tpu.memory_space<vmem_shared>>, %arg10: memref<!tpu.dma_semaphore, #tpu.memory_space<semaphore_mem>>, %arg11: memref<!tpu.dma_semaphore, #tpu.memory_space<semaphore_mem>>) attributes {dimension_semantics = [#tpu.dimension_semantics<core_parallel>, #tpu.dimension_semantics<subcore_parallel>], iteration_bounds = array<i64: 2, 16>, scalar_prefetch = 0 : i64, scratch_operands = 6 : i64, tpu.core_type = #tpu.core_type<sc_vector_subcore>, window_params = [{transform_indices = #map}, {transform_indices = #map1}, {transform_indices = #map1}, {transform_indices = #map1}]} {
    %mul3A = arith.constant 16 : i32
    %mul3A_0 = arith.muli %arg0, %mul3A : i32
    %add3A = arith.addi %mul3A_0, %arg1 : i32
    %dma_start3A = arith.constant 0 : i32
    %dma_start3A_1 = arith.constant 0 : i32
    %dma_start3A_2 = tpu.memref_slice %arg3[%add3A, %dma_start3A, %dma_start3A_1] : memref<32x80x128xi32, #tpu.memory_space<hbm>> -> memref<1x80x128xi32, #tpu.memory_space<hbm>>
    %dma_start3A_3 = tpu.memref_squeeze %dma_start3A_2 : memref<1x80x128xi32, #tpu.memory_space<hbm>> -> memref<80x128xi32, #tpu.memory_space<hbm>>
    %dma_start3A_4 = arith.constant 0 : i32
    %dma_start3A_5 = arith.constant 0 : i32
    %dma_start3A_6 = tpu.memref_slice %arg3[%add3A, %dma_start3A_4, %dma_start3A_5] : memref<32x80x128xi32, #tpu.memory_space<hbm>> -> memref<1x80x128xi32, #tpu.memory_space<hbm>>
    %dma_start3A_7 = tpu.memref_squeeze %dma_start3A_6 : memref<1x80x128xi32, #tpu.memory_space<hbm>> -> memref<80x128xi32, #tpu.memory_space<hbm>>
    tpu.enqueue_dma source(%dma_start3A_7 : memref<80x128xi32, #tpu.memory_space<hbm>>) target(%arg6 : memref<80x128xi32, #tpu.memory_space<vmem>>) target_semaphore(%arg11 : memref<!tpu.dma_semaphore, #tpu.memory_space<semaphore_mem>>)
    %dma_start3A_8 = arith.constant 0 : i32
    %dma_start3A_9 = arith.constant 0 : i32
    %dma_start3A_10 = tpu.memref_slice %arg4[%add3A, %dma_start3A_8, %dma_start3A_9] : memref<32x80x128xi32, #tpu.memory_space<hbm>> -> memref<1x80x128xi32, #tpu.memory_space<hbm>>
    %dma_start3A_11 = tpu.memref_squeeze %dma_start3A_10 : memref<1x80x128xi32, #tpu.memory_space<hbm>> -> memref<80x128xi32, #tpu.memory_space<hbm>>
    %dma_start3A_12 = arith.constant 0 : i32
    %dma_start3A_13 = arith.constant 0 : i32
    %dma_start3A_14 = tpu.memref_slice %arg4[%add3A, %dma_start3A_12, %dma_start3A_13] : memref<32x80x128xi32, #tpu.memory_space<hbm>> -> memref<1x80x128xi32, #tpu.memory_space<hbm>>
    %dma_start3A_15 = tpu.memref_squeeze %dma_start3A_14 : memref<1x80x128xi32, #tpu.memory_space<hbm>> -> memref<80x128xi32, #tpu.memory_space<hbm>>
    tpu.enqueue_dma source(%dma_start3A_15 : memref<80x128xi32, #tpu.memory_space<hbm>>) target(%arg7 : memref<80x128xi32, #tpu.memory_space<vmem>>) target_semaphore(%arg11 : memref<!tpu.dma_semaphore, #tpu.memory_space<semaphore_mem>>)
    %broadcast_in_dim3A = arith.constant 0.000000e+00 : f32
    %broadcast_in_dim3A_16 = vector.broadcast %broadcast_in_dim3A : f32 to vector<16xf32>
    %scan3A = arith.constant 0 : i32
    %scan3A_17 = arith.constant 0 : i32
    %scan3A_18 = arith.constant 128 : i32
    %scan3A_19 = arith.addi %scan3A_17, %scan3A_18 : i32
    %scan3A_20 = arith.constant 1 : i32
    scf.for %scan3A_174 = %scan3A_17 to %scan3A_19 step %scan3A_20  : i32 {
      %swap3A = arith.constant 0 : i32
      %swap3A_175 = arith.index_cast %swap3A : i32 to index
      %swap3A_176 = arith.index_cast %scan3A_174 : i32 to index
      %swap3A_177 = arith.constant 0 : index
      %swap3A_178 = tpu.vector_load %arg8[%swap3A_175, %swap3A_176, %swap3A_177] {strides = array<i32>} : memref<8x128x64xf32, #tpu.memory_space<vmem>>, vector<1x1x16xf32>,
      %swap3A_179 = vector.shape_cast %swap3A_178 : vector<1x1x16xf32> to vector<16xf32>
      %swap3A_180 = vector.shape_cast %broadcast_in_dim3A_16 : vector<16xf32> to vector<1x1x16xf32>
      tpu.vector_store %arg8[%swap3A_175, %swap3A_176, %swap3A_177], %swap3A_180 {strides = array<i32>} : memref<8x128x64xf32, #tpu.memory_space<vmem>>, vector<1x1x16xf32>,
      %swap3A_181 = arith.constant 0 : i32
      %swap3A_182 = arith.index_cast %swap3A_181 : i32 to index
      %swap3A_183 = arith.index_cast %scan3A_174 : i32 to index
      %swap3A_184 = arith.constant 16 : index
      %swap3A_185 = tpu.vector_load %arg8[%swap3A_182, %swap3A_183, %swap3A_184] {strides = array<i32>} : memref<8x128x64xf32, #tpu.memory_space<vmem>>, vector<1x1x16xf32>,
      %swap3A_186 = vector.shape_cast %swap3A_185 : vector<1x1x16xf32> to vector<16xf32>
      %swap3A_187 = vector.shape_cast %broadcast_in_dim3A_16 : vector<16xf32> to vector<1x1x16xf32>
      tpu.vector_store %arg8[%swap3A_182, %swap3A_183, %swap3A_184], %swap3A_187 {strides = array<i32>} : memref<8x128x64xf32, #tpu.memory_space<vmem>>, vector<1x1x16xf32>,
      %swap3A_188 = arith.constant 0 : i32
      %swap3A_189 = arith.index_cast %swap3A_188 : i32 to index
      %swap3A_190 = arith.index_cast %scan3A_174 : i32 to index
      %swap3A_191 = arith.constant 32 : index
      %swap3A_192 = tpu.vector_load %arg8[%swap3A_189, %swap3A_190, %swap3A_191] {strides = array<i32>} : memref<8x128x64xf32, #tpu.memory_space<vmem>>, vector<1x1x16xf32>,
      %swap3A_193 = vector.shape_cast %swap3A_192 : vector<1x1x16xf32> to vector<16xf32>
      %swap3A_194 = vector.shape_cast %broadcast_in_dim3A_16 : vector<16xf32> to vector<1x1x16xf32>
      tpu.vector_store %arg8[%swap3A_189, %swap3A_190, %swap3A_191], %swap3A_194 {strides = array<i32>} : memref<8x128x64xf32, #tpu.memory_space<vmem>>, vector<1x1x16xf32>,
      %swap3A_195 = arith.constant 0 : i32
      %swap3A_196 = arith.index_cast %swap3A_195 : i32 to index
      %swap3A_197 = arith.index_cast %scan3A_174 : i32 to index
      %swap3A_198 = arith.constant 48 : index
      %swap3A_199 = tpu.vector_load %arg8[%swap3A_196, %swap3A_197, %swap3A_198] {strides = array<i32>} : memref<8x128x64xf32, #tpu.memory_space<vmem>>, vector<1x1x16xf32>,
      %swap3A_200 = vector.shape_cast %swap3A_199 : vector<1x1x16xf32> to vector<16xf32>
      %swap3A_201 = vector.shape_cast %broadcast_in_dim3A_16 : vector<16xf32> to vector<1x1x16xf32>
      tpu.vector_store %arg8[%swap3A_196, %swap3A_197, %swap3A_198], %swap3A_201 {strides = array<i32>} : memref<8x128x64xf32, #tpu.memory_space<vmem>>, vector<1x1x16xf32>,
    }
    %scan3A_21 = arith.constant 128 : i32
    %mul3A_22 = arith.constant 640 : i32
    %mul3A_23 = arith.muli %arg1, %mul3A_22 : i32
    %add3A_24 = arith.constant 0 : i32
    %add3A_25 = arith.addi %mul3A_23, %add3A_24 : i32
    %run_scoped3A = arith.constant 0 : i32
    "tpu.region"() ({
      %run_scoped3A_174 = tpu.sem_alloc : memref<!tpu.dma_semaphore, #tpu.memory_space<semaphore_mem>>
      %dma_start3A_175 = arith.constant 0 : i32
      %dma_start3A_176 = arith.constant 0 : i32
      %dma_start3A_177 = tpu.memref_slice %arg8[%run_scoped3A, %dma_start3A_175, %dma_start3A_176] : memref<8x128x64xf32, #tpu.memory_space<vmem>> -> memref<1x128x64xf32, #tpu.memory_space<vmem>>
      %dma_start3A_178 = tpu.memref_squeeze %dma_start3A_177 : memref<1x128x64xf32, #tpu.memory_space<vmem>> -> memref<128x64xf32, #tpu.memory_space<vmem>>
      %dma_start3A_179 = arith.constant 0 : i32
      %dma_start3A_180 = tpu.memref_slice %arg9[%add3A_25, %dma_start3A_179] : memref<10240x64xf32, #tpu.memory_space<vmem_shared>> -> memref<128x64xf32, #tpu.memory_space<vmem_shared>>
      %dma_start3A_181 = arith.constant 0 : i32
      %dma_start3A_182 = tpu.memref_slice %arg9[%add3A_25, %dma_start3A_181] : memref<10240x64xf32, #tpu.memory_space<vmem_shared>> -> memref<128x64xf32, #tpu.memory_space<vmem_shared>>
      %dma_start3A_183 = arith.constant 0 : i32
      %dma_start3A_184 = arith.constant 0 : i32
      %dma_start3A_185 = tpu.memref_slice %arg8[%run_scoped3A, %dma_start3A_183, %dma_start3A_184] : memref<8x128x64xf32, #tpu.memory_space<vmem>> -> memref<1x128x64xf32, #tpu.memory_space<vmem>>
      %dma_start3A_186 = tpu.memref_squeeze %dma_start3A_185 : memref<1x128x64xf32, #tpu.memory_space<vmem>> -> memref<128x64xf32, #tpu.memory_space<vmem>>
      tpu.enqueue_dma source(%dma_start3A_186 : memref<128x64xf32, #tpu.memory_space<vmem>>) target(%dma_start3A_182 : memref<128x64xf32, #tpu.memory_space<vmem_shared>>) target_semaphore(%run_scoped3A_174 : memref<!tpu.dma_semaphore, #tpu.memory_space<semaphore_mem>>)
      %dma_wait3A_187 = arith.constant 0 : i32
      %dma_wait3A_188 = arith.constant 0 : i32
      %dma_wait3A_189 = tpu.memref_slice %arg8[%run_scoped3A, %dma_wait3A_187, %dma_wait3A_188] : memref<8x128x64xf32, #tpu.memory_space<vmem>> -> memref<1x128x64xf32, #tpu.memory_space<vmem>>
      %dma_wait3A_190 = tpu.memref_squeeze %dma_wait3A_189 : memref<1x128x64xf32, #tpu.memory_space<vmem>> -> memref<128x64xf32, #tpu.memory_space<vmem>>
      %dma_wait3A_191 = arith.constant 0 : i32
      %dma_wait3A_192 = tpu.memref_slice %arg9[%add3A_25, %dma_wait3A_191] : memref<10240x64xf32, #tpu.memory_space<vmem_shared>> -> memref<128x64xf32, #tpu.memory_space<vmem_shared>>
      %dma_wait3A_193 = arith.constant 0 : i32
      %dma_wait3A_194 = tpu.memref_slice %arg9[%add3A_25, %dma_wait3A_193] : memref<10240x64xf32, #tpu.memory_space<vmem_shared>> -> memref<128x64xf32, #tpu.memory_space<vmem_shared>>
      %dma_wait3A_195 = arith.constant 0 : i32
      %dma_wait3A_196 = arith.constant 0 : i32
      %dma_wait3A_197 = tpu.memref_slice %arg8[%run_scoped3A, %dma_wait3A_195, %dma_wait3A_196] : memref<8x128x64xf32, #tpu.memory_space<vmem>> -> memref<1x128x64xf32, #tpu.memory_space<vmem>>
      %dma_wait3A_198 = tpu.memref_squeeze %dma_wait3A_197 : memref<1x128x64xf32, #tpu.memory_space<vmem>> -> memref<128x64xf32, #tpu.memory_space<vmem>>
      tpu.wait_dma2 semaphore(%run_scoped3A_174 : memref<!tpu.dma_semaphore, #tpu.memory_space<semaphore_mem>>) src(%dma_wait3A_198 : memref<128x64xf32, #tpu.memory_space<vmem>>) dst(%dma_wait3A_194 : memref<128x64xf32, #tpu.memory_space<vmem_shared>>)
      tpu.yield
    }) : () -> ()
    %mul3A_26 = arith.constant 640 : i32
    %mul3A_27 = arith.muli %arg1, %mul3A_26 : i32
    %add3A_28 = arith.constant 128 : i32
    %add3A_29 = arith.addi %mul3A_27, %add3A_28 : i32
    %run_scoped3A_30 = arith.constant 0 : i32
    "tpu.region"() ({
      %run_scoped3A_174 = tpu.sem_alloc : memref<!tpu.dma_semaphore, #tpu.memory_space<semaphore_mem>>
      %dma_start3A_175 = arith.constant 0 : i32
      %dma_start3A_176 = arith.constant 0 : i32
      %dma_start3A_177 = tpu.memref_slice %arg8[%run_scoped3A_30, %dma_start3A_175, %dma_start3A_176] : memref<8x128x64xf32, #tpu.memory_space<vmem>> -> memref<1x128x64xf32, #tpu.memory_space<vmem>>
      %dma_start3A_178 = tpu.memref_squeeze %dma_start3A_177 : memref<1x128x64xf32, #tpu.memory_space<vmem>> -> memref<128x64xf32, #tpu.memory_space<vmem>>
      %dma_start3A_179 = arith.constant 0 : i32
      %dma_start3A_180 = tpu.memref_slice %arg9[%add3A_29, %dma_start3A_179] : memref<10240x64xf32, #tpu.memory_space<vmem_shared>> -> memref<128x64xf32, #tpu.memory_space<vmem_shared>>
      %dma_start3A_181 = arith.constant 0 : i32
      %dma_start3A_182 = tpu.memref_slice %arg9[%add3A_29, %dma_start3A_181] : memref<10240x64xf32, #tpu.memory_space<vmem_shared>> -> memref<128x64xf32, #tpu.memory_space<vmem_shared>>
      %dma_start3A_183 = arith.constant 0 : i32
      %dma_start3A_184 = arith.constant 0 : i32
      %dma_start3A_185 = tpu.memref_slice %arg8[%run_scoped3A_30, %dma_start3A_183, %dma_start3A_184] : memref<8x128x64xf32, #tpu.memory_space<vmem>> -> memref<1x128x64xf32, #tpu.memory_space<vmem>>
      %dma_start3A_186 = tpu.memref_squeeze %dma_start3A_185 : memref<1x128x64xf32, #tpu.memory_space<vmem>> -> memref<128x64xf32, #tpu.memory_space<vmem>>
      tpu.enqueue_dma source(%dma_start3A_186 : memref<128x64xf32, #tpu.memory_space<vmem>>) target(%dma_start3A_182 : memref<128x64xf32, #tpu.memory_space<vmem_shared>>) target_semaphore(%run_scoped3A_174 : memref<!tpu.dma_semaphore, #tpu.memory_space<semaphore_mem>>)
      %dma_wait3A_187 = arith.constant 0 : i32
      %dma_wait3A_188 = arith.constant 0 : i32
      %dma_wait3A_189 = tpu.memref_slice %arg8[%run_scoped3A_30, %dma_wait3A_187, %dma_wait3A_188] : memref<8x128x64xf32, #tpu.memory_space<vmem>> -> memref<1x128x64xf32, #tpu.memory_space<vmem>>
      %dma_wait3A_190 = tpu.memref_squeeze %dma_wait3A_189 : memref<1x128x64xf32, #tpu.memory_space<vmem>> -> memref<128x64xf32, #tpu.memory_space<vmem>>
      %dma_wait3A_191 = arith.constant 0 : i32
      %dma_wait3A_192 = tpu.memref_slice %arg9[%add3A_29, %dma_wait3A_191] : memref<10240x64xf32, #tpu.memory_space<vmem_shared>> -> memref<128x64xf32, #tpu.memory_space<vmem_shared>>
      %dma_wait3A_193 = arith.constant 0 : i32
      %dma_wait3A_194 = tpu.memref_slice %arg9[%add3A_29, %dma_wait3A_193] : memref<10240x64xf32, #tpu.memory_space<vmem_shared>> -> memref<128x64xf32, #tpu.memory_space<vmem_shared>>
      %dma_wait3A_195 = arith.constant 0 : i32
      %dma_wait3A_196 = arith.constant 0 : i32
      %dma_wait3A_197 = tpu.memref_slice %arg8[%run_scoped3A_30, %dma_wait3A_195, %dma_wait3A_196] : memref<8x128x64xf32, #tpu.memory_space<vmem>> -> memref<1x128x64xf32, #tpu.memory_space<vmem>>
      %dma_wait3A_198 = tpu.memref_squeeze %dma_wait3A_197 : memref<1x128x64xf32, #tpu.memory_space<vmem>> -> memref<128x64xf32, #tpu.memory_space<vmem>>
      tpu.wait_dma2 semaphore(%run_scoped3A_174 : memref<!tpu.dma_semaphore, #tpu.memory_space<semaphore_mem>>) src(%dma_wait3A_198 : memref<128x64xf32, #tpu.memory_space<vmem>>) dst(%dma_wait3A_194 : memref<128x64xf32, #tpu.memory_space<vmem_shared>>)
      tpu.yield
    }) : () -> ()
    %mul3A_31 = arith.constant 640 : i32
    %mul3A_32 = arith.muli %arg1, %mul3A_31 : i32
    %add3A_33 = arith.constant 256 : i32
    %add3A_34 = arith.addi %mul3A_32, %add3A_33 : i32
    %run_scoped3A_35 = arith.constant 0 : i32
    "tpu.region"() ({
      %run_scoped3A_174 = tpu.sem_alloc : memref<!tpu.dma_semaphore, #tpu.memory_space<semaphore_mem>>
      %dma_start3A_175 = arith.constant 0 : i32
      %dma_start3A_176 = arith.constant 0 : i32
      %dma_start3A_177 = tpu.memref_slice %arg8[%run_scoped3A_35, %dma_start3A_175, %dma_start3A_176] : memref<8x128x64xf32, #tpu.memory_space<vmem>> -> memref<1x128x64xf32, #tpu.memory_space<vmem>>
      %dma_start3A_178 = tpu.memref_squeeze %dma_start3A_177 : memref<1x128x64xf32, #tpu.memory_space<vmem>> -> memref<128x64xf32, #tpu.memory_space<vmem>>
      %dma_start3A_179 = arith.constant 0 : i32
      %dma_start3A_180 = tpu.memref_slice %arg9[%add3A_34, %dma_start3A_179] : memref<10240x64xf32, #tpu.memory_space<vmem_shared>> -> memref<128x64xf32, #tpu.memory_space<vmem_shared>>
      %dma_start3A_181 = arith.constant 0 : i32
      %dma_start3A_182 = tpu.memref_slice %arg9[%add3A_34, %dma_start3A_181] : memref<10240x64xf32, #tpu.memory_space<vmem_shared>> -> memref<128x64xf32, #tpu.memory_space<vmem_shared>>
      %dma_start3A_183 = arith.constant 0 : i32
      %dma_start3A_184 = arith.constant 0 : i32
      %dma_start3A_185 = tpu.memref_slice %arg8[%run_scoped3A_35, %dma_start3A_183, %dma_start3A_184] : memref<8x128x64xf32, #tpu.memory_space<vmem>> -> memref<1x128x64xf32, #tpu.memory_space<vmem>>
      %dma_start3A_186 = tpu.memref_squeeze %dma_start3A_185 : memref<1x128x64xf32, #tpu.memory_space<vmem>> -> memref<128x64xf32, #tpu.memory_space<vmem>>
      tpu.enqueue_dma source(%dma_start3A_186 : memref<128x64xf32, #tpu.memory_space<vmem>>) target(%dma_start3A_182 : memref<128x64xf32, #tpu.memory_space<vmem_shared>>) target_semaphore(%run_scoped3A_174 : memref<!tpu.dma_semaphore, #tpu.memory_space<semaphore_mem>>)
      %dma_wait3A_187 = arith.constant 0 : i32
      %dma_wait3A_188 = arith.constant 0 : i32
      %dma_wait3A_189 = tpu.memref_slice %arg8[%run_scoped3A_35, %dma_wait3A_187, %dma_wait3A_188] : memref<8x128x64xf32, #tpu.memory_space<vmem>> -> memref<1x128x64xf32, #tpu.memory_space<vmem>>
      %dma_wait3A_190 = tpu.memref_squeeze %dma_wait3A_189 : memref<1x128x64xf32, #tpu.memory_space<vmem>> -> memref<128x64xf32, #tpu.memory_space<vmem>>
      %dma_wait3A_191 = arith.constant 0 : i32
      %dma_wait3A_192 = tpu.memref_slice %arg9[%add3A_34, %dma_wait3A_191] : memref<10240x64xf32, #tpu.memory_space<vmem_shared>> -> memref<128x64xf32, #tpu.memory_space<vmem_shared>>
      %dma_wait3A_193 = arith.constant 0 : i32
      %dma_wait3A_194 = tpu.memref_slice %arg9[%add3A_34, %dma_wait3A_193] : memref<10240x64xf32, #tpu.memory_space<vmem_shared>> -> memref<128x64xf32, #tpu.memory_space<vmem_shared>>
      %dma_wait3A_195 = arith.constant 0 : i32
      %dma_wait3A_196 = arith.constant 0 : i32
      %dma_wait3A_197 = tpu.memref_slice %arg8[%run_scoped3A_35, %dma_wait3A_195, %dma_wait3A_196] : memref<8x128x64xf32, #tpu.memory_space<vmem>> -> memref<1x128x64xf32, #tpu.memory_space<vmem>>
      %dma_wait3A_198 = tpu.memref_squeeze %dma_wait3A_197 : memref<1x128x64xf32, #tpu.memory_space<vmem>> -> memref<128x64xf32, #tpu.memory_space<vmem>>
      tpu.wait_dma2 semaphore(%run_scoped3A_174 : memref<!tpu.dma_semaphore, #tpu.memory_space<semaphore_mem>>) src(%dma_wait3A_198 : memref<128x64xf32, #tpu.memory_space<vmem>>) dst(%dma_wait3A_194 : memref<128x64xf32, #tpu.memory_space<vmem_shared>>)
      tpu.yield
    }) : () -> ()
    %mul3A_36 = arith.constant 640 : i32
    %mul3A_37 = arith.muli %arg1, %mul3A_36 : i32
    %add3A_38 = arith.constant 384 : i32
    %add3A_39 = arith.addi %mul3A_37, %add3A_38 : i32
    %run_scoped3A_40 = arith.constant 0 : i32
    "tpu.region"() ({
      %run_scoped3A_174 = tpu.sem_alloc : memref<!tpu.dma_semaphore, #tpu.memory_space<semaphore_mem>>
      %dma_start3A_175 = arith.constant 0 : i32
      %dma_start3A_176 = arith.constant 0 : i32
      %dma_start3A_177 = tpu.memref_slice %arg8[%run_scoped3A_40, %dma_start3A_175, %dma_start3A_176] : memref<8x128x64xf32, #tpu.memory_space<vmem>> -> memref<1x128x64xf32, #tpu.memory_space<vmem>>
      %dma_start3A_178 = tpu.memref_squeeze %dma_start3A_177 : memref<1x128x64xf32, #tpu.memory_space<vmem>> -> memref<128x64xf32, #tpu.memory_space<vmem>>
      %dma_start3A_179 = arith.constant 0 : i32
      %dma_start3A_180 = tpu.memref_slice %arg9[%add3A_39, %dma_start3A_179] : memref<10240x64xf32, #tpu.memory_space<vmem_shared>> -> memref<128x64xf32, #tpu.memory_space<vmem_shared>>
      %dma_start3A_181 = arith.constant 0 : i32
      %dma_start3A_182 = tpu.memref_slice %arg9[%add3A_39, %dma_start3A_181] : memref<10240x64xf32, #tpu.memory_space<vmem_shared>> -> memref<128x64xf32, #tpu.memory_space<vmem_shared>>
      %dma_start3A_183 = arith.constant 0 : i32
      %dma_start3A_184 = arith.constant 0 : i32
      %dma_start3A_185 = tpu.memref_slice %arg8[%run_scoped3A_40, %dma_start3A_183, %dma_start3A_184] : memref<8x128x64xf32, #tpu.memory_space<vmem>> -> memref<1x128x64xf32, #tpu.memory_space<vmem>>
      %dma_start3A_186 = tpu.memref_squeeze %dma_start3A_185 : memref<1x128x64xf32, #tpu.memory_space<vmem>> -> memref<128x64xf32, #tpu.memory_space<vmem>>
      tpu.enqueue_dma source(%dma_start3A_186 : memref<128x64xf32, #tpu.memory_space<vmem>>) target(%dma_start3A_182 : memref<128x64xf32, #tpu.memory_space<vmem_shared>>) target_semaphore(%run_scoped3A_174 : memref<!tpu.dma_semaphore, #tpu.memory_space<semaphore_mem>>)
      %dma_wait3A_187 = arith.constant 0 : i32
      %dma_wait3A_188 = arith.constant 0 : i32
      %dma_wait3A_189 = tpu.memref_slice %arg8[%run_scoped3A_40, %dma_wait3A_187, %dma_wait3A_188] : memref<8x128x64xf32, #tpu.memory_space<vmem>> -> memref<1x128x64xf32, #tpu.memory_space<vmem>>
      %dma_wait3A_190 = tpu.memref_squeeze %dma_wait3A_189 : memref<1x128x64xf32, #tpu.memory_space<vmem>> -> memref<128x64xf32, #tpu.memory_space<vmem>>
      %dma_wait3A_191 = arith.constant 0 : i32
      %dma_wait3A_192 = tpu.memref_slice %arg9[%add3A_39, %dma_wait3A_191] : memref<10240x64xf32, #tpu.memory_space<vmem_shared>> -> memref<128x64xf32, #tpu.memory_space<vmem_shared>>
      %dma_wait3A_193 = arith.constant 0 : i32
      %dma_wait3A_194 = tpu.memref_slice %arg9[%add3A_39, %dma_wait3A_193] : memref<10240x64xf32, #tpu.memory_space<vmem_shared>> -> memref<128x64xf32, #tpu.memory_space<vmem_shared>>
      %dma_wait3A_195 = arith.constant 0 : i32
      %dma_wait3A_196 = arith.constant 0 : i32
      %dma_wait3A_197 = tpu.memref_slice %arg8[%run_scoped3A_40, %dma_wait3A_195, %dma_wait3A_196] : memref<8x128x64xf32, #tpu.memory_space<vmem>> -> memref<1x128x64xf32, #tpu.memory_space<vmem>>
      %dma_wait3A_198 = tpu.memref_squeeze %dma_wait3A_197 : memref<1x128x64xf32, #tpu.memory_space<vmem>> -> memref<128x64xf32, #tpu.memory_space<vmem>>
      tpu.wait_dma2 semaphore(%run_scoped3A_174 : memref<!tpu.dma_semaphore, #tpu.memory_space<semaphore_mem>>) src(%dma_wait3A_198 : memref<128x64xf32, #tpu.memory_space<vmem>>) dst(%dma_wait3A_194 : memref<128x64xf32, #tpu.memory_space<vmem_shared>>)
      tpu.yield
    }) : () -> ()
    %mul3A_41 = arith.constant 640 : i32
    %mul3A_42 = arith.muli %arg1, %mul3A_41 : i32
    %add3A_43 = arith.constant 512 : i32
    %add3A_44 = arith.addi %mul3A_42, %add3A_43 : i32
    %run_scoped3A_45 = arith.constant 0 : i32
    "tpu.region"() ({
      %run_scoped3A_174 = tpu.sem_alloc : memref<!tpu.dma_semaphore, #tpu.memory_space<semaphore_mem>>
      %dma_start3A_175 = arith.constant 0 : i32
      %dma_start3A_176 = arith.constant 0 : i32
      %dma_start3A_177 = tpu.memref_slice %arg8[%run_scoped3A_45, %dma_start3A_175, %dma_start3A_176] : memref<8x128x64xf32, #tpu.memory_space<vmem>> -> memref<1x128x64xf32, #tpu.memory_space<vmem>>
      %dma_start3A_178 = tpu.memref_squeeze %dma_start3A_177 : memref<1x128x64xf32, #tpu.memory_space<vmem>> -> memref<128x64xf32, #tpu.memory_space<vmem>>
      %dma_start3A_179 = arith.constant 0 : i32
      %dma_start3A_180 = tpu.memref_slice %arg9[%add3A_44, %dma_start3A_179] : memref<10240x64xf32, #tpu.memory_space<vmem_shared>> -> memref<128x64xf32, #tpu.memory_space<vmem_shared>>
      %dma_start3A_181 = arith.constant 0 : i32
      %dma_start3A_182 = tpu.memref_slice %arg9[%add3A_44, %dma_start3A_181] : memref<10240x64xf32, #tpu.memory_space<vmem_shared>> -> memref<128x64xf32, #tpu.memory_space<vmem_shared>>
      %dma_start3A_183 = arith.constant 0 : i32
      %dma_start3A_184 = arith.constant 0 : i32
      %dma_start3A_185 = tpu.memref_slice %arg8[%run_scoped3A_45, %dma_start3A_183, %dma_start3A_184] : memref<8x128x64xf32, #tpu.memory_space<vmem>> -> memref<1x128x64xf32, #tpu.memory_space<vmem>>
      %dma_start3A_186 = tpu.memref_squeeze %dma_start3A_185 : memref<1x128x64xf32, #tpu.memory_space<vmem>> -> memref<128x64xf32, #tpu.memory_space<vmem>>
      tpu.enqueue_dma source(%dma_start3A_186 : memref<128x64xf32, #tpu.memory_space<vmem>>) target(%dma_start3A_182 : memref<128x64xf32, #tpu.memory_space<vmem_shared>>) target_semaphore(%run_scoped3A_174 : memref<!tpu.dma_semaphore, #tpu.memory_space<semaphore_mem>>)
      %dma_wait3A_187 = arith.constant 0 : i32
      %dma_wait3A_188 = arith.constant 0 : i32
      %dma_wait3A_189 = tpu.memref_slice %arg8[%run_scoped3A_45, %dma_wait3A_187, %dma_wait3A_188] : memref<8x128x64xf32, #tpu.memory_space<vmem>> -> memref<1x128x64xf32, #tpu.memory_space<vmem>>
      %dma_wait3A_190 = tpu.memref_squeeze %dma_wait3A_189 : memref<1x128x64xf32, #tpu.memory_space<vmem>> -> memref<128x64xf32, #tpu.memory_space<vmem>>
      %dma_wait3A_191 = arith.constant 0 : i32
      %dma_wait3A_192 = tpu.memref_slice %arg9[%add3A_44, %dma_wait3A_191] : memref<10240x64xf32, #tpu.memory_space<vmem_shared>> -> memref<128x64xf32, #tpu.memory_space<vmem_shared>>
      %dma_wait3A_193 = arith.constant 0 : i32
      %dma_wait3A_194 = tpu.memref_slice %arg9[%add3A_44, %dma_wait3A_193] : memref<10240x64xf32, #tpu.memory_space<vmem_shared>> -> memref<128x64xf32, #tpu.memory_space<vmem_shared>>
      %dma_wait3A_195 = arith.constant 0 : i32
      %dma_wait3A_196 = arith.constant 0 : i32
      %dma_wait3A_197 = tpu.memref_slice %arg8[%run_scoped3A_45, %dma_wait3A_195, %dma_wait3A_196] : memref<8x128x64xf32, #tpu.memory_space<vmem>> -> memref<1x128x64xf32, #tpu.memory_space<vmem>>
      %dma_wait3A_198 = tpu.memref_squeeze %dma_wait3A_197 : memref<1x128x64xf32, #tpu.memory_space<vmem>> -> memref<128x64xf32, #tpu.memory_space<vmem>>
      tpu.wait_dma2 semaphore(%run_scoped3A_174 : memref<!tpu.dma_semaphore, #tpu.memory_space<semaphore_mem>>) src(%dma_wait3A_198 : memref<128x64xf32, #tpu.memory_space<vmem>>) dst(%dma_wait3A_194 : memref<128x64xf32, #tpu.memory_space<vmem_shared>>)
      tpu.yield
    }) : () -> ()
    %dma_wait3A = arith.constant 0 : i32
    %dma_wait3A_46 = arith.constant 0 : i32
    %dma_wait3A_47 = tpu.memref_slice %arg3[%add3A, %dma_wait3A, %dma_wait3A_46] : memref<32x80x128xi32, #tpu.memory_space<hbm>> -> memref<1x80x128xi32, #tpu.memory_space<hbm>>
    %dma_wait3A_48 = tpu.memref_squeeze %dma_wait3A_47 : memref<1x80x128xi32, #tpu.memory_space<hbm>> -> memref<80x128xi32, #tpu.memory_space<hbm>>
    %dma_wait3A_49 = arith.constant 0 : i32
    %dma_wait3A_50 = arith.constant 0 : i32
    %dma_wait3A_51 = tpu.memref_slice %arg3[%add3A, %dma_wait3A_49, %dma_wait3A_50] : memref<32x80x128xi32, #tpu.memory_space<hbm>> -> memref<1x80x128xi32, #tpu.memory_space<hbm>>
    %dma_wait3A_52 = tpu.memref_squeeze %dma_wait3A_51 : memref<1x80x128xi32, #tpu.memory_space<hbm>> -> memref<80x128xi32, #tpu.memory_space<hbm>>
    tpu.wait_dma2 semaphore(%arg11 : memref<!tpu.dma_semaphore, #tpu.memory_space<semaphore_mem>>) src(%dma_wait3A_52 : memref<80x128xi32, #tpu.memory_space<hbm>>) dst(%arg6 : memref<80x128xi32, #tpu.memory_space<vmem>>)
    %dma_wait3A_53 = arith.constant 0 : i32
    %dma_wait3A_54 = arith.constant 0 : i32
    %dma_wait3A_55 = tpu.memref_slice %arg4[%add3A, %dma_wait3A_53, %dma_wait3A_54] : memref<32x80x128xi32, #tpu.memory_space<hbm>> -> memref<1x80x128xi32, #tpu.memory_space<hbm>>
    %dma_wait3A_56 = tpu.memref_squeeze %dma_wait3A_55 : memref<1x80x128xi32, #tpu.memory_space<hbm>> -> memref<80x128xi32, #tpu.memory_space<hbm>>
    %dma_wait3A_57 = arith.constant 0 : i32
    %dma_wait3A_58 = arith.constant 0 : i32
    %dma_wait3A_59 = tpu.memref_slice %arg4[%add3A, %dma_wait3A_57, %dma_wait3A_58] : memref<32x80x128xi32, #tpu.memory_space<hbm>> -> memref<1x80x128xi32, #tpu.memory_space<hbm>>
    %dma_wait3A_60 = tpu.memref_squeeze %dma_wait3A_59 : memref<1x80x128xi32, #tpu.memory_space<hbm>> -> memref<80x128xi32, #tpu.memory_space<hbm>>
    tpu.wait_dma2 semaphore(%arg11 : memref<!tpu.dma_semaphore, #tpu.memory_space<semaphore_mem>>) src(%dma_wait3A_60 : memref<80x128xi32, #tpu.memory_space<hbm>>) dst(%arg7 : memref<80x128xi32, #tpu.memory_space<vmem>>)
    %barrier3A = arith.constant 0 : index
    tpu.barrier barrier_id(%barrier3A)
    %dma_start3A_61 = arith.constant 0 : i32
    %dma_start3A_62 = arith.constant 0 : i32
    %dma_start3A_63 = arith.constant 0 : i32
    %dma_start3A_64 = arith.constant 0 : i32
    %dma_start3A_65 = tpu.memref_slice %arg8[%dma_start3A_62, %dma_start3A_63, %dma_start3A_64] : memref<8x128x64xf32, #tpu.memory_space<vmem>> -> memref<1x128x64xf32, #tpu.memory_space<vmem>>
    %dma_start3A_66 = tpu.memref_squeeze %dma_start3A_65 : memref<1x128x64xf32, #tpu.memory_space<vmem>> -> memref<128x64xf32, #tpu.memory_space<vmem>>
    %dma_start3A_67 = arith.constant 0 : i32
    %dma_start3A_68 = tpu.memref_slice %arg6[%dma_start3A_61, %dma_start3A_67] : memref<80x128xi32, #tpu.memory_space<vmem>> -> memref<1x128xi32, #tpu.memory_space<vmem>>
    %dma_start3A_69 = tpu.memref_squeeze %dma_start3A_68 : memref<1x128xi32, #tpu.memory_space<vmem>> -> memref<128xi32, #tpu.memory_space<vmem>>
    %dma_start3A_70 = arith.constant 0 : i32
    %dma_start3A_71 = arith.constant 0 : i32
    %dma_start3A_72 = tpu.memref_slice %arg2[%dma_start3A_70, %dma_start3A_71] : memref<10000x64xf32, #tpu.memory_space<hbm>> -> memref<10000x64xf32, #tpu.memory_space<hbm>>
    tpu.enqueue_indirect_dma source(%dma_start3A_72 : memref<10000x64xf32, #tpu.memory_space<hbm>>) target(%dma_start3A_66 : memref<128x64xf32, #tpu.memory_space<vmem>>) offsets(%dma_start3A_69 : memref<128xi32, #tpu.memory_space<vmem>>) semaphore(%arg10 : memref<!tpu.dma_semaphore, #tpu.memory_space<semaphore_mem>>)
    %dma_start3A_73 = arith.constant 1 : i32
    %dma_start3A_74 = arith.constant 1 : i32
    %dma_start3A_75 = arith.constant 0 : i32
    %dma_start3A_76 = arith.constant 0 : i32
    %dma_start3A_77 = tpu.memref_slice %arg8[%dma_start3A_74, %dma_start3A_75, %dma_start3A_76] : memref<8x128x64xf32, #tpu.memory_space<vmem>> -> memref<1x128x64xf32, #tpu.memory_space<vmem>>
    %dma_start3A_78 = tpu.memref_squeeze %dma_start3A_77 : memref<1x128x64xf32, #tpu.memory_space<vmem>> -> memref<128x64xf32, #tpu.memory_space<vmem>>
    %dma_start3A_79 = arith.constant 0 : i32
    %dma_start3A_80 = tpu.memref_slice %arg6[%dma_start3A_73, %dma_start3A_79] : memref<80x128xi32, #tpu.memory_space<vmem>> -> memref<1x128xi32, #tpu.memory_space<vmem>>
    %dma_start3A_81 = tpu.memref_squeeze %dma_start3A_80 : memref<1x128xi32, #tpu.memory_space<vmem>> -> memref<128xi32, #tpu.memory_space<vmem>>
    %dma_start3A_82 = arith.constant 0 : i32
    %dma_start3A_83 = arith.constant 0 : i32
    %dma_start3A_84 = tpu.memref_slice %arg2[%dma_start3A_82, %dma_start3A_83] : memref<10000x64xf32, #tpu.memory_space<hbm>> -> memref<10000x64xf32, #tpu.memory_space<hbm>>
    tpu.enqueue_indirect_dma source(%dma_start3A_84 : memref<10000x64xf32, #tpu.memory_space<hbm>>) target(%dma_start3A_78 : memref<128x64xf32, #tpu.memory_space<vmem>>) offsets(%dma_start3A_81 : memref<128xi32, #tpu.memory_space<vmem>>) semaphore(%arg10 : memref<!tpu.dma_semaphore, #tpu.memory_space<semaphore_mem>>)
    %dma_start3A_85 = arith.constant 2 : i32
    %dma_start3A_86 = arith.constant 2 : i32
    %dma_start3A_87 = arith.constant 0 : i32
    %dma_start3A_88 = arith.constant 0 : i32
    %dma_start3A_89 = tpu.memref_slice %arg8[%dma_start3A_86, %dma_start3A_87, %dma_start3A_88] : memref<8x128x64xf32, #tpu.memory_space<vmem>> -> memref<1x128x64xf32, #tpu.memory_space<vmem>>
    %dma_start3A_90 = tpu.memref_squeeze %dma_start3A_89 : memref<1x128x64xf32, #tpu.memory_space<vmem>> -> memref<128x64xf32, #tpu.memory_space<vmem>>
    %dma_start3A_91 = arith.constant 0 : i32
    %dma_start3A_92 = tpu.memref_slice %arg6[%dma_start3A_85, %dma_start3A_91] : memref<80x128xi32, #tpu.memory_space<vmem>> -> memref<1x128xi32, #tpu.memory_space<vmem>>
    %dma_start3A_93 = tpu.memref_squeeze %dma_start3A_92 : memref<1x128xi32, #tpu.memory_space<vmem>> -> memref<128xi32, #tpu.memory_space<vmem>>
    %dma_start3A_94 = arith.constant 0 : i32
    %dma_start3A_95 = arith.constant 0 : i32
    %dma_start3A_96 = tpu.memref_slice %arg2[%dma_start3A_94, %dma_start3A_95] : memref<10000x64xf32, #tpu.memory_space<hbm>> -> memref<10000x64xf32, #tpu.memory_space<hbm>>
    tpu.enqueue_indirect_dma source(%dma_start3A_96 : memref<10000x64xf32, #tpu.memory_space<hbm>>) target(%dma_start3A_90 : memref<128x64xf32, #tpu.memory_space<vmem>>) offsets(%dma_start3A_93 : memref<128xi32, #tpu.memory_space<vmem>>) semaphore(%arg10 : memref<!tpu.dma_semaphore, #tpu.memory_space<semaphore_mem>>)
    %dma_start3A_97 = arith.constant 3 : i32
    %dma_start3A_98 = arith.constant 3 : i32
    %dma_start3A_99 = arith.constant 0 : i32
    %dma_start3A_100 = arith.constant 0 : i32
    %dma_start3A_101 = tpu.memref_slice %arg8[%dma_start3A_98, %dma_start3A_99, %dma_start3A_100] : memref<8x128x64xf32, #tpu.memory_space<vmem>> -> memref<1x128x64xf32, #tpu.memory_space<vmem>>
    %dma_start3A_102 = tpu.memref_squeeze %dma_start3A_101 : memref<1x128x64xf32, #tpu.memory_space<vmem>> -> memref<128x64xf32, #tpu.memory_space<vmem>>
    %dma_start3A_103 = arith.constant 0 : i32
    %dma_start3A_104 = tpu.memref_slice %arg6[%dma_start3A_97, %dma_start3A_103] : memref<80x128xi32, #tpu.memory_space<vmem>> -> memref<1x128xi32, #tpu.memory_space<vmem>>
    %dma_start3A_105 = tpu.memref_squeeze %dma_start3A_104 : memref<1x128xi32, #tpu.memory_space<vmem>> -> memref<128xi32, #tpu.memory_space<vmem>>
    %dma_start3A_106 = arith.constant 0 : i32
    %dma_start3A_107 = arith.constant 0 : i32
    %dma_start3A_108 = tpu.memref_slice %arg2[%dma_start3A_106, %dma_start3A_107] : memref<10000x64xf32, #tpu.memory_space<hbm>> -> memref<10000x64xf32, #tpu.memory_space<hbm>>
    tpu.enqueue_indirect_dma source(%dma_start3A_108 : memref<10000x64xf32, #tpu.memory_space<hbm>>) target(%dma_start3A_102 : memref<128x64xf32, #tpu.memory_space<vmem>>) offsets(%dma_start3A_105 : memref<128xi32, #tpu.memory_space<vmem>>) semaphore(%arg10 : memref<!tpu.dma_semaphore, #tpu.memory_space<semaphore_mem>>)
    %dma_start3A_109 = arith.constant 4 : i32
    %dma_start3A_110 = arith.constant 4 : i32
    %dma_start3A_111 = arith.constant 0 : i32
    %dma_start3A_112 = arith.constant 0 : i32
    %dma_start3A_113 = tpu.memref_slice %arg8[%dma_start3A_110, %dma_start3A_111, %dma_start3A_112] : memref<8x128x64xf32, #tpu.memory_space<vmem>> -> memref<1x128x64xf32, #tpu.memory_space<vmem>>
    %dma_start3A_114 = tpu.memref_squeeze %dma_start3A_113 : memref<1x128x64xf32, #tpu.memory_space<vmem>> -> memref<128x64xf32, #tpu.memory_space<vmem>>
    %dma_start3A_115 = arith.constant 0 : i32
    %dma_start3A_116 = tpu.memref_slice %arg6[%dma_start3A_109, %dma_start3A_115] : memref<80x128xi32, #tpu.memory_space<vmem>> -> memref<1x128xi32, #tpu.memory_space<vmem>>
    %dma_start3A_117 = tpu.memref_squeeze %dma_start3A_116 : memref<1x128xi32, #tpu.memory_space<vmem>> -> memref<128xi32, #tpu.memory_space<vmem>>
    %dma_start3A_118 = arith.constant 0 : i32
    %dma_start3A_119 = arith.constant 0 : i32
    %dma_start3A_120 = tpu.memref_slice %arg2[%dma_start3A_118, %dma_start3A_119] : memref<10000x64xf32, #tpu.memory_space<hbm>> -> memref<10000x64xf32, #tpu.memory_space<hbm>>
    tpu.enqueue_indirect_dma source(%dma_start3A_120 : memref<10000x64xf32, #tpu.memory_space<hbm>>) target(%dma_start3A_114 : memref<128x64xf32, #tpu.memory_space<vmem>>) offsets(%dma_start3A_117 : memref<128xi32, #tpu.memory_space<vmem>>) semaphore(%arg10 : memref<!tpu.dma_semaphore, #tpu.memory_space<semaphore_mem>>)
    %dma_start3A_121 = arith.constant 5 : i32
    %dma_start3A_122 = arith.constant 5 : i32
    %dma_start3A_123 = arith.constant 0 : i32
    %dma_start3A_124 = arith.constant 0 : i32
    %dma_start3A_125 = tpu.memref_slice %arg8[%dma_start3A_122, %dma_start3A_123, %dma_start3A_124] : memref<8x128x64xf32, #tpu.memory_space<vmem>> -> memref<1x128x64xf32, #tpu.memory_space<vmem>>
    %dma_start3A_126 = tpu.memref_squeeze %dma_start3A_125 : memref<1x128x64xf32, #tpu.memory_space<vmem>> -> memref<128x64xf32, #tpu.memory_space<vmem>>
    %dma_start3A_127 = arith.constant 0 : i32
    %dma_start3A_128 = tpu.memref_slice %arg6[%dma_start3A_121, %dma_start3A_127] : memref<80x128xi32, #tpu.memory_space<vmem>> -> memref<1x128xi32, #tpu.memory_space<vmem>>
    %dma_start3A_129 = tpu.memref_squeeze %dma_start3A_128 : memref<1x128xi32, #tpu.memory_space<vmem>> -> memref<128xi32, #tpu.memory_space<vmem>>
    %dma_start3A_130 = arith.constant 0 : i32
    %dma_start3A_131 = arith.constant 0 : i32
    %dma_start3A_132 = tpu.memref_slice %arg2[%dma_start3A_130, %dma_start3A_131] : memref<10000x64xf32, #tpu.memory_space<hbm>> -> memref<10000x64xf32, #tpu.memory_space<hbm>>
    tpu.enqueue_indirect_dma source(%dma_start3A_132 : memref<10000x64xf32, #tpu.memory_space<hbm>>) target(%dma_start3A_126 : memref<128x64xf32, #tpu.memory_space<vmem>>) offsets(%dma_start3A_129 : memref<128xi32, #tpu.memory_space<vmem>>) semaphore(%arg10 : memref<!tpu.dma_semaphore, #tpu.memory_space<semaphore_mem>>)
    %dma_start3A_133 = arith.constant 6 : i32
    %dma_start3A_134 = arith.constant 6 : i32
    %dma_start3A_135 = arith.constant 0 : i32
    %dma_start3A_136 = arith.constant 0 : i32
    %dma_start3A_137 = tpu.memref_slice %arg8[%dma_start3A_134, %dma_start3A_135, %dma_start3A_136] : memref<8x128x64xf32, #tpu.memory_space<vmem>> -> memref<1x128x64xf32, #tpu.memory_space<vmem>>
    %dma_start3A_138 = tpu.memref_squeeze %dma_start3A_137 : memref<1x128x64xf32, #tpu.memory_space<vmem>> -> memref<128x64xf32, #tpu.memory_space<vmem>>
    %dma_start3A_139 = arith.constant 0 : i32
    %dma_start3A_140 = tpu.memref_slice %arg6[%dma_start3A_133, %dma_start3A_139] : memref<80x128xi32, #tpu.memory_space<vmem>> -> memref<1x128xi32, #tpu.memory_space<vmem>>
    %dma_start3A_141 = tpu.memref_squeeze %dma_start3A_140 : memref<1x128xi32, #tpu.memory_space<vmem>> -> memref<128xi32, #tpu.memory_space<vmem>>
    %dma_start3A_142 = arith.constant 0 : i32
    %dma_start3A_143 = arith.constant 0 : i32
    %dma_start3A_144 = tpu.memref_slice %arg2[%dma_start3A_142, %dma_start3A_143] : memref<10000x64xf32, #tpu.memory_space<hbm>> -> memref<10000x64xf32, #tpu.memory_space<hbm>>
    tpu.enqueue_indirect_dma source(%dma_start3A_144 : memref<10000x64xf32, #tpu.memory_space<hbm>>) target(%dma_start3A_138 : memref<128x64xf32, #tpu.memory_space<vmem>>) offsets(%dma_start3A_141 : memref<128xi32, #tpu.memory_space<vmem>>) semaphore(%arg10 : memref<!tpu.dma_semaphore, #tpu.memory_space<semaphore_mem>>)
    %dma_start3A_145 = arith.constant 7 : i32
    %dma_start3A_146 = arith.constant 7 : i32
    %dma_start3A_147 = arith.constant 0 : i32
    %dma_start3A_148 = arith.constant 0 : i32
    %dma_start3A_149 = tpu.memref_slice %arg8[%dma_start3A_146, %dma_start3A_147, %dma_start3A_148] : memref<8x128x64xf32, #tpu.memory_space<vmem>> -> memref<1x128x64xf32, #tpu.memory_space<vmem>>
    %dma_start3A_150 = tpu.memref_squeeze %dma_start3A_149 : memref<1x128x64xf32, #tpu.memory_space<vmem>> -> memref<128x64xf32, #tpu.memory_space<vmem>>
    %dma_start3A_151 = arith.constant 0 : i32
    %dma_start3A_152 = tpu.memref_slice %arg6[%dma_start3A_145, %dma_start3A_151] : memref<80x128xi32, #tpu.memory_space<vmem>> -> memref<1x128xi32, #tpu.memory_space<vmem>>
    %dma_start3A_153 = tpu.memref_squeeze %dma_start3A_152 : memref<1x128xi32, #tpu.memory_space<vmem>> -> memref<128xi32, #tpu.memory_space<vmem>>
    %dma_start3A_154 = arith.constant 0 : i32
    %dma_start3A_155 = arith.constant 0 : i32
    %dma_start3A_156 = tpu.memref_slice %arg2[%dma_start3A_154, %dma_start3A_155] : memref<10000x64xf32, #tpu.memory_space<hbm>> -> memref<10000x64xf32, #tpu.memory_space<hbm>>
    tpu.enqueue_indirect_dma source(%dma_start3A_156 : memref<10000x64xf32, #tpu.memory_space<hbm>>) target(%dma_start3A_150 : memref<128x64xf32, #tpu.memory_space<vmem>>) offsets(%dma_start3A_153 : memref<128xi32, #tpu.memory_space<vmem>>) semaphore(%arg10 : memref<!tpu.dma_semaphore, #tpu.memory_space<semaphore_mem>>)
    %scan3A_157 = arith.constant 0 : i32
    %scan3A_158 = arith.constant 0 : i32
    %scan3A_159 = arith.constant 80 : i32
    %scan3A_160 = arith.addi %scan3A_158, %scan3A_159 : i32
    %scan3A_161 = arith.constant 1 : i32
    scf.for %scan3A_174 = %scan3A_158 to %scan3A_160 step %scan3A_161  : i32 {
      %rem3A = arith.constant 8 : i32
      %rem3A_175 = arith.remsi %scan3A_174, %rem3A : i32
      %dma_wait3A_176 = arith.constant 0 : i32
      %dma_wait3A_177 = arith.constant 0 : i32
      %dma_wait3A_178 = tpu.memref_slice %arg8[%rem3A_175, %dma_wait3A_176, %dma_wait3A_177] : memref<8x128x64xf32, #tpu.memory_space<vmem>> -> memref<1x128x64xf32, #tpu.memory_space<vmem>>
      %dma_wait3A_179 = tpu.memref_squeeze %dma_wait3A_178 : memref<1x128x64xf32, #tpu.memory_space<vmem>> -> memref<128x64xf32, #tpu.memory_space<vmem>>
      %dma_wait3A_180 = arith.constant 0 : i32
      %dma_wait3A_181 = tpu.memref_slice %arg6[%scan3A_174, %dma_wait3A_180] : memref<80x128xi32, #tpu.memory_space<vmem>> -> memref<1x128xi32, #tpu.memory_space<vmem>>
      %dma_wait3A_182 = tpu.memref_squeeze %dma_wait3A_181 : memref<1x128xi32, #tpu.memory_space<vmem>> -> memref<128xi32, #tpu.memory_space<vmem>>
      %dma_wait3A_183 = arith.constant 0 : i32
      %dma_wait3A_184 = arith.constant 0 : i32
      %dma_wait3A_185 = tpu.memref_slice %arg2[%dma_wait3A_183, %dma_wait3A_184] : memref<10000x64xf32, #tpu.memory_space<hbm>> -> memref<10000x64xf32, #tpu.memory_space<hbm>>
      tpu.wait_indirect_dma semaphore(%arg10 : memref<!tpu.dma_semaphore, #tpu.memory_space<semaphore_mem>>) src(%dma_wait3A_185 : memref<10000x64xf32, #tpu.memory_space<hbm>>) dst(%dma_wait3A_179 : memref<128x64xf32, #tpu.memory_space<vmem>>)
      %dma_start3A_186 = arith.constant 0 : i32
      %dma_start3A_187 = arith.constant 0 : i32
      %dma_start3A_188 = tpu.memref_slice %arg8[%rem3A_175, %dma_start3A_186, %dma_start3A_187] : memref<8x128x64xf32, #tpu.memory_space<vmem>> -> memref<1x128x64xf32, #tpu.memory_space<vmem>>
      %dma_start3A_189 = tpu.memref_squeeze %dma_start3A_188 : memref<1x128x64xf32, #tpu.memory_space<vmem>> -> memref<128x64xf32, #tpu.memory_space<vmem>>
      %dma_start3A_190 = arith.constant 0 : i32
      %dma_start3A_191 = tpu.memref_slice %arg7[%scan3A_174, %dma_start3A_190] : memref<80x128xi32, #tpu.memory_space<vmem>> -> memref<1x128xi32, #tpu.memory_space<vmem>>
      %dma_start3A_192 = tpu.memref_squeeze %dma_start3A_191 : memref<1x128xi32, #tpu.memory_space<vmem>> -> memref<128xi32, #tpu.memory_space<vmem>>
      %dma_start3A_193 = arith.constant 0 : i32
      %dma_start3A_194 = arith.constant 0 : i32
      %dma_start3A_195 = tpu.memref_slice %arg9[%dma_start3A_193, %dma_start3A_194] : memref<10240x64xf32, #tpu.memory_space<vmem_shared>> -> memref<10240x64xf32, #tpu.memory_space<vmem_shared>>
      tpu.enqueue_indirect_dma source(%dma_start3A_189 : memref<128x64xf32, #tpu.memory_space<vmem>>) target(%dma_start3A_195 : memref<10240x64xf32, #tpu.memory_space<vmem_shared>>) offsets(%dma_start3A_192 : memref<128xi32, #tpu.memory_space<vmem>>) semaphore(%arg11 : memref<!tpu.dma_semaphore, #tpu.memory_space<semaphore_mem>>) {add = true}
      %sub3A = arith.constant 1 : i32
      %sub3A_196 = arith.subi %scan3A_174, %sub3A : i32
      %ge3A = arith.constant 0 : i32
      %ge3A_197 = arith.cmpi sge, %sub3A_196, %ge3A : i32
      %add3A_198 = arith.constant 8 : i32
      %add3A_199 = arith.addi %sub3A_196, %add3A_198 : i32
      %lt3A = arith.constant 80 : i32
      %lt3A_200 = arith.cmpi slt, %add3A_199, %lt3A : i32
      %and3A = arith.andi %ge3A_197, %lt3A_200 : i1
      %convert_element_type3A = arith.extui %and3A : i1 to i32
      %cond3A = arith.constant 0 : i32
      %cond3A_201 = arith.cmpi ne, %convert_element_type3A, %cond3A : i32
      scf.if %cond3A_201 {
        %rem3A_202 = arith.constant 8 : i32
        %rem3A_203 = arith.remsi %sub3A_196, %rem3A_202 : i32
        %dma_wait3A_204 = arith.constant 0 : i32
        %dma_wait3A_205 = arith.constant 0 : i32
        %dma_wait3A_206 = tpu.memref_slice %arg8[%rem3A_203, %dma_wait3A_204, %dma_wait3A_205] : memref<8x128x64xf32, #tpu.memory_space<vmem>> -> memref<1x128x64xf32, #tpu.memory_space<vmem>>
        %dma_wait3A_207 = tpu.memref_squeeze %dma_wait3A_206 : memref<1x128x64xf32, #tpu.memory_space<vmem>> -> memref<128x64xf32, #tpu.memory_space<vmem>>
        %dma_wait3A_208 = arith.constant 0 : i32
        %dma_wait3A_209 = tpu.memref_slice %arg7[%sub3A_196, %dma_wait3A_208] : memref<80x128xi32, #tpu.memory_space<vmem>> -> memref<1x128xi32, #tpu.memory_space<vmem>>
        %dma_wait3A_210 = tpu.memref_squeeze %dma_wait3A_209 : memref<1x128xi32, #tpu.memory_space<vmem>> -> memref<128xi32, #tpu.memory_space<vmem>>
        %dma_wait3A_211 = arith.constant 0 : i32
        %dma_wait3A_212 = arith.constant 0 : i32
        %dma_wait3A_213 = tpu.memref_slice %arg9[%dma_wait3A_211, %dma_wait3A_212] : memref<10240x64xf32, #tpu.memory_space<vmem_shared>> -> memref<10240x64xf32, #tpu.memory_space<vmem_shared>>
        tpu.wait_indirect_dma semaphore(%arg11 : memref<!tpu.dma_semaphore, #tpu.memory_space<semaphore_mem>>) src(%dma_wait3A_207 : memref<128x64xf32, #tpu.memory_space<vmem>>) dst(%dma_wait3A_213 : memref<10240x64xf32, #tpu.memory_space<vmem_shared>>)
        %add3A_214 = arith.constant 8 : i32
        %add3A_215 = arith.addi %sub3A_196, %add3A_214 : i32
        %dma_start3A_216 = arith.constant 0 : i32
        %dma_start3A_217 = arith.constant 0 : i32
        %dma_start3A_218 = tpu.memref_slice %arg8[%rem3A_203, %dma_start3A_216, %dma_start3A_217] : memref<8x128x64xf32, #tpu.memory_space<vmem>> -> memref<1x128x64xf32, #tpu.memory_space<vmem>>
        %dma_start3A_219 = tpu.memref_squeeze %dma_start3A_218 : memref<1x128x64xf32, #tpu.memory_space<vmem>> -> memref<128x64xf32, #tpu.memory_space<vmem>>
        %dma_start3A_220 = arith.constant 0 : i32
        %dma_start3A_221 = tpu.memref_slice %arg6[%add3A_215, %dma_start3A_220] : memref<80x128xi32, #tpu.memory_space<vmem>> -> memref<1x128xi32, #tpu.memory_space<vmem>>
        %dma_start3A_222 = tpu.memref_squeeze %dma_start3A_221 : memref<1x128xi32, #tpu.memory_space<vmem>> -> memref<128xi32, #tpu.memory_space<vmem>>
        %dma_start3A_223 = arith.constant 0 : i32
        %dma_start3A_224 = arith.constant 0 : i32
        %dma_start3A_225 = tpu.memref_slice %arg2[%dma_start3A_223, %dma_start3A_224] : memref<10000x64xf32, #tpu.memory_space<hbm>> -> memref<10000x64xf32, #tpu.memory_space<hbm>>
        tpu.enqueue_indirect_dma source(%dma_start3A_225 : memref<10000x64xf32, #tpu.memory_space<hbm>>) target(%dma_start3A_219 : memref<128x64xf32, #tpu.memory_space<vmem>>) offsets(%dma_start3A_222 : memref<128xi32, #tpu.memory_space<vmem>>) semaphore(%arg10 : memref<!tpu.dma_semaphore, #tpu.memory_space<semaphore_mem>>)
      } else {
      }
    }
    %scan3A_162 = arith.constant 80 : i32
    %scan3A_163 = arith.constant 0 : i32
    %scan3A_164 = arith.constant 72 : i32
    %scan3A_165 = arith.constant 8 : i32
    %scan3A_166 = arith.addi %scan3A_164, %scan3A_165 : i32
    %scan3A_167 = arith.constant 1 : i32
    scf.for %scan3A_174 = %scan3A_164 to %scan3A_166 step %scan3A_167  : i32 {
      %rem3A = arith.constant 8 : i32
      %rem3A_175 = arith.remsi %scan3A_174, %rem3A : i32
      %dma_wait3A_176 = arith.constant 0 : i32
      %dma_wait3A_177 = arith.constant 0 : i32
      %dma_wait3A_178 = tpu.memref_slice %arg8[%rem3A_175, %dma_wait3A_176, %dma_wait3A_177] : memref<8x128x64xf32, #tpu.memory_space<vmem>> -> memref<1x128x64xf32, #tpu.memory_space<vmem>>
      %dma_wait3A_179 = tpu.memref_squeeze %dma_wait3A_178 : memref<1x128x64xf32, #tpu.memory_space<vmem>> -> memref<128x64xf32, #tpu.memory_space<vmem>>
      %dma_wait3A_180 = arith.constant 0 : i32
      %dma_wait3A_181 = tpu.memref_slice %arg7[%scan3A_174, %dma_wait3A_180] : memref<80x128xi32, #tpu.memory_space<vmem>> -> memref<1x128xi32, #tpu.memory_space<vmem>>
      %dma_wait3A_182 = tpu.memref_squeeze %dma_wait3A_181 : memref<1x128xi32, #tpu.memory_space<vmem>> -> memref<128xi32, #tpu.memory_space<vmem>>
      %dma_wait3A_183 = arith.constant 0 : i32
      %dma_wait3A_184 = arith.constant 0 : i32
      %dma_wait3A_185 = tpu.memref_slice %arg9[%dma_wait3A_183, %dma_wait3A_184] : memref<10240x64xf32, #tpu.memory_space<vmem_shared>> -> memref<10240x64xf32, #tpu.memory_space<vmem_shared>>
      tpu.wait_indirect_dma semaphore(%arg11 : memref<!tpu.dma_semaphore, #tpu.memory_space<semaphore_mem>>) src(%dma_wait3A_179 : memref<128x64xf32, #tpu.memory_space<vmem>>) dst(%dma_wait3A_185 : memref<10240x64xf32, #tpu.memory_space<vmem_shared>>)
    }
    %scan3A_168 = arith.constant 8 : i32
    %barrier3A_169 = arith.constant 0 : index
    tpu.barrier barrier_id(%barrier3A_169)
    %mul3A_170 = arith.constant 640 : i32
    %mul3A_171 = arith.muli %arg1, %mul3A_170 : i32
    %mul3A_172 = arith.constant 640 : i32
    %mul3A_173 = arith.muli %arg1, %mul3A_172 : i32
    "tpu.region"() ({
      %run_scoped3A_174 = tpu.sem_alloc : memref<!tpu.dma_semaphore, #tpu.memory_space<semaphore_mem>>
      %dma_start3A_175 = arith.constant 0 : i32
      %dma_start3A_176 = arith.constant 0 : i32
      %dma_start3A_177 = tpu.memref_slice %arg5[%arg0, %dma_start3A_175, %dma_start3A_176] : memref<2x10240x64xf32, #tpu.memory_space<hbm>> -> memref<1x10240x64xf32, #tpu.memory_space<hbm>>
      %dma_start3A_178 = tpu.memref_squeeze %dma_start3A_177 : memref<1x10240x64xf32, #tpu.memory_space<hbm>> -> memref<10240x64xf32, #tpu.memory_space<hbm>>
      %dma_start3A_179 = arith.constant 0 : i32
      %dma_start3A_180 = tpu.memref_slice %dma_start3A_178[%mul3A_173, %dma_start3A_179] : memref<10240x64xf32, #tpu.memory_space<hbm>> -> memref<640x64xf32, #tpu.memory_space<hbm>>
      %dma_start3A_181 = arith.constant 0 : i32
      %dma_start3A_182 = tpu.memref_slice %arg9[%mul3A_171, %dma_start3A_181] : memref<10240x64xf32, #tpu.memory_space<vmem_shared>> -> memref<640x64xf32, #tpu.memory_space<vmem_shared>>
      tpu.enqueue_dma source(%dma_start3A_182 : memref<640x64xf32, #tpu.memory_space<vmem_shared>>) target(%dma_start3A_180 : memref<640x64xf32, #tpu.memory_space<hbm>>) target_semaphore(%run_scoped3A_174 : memref<!tpu.dma_semaphore, #tpu.memory_space<semaphore_mem>>)
      %dma_wait3A_183 = arith.constant 0 : i32
      %dma_wait3A_184 = arith.constant 0 : i32
      %dma_wait3A_185 = tpu.memref_slice %arg5[%arg0, %dma_wait3A_183, %dma_wait3A_184] : memref<2x10240x64xf32, #tpu.memory_space<hbm>> -> memref<1x10240x64xf32, #tpu.memory_space<hbm>>
      %dma_wait3A_186 = tpu.memref_squeeze %dma_wait3A_185 : memref<1x10240x64xf32, #tpu.memory_space<hbm>> -> memref<10240x64xf32, #tpu.memory_space<hbm>>
      %dma_wait3A_187 = arith.constant 0 : i32
      %dma_wait3A_188 = tpu.memref_slice %dma_wait3A_186[%mul3A_173, %dma_wait3A_187] : memref<10240x64xf32, #tpu.memory_space<hbm>> -> memref<640x64xf32, #tpu.memory_space<hbm>>
      %dma_wait3A_189 = arith.constant 0 : i32
      %dma_wait3A_190 = tpu.memref_slice %arg9[%mul3A_171, %dma_wait3A_189] : memref<10240x64xf32, #tpu.memory_space<vmem_shared>> -> memref<640x64xf32, #tpu.memory_space<vmem_shared>>
      tpu.wait_dma2 semaphore(%run_scoped3A_174 : memref<!tpu.dma_semaphore, #tpu.memory_space<semaphore_mem>>) src(%dma_wait3A_190 : memref<640x64xf32, #tpu.memory_space<vmem_shared>>) dst(%dma_wait3A_188 : memref<640x64xf32, #tpu.memory_space<hbm>>)
      tpu.yield
    }) : () -> ()
    return
  }
}

#map = affine_map<(d0, d1) -> (0, 0)>
#map1 = affine_map<(d0, d1) -> (0, 0, 0)>
module attributes {stable_mosaic.version = 14 : i64} {
  func.func @_agg_body(%arg0: i32, %arg1: i32, %arg2: memref<10000x64xf32, #tpu.memory_space<hbm>>, %arg3: memref<32x80x128xi32, #tpu.memory_space<hbm>>, %arg4: memref<32x80x128xi32, #tpu.memory_space<hbm>>, %arg5: memref<2x10240x64xf32, #tpu.memory_space<hbm>>, %arg6: memref<80x128xi32, #tpu.memory_space<vmem>>, %arg7: memref<80x128xi32, #tpu.memory_space<vmem>>, %arg8: memref<8x128x64xf32, #tpu.memory_space<vmem>>, %arg9: memref<10240x64xf32, #tpu.memory_space<vmem_shared>>, %arg10: memref<!tpu.dma_semaphore, #tpu.memory_space<semaphore_mem>>, %arg11: memref<!tpu.dma_semaphore, #tpu.memory_space<semaphore_mem>>) attributes {dimension_semantics = [#tpu.dimension_semantics<core_parallel>, #tpu.dimension_semantics<subcore_parallel>], iteration_bounds = array<i64: 2, 16>, scalar_prefetch = 0 : i64, scratch_operands = 6 : i64, tpu.core_type = #tpu.core_type<sc_vector_subcore>, window_params = [{transform_indices = #map}, {transform_indices = #map1}, {transform_indices = #map1}, {transform_indices = #map1}]} {
    %mul3A = arith.constant 16 : i32
    %mul3A_0 = arith.muli %arg0, %mul3A : i32
    %add3A = arith.addi %mul3A_0, %arg1 : i32
    %dma_start3A = arith.constant 0 : i32
    %dma_start3A_1 = arith.constant 0 : i32
    %dma_start3A_2 = tpu.memref_slice %arg3[%add3A, %dma_start3A, %dma_start3A_1] : memref<32x80x128xi32, #tpu.memory_space<hbm>> -> memref<1x80x128xi32, #tpu.memory_space<hbm>>
    %dma_start3A_3 = tpu.memref_squeeze %dma_start3A_2 : memref<1x80x128xi32, #tpu.memory_space<hbm>> -> memref<80x128xi32, #tpu.memory_space<hbm>>
    %dma_start3A_4 = arith.constant 0 : i32
    %dma_start3A_5 = arith.constant 0 : i32
    %dma_start3A_6 = tpu.memref_slice %arg3[%add3A, %dma_start3A_4, %dma_start3A_5] : memref<32x80x128xi32, #tpu.memory_space<hbm>> -> memref<1x80x128xi32, #tpu.memory_space<hbm>>
    %dma_start3A_7 = tpu.memref_squeeze %dma_start3A_6 : memref<1x80x128xi32, #tpu.memory_space<hbm>> -> memref<80x128xi32, #tpu.memory_space<hbm>>
    tpu.enqueue_dma source(%dma_start3A_7 : memref<80x128xi32, #tpu.memory_space<hbm>>) target(%arg6 : memref<80x128xi32, #tpu.memory_space<vmem>>) target_semaphore(%arg11 : memref<!tpu.dma_semaphore, #tpu.memory_space<semaphore_mem>>)
    %dma_start3A_8 = arith.constant 0 : i32
    %dma_start3A_9 = arith.constant 0 : i32
    %dma_start3A_10 = tpu.memref_slice %arg4[%add3A, %dma_start3A_8, %dma_start3A_9] : memref<32x80x128xi32, #tpu.memory_space<hbm>> -> memref<1x80x128xi32, #tpu.memory_space<hbm>>
    %dma_start3A_11 = tpu.memref_squeeze %dma_start3A_10 : memref<1x80x128xi32, #tpu.memory_space<hbm>> -> memref<80x128xi32, #tpu.memory_space<hbm>>
    %dma_start3A_12 = arith.constant 0 : i32
    %dma_start3A_13 = arith.constant 0 : i32
    %dma_start3A_14 = tpu.memref_slice %arg4[%add3A, %dma_start3A_12, %dma_start3A_13] : memref<32x80x128xi32, #tpu.memory_space<hbm>> -> memref<1x80x128xi32, #tpu.memory_space<hbm>>
    %dma_start3A_15 = tpu.memref_squeeze %dma_start3A_14 : memref<1x80x128xi32, #tpu.memory_space<hbm>> -> memref<80x128xi32, #tpu.memory_space<hbm>>
    tpu.enqueue_dma source(%dma_start3A_15 : memref<80x128xi32, #tpu.memory_space<hbm>>) target(%arg7 : memref<80x128xi32, #tpu.memory_space<vmem>>) target_semaphore(%arg11 : memref<!tpu.dma_semaphore, #tpu.memory_space<semaphore_mem>>)
    %broadcast_in_dim3A = arith.constant 0.000000e+00 : f32
    %broadcast_in_dim3A_16 = vector.broadcast %broadcast_in_dim3A : f32 to vector<16xf32>
    %scan3A = arith.constant 0 : i32
    %scan3A_17 = arith.constant 0 : i32
    %scan3A_18 = arith.constant 128 : i32
    %scan3A_19 = arith.addi %scan3A_17, %scan3A_18 : i32
    %scan3A_20 = arith.constant 1 : i32
    scf.for %scan3A_174 = %scan3A_17 to %scan3A_19 step %scan3A_20  : i32 {
      %swap3A = arith.constant 0 : i32
      %swap3A_175 = arith.index_cast %swap3A : i32 to index
      %swap3A_176 = arith.index_cast %scan3A_174 : i32 to index
      %swap3A_177 = arith.constant 0 : index
      %swap3A_178 = tpu.vector_load %arg8[%swap3A_175, %swap3A_176, %swap3A_177] {strides = array<i32>} : memref<8x128x64xf32, #tpu.memory_space<vmem>>, vector<1x1x16xf32>,
      %swap3A_179 = vector.shape_cast %swap3A_178 : vector<1x1x16xf32> to vector<16xf32>
      %swap3A_180 = vector.shape_cast %broadcast_in_dim3A_16 : vector<16xf32> to vector<1x1x16xf32>
      tpu.vector_store %arg8[%swap3A_175, %swap3A_176, %swap3A_177], %swap3A_180 {strides = array<i32>} : memref<8x128x64xf32, #tpu.memory_space<vmem>>, vector<1x1x16xf32>,
      %swap3A_181 = arith.constant 0 : i32
      %swap3A_182 = arith.index_cast %swap3A_181 : i32 to index
      %swap3A_183 = arith.index_cast %scan3A_174 : i32 to index
      %swap3A_184 = arith.constant 16 : index
      %swap3A_185 = tpu.vector_load %arg8[%swap3A_182, %swap3A_183, %swap3A_184] {strides = array<i32>} : memref<8x128x64xf32, #tpu.memory_space<vmem>>, vector<1x1x16xf32>,
      %swap3A_186 = vector.shape_cast %swap3A_185 : vector<1x1x16xf32> to vector<16xf32>
      %swap3A_187 = vector.shape_cast %broadcast_in_dim3A_16 : vector<16xf32> to vector<1x1x16xf32>
      tpu.vector_store %arg8[%swap3A_182, %swap3A_183, %swap3A_184], %swap3A_187 {strides = array<i32>} : memref<8x128x64xf32, #tpu.memory_space<vmem>>, vector<1x1x16xf32>,
      %swap3A_188 = arith.constant 0 : i32
      %swap3A_189 = arith.index_cast %swap3A_188 : i32 to index
      %swap3A_190 = arith.index_cast %scan3A_174 : i32 to index
      %swap3A_191 = arith.constant 32 : index
      %swap3A_192 = tpu.vector_load %arg8[%swap3A_189, %swap3A_190, %swap3A_191] {strides = array<i32>} : memref<8x128x64xf32, #tpu.memory_space<vmem>>, vector<1x1x16xf32>,
      %swap3A_193 = vector.shape_cast %swap3A_192 : vector<1x1x16xf32> to vector<16xf32>
      %swap3A_194 = vector.shape_cast %broadcast_in_dim3A_16 : vector<16xf32> to vector<1x1x16xf32>
      tpu.vector_store %arg8[%swap3A_189, %swap3A_190, %swap3A_191], %swap3A_194 {strides = array<i32>} : memref<8x128x64xf32, #tpu.memory_space<vmem>>, vector<1x1x16xf32>,
      %swap3A_195 = arith.constant 0 : i32
      %swap3A_196 = arith.index_cast %swap3A_195 : i32 to index
      %swap3A_197 = arith.index_cast %scan3A_174 : i32 to index
      %swap3A_198 = arith.constant 48 : index
      %swap3A_199 = tpu.vector_load %arg8[%swap3A_196, %swap3A_197, %swap3A_198] {strides = array<i32>} : memref<8x128x64xf32, #tpu.memory_space<vmem>>, vector<1x1x16xf32>,
      %swap3A_200 = vector.shape_cast %swap3A_199 : vector<1x1x16xf32> to vector<16xf32>
      %swap3A_201 = vector.shape_cast %broadcast_in_dim3A_16 : vector<16xf32> to vector<1x1x16xf32>
      tpu.vector_store %arg8[%swap3A_196, %swap3A_197, %swap3A_198], %swap3A_201 {strides = array<i32>} : memref<8x128x64xf32, #tpu.memory_space<vmem>>, vector<1x1x16xf32>,
    }
    %scan3A_21 = arith.constant 128 : i32
    %mul3A_22 = arith.constant 640 : i32
    %mul3A_23 = arith.muli %arg1, %mul3A_22 : i32
    %add3A_24 = arith.constant 0 : i32
    %add3A_25 = arith.addi %mul3A_23, %add3A_24 : i32
    %run_scoped3A = arith.constant 0 : i32
    "tpu.region"() ({
      %run_scoped3A_174 = tpu.sem_alloc : memref<!tpu.dma_semaphore, #tpu.memory_space<semaphore_mem>>
      %dma_start3A_175 = arith.constant 0 : i32
      %dma_start3A_176 = arith.constant 0 : i32
      %dma_start3A_177 = tpu.memref_slice %arg8[%run_scoped3A, %dma_start3A_175, %dma_start3A_176] : memref<8x128x64xf32, #tpu.memory_space<vmem>> -> memref<1x128x64xf32, #tpu.memory_space<vmem>>
      %dma_start3A_178 = tpu.memref_squeeze %dma_start3A_177 : memref<1x128x64xf32, #tpu.memory_space<vmem>> -> memref<128x64xf32, #tpu.memory_space<vmem>>
      %dma_start3A_179 = arith.constant 0 : i32
      %dma_start3A_180 = tpu.memref_slice %arg9[%add3A_25, %dma_start3A_179] : memref<10240x64xf32, #tpu.memory_space<vmem_shared>> -> memref<128x64xf32, #tpu.memory_space<vmem_shared>>
      %dma_start3A_181 = arith.constant 0 : i32
      %dma_start3A_182 = tpu.memref_slice %arg9[%add3A_25, %dma_start3A_181] : memref<10240x64xf32, #tpu.memory_space<vmem_shared>> -> memref<128x64xf32, #tpu.memory_space<vmem_shared>>
      %dma_start3A_183 = arith.constant 0 : i32
      %dma_start3A_184 = arith.constant 0 : i32
      %dma_start3A_185 = tpu.memref_slice %arg8[%run_scoped3A, %dma_start3A_183, %dma_start3A_184] : memref<8x128x64xf32, #tpu.memory_space<vmem>> -> memref<1x128x64xf32, #tpu.memory_space<vmem>>
      %dma_start3A_186 = tpu.memref_squeeze %dma_start3A_185 : memref<1x128x64xf32, #tpu.memory_space<vmem>> -> memref<128x64xf32, #tpu.memory_space<vmem>>
      tpu.enqueue_dma source(%dma_start3A_186 : memref<128x64xf32, #tpu.memory_space<vmem>>) target(%dma_start3A_182 : memref<128x64xf32, #tpu.memory_space<vmem_shared>>) target_semaphore(%run_scoped3A_174 : memref<!tpu.dma_semaphore, #tpu.memory_space<semaphore_mem>>)
      %dma_wait3A_187 = arith.constant 0 : i32
      %dma_wait3A_188 = arith.constant 0 : i32
      %dma_wait3A_189 = tpu.memref_slice %arg8[%run_scoped3A, %dma_wait3A_187, %dma_wait3A_188] : memref<8x128x64xf32, #tpu.memory_space<vmem>> -> memref<1x128x64xf32, #tpu.memory_space<vmem>>
      %dma_wait3A_190 = tpu.memref_squeeze %dma_wait3A_189 : memref<1x128x64xf32, #tpu.memory_space<vmem>> -> memref<128x64xf32, #tpu.memory_space<vmem>>
      %dma_wait3A_191 = arith.constant 0 : i32
      %dma_wait3A_192 = tpu.memref_slice %arg9[%add3A_25, %dma_wait3A_191] : memref<10240x64xf32, #tpu.memory_space<vmem_shared>> -> memref<128x64xf32, #tpu.memory_space<vmem_shared>>
      %dma_wait3A_193 = arith.constant 0 : i32
      %dma_wait3A_194 = tpu.memref_slice %arg9[%add3A_25, %dma_wait3A_193] : memref<10240x64xf32, #tpu.memory_space<vmem_shared>> -> memref<128x64xf32, #tpu.memory_space<vmem_shared>>
      %dma_wait3A_195 = arith.constant 0 : i32
      %dma_wait3A_196 = arith.constant 0 : i32
      %dma_wait3A_197 = tpu.memref_slice %arg8[%run_scoped3A, %dma_wait3A_195, %dma_wait3A_196] : memref<8x128x64xf32, #tpu.memory_space<vmem>> -> memref<1x128x64xf32, #tpu.memory_space<vmem>>
      %dma_wait3A_198 = tpu.memref_squeeze %dma_wait3A_197 : memref<1x128x64xf32, #tpu.memory_space<vmem>> -> memref<128x64xf32, #tpu.memory_space<vmem>>
      tpu.wait_dma2 semaphore(%run_scoped3A_174 : memref<!tpu.dma_semaphore, #tpu.memory_space<semaphore_mem>>) src(%dma_wait3A_198 : memref<128x64xf32, #tpu.memory_space<vmem>>) dst(%dma_wait3A_194 : memref<128x64xf32, #tpu.memory_space<vmem_shared>>)
      tpu.yield
    }) : () -> ()
    %mul3A_26 = arith.constant 640 : i32
    %mul3A_27 = arith.muli %arg1, %mul3A_26 : i32
    %add3A_28 = arith.constant 128 : i32
    %add3A_29 = arith.addi %mul3A_27, %add3A_28 : i32
    %run_scoped3A_30 = arith.constant 0 : i32
    "tpu.region"() ({
      %run_scoped3A_174 = tpu.sem_alloc : memref<!tpu.dma_semaphore, #tpu.memory_space<semaphore_mem>>
      %dma_start3A_175 = arith.constant 0 : i32
      %dma_start3A_176 = arith.constant 0 : i32
      %dma_start3A_177 = tpu.memref_slice %arg8[%run_scoped3A_30, %dma_start3A_175, %dma_start3A_176] : memref<8x128x64xf32, #tpu.memory_space<vmem>> -> memref<1x128x64xf32, #tpu.memory_space<vmem>>
      %dma_start3A_178 = tpu.memref_squeeze %dma_start3A_177 : memref<1x128x64xf32, #tpu.memory_space<vmem>> -> memref<128x64xf32, #tpu.memory_space<vmem>>
      %dma_start3A_179 = arith.constant 0 : i32
      %dma_start3A_180 = tpu.memref_slice %arg9[%add3A_29, %dma_start3A_179] : memref<10240x64xf32, #tpu.memory_space<vmem_shared>> -> memref<128x64xf32, #tpu.memory_space<vmem_shared>>
      %dma_start3A_181 = arith.constant 0 : i32
      %dma_start3A_182 = tpu.memref_slice %arg9[%add3A_29, %dma_start3A_181] : memref<10240x64xf32, #tpu.memory_space<vmem_shared>> -> memref<128x64xf32, #tpu.memory_space<vmem_shared>>
      %dma_start3A_183 = arith.constant 0 : i32
      %dma_start3A_184 = arith.constant 0 : i32
      %dma_start3A_185 = tpu.memref_slice %arg8[%run_scoped3A_30, %dma_start3A_183, %dma_start3A_184] : memref<8x128x64xf32, #tpu.memory_space<vmem>> -> memref<1x128x64xf32, #tpu.memory_space<vmem>>
      %dma_start3A_186 = tpu.memref_squeeze %dma_start3A_185 : memref<1x128x64xf32, #tpu.memory_space<vmem>> -> memref<128x64xf32, #tpu.memory_space<vmem>>
      tpu.enqueue_dma source(%dma_start3A_186 : memref<128x64xf32, #tpu.memory_space<vmem>>) target(%dma_start3A_182 : memref<128x64xf32, #tpu.memory_space<vmem_shared>>) target_semaphore(%run_scoped3A_174 : memref<!tpu.dma_semaphore, #tpu.memory_space<semaphore_mem>>)
      %dma_wait3A_187 = arith.constant 0 : i32
      %dma_wait3A_188 = arith.constant 0 : i32
      %dma_wait3A_189 = tpu.memref_slice %arg8[%run_scoped3A_30, %dma_wait3A_187, %dma_wait3A_188] : memref<8x128x64xf32, #tpu.memory_space<vmem>> -> memref<1x128x64xf32, #tpu.memory_space<vmem>>
      %dma_wait3A_190 = tpu.memref_squeeze %dma_wait3A_189 : memref<1x128x64xf32, #tpu.memory_space<vmem>> -> memref<128x64xf32, #tpu.memory_space<vmem>>
      %dma_wait3A_191 = arith.constant 0 : i32
      %dma_wait3A_192 = tpu.memref_slice %arg9[%add3A_29, %dma_wait3A_191] : memref<10240x64xf32, #tpu.memory_space<vmem_shared>> -> memref<128x64xf32, #tpu.memory_space<vmem_shared>>
      %dma_wait3A_193 = arith.constant 0 : i32
      %dma_wait3A_194 = tpu.memref_slice %arg9[%add3A_29, %dma_wait3A_193] : memref<10240x64xf32, #tpu.memory_space<vmem_shared>> -> memref<128x64xf32, #tpu.memory_space<vmem_shared>>
      %dma_wait3A_195 = arith.constant 0 : i32
      %dma_wait3A_196 = arith.constant 0 : i32
      %dma_wait3A_197 = tpu.memref_slice %arg8[%run_scoped3A_30, %dma_wait3A_195, %dma_wait3A_196] : memref<8x128x64xf32, #tpu.memory_space<vmem>> -> memref<1x128x64xf32, #tpu.memory_space<vmem>>
      %dma_wait3A_198 = tpu.memref_squeeze %dma_wait3A_197 : memref<1x128x64xf32, #tpu.memory_space<vmem>> -> memref<128x64xf32, #tpu.memory_space<vmem>>
      tpu.wait_dma2 semaphore(%run_scoped3A_174 : memref<!tpu.dma_semaphore, #tpu.memory_space<semaphore_mem>>) src(%dma_wait3A_198 : memref<128x64xf32, #tpu.memory_space<vmem>>) dst(%dma_wait3A_194 : memref<128x64xf32, #tpu.memory_space<vmem_shared>>)
      tpu.yield
    }) : () -> ()
    %mul3A_31 = arith.constant 640 : i32
    %mul3A_32 = arith.muli %arg1, %mul3A_31 : i32
    %add3A_33 = arith.constant 256 : i32
    %add3A_34 = arith.addi %mul3A_32, %add3A_33 : i32
    %run_scoped3A_35 = arith.constant 0 : i32
    "tpu.region"() ({
      %run_scoped3A_174 = tpu.sem_alloc : memref<!tpu.dma_semaphore, #tpu.memory_space<semaphore_mem>>
      %dma_start3A_175 = arith.constant 0 : i32
      %dma_start3A_176 = arith.constant 0 : i32
      %dma_start3A_177 = tpu.memref_slice %arg8[%run_scoped3A_35, %dma_start3A_175, %dma_start3A_176] : memref<8x128x64xf32, #tpu.memory_space<vmem>> -> memref<1x128x64xf32, #tpu.memory_space<vmem>>
      %dma_start3A_178 = tpu.memref_squeeze %dma_start3A_177 : memref<1x128x64xf32, #tpu.memory_space<vmem>> -> memref<128x64xf32, #tpu.memory_space<vmem>>
      %dma_start3A_179 = arith.constant 0 : i32
      %dma_start3A_180 = tpu.memref_slice %arg9[%add3A_34, %dma_start3A_179] : memref<10240x64xf32, #tpu.memory_space<vmem_shared>> -> memref<128x64xf32, #tpu.memory_space<vmem_shared>>
      %dma_start3A_181 = arith.constant 0 : i32
      %dma_start3A_182 = tpu.memref_slice %arg9[%add3A_34, %dma_start3A_181] : memref<10240x64xf32, #tpu.memory_space<vmem_shared>> -> memref<128x64xf32, #tpu.memory_space<vmem_shared>>
      %dma_start3A_183 = arith.constant 0 : i32
      %dma_start3A_184 = arith.constant 0 : i32
      %dma_start3A_185 = tpu.memref_slice %arg8[%run_scoped3A_35, %dma_start3A_183, %dma_start3A_184] : memref<8x128x64xf32, #tpu.memory_space<vmem>> -> memref<1x128x64xf32, #tpu.memory_space<vmem>>
      %dma_start3A_186 = tpu.memref_squeeze %dma_start3A_185 : memref<1x128x64xf32, #tpu.memory_space<vmem>> -> memref<128x64xf32, #tpu.memory_space<vmem>>
      tpu.enqueue_dma source(%dma_start3A_186 : memref<128x64xf32, #tpu.memory_space<vmem>>) target(%dma_start3A_182 : memref<128x64xf32, #tpu.memory_space<vmem_shared>>) target_semaphore(%run_scoped3A_174 : memref<!tpu.dma_semaphore, #tpu.memory_space<semaphore_mem>>)
      %dma_wait3A_187 = arith.constant 0 : i32
      %dma_wait3A_188 = arith.constant 0 : i32
      %dma_wait3A_189 = tpu.memref_slice %arg8[%run_scoped3A_35, %dma_wait3A_187, %dma_wait3A_188] : memref<8x128x64xf32, #tpu.memory_space<vmem>> -> memref<1x128x64xf32, #tpu.memory_space<vmem>>
      %dma_wait3A_190 = tpu.memref_squeeze %dma_wait3A_189 : memref<1x128x64xf32, #tpu.memory_space<vmem>> -> memref<128x64xf32, #tpu.memory_space<vmem>>
      %dma_wait3A_191 = arith.constant 0 : i32
      %dma_wait3A_192 = tpu.memref_slice %arg9[%add3A_34, %dma_wait3A_191] : memref<10240x64xf32, #tpu.memory_space<vmem_shared>> -> memref<128x64xf32, #tpu.memory_space<vmem_shared>>
      %dma_wait3A_193 = arith.constant 0 : i32
      %dma_wait3A_194 = tpu.memref_slice %arg9[%add3A_34, %dma_wait3A_193] : memref<10240x64xf32, #tpu.memory_space<vmem_shared>> -> memref<128x64xf32, #tpu.memory_space<vmem_shared>>
      %dma_wait3A_195 = arith.constant 0 : i32
      %dma_wait3A_196 = arith.constant 0 : i32
      %dma_wait3A_197 = tpu.memref_slice %arg8[%run_scoped3A_35, %dma_wait3A_195, %dma_wait3A_196] : memref<8x128x64xf32, #tpu.memory_space<vmem>> -> memref<1x128x64xf32, #tpu.memory_space<vmem>>
      %dma_wait3A_198 = tpu.memref_squeeze %dma_wait3A_197 : memref<1x128x64xf32, #tpu.memory_space<vmem>> -> memref<128x64xf32, #tpu.memory_space<vmem>>
      tpu.wait_dma2 semaphore(%run_scoped3A_174 : memref<!tpu.dma_semaphore, #tpu.memory_space<semaphore_mem>>) src(%dma_wait3A_198 : memref<128x64xf32, #tpu.memory_space<vmem>>) dst(%dma_wait3A_194 : memref<128x64xf32, #tpu.memory_space<vmem_shared>>)
      tpu.yield
    }) : () -> ()
    %mul3A_36 = arith.constant 640 : i32
    %mul3A_37 = arith.muli %arg1, %mul3A_36 : i32
    %add3A_38 = arith.constant 384 : i32
    %add3A_39 = arith.addi %mul3A_37, %add3A_38 : i32
    %run_scoped3A_40 = arith.constant 0 : i32
    "tpu.region"() ({
      %run_scoped3A_174 = tpu.sem_alloc : memref<!tpu.dma_semaphore, #tpu.memory_space<semaphore_mem>>
      %dma_start3A_175 = arith.constant 0 : i32
      %dma_start3A_176 = arith.constant 0 : i32
      %dma_start3A_177 = tpu.memref_slice %arg8[%run_scoped3A_40, %dma_start3A_175, %dma_start3A_176] : memref<8x128x64xf32, #tpu.memory_space<vmem>> -> memref<1x128x64xf32, #tpu.memory_space<vmem>>
      %dma_start3A_178 = tpu.memref_squeeze %dma_start3A_177 : memref<1x128x64xf32, #tpu.memory_space<vmem>> -> memref<128x64xf32, #tpu.memory_space<vmem>>
      %dma_start3A_179 = arith.constant 0 : i32
      %dma_start3A_180 = tpu.memref_slice %arg9[%add3A_39, %dma_start3A_179] : memref<10240x64xf32, #tpu.memory_space<vmem_shared>> -> memref<128x64xf32, #tpu.memory_space<vmem_shared>>
      %dma_start3A_181 = arith.constant 0 : i32
      %dma_start3A_182 = tpu.memref_slice %arg9[%add3A_39, %dma_start3A_181] : memref<10240x64xf32, #tpu.memory_space<vmem_shared>> -> memref<128x64xf32, #tpu.memory_space<vmem_shared>>
      %dma_start3A_183 = arith.constant 0 : i32
      %dma_start3A_184 = arith.constant 0 : i32
      %dma_start3A_185 = tpu.memref_slice %arg8[%run_scoped3A_40, %dma_start3A_183, %dma_start3A_184] : memref<8x128x64xf32, #tpu.memory_space<vmem>> -> memref<1x128x64xf32, #tpu.memory_space<vmem>>
      %dma_start3A_186 = tpu.memref_squeeze %dma_start3A_185 : memref<1x128x64xf32, #tpu.memory_space<vmem>> -> memref<128x64xf32, #tpu.memory_space<vmem>>
      tpu.enqueue_dma source(%dma_start3A_186 : memref<128x64xf32, #tpu.memory_space<vmem>>) target(%dma_start3A_182 : memref<128x64xf32, #tpu.memory_space<vmem_shared>>) target_semaphore(%run_scoped3A_174 : memref<!tpu.dma_semaphore, #tpu.memory_space<semaphore_mem>>)
      %dma_wait3A_187 = arith.constant 0 : i32
      %dma_wait3A_188 = arith.constant 0 : i32
      %dma_wait3A_189 = tpu.memref_slice %arg8[%run_scoped3A_40, %dma_wait3A_187, %dma_wait3A_188] : memref<8x128x64xf32, #tpu.memory_space<vmem>> -> memref<1x128x64xf32, #tpu.memory_space<vmem>>
      %dma_wait3A_190 = tpu.memref_squeeze %dma_wait3A_189 : memref<1x128x64xf32, #tpu.memory_space<vmem>> -> memref<128x64xf32, #tpu.memory_space<vmem>>
      %dma_wait3A_191 = arith.constant 0 : i32
      %dma_wait3A_192 = tpu.memref_slice %arg9[%add3A_39, %dma_wait3A_191] : memref<10240x64xf32, #tpu.memory_space<vmem_shared>> -> memref<128x64xf32, #tpu.memory_space<vmem_shared>>
      %dma_wait3A_193 = arith.constant 0 : i32
      %dma_wait3A_194 = tpu.memref_slice %arg9[%add3A_39, %dma_wait3A_193] : memref<10240x64xf32, #tpu.memory_space<vmem_shared>> -> memref<128x64xf32, #tpu.memory_space<vmem_shared>>
      %dma_wait3A_195 = arith.constant 0 : i32
      %dma_wait3A_196 = arith.constant 0 : i32
      %dma_wait3A_197 = tpu.memref_slice %arg8[%run_scoped3A_40, %dma_wait3A_195, %dma_wait3A_196] : memref<8x128x64xf32, #tpu.memory_space<vmem>> -> memref<1x128x64xf32, #tpu.memory_space<vmem>>
      %dma_wait3A_198 = tpu.memref_squeeze %dma_wait3A_197 : memref<1x128x64xf32, #tpu.memory_space<vmem>> -> memref<128x64xf32, #tpu.memory_space<vmem>>
      tpu.wait_dma2 semaphore(%run_scoped3A_174 : memref<!tpu.dma_semaphore, #tpu.memory_space<semaphore_mem>>) src(%dma_wait3A_198 : memref<128x64xf32, #tpu.memory_space<vmem>>) dst(%dma_wait3A_194 : memref<128x64xf32, #tpu.memory_space<vmem_shared>>)
      tpu.yield
    }) : () -> ()
    %mul3A_41 = arith.constant 640 : i32
    %mul3A_42 = arith.muli %arg1, %mul3A_41 : i32
    %add3A_43 = arith.constant 512 : i32
    %add3A_44 = arith.addi %mul3A_42, %add3A_43 : i32
    %run_scoped3A_45 = arith.constant 0 : i32
    "tpu.region"() ({
      %run_scoped3A_174 = tpu.sem_alloc : memref<!tpu.dma_semaphore, #tpu.memory_space<semaphore_mem>>
      %dma_start3A_175 = arith.constant 0 : i32
      %dma_start3A_176 = arith.constant 0 : i32
      %dma_start3A_177 = tpu.memref_slice %arg8[%run_scoped3A_45, %dma_start3A_175, %dma_start3A_176] : memref<8x128x64xf32, #tpu.memory_space<vmem>> -> memref<1x128x64xf32, #tpu.memory_space<vmem>>
      %dma_start3A_178 = tpu.memref_squeeze %dma_start3A_177 : memref<1x128x64xf32, #tpu.memory_space<vmem>> -> memref<128x64xf32, #tpu.memory_space<vmem>>
      %dma_start3A_179 = arith.constant 0 : i32
      %dma_start3A_180 = tpu.memref_slice %arg9[%add3A_44, %dma_start3A_179] : memref<10240x64xf32, #tpu.memory_space<vmem_shared>> -> memref<128x64xf32, #tpu.memory_space<vmem_shared>>
      %dma_start3A_181 = arith.constant 0 : i32
      %dma_start3A_182 = tpu.memref_slice %arg9[%add3A_44, %dma_start3A_181] : memref<10240x64xf32, #tpu.memory_space<vmem_shared>> -> memref<128x64xf32, #tpu.memory_space<vmem_shared>>
      %dma_start3A_183 = arith.constant 0 : i32
      %dma_start3A_184 = arith.constant 0 : i32
      %dma_start3A_185 = tpu.memref_slice %arg8[%run_scoped3A_45, %dma_start3A_183, %dma_start3A_184] : memref<8x128x64xf32, #tpu.memory_space<vmem>> -> memref<1x128x64xf32, #tpu.memory_space<vmem>>
      %dma_start3A_186 = tpu.memref_squeeze %dma_start3A_185 : memref<1x128x64xf32, #tpu.memory_space<vmem>> -> memref<128x64xf32, #tpu.memory_space<vmem>>
      tpu.enqueue_dma source(%dma_start3A_186 : memref<128x64xf32, #tpu.memory_space<vmem>>) target(%dma_start3A_182 : memref<128x64xf32, #tpu.memory_space<vmem_shared>>) target_semaphore(%run_scoped3A_174 : memref<!tpu.dma_semaphore, #tpu.memory_space<semaphore_mem>>)
      %dma_wait3A_187 = arith.constant 0 : i32
      %dma_wait3A_188 = arith.constant 0 : i32
      %dma_wait3A_189 = tpu.memref_slice %arg8[%run_scoped3A_45, %dma_wait3A_187, %dma_wait3A_188] : memref<8x128x64xf32, #tpu.memory_space<vmem>> -> memref<1x128x64xf32, #tpu.memory_space<vmem>>
      %dma_wait3A_190 = tpu.memref_squeeze %dma_wait3A_189 : memref<1x128x64xf32, #tpu.memory_space<vmem>> -> memref<128x64xf32, #tpu.memory_space<vmem>>
      %dma_wait3A_191 = arith.constant 0 : i32
      %dma_wait3A_192 = tpu.memref_slice %arg9[%add3A_44, %dma_wait3A_191] : memref<10240x64xf32, #tpu.memory_space<vmem_shared>> -> memref<128x64xf32, #tpu.memory_space<vmem_shared>>
      %dma_wait3A_193 = arith.constant 0 : i32
      %dma_wait3A_194 = tpu.memref_slice %arg9[%add3A_44, %dma_wait3A_193] : memref<10240x64xf32, #tpu.memory_space<vmem_shared>> -> memref<128x64xf32, #tpu.memory_space<vmem_shared>>
      %dma_wait3A_195 = arith.constant 0 : i32
      %dma_wait3A_196 = arith.constant 0 : i32
      %dma_wait3A_197 = tpu.memref_slice %arg8[%run_scoped3A_45, %dma_wait3A_195, %dma_wait3A_196] : memref<8x128x64xf32, #tpu.memory_space<vmem>> -> memref<1x128x64xf32, #tpu.memory_space<vmem>>
      %dma_wait3A_198 = tpu.memref_squeeze %dma_wait3A_197 : memref<1x128x64xf32, #tpu.memory_space<vmem>> -> memref<128x64xf32, #tpu.memory_space<vmem>>
      tpu.wait_dma2 semaphore(%run_scoped3A_174 : memref<!tpu.dma_semaphore, #tpu.memory_space<semaphore_mem>>) src(%dma_wait3A_198 : memref<128x64xf32, #tpu.memory_space<vmem>>) dst(%dma_wait3A_194 : memref<128x64xf32, #tpu.memory_space<vmem_shared>>)
      tpu.yield
    }) : () -> ()
    %dma_wait3A = arith.constant 0 : i32
    %dma_wait3A_46 = arith.constant 0 : i32
    %dma_wait3A_47 = tpu.memref_slice %arg3[%add3A, %dma_wait3A, %dma_wait3A_46] : memref<32x80x128xi32, #tpu.memory_space<hbm>> -> memref<1x80x128xi32, #tpu.memory_space<hbm>>
    %dma_wait3A_48 = tpu.memref_squeeze %dma_wait3A_47 : memref<1x80x128xi32, #tpu.memory_space<hbm>> -> memref<80x128xi32, #tpu.memory_space<hbm>>
    %dma_wait3A_49 = arith.constant 0 : i32
    %dma_wait3A_50 = arith.constant 0 : i32
    %dma_wait3A_51 = tpu.memref_slice %arg3[%add3A, %dma_wait3A_49, %dma_wait3A_50] : memref<32x80x128xi32, #tpu.memory_space<hbm>> -> memref<1x80x128xi32, #tpu.memory_space<hbm>>
    %dma_wait3A_52 = tpu.memref_squeeze %dma_wait3A_51 : memref<1x80x128xi32, #tpu.memory_space<hbm>> -> memref<80x128xi32, #tpu.memory_space<hbm>>
    tpu.wait_dma2 semaphore(%arg11 : memref<!tpu.dma_semaphore, #tpu.memory_space<semaphore_mem>>) src(%dma_wait3A_52 : memref<80x128xi32, #tpu.memory_space<hbm>>) dst(%arg6 : memref<80x128xi32, #tpu.memory_space<vmem>>)
    %dma_wait3A_53 = arith.constant 0 : i32
    %dma_wait3A_54 = arith.constant 0 : i32
    %dma_wait3A_55 = tpu.memref_slice %arg4[%add3A, %dma_wait3A_53, %dma_wait3A_54] : memref<32x80x128xi32, #tpu.memory_space<hbm>> -> memref<1x80x128xi32, #tpu.memory_space<hbm>>
    %dma_wait3A_56 = tpu.memref_squeeze %dma_wait3A_55 : memref<1x80x128xi32, #tpu.memory_space<hbm>> -> memref<80x128xi32, #tpu.memory_space<hbm>>
    %dma_wait3A_57 = arith.constant 0 : i32
    %dma_wait3A_58 = arith.constant 0 : i32
    %dma_wait3A_59 = tpu.memref_slice %arg4[%add3A, %dma_wait3A_57, %dma_wait3A_58] : memref<32x80x128xi32, #tpu.memory_space<hbm>> -> memref<1x80x128xi32, #tpu.memory_space<hbm>>
    %dma_wait3A_60 = tpu.memref_squeeze %dma_wait3A_59 : memref<1x80x128xi32, #tpu.memory_space<hbm>> -> memref<80x128xi32, #tpu.memory_space<hbm>>
    tpu.wait_dma2 semaphore(%arg11 : memref<!tpu.dma_semaphore, #tpu.memory_space<semaphore_mem>>) src(%dma_wait3A_60 : memref<80x128xi32, #tpu.memory_space<hbm>>) dst(%arg7 : memref<80x128xi32, #tpu.memory_space<vmem>>)
    %barrier3A = arith.constant 0 : index
    tpu.barrier barrier_id(%barrier3A)
    %dma_start3A_61 = arith.constant 0 : i32
    %dma_start3A_62 = arith.constant 0 : i32
    %dma_start3A_63 = arith.constant 0 : i32
    %dma_start3A_64 = arith.constant 0 : i32
    %dma_start3A_65 = tpu.memref_slice %arg8[%dma_start3A_62, %dma_start3A_63, %dma_start3A_64] : memref<8x128x64xf32, #tpu.memory_space<vmem>> -> memref<1x128x64xf32, #tpu.memory_space<vmem>>
    %dma_start3A_66 = tpu.memref_squeeze %dma_start3A_65 : memref<1x128x64xf32, #tpu.memory_space<vmem>> -> memref<128x64xf32, #tpu.memory_space<vmem>>
    %dma_start3A_67 = arith.constant 0 : i32
    %dma_start3A_68 = tpu.memref_slice %arg6[%dma_start3A_61, %dma_start3A_67] : memref<80x128xi32, #tpu.memory_space<vmem>> -> memref<1x128xi32, #tpu.memory_space<vmem>>
    %dma_start3A_69 = tpu.memref_squeeze %dma_start3A_68 : memref<1x128xi32, #tpu.memory_space<vmem>> -> memref<128xi32, #tpu.memory_space<vmem>>
    %dma_start3A_70 = arith.constant 0 : i32
    %dma_start3A_71 = arith.constant 0 : i32
    %dma_start3A_72 = tpu.memref_slice %arg2[%dma_start3A_70, %dma_start3A_71] : memref<10000x64xf32, #tpu.memory_space<hbm>> -> memref<10000x64xf32, #tpu.memory_space<hbm>>
    tpu.enqueue_indirect_dma source(%dma_start3A_72 : memref<10000x64xf32, #tpu.memory_space<hbm>>) target(%dma_start3A_66 : memref<128x64xf32, #tpu.memory_space<vmem>>) offsets(%dma_start3A_69 : memref<128xi32, #tpu.memory_space<vmem>>) semaphore(%arg10 : memref<!tpu.dma_semaphore, #tpu.memory_space<semaphore_mem>>)
    %dma_start3A_73 = arith.constant 1 : i32
    %dma_start3A_74 = arith.constant 1 : i32
    %dma_start3A_75 = arith.constant 0 : i32
    %dma_start3A_76 = arith.constant 0 : i32
    %dma_start3A_77 = tpu.memref_slice %arg8[%dma_start3A_74, %dma_start3A_75, %dma_start3A_76] : memref<8x128x64xf32, #tpu.memory_space<vmem>> -> memref<1x128x64xf32, #tpu.memory_space<vmem>>
    %dma_start3A_78 = tpu.memref_squeeze %dma_start3A_77 : memref<1x128x64xf32, #tpu.memory_space<vmem>> -> memref<128x64xf32, #tpu.memory_space<vmem>>
    %dma_start3A_79 = arith.constant 0 : i32
    %dma_start3A_80 = tpu.memref_slice %arg6[%dma_start3A_73, %dma_start3A_79] : memref<80x128xi32, #tpu.memory_space<vmem>> -> memref<1x128xi32, #tpu.memory_space<vmem>>
    %dma_start3A_81 = tpu.memref_squeeze %dma_start3A_80 : memref<1x128xi32, #tpu.memory_space<vmem>> -> memref<128xi32, #tpu.memory_space<vmem>>
    %dma_start3A_82 = arith.constant 0 : i32
    %dma_start3A_83 = arith.constant 0 : i32
    %dma_start3A_84 = tpu.memref_slice %arg2[%dma_start3A_82, %dma_start3A_83] : memref<10000x64xf32, #tpu.memory_space<hbm>> -> memref<10000x64xf32, #tpu.memory_space<hbm>>
    tpu.enqueue_indirect_dma source(%dma_start3A_84 : memref<10000x64xf32, #tpu.memory_space<hbm>>) target(%dma_start3A_78 : memref<128x64xf32, #tpu.memory_space<vmem>>) offsets(%dma_start3A_81 : memref<128xi32, #tpu.memory_space<vmem>>) semaphore(%arg10 : memref<!tpu.dma_semaphore, #tpu.memory_space<semaphore_mem>>)
    %dma_start3A_85 = arith.constant 2 : i32
    %dma_start3A_86 = arith.constant 2 : i32
    %dma_start3A_87 = arith.constant 0 : i32
    %dma_start3A_88 = arith.constant 0 : i32
    %dma_start3A_89 = tpu.memref_slice %arg8[%dma_start3A_86, %dma_start3A_87, %dma_start3A_88] : memref<8x128x64xf32, #tpu.memory_space<vmem>> -> memref<1x128x64xf32, #tpu.memory_space<vmem>>
    %dma_start3A_90 = tpu.memref_squeeze %dma_start3A_89 : memref<1x128x64xf32, #tpu.memory_space<vmem>> -> memref<128x64xf32, #tpu.memory_space<vmem>>
    %dma_start3A_91 = arith.constant 0 : i32
    %dma_start3A_92 = tpu.memref_slice %arg6[%dma_start3A_85, %dma_start3A_91] : memref<80x128xi32, #tpu.memory_space<vmem>> -> memref<1x128xi32, #tpu.memory_space<vmem>>
    %dma_start3A_93 = tpu.memref_squeeze %dma_start3A_92 : memref<1x128xi32, #tpu.memory_space<vmem>> -> memref<128xi32, #tpu.memory_space<vmem>>
    %dma_start3A_94 = arith.constant 0 : i32
    %dma_start3A_95 = arith.constant 0 : i32
    %dma_start3A_96 = tpu.memref_slice %arg2[%dma_start3A_94, %dma_start3A_95] : memref<10000x64xf32, #tpu.memory_space<hbm>> -> memref<10000x64xf32, #tpu.memory_space<hbm>>
    tpu.enqueue_indirect_dma source(%dma_start3A_96 : memref<10000x64xf32, #tpu.memory_space<hbm>>) target(%dma_start3A_90 : memref<128x64xf32, #tpu.memory_space<vmem>>) offsets(%dma_start3A_93 : memref<128xi32, #tpu.memory_space<vmem>>) semaphore(%arg10 : memref<!tpu.dma_semaphore, #tpu.memory_space<semaphore_mem>>)
    %dma_start3A_97 = arith.constant 3 : i32
    %dma_start3A_98 = arith.constant 3 : i32
    %dma_start3A_99 = arith.constant 0 : i32
    %dma_start3A_100 = arith.constant 0 : i32
    %dma_start3A_101 = tpu.memref_slice %arg8[%dma_start3A_98, %dma_start3A_99, %dma_start3A_100] : memref<8x128x64xf32, #tpu.memory_space<vmem>> -> memref<1x128x64xf32, #tpu.memory_space<vmem>>
    %dma_start3A_102 = tpu.memref_squeeze %dma_start3A_101 : memref<1x128x64xf32, #tpu.memory_space<vmem>> -> memref<128x64xf32, #tpu.memory_space<vmem>>
    %dma_start3A_103 = arith.constant 0 : i32
    %dma_start3A_104 = tpu.memref_slice %arg6[%dma_start3A_97, %dma_start3A_103] : memref<80x128xi32, #tpu.memory_space<vmem>> -> memref<1x128xi32, #tpu.memory_space<vmem>>
    %dma_start3A_105 = tpu.memref_squeeze %dma_start3A_104 : memref<1x128xi32, #tpu.memory_space<vmem>> -> memref<128xi32, #tpu.memory_space<vmem>>
    %dma_start3A_106 = arith.constant 0 : i32
    %dma_start3A_107 = arith.constant 0 : i32
    %dma_start3A_108 = tpu.memref_slice %arg2[%dma_start3A_106, %dma_start3A_107] : memref<10000x64xf32, #tpu.memory_space<hbm>> -> memref<10000x64xf32, #tpu.memory_space<hbm>>
    tpu.enqueue_indirect_dma source(%dma_start3A_108 : memref<10000x64xf32, #tpu.memory_space<hbm>>) target(%dma_start3A_102 : memref<128x64xf32, #tpu.memory_space<vmem>>) offsets(%dma_start3A_105 : memref<128xi32, #tpu.memory_space<vmem>>) semaphore(%arg10 : memref<!tpu.dma_semaphore, #tpu.memory_space<semaphore_mem>>)
    %dma_start3A_109 = arith.constant 4 : i32
    %dma_start3A_110 = arith.constant 4 : i32
    %dma_start3A_111 = arith.constant 0 : i32
    %dma_start3A_112 = arith.constant 0 : i32
    %dma_start3A_113 = tpu.memref_slice %arg8[%dma_start3A_110, %dma_start3A_111, %dma_start3A_112] : memref<8x128x64xf32, #tpu.memory_space<vmem>> -> memref<1x128x64xf32, #tpu.memory_space<vmem>>
    %dma_start3A_114 = tpu.memref_squeeze %dma_start3A_113 : memref<1x128x64xf32, #tpu.memory_space<vmem>> -> memref<128x64xf32, #tpu.memory_space<vmem>>
    %dma_start3A_115 = arith.constant 0 : i32
    %dma_start3A_116 = tpu.memref_slice %arg6[%dma_start3A_109, %dma_start3A_115] : memref<80x128xi32, #tpu.memory_space<vmem>> -> memref<1x128xi32, #tpu.memory_space<vmem>>
    %dma_start3A_117 = tpu.memref_squeeze %dma_start3A_116 : memref<1x128xi32, #tpu.memory_space<vmem>> -> memref<128xi32, #tpu.memory_space<vmem>>
    %dma_start3A_118 = arith.constant 0 : i32
    %dma_start3A_119 = arith.constant 0 : i32
    %dma_start3A_120 = tpu.memref_slice %arg2[%dma_start3A_118, %dma_start3A_119] : memref<10000x64xf32, #tpu.memory_space<hbm>> -> memref<10000x64xf32, #tpu.memory_space<hbm>>
    tpu.enqueue_indirect_dma source(%dma_start3A_120 : memref<10000x64xf32, #tpu.memory_space<hbm>>) target(%dma_start3A_114 : memref<128x64xf32, #tpu.memory_space<vmem>>) offsets(%dma_start3A_117 : memref<128xi32, #tpu.memory_space<vmem>>) semaphore(%arg10 : memref<!tpu.dma_semaphore, #tpu.memory_space<semaphore_mem>>)
    %dma_start3A_121 = arith.constant 5 : i32
    %dma_start3A_122 = arith.constant 5 : i32
    %dma_start3A_123 = arith.constant 0 : i32
    %dma_start3A_124 = arith.constant 0 : i32
    %dma_start3A_125 = tpu.memref_slice %arg8[%dma_start3A_122, %dma_start3A_123, %dma_start3A_124] : memref<8x128x64xf32, #tpu.memory_space<vmem>> -> memref<1x128x64xf32, #tpu.memory_space<vmem>>
    %dma_start3A_126 = tpu.memref_squeeze %dma_start3A_125 : memref<1x128x64xf32, #tpu.memory_space<vmem>> -> memref<128x64xf32, #tpu.memory_space<vmem>>
    %dma_start3A_127 = arith.constant 0 : i32
    %dma_start3A_128 = tpu.memref_slice %arg6[%dma_start3A_121, %dma_start3A_127] : memref<80x128xi32, #tpu.memory_space<vmem>> -> memref<1x128xi32, #tpu.memory_space<vmem>>
    %dma_start3A_129 = tpu.memref_squeeze %dma_start3A_128 : memref<1x128xi32, #tpu.memory_space<vmem>> -> memref<128xi32, #tpu.memory_space<vmem>>
    %dma_start3A_130 = arith.constant 0 : i32
    %dma_start3A_131 = arith.constant 0 : i32
    %dma_start3A_132 = tpu.memref_slice %arg2[%dma_start3A_130, %dma_start3A_131] : memref<10000x64xf32, #tpu.memory_space<hbm>> -> memref<10000x64xf32, #tpu.memory_space<hbm>>
    tpu.enqueue_indirect_dma source(%dma_start3A_132 : memref<10000x64xf32, #tpu.memory_space<hbm>>) target(%dma_start3A_126 : memref<128x64xf32, #tpu.memory_space<vmem>>) offsets(%dma_start3A_129 : memref<128xi32, #tpu.memory_space<vmem>>) semaphore(%arg10 : memref<!tpu.dma_semaphore, #tpu.memory_space<semaphore_mem>>)
    %dma_start3A_133 = arith.constant 6 : i32
    %dma_start3A_134 = arith.constant 6 : i32
    %dma_start3A_135 = arith.constant 0 : i32
    %dma_start3A_136 = arith.constant 0 : i32
    %dma_start3A_137 = tpu.memref_slice %arg8[%dma_start3A_134, %dma_start3A_135, %dma_start3A_136] : memref<8x128x64xf32, #tpu.memory_space<vmem>> -> memref<1x128x64xf32, #tpu.memory_space<vmem>>
    %dma_start3A_138 = tpu.memref_squeeze %dma_start3A_137 : memref<1x128x64xf32, #tpu.memory_space<vmem>> -> memref<128x64xf32, #tpu.memory_space<vmem>>
    %dma_start3A_139 = arith.constant 0 : i32
    %dma_start3A_140 = tpu.memref_slice %arg6[%dma_start3A_133, %dma_start3A_139] : memref<80x128xi32, #tpu.memory_space<vmem>> -> memref<1x128xi32, #tpu.memory_space<vmem>>
    %dma_start3A_141 = tpu.memref_squeeze %dma_start3A_140 : memref<1x128xi32, #tpu.memory_space<vmem>> -> memref<128xi32, #tpu.memory_space<vmem>>
    %dma_start3A_142 = arith.constant 0 : i32
    %dma_start3A_143 = arith.constant 0 : i32
    %dma_start3A_144 = tpu.memref_slice %arg2[%dma_start3A_142, %dma_start3A_143] : memref<10000x64xf32, #tpu.memory_space<hbm>> -> memref<10000x64xf32, #tpu.memory_space<hbm>>
    tpu.enqueue_indirect_dma source(%dma_start3A_144 : memref<10000x64xf32, #tpu.memory_space<hbm>>) target(%dma_start3A_138 : memref<128x64xf32, #tpu.memory_space<vmem>>) offsets(%dma_start3A_141 : memref<128xi32, #tpu.memory_space<vmem>>) semaphore(%arg10 : memref<!tpu.dma_semaphore, #tpu.memory_space<semaphore_mem>>)
    %dma_start3A_145 = arith.constant 7 : i32
    %dma_start3A_146 = arith.constant 7 : i32
    %dma_start3A_147 = arith.constant 0 : i32
    %dma_start3A_148 = arith.constant 0 : i32
    %dma_start3A_149 = tpu.memref_slice %arg8[%dma_start3A_146, %dma_start3A_147, %dma_start3A_148] : memref<8x128x64xf32, #tpu.memory_space<vmem>> -> memref<1x128x64xf32, #tpu.memory_space<vmem>>
    %dma_start3A_150 = tpu.memref_squeeze %dma_start3A_149 : memref<1x128x64xf32, #tpu.memory_space<vmem>> -> memref<128x64xf32, #tpu.memory_space<vmem>>
    %dma_start3A_151 = arith.constant 0 : i32
    %dma_start3A_152 = tpu.memref_slice %arg6[%dma_start3A_145, %dma_start3A_151] : memref<80x128xi32, #tpu.memory_space<vmem>> -> memref<1x128xi32, #tpu.memory_space<vmem>>
    %dma_start3A_153 = tpu.memref_squeeze %dma_start3A_152 : memref<1x128xi32, #tpu.memory_space<vmem>> -> memref<128xi32, #tpu.memory_space<vmem>>
    %dma_start3A_154 = arith.constant 0 : i32
    %dma_start3A_155 = arith.constant 0 : i32
    %dma_start3A_156 = tpu.memref_slice %arg2[%dma_start3A_154, %dma_start3A_155] : memref<10000x64xf32, #tpu.memory_space<hbm>> -> memref<10000x64xf32, #tpu.memory_space<hbm>>
    tpu.enqueue_indirect_dma source(%dma_start3A_156 : memref<10000x64xf32, #tpu.memory_space<hbm>>) target(%dma_start3A_150 : memref<128x64xf32, #tpu.memory_space<vmem>>) offsets(%dma_start3A_153 : memref<128xi32, #tpu.memory_space<vmem>>) semaphore(%arg10 : memref<!tpu.dma_semaphore, #tpu.memory_space<semaphore_mem>>)
    %scan3A_157 = arith.constant 0 : i32
    %scan3A_158 = arith.constant 0 : i32
    %scan3A_159 = arith.constant 80 : i32
    %scan3A_160 = arith.addi %scan3A_158, %scan3A_159 : i32
    %scan3A_161 = arith.constant 1 : i32
    scf.for %scan3A_174 = %scan3A_158 to %scan3A_160 step %scan3A_161  : i32 {
      %rem3A = arith.constant 8 : i32
      %rem3A_175 = arith.remsi %scan3A_174, %rem3A : i32
      %dma_wait3A_176 = arith.constant 0 : i32
      %dma_wait3A_177 = arith.constant 0 : i32
      %dma_wait3A_178 = tpu.memref_slice %arg8[%rem3A_175, %dma_wait3A_176, %dma_wait3A_177] : memref<8x128x64xf32, #tpu.memory_space<vmem>> -> memref<1x128x64xf32, #tpu.memory_space<vmem>>
      %dma_wait3A_179 = tpu.memref_squeeze %dma_wait3A_178 : memref<1x128x64xf32, #tpu.memory_space<vmem>> -> memref<128x64xf32, #tpu.memory_space<vmem>>
      %dma_wait3A_180 = arith.constant 0 : i32
      %dma_wait3A_181 = tpu.memref_slice %arg6[%scan3A_174, %dma_wait3A_180] : memref<80x128xi32, #tpu.memory_space<vmem>> -> memref<1x128xi32, #tpu.memory_space<vmem>>
      %dma_wait3A_182 = tpu.memref_squeeze %dma_wait3A_181 : memref<1x128xi32, #tpu.memory_space<vmem>> -> memref<128xi32, #tpu.memory_space<vmem>>
      %dma_wait3A_183 = arith.constant 0 : i32
      %dma_wait3A_184 = arith.constant 0 : i32
      %dma_wait3A_185 = tpu.memref_slice %arg2[%dma_wait3A_183, %dma_wait3A_184] : memref<10000x64xf32, #tpu.memory_space<hbm>> -> memref<10000x64xf32, #tpu.memory_space<hbm>>
      tpu.wait_indirect_dma semaphore(%arg10 : memref<!tpu.dma_semaphore, #tpu.memory_space<semaphore_mem>>) src(%dma_wait3A_185 : memref<10000x64xf32, #tpu.memory_space<hbm>>) dst(%dma_wait3A_179 : memref<128x64xf32, #tpu.memory_space<vmem>>)
      %dma_start3A_186 = arith.constant 0 : i32
      %dma_start3A_187 = arith.constant 0 : i32
      %dma_start3A_188 = tpu.memref_slice %arg8[%rem3A_175, %dma_start3A_186, %dma_start3A_187] : memref<8x128x64xf32, #tpu.memory_space<vmem>> -> memref<1x128x64xf32, #tpu.memory_space<vmem>>
      %dma_start3A_189 = tpu.memref_squeeze %dma_start3A_188 : memref<1x128x64xf32, #tpu.memory_space<vmem>> -> memref<128x64xf32, #tpu.memory_space<vmem>>
      %dma_start3A_190 = arith.constant 0 : i32
      %dma_start3A_191 = tpu.memref_slice %arg7[%scan3A_174, %dma_start3A_190] : memref<80x128xi32, #tpu.memory_space<vmem>> -> memref<1x128xi32, #tpu.memory_space<vmem>>
      %dma_start3A_192 = tpu.memref_squeeze %dma_start3A_191 : memref<1x128xi32, #tpu.memory_space<vmem>> -> memref<128xi32, #tpu.memory_space<vmem>>
      %dma_start3A_193 = arith.constant 0 : i32
      %dma_start3A_194 = arith.constant 0 : i32
      %dma_start3A_195 = tpu.memref_slice %arg9[%dma_start3A_193, %dma_start3A_194] : memref<10240x64xf32, #tpu.memory_space<vmem_shared>> -> memref<10240x64xf32, #tpu.memory_space<vmem_shared>>
      tpu.enqueue_indirect_dma source(%dma_start3A_189 : memref<128x64xf32, #tpu.memory_space<vmem>>) target(%dma_start3A_195 : memref<10240x64xf32, #tpu.memory_space<vmem_shared>>) offsets(%dma_start3A_192 : memref<128xi32, #tpu.memory_space<vmem>>) semaphore(%arg11 : memref<!tpu.dma_semaphore, #tpu.memory_space<semaphore_mem>>) {add = true}
      %sub3A = arith.constant 1 : i32
      %sub3A_196 = arith.subi %scan3A_174, %sub3A : i32
      %ge3A = arith.constant 0 : i32
      %ge3A_197 = arith.cmpi sge, %sub3A_196, %ge3A : i32
      %add3A_198 = arith.constant 8 : i32
      %add3A_199 = arith.addi %sub3A_196, %add3A_198 : i32
      %lt3A = arith.constant 80 : i32
      %lt3A_200 = arith.cmpi slt, %add3A_199, %lt3A : i32
      %and3A = arith.andi %ge3A_197, %lt3A_200 : i1
      %convert_element_type3A = arith.extui %and3A : i1 to i32
      %cond3A = arith.constant 0 : i32
      %cond3A_201 = arith.cmpi ne, %convert_element_type3A, %cond3A : i32
      scf.if %cond3A_201 {
        %rem3A_202 = arith.constant 8 : i32
        %rem3A_203 = arith.remsi %sub3A_196, %rem3A_202 : i32
        %dma_wait3A_204 = arith.constant 0 : i32
        %dma_wait3A_205 = arith.constant 0 : i32
        %dma_wait3A_206 = tpu.memref_slice %arg8[%rem3A_203, %dma_wait3A_204, %dma_wait3A_205] : memref<8x128x64xf32, #tpu.memory_space<vmem>> -> memref<1x128x64xf32, #tpu.memory_space<vmem>>
        %dma_wait3A_207 = tpu.memref_squeeze %dma_wait3A_206 : memref<1x128x64xf32, #tpu.memory_space<vmem>> -> memref<128x64xf32, #tpu.memory_space<vmem>>
        %dma_wait3A_208 = arith.constant 0 : i32
        %dma_wait3A_209 = tpu.memref_slice %arg7[%sub3A_196, %dma_wait3A_208] : memref<80x128xi32, #tpu.memory_space<vmem>> -> memref<1x128xi32, #tpu.memory_space<vmem>>
        %dma_wait3A_210 = tpu.memref_squeeze %dma_wait3A_209 : memref<1x128xi32, #tpu.memory_space<vmem>> -> memref<128xi32, #tpu.memory_space<vmem>>
        %dma_wait3A_211 = arith.constant 0 : i32
        %dma_wait3A_212 = arith.constant 0 : i32
        %dma_wait3A_213 = tpu.memref_slice %arg9[%dma_wait3A_211, %dma_wait3A_212] : memref<10240x64xf32, #tpu.memory_space<vmem_shared>> -> memref<10240x64xf32, #tpu.memory_space<vmem_shared>>
        tpu.wait_indirect_dma semaphore(%arg11 : memref<!tpu.dma_semaphore, #tpu.memory_space<semaphore_mem>>) src(%dma_wait3A_207 : memref<128x64xf32, #tpu.memory_space<vmem>>) dst(%dma_wait3A_213 : memref<10240x64xf32, #tpu.memory_space<vmem_shared>>)
        %add3A_214 = arith.constant 8 : i32
        %add3A_215 = arith.addi %sub3A_196, %add3A_214 : i32
        %dma_start3A_216 = arith.constant 0 : i32
        %dma_start3A_217 = arith.constant 0 : i32
        %dma_start3A_218 = tpu.memref_slice %arg8[%rem3A_203, %dma_start3A_216, %dma_start3A_217] : memref<8x128x64xf32, #tpu.memory_space<vmem>> -> memref<1x128x64xf32, #tpu.memory_space<vmem>>
        %dma_start3A_219 = tpu.memref_squeeze %dma_start3A_218 : memref<1x128x64xf32, #tpu.memory_space<vmem>> -> memref<128x64xf32, #tpu.memory_space<vmem>>
        %dma_start3A_220 = arith.constant 0 : i32
        %dma_start3A_221 = tpu.memref_slice %arg6[%add3A_215, %dma_start3A_220] : memref<80x128xi32, #tpu.memory_space<vmem>> -> memref<1x128xi32, #tpu.memory_space<vmem>>
        %dma_start3A_222 = tpu.memref_squeeze %dma_start3A_221 : memref<1x128xi32, #tpu.memory_space<vmem>> -> memref<128xi32, #tpu.memory_space<vmem>>
        %dma_start3A_223 = arith.constant 0 : i32
        %dma_start3A_224 = arith.constant 0 : i32
        %dma_start3A_225 = tpu.memref_slice %arg2[%dma_start3A_223, %dma_start3A_224] : memref<10000x64xf32, #tpu.memory_space<hbm>> -> memref<10000x64xf32, #tpu.memory_space<hbm>>
        tpu.enqueue_indirect_dma source(%dma_start3A_225 : memref<10000x64xf32, #tpu.memory_space<hbm>>) target(%dma_start3A_219 : memref<128x64xf32, #tpu.memory_space<vmem>>) offsets(%dma_start3A_222 : memref<128xi32, #tpu.memory_space<vmem>>) semaphore(%arg10 : memref<!tpu.dma_semaphore, #tpu.memory_space<semaphore_mem>>)
      } else {
      }
    }
    %scan3A_162 = arith.constant 80 : i32
    %scan3A_163 = arith.constant 0 : i32
    %scan3A_164 = arith.constant 72 : i32
    %scan3A_165 = arith.constant 8 : i32
    %scan3A_166 = arith.addi %scan3A_164, %scan3A_165 : i32
    %scan3A_167 = arith.constant 1 : i32
    scf.for %scan3A_174 = %scan3A_164 to %scan3A_166 step %scan3A_167  : i32 {
      %rem3A = arith.constant 8 : i32
      %rem3A_175 = arith.remsi %scan3A_174, %rem3A : i32
      %dma_wait3A_176 = arith.constant 0 : i32
      %dma_wait3A_177 = arith.constant 0 : i32
      %dma_wait3A_178 = tpu.memref_slice %arg8[%rem3A_175, %dma_wait3A_176, %dma_wait3A_177] : memref<8x128x64xf32, #tpu.memory_space<vmem>> -> memref<1x128x64xf32, #tpu.memory_space<vmem>>
      %dma_wait3A_179 = tpu.memref_squeeze %dma_wait3A_178 : memref<1x128x64xf32, #tpu.memory_space<vmem>> -> memref<128x64xf32, #tpu.memory_space<vmem>>
      %dma_wait3A_180 = arith.constant 0 : i32
      %dma_wait3A_181 = tpu.memref_slice %arg7[%scan3A_174, %dma_wait3A_180] : memref<80x128xi32, #tpu.memory_space<vmem>> -> memref<1x128xi32, #tpu.memory_space<vmem>>
      %dma_wait3A_182 = tpu.memref_squeeze %dma_wait3A_181 : memref<1x128xi32, #tpu.memory_space<vmem>> -> memref<128xi32, #tpu.memory_space<vmem>>
      %dma_wait3A_183 = arith.constant 0 : i32
      %dma_wait3A_184 = arith.constant 0 : i32
      %dma_wait3A_185 = tpu.memref_slice %arg9[%dma_wait3A_183, %dma_wait3A_184] : memref<10240x64xf32, #tpu.memory_space<vmem_shared>> -> memref<10240x64xf32, #tpu.memory_space<vmem_shared>>
      tpu.wait_indirect_dma semaphore(%arg11 : memref<!tpu.dma_semaphore, #tpu.memory_space<semaphore_mem>>) src(%dma_wait3A_179 : memref<128x64xf32, #tpu.memory_space<vmem>>) dst(%dma_wait3A_185 : memref<10240x64xf32, #tpu.memory_space<vmem_shared>>)
    }
    %scan3A_168 = arith.constant 8 : i32
    %barrier3A_169 = arith.constant 0 : index
    tpu.barrier barrier_id(%barrier3A_169)
    %mul3A_170 = arith.constant 640 : i32
    %mul3A_171 = arith.muli %arg1, %mul3A_170 : i32
    %mul3A_172 = arith.constant 640 : i32
    %mul3A_173 = arith.muli %arg1, %mul3A_172 : i32
    "tpu.region"() ({
      %run_scoped3A_174 = tpu.sem_alloc : memref<!tpu.dma_semaphore, #tpu.memory_space<semaphore_mem>>
      %dma_start3A_175 = arith.constant 0 : i32
      %dma_start3A_176 = arith.constant 0 : i32
      %dma_start3A_177 = tpu.memref_slice %arg5[%arg0, %dma_start3A_175, %dma_start3A_176] : memref<2x10240x64xf32, #tpu.memory_space<hbm>> -> memref<1x10240x64xf32, #tpu.memory_space<hbm>>
      %dma_start3A_178 = tpu.memref_squeeze %dma_start3A_177 : memref<1x10240x64xf32, #tpu.memory_space<hbm>> -> memref<10240x64xf32, #tpu.memory_space<hbm>>
      %dma_start3A_179 = arith.constant 0 : i32
      %dma_start3A_180 = tpu.memref_slice %dma_start3A_178[%mul3A_173, %dma_start3A_179] : memref<10240x64xf32, #tpu.memory_space<hbm>> -> memref<640x64xf32, #tpu.memory_space<hbm>>
      %dma_start3A_181 = arith.constant 0 : i32
      %dma_start3A_182 = tpu.memref_slice %arg9[%mul3A_171, %dma_start3A_181] : memref<10240x64xf32, #tpu.memory_space<vmem_shared>> -> memref<640x64xf32, #tpu.memory_space<vmem_shared>>
      tpu.enqueue_dma source(%dma_start3A_182 : memref<640x64xf32, #tpu.memory_space<vmem_shared>>) target(%dma_start3A_180 : memref<640x64xf32, #tpu.memory_space<hbm>>) target_semaphore(%run_scoped3A_174 : memref<!tpu.dma_semaphore, #tpu.memory_space<semaphore_mem>>)
      %dma_wait3A_183 = arith.constant 0 : i32
      %dma_wait3A_184 = arith.constant 0 : i32
      %dma_wait3A_185 = tpu.memref_slice %arg5[%arg0, %dma_wait3A_183, %dma_wait3A_184] : memref<2x10240x64xf32, #tpu.memory_space<hbm>> -> memref<1x10240x64xf32, #tpu.memory_space<hbm>>
      %dma_wait3A_186 = tpu.memref_squeeze %dma_wait3A_185 : memref<1x10240x64xf32, #tpu.memory_space<hbm>> -> memref<10240x64xf32, #tpu.memory_space<hbm>>
      %dma_wait3A_187 = arith.constant 0 : i32
      %dma_wait3A_188 = tpu.memref_slice %dma_wait3A_186[%mul3A_173, %dma_wait3A_187] : memref<10240x64xf32, #tpu.memory_space<hbm>> -> memref<640x64xf32, #tpu.memory_space<hbm>>
      %dma_wait3A_189 = arith.constant 0 : i32
      %dma_wait3A_190 = tpu.memref_slice %arg9[%mul3A_171, %dma_wait3A_189] : memref<10240x64xf32, #tpu.memory_space<vmem_shared>> -> memref<640x64xf32, #tpu.memory_space<vmem_shared>>
      tpu.wait_dma2 semaphore(%run_scoped3A_174 : memref<!tpu.dma_semaphore, #tpu.memory_space<semaphore_mem>>) src(%dma_wait3A_190 : memref<640x64xf32, #tpu.memory_space<vmem_shared>>) dst(%dma_wait3A_188 : memref<640x64xf32, #tpu.memory_space<hbm>>)
      tpu.yield
    }) : () -> ()
    return
  }
}

#map = affine_map<(d0, d1) -> (0, 0)>
#map1 = affine_map<(d0, d1) -> (0, 0, 0)>
module attributes {stable_mosaic.version = 14 : i64} {
  func.func @_agg_body(%arg0: i32, %arg1: i32, %arg2: memref<10000x64xf32, #tpu.memory_space<hbm>>, %arg3: memref<32x80x128xi32, #tpu.memory_space<hbm>>, %arg4: memref<32x80x128xi32, #tpu.memory_space<hbm>>, %arg5: memref<2x10240x64xf32, #tpu.memory_space<hbm>>, %arg6: memref<80x128xi32, #tpu.memory_space<vmem>>, %arg7: memref<80x128xi32, #tpu.memory_space<vmem>>, %arg8: memref<8x128x64xf32, #tpu.memory_space<vmem>>, %arg9: memref<10240x64xf32, #tpu.memory_space<vmem_shared>>, %arg10: memref<!tpu.dma_semaphore, #tpu.memory_space<semaphore_mem>>, %arg11: memref<!tpu.dma_semaphore, #tpu.memory_space<semaphore_mem>>) attributes {dimension_semantics = [#tpu.dimension_semantics<core_parallel>, #tpu.dimension_semantics<subcore_parallel>], iteration_bounds = array<i64: 2, 16>, scalar_prefetch = 0 : i64, scratch_operands = 6 : i64, tpu.core_type = #tpu.core_type<sc_vector_subcore>, window_params = [{transform_indices = #map}, {transform_indices = #map1}, {transform_indices = #map1}, {transform_indices = #map1}]} {
    %mul3A = arith.constant 16 : i32
    %mul3A_0 = arith.muli %arg0, %mul3A : i32
    %add3A = arith.addi %mul3A_0, %arg1 : i32
    %dma_start3A = arith.constant 0 : i32
    %dma_start3A_1 = arith.constant 0 : i32
    %dma_start3A_2 = tpu.memref_slice %arg3[%add3A, %dma_start3A, %dma_start3A_1] : memref<32x80x128xi32, #tpu.memory_space<hbm>> -> memref<1x80x128xi32, #tpu.memory_space<hbm>>
    %dma_start3A_3 = tpu.memref_squeeze %dma_start3A_2 : memref<1x80x128xi32, #tpu.memory_space<hbm>> -> memref<80x128xi32, #tpu.memory_space<hbm>>
    %dma_start3A_4 = arith.constant 0 : i32
    %dma_start3A_5 = arith.constant 0 : i32
    %dma_start3A_6 = tpu.memref_slice %arg3[%add3A, %dma_start3A_4, %dma_start3A_5] : memref<32x80x128xi32, #tpu.memory_space<hbm>> -> memref<1x80x128xi32, #tpu.memory_space<hbm>>
    %dma_start3A_7 = tpu.memref_squeeze %dma_start3A_6 : memref<1x80x128xi32, #tpu.memory_space<hbm>> -> memref<80x128xi32, #tpu.memory_space<hbm>>
    tpu.enqueue_dma source(%dma_start3A_7 : memref<80x128xi32, #tpu.memory_space<hbm>>) target(%arg6 : memref<80x128xi32, #tpu.memory_space<vmem>>) target_semaphore(%arg11 : memref<!tpu.dma_semaphore, #tpu.memory_space<semaphore_mem>>)
    %dma_start3A_8 = arith.constant 0 : i32
    %dma_start3A_9 = arith.constant 0 : i32
    %dma_start3A_10 = tpu.memref_slice %arg4[%add3A, %dma_start3A_8, %dma_start3A_9] : memref<32x80x128xi32, #tpu.memory_space<hbm>> -> memref<1x80x128xi32, #tpu.memory_space<hbm>>
    %dma_start3A_11 = tpu.memref_squeeze %dma_start3A_10 : memref<1x80x128xi32, #tpu.memory_space<hbm>> -> memref<80x128xi32, #tpu.memory_space<hbm>>
    %dma_start3A_12 = arith.constant 0 : i32
    %dma_start3A_13 = arith.constant 0 : i32
    %dma_start3A_14 = tpu.memref_slice %arg4[%add3A, %dma_start3A_12, %dma_start3A_13] : memref<32x80x128xi32, #tpu.memory_space<hbm>> -> memref<1x80x128xi32, #tpu.memory_space<hbm>>
    %dma_start3A_15 = tpu.memref_squeeze %dma_start3A_14 : memref<1x80x128xi32, #tpu.memory_space<hbm>> -> memref<80x128xi32, #tpu.memory_space<hbm>>
    tpu.enqueue_dma source(%dma_start3A_15 : memref<80x128xi32, #tpu.memory_space<hbm>>) target(%arg7 : memref<80x128xi32, #tpu.memory_space<vmem>>) target_semaphore(%arg11 : memref<!tpu.dma_semaphore, #tpu.memory_space<semaphore_mem>>)
    %broadcast_in_dim3A = arith.constant 0.000000e+00 : f32
    %broadcast_in_dim3A_16 = vector.broadcast %broadcast_in_dim3A : f32 to vector<16xf32>
    %scan3A = arith.constant 0 : i32
    %scan3A_17 = arith.constant 0 : i32
    %scan3A_18 = arith.constant 128 : i32
    %scan3A_19 = arith.addi %scan3A_17, %scan3A_18 : i32
    %scan3A_20 = arith.constant 1 : i32
    scf.for %scan3A_174 = %scan3A_17 to %scan3A_19 step %scan3A_20  : i32 {
      %swap3A = arith.constant 0 : i32
      %swap3A_175 = arith.index_cast %swap3A : i32 to index
      %swap3A_176 = arith.index_cast %scan3A_174 : i32 to index
      %swap3A_177 = arith.constant 0 : index
      %swap3A_178 = tpu.vector_load %arg8[%swap3A_175, %swap3A_176, %swap3A_177] {strides = array<i32>} : memref<8x128x64xf32, #tpu.memory_space<vmem>>, vector<1x1x16xf32>,
      %swap3A_179 = vector.shape_cast %swap3A_178 : vector<1x1x16xf32> to vector<16xf32>
      %swap3A_180 = vector.shape_cast %broadcast_in_dim3A_16 : vector<16xf32> to vector<1x1x16xf32>
      tpu.vector_store %arg8[%swap3A_175, %swap3A_176, %swap3A_177], %swap3A_180 {strides = array<i32>} : memref<8x128x64xf32, #tpu.memory_space<vmem>>, vector<1x1x16xf32>,
      %swap3A_181 = arith.constant 0 : i32
      %swap3A_182 = arith.index_cast %swap3A_181 : i32 to index
      %swap3A_183 = arith.index_cast %scan3A_174 : i32 to index
      %swap3A_184 = arith.constant 16 : index
      %swap3A_185 = tpu.vector_load %arg8[%swap3A_182, %swap3A_183, %swap3A_184] {strides = array<i32>} : memref<8x128x64xf32, #tpu.memory_space<vmem>>, vector<1x1x16xf32>,
      %swap3A_186 = vector.shape_cast %swap3A_185 : vector<1x1x16xf32> to vector<16xf32>
      %swap3A_187 = vector.shape_cast %broadcast_in_dim3A_16 : vector<16xf32> to vector<1x1x16xf32>
      tpu.vector_store %arg8[%swap3A_182, %swap3A_183, %swap3A_184], %swap3A_187 {strides = array<i32>} : memref<8x128x64xf32, #tpu.memory_space<vmem>>, vector<1x1x16xf32>,
      %swap3A_188 = arith.constant 0 : i32
      %swap3A_189 = arith.index_cast %swap3A_188 : i32 to index
      %swap3A_190 = arith.index_cast %scan3A_174 : i32 to index
      %swap3A_191 = arith.constant 32 : index
      %swap3A_192 = tpu.vector_load %arg8[%swap3A_189, %swap3A_190, %swap3A_191] {strides = array<i32>} : memref<8x128x64xf32, #tpu.memory_space<vmem>>, vector<1x1x16xf32>,
      %swap3A_193 = vector.shape_cast %swap3A_192 : vector<1x1x16xf32> to vector<16xf32>
      %swap3A_194 = vector.shape_cast %broadcast_in_dim3A_16 : vector<16xf32> to vector<1x1x16xf32>
      tpu.vector_store %arg8[%swap3A_189, %swap3A_190, %swap3A_191], %swap3A_194 {strides = array<i32>} : memref<8x128x64xf32, #tpu.memory_space<vmem>>, vector<1x1x16xf32>,
      %swap3A_195 = arith.constant 0 : i32
      %swap3A_196 = arith.index_cast %swap3A_195 : i32 to index
      %swap3A_197 = arith.index_cast %scan3A_174 : i32 to index
      %swap3A_198 = arith.constant 48 : index
      %swap3A_199 = tpu.vector_load %arg8[%swap3A_196, %swap3A_197, %swap3A_198] {strides = array<i32>} : memref<8x128x64xf32, #tpu.memory_space<vmem>>, vector<1x1x16xf32>,
      %swap3A_200 = vector.shape_cast %swap3A_199 : vector<1x1x16xf32> to vector<16xf32>
      %swap3A_201 = vector.shape_cast %broadcast_in_dim3A_16 : vector<16xf32> to vector<1x1x16xf32>
      tpu.vector_store %arg8[%swap3A_196, %swap3A_197, %swap3A_198], %swap3A_201 {strides = array<i32>} : memref<8x128x64xf32, #tpu.memory_space<vmem>>, vector<1x1x16xf32>,
    }
    %scan3A_21 = arith.constant 128 : i32
    %mul3A_22 = arith.constant 640 : i32
    %mul3A_23 = arith.muli %arg1, %mul3A_22 : i32
    %add3A_24 = arith.constant 0 : i32
    %add3A_25 = arith.addi %mul3A_23, %add3A_24 : i32
    %run_scoped3A = arith.constant 0 : i32
    "tpu.region"() ({
      %run_scoped3A_174 = tpu.sem_alloc : memref<!tpu.dma_semaphore, #tpu.memory_space<semaphore_mem>>
      %dma_start3A_175 = arith.constant 0 : i32
      %dma_start3A_176 = arith.constant 0 : i32
      %dma_start3A_177 = tpu.memref_slice %arg8[%run_scoped3A, %dma_start3A_175, %dma_start3A_176] : memref<8x128x64xf32, #tpu.memory_space<vmem>> -> memref<1x128x64xf32, #tpu.memory_space<vmem>>
      %dma_start3A_178 = tpu.memref_squeeze %dma_start3A_177 : memref<1x128x64xf32, #tpu.memory_space<vmem>> -> memref<128x64xf32, #tpu.memory_space<vmem>>
      %dma_start3A_179 = arith.constant 0 : i32
      %dma_start3A_180 = tpu.memref_slice %arg9[%add3A_25, %dma_start3A_179] : memref<10240x64xf32, #tpu.memory_space<vmem_shared>> -> memref<128x64xf32, #tpu.memory_space<vmem_shared>>
      %dma_start3A_181 = arith.constant 0 : i32
      %dma_start3A_182 = tpu.memref_slice %arg9[%add3A_25, %dma_start3A_181] : memref<10240x64xf32, #tpu.memory_space<vmem_shared>> -> memref<128x64xf32, #tpu.memory_space<vmem_shared>>
      %dma_start3A_183 = arith.constant 0 : i32
      %dma_start3A_184 = arith.constant 0 : i32
      %dma_start3A_185 = tpu.memref_slice %arg8[%run_scoped3A, %dma_start3A_183, %dma_start3A_184] : memref<8x128x64xf32, #tpu.memory_space<vmem>> -> memref<1x128x64xf32, #tpu.memory_space<vmem>>
      %dma_start3A_186 = tpu.memref_squeeze %dma_start3A_185 : memref<1x128x64xf32, #tpu.memory_space<vmem>> -> memref<128x64xf32, #tpu.memory_space<vmem>>
      tpu.enqueue_dma source(%dma_start3A_186 : memref<128x64xf32, #tpu.memory_space<vmem>>) target(%dma_start3A_182 : memref<128x64xf32, #tpu.memory_space<vmem_shared>>) target_semaphore(%run_scoped3A_174 : memref<!tpu.dma_semaphore, #tpu.memory_space<semaphore_mem>>)
      %dma_wait3A_187 = arith.constant 0 : i32
      %dma_wait3A_188 = arith.constant 0 : i32
      %dma_wait3A_189 = tpu.memref_slice %arg8[%run_scoped3A, %dma_wait3A_187, %dma_wait3A_188] : memref<8x128x64xf32, #tpu.memory_space<vmem>> -> memref<1x128x64xf32, #tpu.memory_space<vmem>>
      %dma_wait3A_190 = tpu.memref_squeeze %dma_wait3A_189 : memref<1x128x64xf32, #tpu.memory_space<vmem>> -> memref<128x64xf32, #tpu.memory_space<vmem>>
      %dma_wait3A_191 = arith.constant 0 : i32
      %dma_wait3A_192 = tpu.memref_slice %arg9[%add3A_25, %dma_wait3A_191] : memref<10240x64xf32, #tpu.memory_space<vmem_shared>> -> memref<128x64xf32, #tpu.memory_space<vmem_shared>>
      %dma_wait3A_193 = arith.constant 0 : i32
      %dma_wait3A_194 = tpu.memref_slice %arg9[%add3A_25, %dma_wait3A_193] : memref<10240x64xf32, #tpu.memory_space<vmem_shared>> -> memref<128x64xf32, #tpu.memory_space<vmem_shared>>
      %dma_wait3A_195 = arith.constant 0 : i32
      %dma_wait3A_196 = arith.constant 0 : i32
      %dma_wait3A_197 = tpu.memref_slice %arg8[%run_scoped3A, %dma_wait3A_195, %dma_wait3A_196] : memref<8x128x64xf32, #tpu.memory_space<vmem>> -> memref<1x128x64xf32, #tpu.memory_space<vmem>>
      %dma_wait3A_198 = tpu.memref_squeeze %dma_wait3A_197 : memref<1x128x64xf32, #tpu.memory_space<vmem>> -> memref<128x64xf32, #tpu.memory_space<vmem>>
      tpu.wait_dma2 semaphore(%run_scoped3A_174 : memref<!tpu.dma_semaphore, #tpu.memory_space<semaphore_mem>>) src(%dma_wait3A_198 : memref<128x64xf32, #tpu.memory_space<vmem>>) dst(%dma_wait3A_194 : memref<128x64xf32, #tpu.memory_space<vmem_shared>>)
      tpu.yield
    }) : () -> ()
    %mul3A_26 = arith.constant 640 : i32
    %mul3A_27 = arith.muli %arg1, %mul3A_26 : i32
    %add3A_28 = arith.constant 128 : i32
    %add3A_29 = arith.addi %mul3A_27, %add3A_28 : i32
    %run_scoped3A_30 = arith.constant 0 : i32
    "tpu.region"() ({
      %run_scoped3A_174 = tpu.sem_alloc : memref<!tpu.dma_semaphore, #tpu.memory_space<semaphore_mem>>
      %dma_start3A_175 = arith.constant 0 : i32
      %dma_start3A_176 = arith.constant 0 : i32
      %dma_start3A_177 = tpu.memref_slice %arg8[%run_scoped3A_30, %dma_start3A_175, %dma_start3A_176] : memref<8x128x64xf32, #tpu.memory_space<vmem>> -> memref<1x128x64xf32, #tpu.memory_space<vmem>>
      %dma_start3A_178 = tpu.memref_squeeze %dma_start3A_177 : memref<1x128x64xf32, #tpu.memory_space<vmem>> -> memref<128x64xf32, #tpu.memory_space<vmem>>
      %dma_start3A_179 = arith.constant 0 : i32
      %dma_start3A_180 = tpu.memref_slice %arg9[%add3A_29, %dma_start3A_179] : memref<10240x64xf32, #tpu.memory_space<vmem_shared>> -> memref<128x64xf32, #tpu.memory_space<vmem_shared>>
      %dma_start3A_181 = arith.constant 0 : i32
      %dma_start3A_182 = tpu.memref_slice %arg9[%add3A_29, %dma_start3A_181] : memref<10240x64xf32, #tpu.memory_space<vmem_shared>> -> memref<128x64xf32, #tpu.memory_space<vmem_shared>>
      %dma_start3A_183 = arith.constant 0 : i32
      %dma_start3A_184 = arith.constant 0 : i32
      %dma_start3A_185 = tpu.memref_slice %arg8[%run_scoped3A_30, %dma_start3A_183, %dma_start3A_184] : memref<8x128x64xf32, #tpu.memory_space<vmem>> -> memref<1x128x64xf32, #tpu.memory_space<vmem>>
      %dma_start3A_186 = tpu.memref_squeeze %dma_start3A_185 : memref<1x128x64xf32, #tpu.memory_space<vmem>> -> memref<128x64xf32, #tpu.memory_space<vmem>>
      tpu.enqueue_dma source(%dma_start3A_186 : memref<128x64xf32, #tpu.memory_space<vmem>>) target(%dma_start3A_182 : memref<128x64xf32, #tpu.memory_space<vmem_shared>>) target_semaphore(%run_scoped3A_174 : memref<!tpu.dma_semaphore, #tpu.memory_space<semaphore_mem>>)
      %dma_wait3A_187 = arith.constant 0 : i32
      %dma_wait3A_188 = arith.constant 0 : i32
      %dma_wait3A_189 = tpu.memref_slice %arg8[%run_scoped3A_30, %dma_wait3A_187, %dma_wait3A_188] : memref<8x128x64xf32, #tpu.memory_space<vmem>> -> memref<1x128x64xf32, #tpu.memory_space<vmem>>
      %dma_wait3A_190 = tpu.memref_squeeze %dma_wait3A_189 : memref<1x128x64xf32, #tpu.memory_space<vmem>> -> memref<128x64xf32, #tpu.memory_space<vmem>>
      %dma_wait3A_191 = arith.constant 0 : i32
      %dma_wait3A_192 = tpu.memref_slice %arg9[%add3A_29, %dma_wait3A_191] : memref<10240x64xf32, #tpu.memory_space<vmem_shared>> -> memref<128x64xf32, #tpu.memory_space<vmem_shared>>
      %dma_wait3A_193 = arith.constant 0 : i32
      %dma_wait3A_194 = tpu.memref_slice %arg9[%add3A_29, %dma_wait3A_193] : memref<10240x64xf32, #tpu.memory_space<vmem_shared>> -> memref<128x64xf32, #tpu.memory_space<vmem_shared>>
      %dma_wait3A_195 = arith.constant 0 : i32
      %dma_wait3A_196 = arith.constant 0 : i32
      %dma_wait3A_197 = tpu.memref_slice %arg8[%run_scoped3A_30, %dma_wait3A_195, %dma_wait3A_196] : memref<8x128x64xf32, #tpu.memory_space<vmem>> -> memref<1x128x64xf32, #tpu.memory_space<vmem>>
      %dma_wait3A_198 = tpu.memref_squeeze %dma_wait3A_197 : memref<1x128x64xf32, #tpu.memory_space<vmem>> -> memref<128x64xf32, #tpu.memory_space<vmem>>
      tpu.wait_dma2 semaphore(%run_scoped3A_174 : memref<!tpu.dma_semaphore, #tpu.memory_space<semaphore_mem>>) src(%dma_wait3A_198 : memref<128x64xf32, #tpu.memory_space<vmem>>) dst(%dma_wait3A_194 : memref<128x64xf32, #tpu.memory_space<vmem_shared>>)
      tpu.yield
    }) : () -> ()
    %mul3A_31 = arith.constant 640 : i32
    %mul3A_32 = arith.muli %arg1, %mul3A_31 : i32
    %add3A_33 = arith.constant 256 : i32
    %add3A_34 = arith.addi %mul3A_32, %add3A_33 : i32
    %run_scoped3A_35 = arith.constant 0 : i32
    "tpu.region"() ({
      %run_scoped3A_174 = tpu.sem_alloc : memref<!tpu.dma_semaphore, #tpu.memory_space<semaphore_mem>>
      %dma_start3A_175 = arith.constant 0 : i32
      %dma_start3A_176 = arith.constant 0 : i32
      %dma_start3A_177 = tpu.memref_slice %arg8[%run_scoped3A_35, %dma_start3A_175, %dma_start3A_176] : memref<8x128x64xf32, #tpu.memory_space<vmem>> -> memref<1x128x64xf32, #tpu.memory_space<vmem>>
      %dma_start3A_178 = tpu.memref_squeeze %dma_start3A_177 : memref<1x128x64xf32, #tpu.memory_space<vmem>> -> memref<128x64xf32, #tpu.memory_space<vmem>>
      %dma_start3A_179 = arith.constant 0 : i32
      %dma_start3A_180 = tpu.memref_slice %arg9[%add3A_34, %dma_start3A_179] : memref<10240x64xf32, #tpu.memory_space<vmem_shared>> -> memref<128x64xf32, #tpu.memory_space<vmem_shared>>
      %dma_start3A_181 = arith.constant 0 : i32
      %dma_start3A_182 = tpu.memref_slice %arg9[%add3A_34, %dma_start3A_181] : memref<10240x64xf32, #tpu.memory_space<vmem_shared>> -> memref<128x64xf32, #tpu.memory_space<vmem_shared>>
      %dma_start3A_183 = arith.constant 0 : i32
      %dma_start3A_184 = arith.constant 0 : i32
      %dma_start3A_185 = tpu.memref_slice %arg8[%run_scoped3A_35, %dma_start3A_183, %dma_start3A_184] : memref<8x128x64xf32, #tpu.memory_space<vmem>> -> memref<1x128x64xf32, #tpu.memory_space<vmem>>
      %dma_start3A_186 = tpu.memref_squeeze %dma_start3A_185 : memref<1x128x64xf32, #tpu.memory_space<vmem>> -> memref<128x64xf32, #tpu.memory_space<vmem>>
      tpu.enqueue_dma source(%dma_start3A_186 : memref<128x64xf32, #tpu.memory_space<vmem>>) target(%dma_start3A_182 : memref<128x64xf32, #tpu.memory_space<vmem_shared>>) target_semaphore(%run_scoped3A_174 : memref<!tpu.dma_semaphore, #tpu.memory_space<semaphore_mem>>)
      %dma_wait3A_187 = arith.constant 0 : i32
      %dma_wait3A_188 = arith.constant 0 : i32
      %dma_wait3A_189 = tpu.memref_slice %arg8[%run_scoped3A_35, %dma_wait3A_187, %dma_wait3A_188] : memref<8x128x64xf32, #tpu.memory_space<vmem>> -> memref<1x128x64xf32, #tpu.memory_space<vmem>>
      %dma_wait3A_190 = tpu.memref_squeeze %dma_wait3A_189 : memref<1x128x64xf32, #tpu.memory_space<vmem>> -> memref<128x64xf32, #tpu.memory_space<vmem>>
      %dma_wait3A_191 = arith.constant 0 : i32
      %dma_wait3A_192 = tpu.memref_slice %arg9[%add3A_34, %dma_wait3A_191] : memref<10240x64xf32, #tpu.memory_space<vmem_shared>> -> memref<128x64xf32, #tpu.memory_space<vmem_shared>>
      %dma_wait3A_193 = arith.constant 0 : i32
      %dma_wait3A_194 = tpu.memref_slice %arg9[%add3A_34, %dma_wait3A_193] : memref<10240x64xf32, #tpu.memory_space<vmem_shared>> -> memref<128x64xf32, #tpu.memory_space<vmem_shared>>
      %dma_wait3A_195 = arith.constant 0 : i32
      %dma_wait3A_196 = arith.constant 0 : i32
      %dma_wait3A_197 = tpu.memref_slice %arg8[%run_scoped3A_35, %dma_wait3A_195, %dma_wait3A_196] : memref<8x128x64xf32, #tpu.memory_space<vmem>> -> memref<1x128x64xf32, #tpu.memory_space<vmem>>
      %dma_wait3A_198 = tpu.memref_squeeze %dma_wait3A_197 : memref<1x128x64xf32, #tpu.memory_space<vmem>> -> memref<128x64xf32, #tpu.memory_space<vmem>>
      tpu.wait_dma2 semaphore(%run_scoped3A_174 : memref<!tpu.dma_semaphore, #tpu.memory_space<semaphore_mem>>) src(%dma_wait3A_198 : memref<128x64xf32, #tpu.memory_space<vmem>>) dst(%dma_wait3A_194 : memref<128x64xf32, #tpu.memory_space<vmem_shared>>)
      tpu.yield
    }) : () -> ()
    %mul3A_36 = arith.constant 640 : i32
    %mul3A_37 = arith.muli %arg1, %mul3A_36 : i32
    %add3A_38 = arith.constant 384 : i32
    %add3A_39 = arith.addi %mul3A_37, %add3A_38 : i32
    %run_scoped3A_40 = arith.constant 0 : i32
    "tpu.region"() ({
      %run_scoped3A_174 = tpu.sem_alloc : memref<!tpu.dma_semaphore, #tpu.memory_space<semaphore_mem>>
      %dma_start3A_175 = arith.constant 0 : i32
      %dma_start3A_176 = arith.constant 0 : i32
      %dma_start3A_177 = tpu.memref_slice %arg8[%run_scoped3A_40, %dma_start3A_175, %dma_start3A_176] : memref<8x128x64xf32, #tpu.memory_space<vmem>> -> memref<1x128x64xf32, #tpu.memory_space<vmem>>
      %dma_start3A_178 = tpu.memref_squeeze %dma_start3A_177 : memref<1x128x64xf32, #tpu.memory_space<vmem>> -> memref<128x64xf32, #tpu.memory_space<vmem>>
      %dma_start3A_179 = arith.constant 0 : i32
      %dma_start3A_180 = tpu.memref_slice %arg9[%add3A_39, %dma_start3A_179] : memref<10240x64xf32, #tpu.memory_space<vmem_shared>> -> memref<128x64xf32, #tpu.memory_space<vmem_shared>>
      %dma_start3A_181 = arith.constant 0 : i32
      %dma_start3A_182 = tpu.memref_slice %arg9[%add3A_39, %dma_start3A_181] : memref<10240x64xf32, #tpu.memory_space<vmem_shared>> -> memref<128x64xf32, #tpu.memory_space<vmem_shared>>
      %dma_start3A_183 = arith.constant 0 : i32
      %dma_start3A_184 = arith.constant 0 : i32
      %dma_start3A_185 = tpu.memref_slice %arg8[%run_scoped3A_40, %dma_start3A_183, %dma_start3A_184] : memref<8x128x64xf32, #tpu.memory_space<vmem>> -> memref<1x128x64xf32, #tpu.memory_space<vmem>>
      %dma_start3A_186 = tpu.memref_squeeze %dma_start3A_185 : memref<1x128x64xf32, #tpu.memory_space<vmem>> -> memref<128x64xf32, #tpu.memory_space<vmem>>
      tpu.enqueue_dma source(%dma_start3A_186 : memref<128x64xf32, #tpu.memory_space<vmem>>) target(%dma_start3A_182 : memref<128x64xf32, #tpu.memory_space<vmem_shared>>) target_semaphore(%run_scoped3A_174 : memref<!tpu.dma_semaphore, #tpu.memory_space<semaphore_mem>>)
      %dma_wait3A_187 = arith.constant 0 : i32
      %dma_wait3A_188 = arith.constant 0 : i32
      %dma_wait3A_189 = tpu.memref_slice %arg8[%run_scoped3A_40, %dma_wait3A_187, %dma_wait3A_188] : memref<8x128x64xf32, #tpu.memory_space<vmem>> -> memref<1x128x64xf32, #tpu.memory_space<vmem>>
      %dma_wait3A_190 = tpu.memref_squeeze %dma_wait3A_189 : memref<1x128x64xf32, #tpu.memory_space<vmem>> -> memref<128x64xf32, #tpu.memory_space<vmem>>
      %dma_wait3A_191 = arith.constant 0 : i32
      %dma_wait3A_192 = tpu.memref_slice %arg9[%add3A_39, %dma_wait3A_191] : memref<10240x64xf32, #tpu.memory_space<vmem_shared>> -> memref<128x64xf32, #tpu.memory_space<vmem_shared>>
      %dma_wait3A_193 = arith.constant 0 : i32
      %dma_wait3A_194 = tpu.memref_slice %arg9[%add3A_39, %dma_wait3A_193] : memref<10240x64xf32, #tpu.memory_space<vmem_shared>> -> memref<128x64xf32, #tpu.memory_space<vmem_shared>>
      %dma_wait3A_195 = arith.constant 0 : i32
      %dma_wait3A_196 = arith.constant 0 : i32
      %dma_wait3A_197 = tpu.memref_slice %arg8[%run_scoped3A_40, %dma_wait3A_195, %dma_wait3A_196] : memref<8x128x64xf32, #tpu.memory_space<vmem>> -> memref<1x128x64xf32, #tpu.memory_space<vmem>>
      %dma_wait3A_198 = tpu.memref_squeeze %dma_wait3A_197 : memref<1x128x64xf32, #tpu.memory_space<vmem>> -> memref<128x64xf32, #tpu.memory_space<vmem>>
      tpu.wait_dma2 semaphore(%run_scoped3A_174 : memref<!tpu.dma_semaphore, #tpu.memory_space<semaphore_mem>>) src(%dma_wait3A_198 : memref<128x64xf32, #tpu.memory_space<vmem>>) dst(%dma_wait3A_194 : memref<128x64xf32, #tpu.memory_space<vmem_shared>>)
      tpu.yield
    }) : () -> ()
    %mul3A_41 = arith.constant 640 : i32
    %mul3A_42 = arith.muli %arg1, %mul3A_41 : i32
    %add3A_43 = arith.constant 512 : i32
    %add3A_44 = arith.addi %mul3A_42, %add3A_43 : i32
    %run_scoped3A_45 = arith.constant 0 : i32
    "tpu.region"() ({
      %run_scoped3A_174 = tpu.sem_alloc : memref<!tpu.dma_semaphore, #tpu.memory_space<semaphore_mem>>
      %dma_start3A_175 = arith.constant 0 : i32
      %dma_start3A_176 = arith.constant 0 : i32
      %dma_start3A_177 = tpu.memref_slice %arg8[%run_scoped3A_45, %dma_start3A_175, %dma_start3A_176] : memref<8x128x64xf32, #tpu.memory_space<vmem>> -> memref<1x128x64xf32, #tpu.memory_space<vmem>>
      %dma_start3A_178 = tpu.memref_squeeze %dma_start3A_177 : memref<1x128x64xf32, #tpu.memory_space<vmem>> -> memref<128x64xf32, #tpu.memory_space<vmem>>
      %dma_start3A_179 = arith.constant 0 : i32
      %dma_start3A_180 = tpu.memref_slice %arg9[%add3A_44, %dma_start3A_179] : memref<10240x64xf32, #tpu.memory_space<vmem_shared>> -> memref<128x64xf32, #tpu.memory_space<vmem_shared>>
      %dma_start3A_181 = arith.constant 0 : i32
      %dma_start3A_182 = tpu.memref_slice %arg9[%add3A_44, %dma_start3A_181] : memref<10240x64xf32, #tpu.memory_space<vmem_shared>> -> memref<128x64xf32, #tpu.memory_space<vmem_shared>>
      %dma_start3A_183 = arith.constant 0 : i32
      %dma_start3A_184 = arith.constant 0 : i32
      %dma_start3A_185 = tpu.memref_slice %arg8[%run_scoped3A_45, %dma_start3A_183, %dma_start3A_184] : memref<8x128x64xf32, #tpu.memory_space<vmem>> -> memref<1x128x64xf32, #tpu.memory_space<vmem>>
      %dma_start3A_186 = tpu.memref_squeeze %dma_start3A_185 : memref<1x128x64xf32, #tpu.memory_space<vmem>> -> memref<128x64xf32, #tpu.memory_space<vmem>>
      tpu.enqueue_dma source(%dma_start3A_186 : memref<128x64xf32, #tpu.memory_space<vmem>>) target(%dma_start3A_182 : memref<128x64xf32, #tpu.memory_space<vmem_shared>>) target_semaphore(%run_scoped3A_174 : memref<!tpu.dma_semaphore, #tpu.memory_space<semaphore_mem>>)
      %dma_wait3A_187 = arith.constant 0 : i32
      %dma_wait3A_188 = arith.constant 0 : i32
      %dma_wait3A_189 = tpu.memref_slice %arg8[%run_scoped3A_45, %dma_wait3A_187, %dma_wait3A_188] : memref<8x128x64xf32, #tpu.memory_space<vmem>> -> memref<1x128x64xf32, #tpu.memory_space<vmem>>
      %dma_wait3A_190 = tpu.memref_squeeze %dma_wait3A_189 : memref<1x128x64xf32, #tpu.memory_space<vmem>> -> memref<128x64xf32, #tpu.memory_space<vmem>>
      %dma_wait3A_191 = arith.constant 0 : i32
      %dma_wait3A_192 = tpu.memref_slice %arg9[%add3A_44, %dma_wait3A_191] : memref<10240x64xf32, #tpu.memory_space<vmem_shared>> -> memref<128x64xf32, #tpu.memory_space<vmem_shared>>
      %dma_wait3A_193 = arith.constant 0 : i32
      %dma_wait3A_194 = tpu.memref_slice %arg9[%add3A_44, %dma_wait3A_193] : memref<10240x64xf32, #tpu.memory_space<vmem_shared>> -> memref<128x64xf32, #tpu.memory_space<vmem_shared>>
      %dma_wait3A_195 = arith.constant 0 : i32
      %dma_wait3A_196 = arith.constant 0 : i32
      %dma_wait3A_197 = tpu.memref_slice %arg8[%run_scoped3A_45, %dma_wait3A_195, %dma_wait3A_196] : memref<8x128x64xf32, #tpu.memory_space<vmem>> -> memref<1x128x64xf32, #tpu.memory_space<vmem>>
      %dma_wait3A_198 = tpu.memref_squeeze %dma_wait3A_197 : memref<1x128x64xf32, #tpu.memory_space<vmem>> -> memref<128x64xf32, #tpu.memory_space<vmem>>
      tpu.wait_dma2 semaphore(%run_scoped3A_174 : memref<!tpu.dma_semaphore, #tpu.memory_space<semaphore_mem>>) src(%dma_wait3A_198 : memref<128x64xf32, #tpu.memory_space<vmem>>) dst(%dma_wait3A_194 : memref<128x64xf32, #tpu.memory_space<vmem_shared>>)
      tpu.yield
    }) : () -> ()
    %dma_wait3A = arith.constant 0 : i32
    %dma_wait3A_46 = arith.constant 0 : i32
    %dma_wait3A_47 = tpu.memref_slice %arg3[%add3A, %dma_wait3A, %dma_wait3A_46] : memref<32x80x128xi32, #tpu.memory_space<hbm>> -> memref<1x80x128xi32, #tpu.memory_space<hbm>>
    %dma_wait3A_48 = tpu.memref_squeeze %dma_wait3A_47 : memref<1x80x128xi32, #tpu.memory_space<hbm>> -> memref<80x128xi32, #tpu.memory_space<hbm>>
    %dma_wait3A_49 = arith.constant 0 : i32
    %dma_wait3A_50 = arith.constant 0 : i32
    %dma_wait3A_51 = tpu.memref_slice %arg3[%add3A, %dma_wait3A_49, %dma_wait3A_50] : memref<32x80x128xi32, #tpu.memory_space<hbm>> -> memref<1x80x128xi32, #tpu.memory_space<hbm>>
    %dma_wait3A_52 = tpu.memref_squeeze %dma_wait3A_51 : memref<1x80x128xi32, #tpu.memory_space<hbm>> -> memref<80x128xi32, #tpu.memory_space<hbm>>
    tpu.wait_dma2 semaphore(%arg11 : memref<!tpu.dma_semaphore, #tpu.memory_space<semaphore_mem>>) src(%dma_wait3A_52 : memref<80x128xi32, #tpu.memory_space<hbm>>) dst(%arg6 : memref<80x128xi32, #tpu.memory_space<vmem>>)
    %dma_wait3A_53 = arith.constant 0 : i32
    %dma_wait3A_54 = arith.constant 0 : i32
    %dma_wait3A_55 = tpu.memref_slice %arg4[%add3A, %dma_wait3A_53, %dma_wait3A_54] : memref<32x80x128xi32, #tpu.memory_space<hbm>> -> memref<1x80x128xi32, #tpu.memory_space<hbm>>
    %dma_wait3A_56 = tpu.memref_squeeze %dma_wait3A_55 : memref<1x80x128xi32, #tpu.memory_space<hbm>> -> memref<80x128xi32, #tpu.memory_space<hbm>>
    %dma_wait3A_57 = arith.constant 0 : i32
    %dma_wait3A_58 = arith.constant 0 : i32
    %dma_wait3A_59 = tpu.memref_slice %arg4[%add3A, %dma_wait3A_57, %dma_wait3A_58] : memref<32x80x128xi32, #tpu.memory_space<hbm>> -> memref<1x80x128xi32, #tpu.memory_space<hbm>>
    %dma_wait3A_60 = tpu.memref_squeeze %dma_wait3A_59 : memref<1x80x128xi32, #tpu.memory_space<hbm>> -> memref<80x128xi32, #tpu.memory_space<hbm>>
    tpu.wait_dma2 semaphore(%arg11 : memref<!tpu.dma_semaphore, #tpu.memory_space<semaphore_mem>>) src(%dma_wait3A_60 : memref<80x128xi32, #tpu.memory_space<hbm>>) dst(%arg7 : memref<80x128xi32, #tpu.memory_space<vmem>>)
    %barrier3A = arith.constant 0 : index
    tpu.barrier barrier_id(%barrier3A)
    %dma_start3A_61 = arith.constant 0 : i32
    %dma_start3A_62 = arith.constant 0 : i32
    %dma_start3A_63 = arith.constant 0 : i32
    %dma_start3A_64 = arith.constant 0 : i32
    %dma_start3A_65 = tpu.memref_slice %arg8[%dma_start3A_62, %dma_start3A_63, %dma_start3A_64] : memref<8x128x64xf32, #tpu.memory_space<vmem>> -> memref<1x128x64xf32, #tpu.memory_space<vmem>>
    %dma_start3A_66 = tpu.memref_squeeze %dma_start3A_65 : memref<1x128x64xf32, #tpu.memory_space<vmem>> -> memref<128x64xf32, #tpu.memory_space<vmem>>
    %dma_start3A_67 = arith.constant 0 : i32
    %dma_start3A_68 = tpu.memref_slice %arg6[%dma_start3A_61, %dma_start3A_67] : memref<80x128xi32, #tpu.memory_space<vmem>> -> memref<1x128xi32, #tpu.memory_space<vmem>>
    %dma_start3A_69 = tpu.memref_squeeze %dma_start3A_68 : memref<1x128xi32, #tpu.memory_space<vmem>> -> memref<128xi32, #tpu.memory_space<vmem>>
    %dma_start3A_70 = arith.constant 0 : i32
    %dma_start3A_71 = arith.constant 0 : i32
    %dma_start3A_72 = tpu.memref_slice %arg2[%dma_start3A_70, %dma_start3A_71] : memref<10000x64xf32, #tpu.memory_space<hbm>> -> memref<10000x64xf32, #tpu.memory_space<hbm>>
    tpu.enqueue_indirect_dma source(%dma_start3A_72 : memref<10000x64xf32, #tpu.memory_space<hbm>>) target(%dma_start3A_66 : memref<128x64xf32, #tpu.memory_space<vmem>>) offsets(%dma_start3A_69 : memref<128xi32, #tpu.memory_space<vmem>>) semaphore(%arg10 : memref<!tpu.dma_semaphore, #tpu.memory_space<semaphore_mem>>)
    %dma_start3A_73 = arith.constant 1 : i32
    %dma_start3A_74 = arith.constant 1 : i32
    %dma_start3A_75 = arith.constant 0 : i32
    %dma_start3A_76 = arith.constant 0 : i32
    %dma_start3A_77 = tpu.memref_slice %arg8[%dma_start3A_74, %dma_start3A_75, %dma_start3A_76] : memref<8x128x64xf32, #tpu.memory_space<vmem>> -> memref<1x128x64xf32, #tpu.memory_space<vmem>>
    %dma_start3A_78 = tpu.memref_squeeze %dma_start3A_77 : memref<1x128x64xf32, #tpu.memory_space<vmem>> -> memref<128x64xf32, #tpu.memory_space<vmem>>
    %dma_start3A_79 = arith.constant 0 : i32
    %dma_start3A_80 = tpu.memref_slice %arg6[%dma_start3A_73, %dma_start3A_79] : memref<80x128xi32, #tpu.memory_space<vmem>> -> memref<1x128xi32, #tpu.memory_space<vmem>>
    %dma_start3A_81 = tpu.memref_squeeze %dma_start3A_80 : memref<1x128xi32, #tpu.memory_space<vmem>> -> memref<128xi32, #tpu.memory_space<vmem>>
    %dma_start3A_82 = arith.constant 0 : i32
    %dma_start3A_83 = arith.constant 0 : i32
    %dma_start3A_84 = tpu.memref_slice %arg2[%dma_start3A_82, %dma_start3A_83] : memref<10000x64xf32, #tpu.memory_space<hbm>> -> memref<10000x64xf32, #tpu.memory_space<hbm>>
    tpu.enqueue_indirect_dma source(%dma_start3A_84 : memref<10000x64xf32, #tpu.memory_space<hbm>>) target(%dma_start3A_78 : memref<128x64xf32, #tpu.memory_space<vmem>>) offsets(%dma_start3A_81 : memref<128xi32, #tpu.memory_space<vmem>>) semaphore(%arg10 : memref<!tpu.dma_semaphore, #tpu.memory_space<semaphore_mem>>)
    %dma_start3A_85 = arith.constant 2 : i32
    %dma_start3A_86 = arith.constant 2 : i32
    %dma_start3A_87 = arith.constant 0 : i32
    %dma_start3A_88 = arith.constant 0 : i32
    %dma_start3A_89 = tpu.memref_slice %arg8[%dma_start3A_86, %dma_start3A_87, %dma_start3A_88] : memref<8x128x64xf32, #tpu.memory_space<vmem>> -> memref<1x128x64xf32, #tpu.memory_space<vmem>>
    %dma_start3A_90 = tpu.memref_squeeze %dma_start3A_89 : memref<1x128x64xf32, #tpu.memory_space<vmem>> -> memref<128x64xf32, #tpu.memory_space<vmem>>
    %dma_start3A_91 = arith.constant 0 : i32
    %dma_start3A_92 = tpu.memref_slice %arg6[%dma_start3A_85, %dma_start3A_91] : memref<80x128xi32, #tpu.memory_space<vmem>> -> memref<1x128xi32, #tpu.memory_space<vmem>>
    %dma_start3A_93 = tpu.memref_squeeze %dma_start3A_92 : memref<1x128xi32, #tpu.memory_space<vmem>> -> memref<128xi32, #tpu.memory_space<vmem>>
    %dma_start3A_94 = arith.constant 0 : i32
    %dma_start3A_95 = arith.constant 0 : i32
    %dma_start3A_96 = tpu.memref_slice %arg2[%dma_start3A_94, %dma_start3A_95] : memref<10000x64xf32, #tpu.memory_space<hbm>> -> memref<10000x64xf32, #tpu.memory_space<hbm>>
    tpu.enqueue_indirect_dma source(%dma_start3A_96 : memref<10000x64xf32, #tpu.memory_space<hbm>>) target(%dma_start3A_90 : memref<128x64xf32, #tpu.memory_space<vmem>>) offsets(%dma_start3A_93 : memref<128xi32, #tpu.memory_space<vmem>>) semaphore(%arg10 : memref<!tpu.dma_semaphore, #tpu.memory_space<semaphore_mem>>)
    %dma_start3A_97 = arith.constant 3 : i32
    %dma_start3A_98 = arith.constant 3 : i32
    %dma_start3A_99 = arith.constant 0 : i32
    %dma_start3A_100 = arith.constant 0 : i32
    %dma_start3A_101 = tpu.memref_slice %arg8[%dma_start3A_98, %dma_start3A_99, %dma_start3A_100] : memref<8x128x64xf32, #tpu.memory_space<vmem>> -> memref<1x128x64xf32, #tpu.memory_space<vmem>>
    %dma_start3A_102 = tpu.memref_squeeze %dma_start3A_101 : memref<1x128x64xf32, #tpu.memory_space<vmem>> -> memref<128x64xf32, #tpu.memory_space<vmem>>
    %dma_start3A_103 = arith.constant 0 : i32
    %dma_start3A_104 = tpu.memref_slice %arg6[%dma_start3A_97, %dma_start3A_103] : memref<80x128xi32, #tpu.memory_space<vmem>> -> memref<1x128xi32, #tpu.memory_space<vmem>>
    %dma_start3A_105 = tpu.memref_squeeze %dma_start3A_104 : memref<1x128xi32, #tpu.memory_space<vmem>> -> memref<128xi32, #tpu.memory_space<vmem>>
    %dma_start3A_106 = arith.constant 0 : i32
    %dma_start3A_107 = arith.constant 0 : i32
    %dma_start3A_108 = tpu.memref_slice %arg2[%dma_start3A_106, %dma_start3A_107] : memref<10000x64xf32, #tpu.memory_space<hbm>> -> memref<10000x64xf32, #tpu.memory_space<hbm>>
    tpu.enqueue_indirect_dma source(%dma_start3A_108 : memref<10000x64xf32, #tpu.memory_space<hbm>>) target(%dma_start3A_102 : memref<128x64xf32, #tpu.memory_space<vmem>>) offsets(%dma_start3A_105 : memref<128xi32, #tpu.memory_space<vmem>>) semaphore(%arg10 : memref<!tpu.dma_semaphore, #tpu.memory_space<semaphore_mem>>)
    %dma_start3A_109 = arith.constant 4 : i32
    %dma_start3A_110 = arith.constant 4 : i32
    %dma_start3A_111 = arith.constant 0 : i32
    %dma_start3A_112 = arith.constant 0 : i32
    %dma_start3A_113 = tpu.memref_slice %arg8[%dma_start3A_110, %dma_start3A_111, %dma_start3A_112] : memref<8x128x64xf32, #tpu.memory_space<vmem>> -> memref<1x128x64xf32, #tpu.memory_space<vmem>>
    %dma_start3A_114 = tpu.memref_squeeze %dma_start3A_113 : memref<1x128x64xf32, #tpu.memory_space<vmem>> -> memref<128x64xf32, #tpu.memory_space<vmem>>
    %dma_start3A_115 = arith.constant 0 : i32
    %dma_start3A_116 = tpu.memref_slice %arg6[%dma_start3A_109, %dma_start3A_115] : memref<80x128xi32, #tpu.memory_space<vmem>> -> memref<1x128xi32, #tpu.memory_space<vmem>>
    %dma_start3A_117 = tpu.memref_squeeze %dma_start3A_116 : memref<1x128xi32, #tpu.memory_space<vmem>> -> memref<128xi32, #tpu.memory_space<vmem>>
    %dma_start3A_118 = arith.constant 0 : i32
    %dma_start3A_119 = arith.constant 0 : i32
    %dma_start3A_120 = tpu.memref_slice %arg2[%dma_start3A_118, %dma_start3A_119] : memref<10000x64xf32, #tpu.memory_space<hbm>> -> memref<10000x64xf32, #tpu.memory_space<hbm>>
    tpu.enqueue_indirect_dma source(%dma_start3A_120 : memref<10000x64xf32, #tpu.memory_space<hbm>>) target(%dma_start3A_114 : memref<128x64xf32, #tpu.memory_space<vmem>>) offsets(%dma_start3A_117 : memref<128xi32, #tpu.memory_space<vmem>>) semaphore(%arg10 : memref<!tpu.dma_semaphore, #tpu.memory_space<semaphore_mem>>)
    %dma_start3A_121 = arith.constant 5 : i32
    %dma_start3A_122 = arith.constant 5 : i32
    %dma_start3A_123 = arith.constant 0 : i32
    %dma_start3A_124 = arith.constant 0 : i32
    %dma_start3A_125 = tpu.memref_slice %arg8[%dma_start3A_122, %dma_start3A_123, %dma_start3A_124] : memref<8x128x64xf32, #tpu.memory_space<vmem>> -> memref<1x128x64xf32, #tpu.memory_space<vmem>>
    %dma_start3A_126 = tpu.memref_squeeze %dma_start3A_125 : memref<1x128x64xf32, #tpu.memory_space<vmem>> -> memref<128x64xf32, #tpu.memory_space<vmem>>
    %dma_start3A_127 = arith.constant 0 : i32
    %dma_start3A_128 = tpu.memref_slice %arg6[%dma_start3A_121, %dma_start3A_127] : memref<80x128xi32, #tpu.memory_space<vmem>> -> memref<1x128xi32, #tpu.memory_space<vmem>>
    %dma_start3A_129 = tpu.memref_squeeze %dma_start3A_128 : memref<1x128xi32, #tpu.memory_space<vmem>> -> memref<128xi32, #tpu.memory_space<vmem>>
    %dma_start3A_130 = arith.constant 0 : i32
    %dma_start3A_131 = arith.constant 0 : i32
    %dma_start3A_132 = tpu.memref_slice %arg2[%dma_start3A_130, %dma_start3A_131] : memref<10000x64xf32, #tpu.memory_space<hbm>> -> memref<10000x64xf32, #tpu.memory_space<hbm>>
    tpu.enqueue_indirect_dma source(%dma_start3A_132 : memref<10000x64xf32, #tpu.memory_space<hbm>>) target(%dma_start3A_126 : memref<128x64xf32, #tpu.memory_space<vmem>>) offsets(%dma_start3A_129 : memref<128xi32, #tpu.memory_space<vmem>>) semaphore(%arg10 : memref<!tpu.dma_semaphore, #tpu.memory_space<semaphore_mem>>)
    %dma_start3A_133 = arith.constant 6 : i32
    %dma_start3A_134 = arith.constant 6 : i32
    %dma_start3A_135 = arith.constant 0 : i32
    %dma_start3A_136 = arith.constant 0 : i32
    %dma_start3A_137 = tpu.memref_slice %arg8[%dma_start3A_134, %dma_start3A_135, %dma_start3A_136] : memref<8x128x64xf32, #tpu.memory_space<vmem>> -> memref<1x128x64xf32, #tpu.memory_space<vmem>>
    %dma_start3A_138 = tpu.memref_squeeze %dma_start3A_137 : memref<1x128x64xf32, #tpu.memory_space<vmem>> -> memref<128x64xf32, #tpu.memory_space<vmem>>
    %dma_start3A_139 = arith.constant 0 : i32
    %dma_start3A_140 = tpu.memref_slice %arg6[%dma_start3A_133, %dma_start3A_139] : memref<80x128xi32, #tpu.memory_space<vmem>> -> memref<1x128xi32, #tpu.memory_space<vmem>>
    %dma_start3A_141 = tpu.memref_squeeze %dma_start3A_140 : memref<1x128xi32, #tpu.memory_space<vmem>> -> memref<128xi32, #tpu.memory_space<vmem>>
    %dma_start3A_142 = arith.constant 0 : i32
    %dma_start3A_143 = arith.constant 0 : i32
    %dma_start3A_144 = tpu.memref_slice %arg2[%dma_start3A_142, %dma_start3A_143] : memref<10000x64xf32, #tpu.memory_space<hbm>> -> memref<10000x64xf32, #tpu.memory_space<hbm>>
    tpu.enqueue_indirect_dma source(%dma_start3A_144 : memref<10000x64xf32, #tpu.memory_space<hbm>>) target(%dma_start3A_138 : memref<128x64xf32, #tpu.memory_space<vmem>>) offsets(%dma_start3A_141 : memref<128xi32, #tpu.memory_space<vmem>>) semaphore(%arg10 : memref<!tpu.dma_semaphore, #tpu.memory_space<semaphore_mem>>)
    %dma_start3A_145 = arith.constant 7 : i32
    %dma_start3A_146 = arith.constant 7 : i32
    %dma_start3A_147 = arith.constant 0 : i32
    %dma_start3A_148 = arith.constant 0 : i32
    %dma_start3A_149 = tpu.memref_slice %arg8[%dma_start3A_146, %dma_start3A_147, %dma_start3A_148] : memref<8x128x64xf32, #tpu.memory_space<vmem>> -> memref<1x128x64xf32, #tpu.memory_space<vmem>>
    %dma_start3A_150 = tpu.memref_squeeze %dma_start3A_149 : memref<1x128x64xf32, #tpu.memory_space<vmem>> -> memref<128x64xf32, #tpu.memory_space<vmem>>
    %dma_start3A_151 = arith.constant 0 : i32
    %dma_start3A_152 = tpu.memref_slice %arg6[%dma_start3A_145, %dma_start3A_151] : memref<80x128xi32, #tpu.memory_space<vmem>> -> memref<1x128xi32, #tpu.memory_space<vmem>>
    %dma_start3A_153 = tpu.memref_squeeze %dma_start3A_152 : memref<1x128xi32, #tpu.memory_space<vmem>> -> memref<128xi32, #tpu.memory_space<vmem>>
    %dma_start3A_154 = arith.constant 0 : i32
    %dma_start3A_155 = arith.constant 0 : i32
    %dma_start3A_156 = tpu.memref_slice %arg2[%dma_start3A_154, %dma_start3A_155] : memref<10000x64xf32, #tpu.memory_space<hbm>> -> memref<10000x64xf32, #tpu.memory_space<hbm>>
    tpu.enqueue_indirect_dma source(%dma_start3A_156 : memref<10000x64xf32, #tpu.memory_space<hbm>>) target(%dma_start3A_150 : memref<128x64xf32, #tpu.memory_space<vmem>>) offsets(%dma_start3A_153 : memref<128xi32, #tpu.memory_space<vmem>>) semaphore(%arg10 : memref<!tpu.dma_semaphore, #tpu.memory_space<semaphore_mem>>)
    %scan3A_157 = arith.constant 0 : i32
    %scan3A_158 = arith.constant 0 : i32
    %scan3A_159 = arith.constant 80 : i32
    %scan3A_160 = arith.addi %scan3A_158, %scan3A_159 : i32
    %scan3A_161 = arith.constant 1 : i32
    scf.for %scan3A_174 = %scan3A_158 to %scan3A_160 step %scan3A_161  : i32 {
      %rem3A = arith.constant 8 : i32
      %rem3A_175 = arith.remsi %scan3A_174, %rem3A : i32
      %dma_wait3A_176 = arith.constant 0 : i32
      %dma_wait3A_177 = arith.constant 0 : i32
      %dma_wait3A_178 = tpu.memref_slice %arg8[%rem3A_175, %dma_wait3A_176, %dma_wait3A_177] : memref<8x128x64xf32, #tpu.memory_space<vmem>> -> memref<1x128x64xf32, #tpu.memory_space<vmem>>
      %dma_wait3A_179 = tpu.memref_squeeze %dma_wait3A_178 : memref<1x128x64xf32, #tpu.memory_space<vmem>> -> memref<128x64xf32, #tpu.memory_space<vmem>>
      %dma_wait3A_180 = arith.constant 0 : i32
      %dma_wait3A_181 = tpu.memref_slice %arg6[%scan3A_174, %dma_wait3A_180] : memref<80x128xi32, #tpu.memory_space<vmem>> -> memref<1x128xi32, #tpu.memory_space<vmem>>
      %dma_wait3A_182 = tpu.memref_squeeze %dma_wait3A_181 : memref<1x128xi32, #tpu.memory_space<vmem>> -> memref<128xi32, #tpu.memory_space<vmem>>
      %dma_wait3A_183 = arith.constant 0 : i32
      %dma_wait3A_184 = arith.constant 0 : i32
      %dma_wait3A_185 = tpu.memref_slice %arg2[%dma_wait3A_183, %dma_wait3A_184] : memref<10000x64xf32, #tpu.memory_space<hbm>> -> memref<10000x64xf32, #tpu.memory_space<hbm>>
      tpu.wait_indirect_dma semaphore(%arg10 : memref<!tpu.dma_semaphore, #tpu.memory_space<semaphore_mem>>) src(%dma_wait3A_185 : memref<10000x64xf32, #tpu.memory_space<hbm>>) dst(%dma_wait3A_179 : memref<128x64xf32, #tpu.memory_space<vmem>>)
      %dma_start3A_186 = arith.constant 0 : i32
      %dma_start3A_187 = arith.constant 0 : i32
      %dma_start3A_188 = tpu.memref_slice %arg8[%rem3A_175, %dma_start3A_186, %dma_start3A_187] : memref<8x128x64xf32, #tpu.memory_space<vmem>> -> memref<1x128x64xf32, #tpu.memory_space<vmem>>
      %dma_start3A_189 = tpu.memref_squeeze %dma_start3A_188 : memref<1x128x64xf32, #tpu.memory_space<vmem>> -> memref<128x64xf32, #tpu.memory_space<vmem>>
      %dma_start3A_190 = arith.constant 0 : i32
      %dma_start3A_191 = tpu.memref_slice %arg7[%scan3A_174, %dma_start3A_190] : memref<80x128xi32, #tpu.memory_space<vmem>> -> memref<1x128xi32, #tpu.memory_space<vmem>>
      %dma_start3A_192 = tpu.memref_squeeze %dma_start3A_191 : memref<1x128xi32, #tpu.memory_space<vmem>> -> memref<128xi32, #tpu.memory_space<vmem>>
      %dma_start3A_193 = arith.constant 0 : i32
      %dma_start3A_194 = arith.constant 0 : i32
      %dma_start3A_195 = tpu.memref_slice %arg9[%dma_start3A_193, %dma_start3A_194] : memref<10240x64xf32, #tpu.memory_space<vmem_shared>> -> memref<10240x64xf32, #tpu.memory_space<vmem_shared>>
      tpu.enqueue_indirect_dma source(%dma_start3A_189 : memref<128x64xf32, #tpu.memory_space<vmem>>) target(%dma_start3A_195 : memref<10240x64xf32, #tpu.memory_space<vmem_shared>>) offsets(%dma_start3A_192 : memref<128xi32, #tpu.memory_space<vmem>>) semaphore(%arg11 : memref<!tpu.dma_semaphore, #tpu.memory_space<semaphore_mem>>) {add = true}
      %sub3A = arith.constant 1 : i32
      %sub3A_196 = arith.subi %scan3A_174, %sub3A : i32
      %ge3A = arith.constant 0 : i32
      %ge3A_197 = arith.cmpi sge, %sub3A_196, %ge3A : i32
      %add3A_198 = arith.constant 8 : i32
      %add3A_199 = arith.addi %sub3A_196, %add3A_198 : i32
      %lt3A = arith.constant 80 : i32
      %lt3A_200 = arith.cmpi slt, %add3A_199, %lt3A : i32
      %and3A = arith.andi %ge3A_197, %lt3A_200 : i1
      %convert_element_type3A = arith.extui %and3A : i1 to i32
      %cond3A = arith.constant 0 : i32
      %cond3A_201 = arith.cmpi ne, %convert_element_type3A, %cond3A : i32
      scf.if %cond3A_201 {
        %rem3A_202 = arith.constant 8 : i32
        %rem3A_203 = arith.remsi %sub3A_196, %rem3A_202 : i32
        %dma_wait3A_204 = arith.constant 0 : i32
        %dma_wait3A_205 = arith.constant 0 : i32
        %dma_wait3A_206 = tpu.memref_slice %arg8[%rem3A_203, %dma_wait3A_204, %dma_wait3A_205] : memref<8x128x64xf32, #tpu.memory_space<vmem>> -> memref<1x128x64xf32, #tpu.memory_space<vmem>>
        %dma_wait3A_207 = tpu.memref_squeeze %dma_wait3A_206 : memref<1x128x64xf32, #tpu.memory_space<vmem>> -> memref<128x64xf32, #tpu.memory_space<vmem>>
        %dma_wait3A_208 = arith.constant 0 : i32
        %dma_wait3A_209 = tpu.memref_slice %arg7[%sub3A_196, %dma_wait3A_208] : memref<80x128xi32, #tpu.memory_space<vmem>> -> memref<1x128xi32, #tpu.memory_space<vmem>>
        %dma_wait3A_210 = tpu.memref_squeeze %dma_wait3A_209 : memref<1x128xi32, #tpu.memory_space<vmem>> -> memref<128xi32, #tpu.memory_space<vmem>>
        %dma_wait3A_211 = arith.constant 0 : i32
        %dma_wait3A_212 = arith.constant 0 : i32
        %dma_wait3A_213 = tpu.memref_slice %arg9[%dma_wait3A_211, %dma_wait3A_212] : memref<10240x64xf32, #tpu.memory_space<vmem_shared>> -> memref<10240x64xf32, #tpu.memory_space<vmem_shared>>
        tpu.wait_indirect_dma semaphore(%arg11 : memref<!tpu.dma_semaphore, #tpu.memory_space<semaphore_mem>>) src(%dma_wait3A_207 : memref<128x64xf32, #tpu.memory_space<vmem>>) dst(%dma_wait3A_213 : memref<10240x64xf32, #tpu.memory_space<vmem_shared>>)
        %add3A_214 = arith.constant 8 : i32
        %add3A_215 = arith.addi %sub3A_196, %add3A_214 : i32
        %dma_start3A_216 = arith.constant 0 : i32
        %dma_start3A_217 = arith.constant 0 : i32
        %dma_start3A_218 = tpu.memref_slice %arg8[%rem3A_203, %dma_start3A_216, %dma_start3A_217] : memref<8x128x64xf32, #tpu.memory_space<vmem>> -> memref<1x128x64xf32, #tpu.memory_space<vmem>>
        %dma_start3A_219 = tpu.memref_squeeze %dma_start3A_218 : memref<1x128x64xf32, #tpu.memory_space<vmem>> -> memref<128x64xf32, #tpu.memory_space<vmem>>
        %dma_start3A_220 = arith.constant 0 : i32
        %dma_start3A_221 = tpu.memref_slice %arg6[%add3A_215, %dma_start3A_220] : memref<80x128xi32, #tpu.memory_space<vmem>> -> memref<1x128xi32, #tpu.memory_space<vmem>>
        %dma_start3A_222 = tpu.memref_squeeze %dma_start3A_221 : memref<1x128xi32, #tpu.memory_space<vmem>> -> memref<128xi32, #tpu.memory_space<vmem>>
        %dma_start3A_223 = arith.constant 0 : i32
        %dma_start3A_224 = arith.constant 0 : i32
        %dma_start3A_225 = tpu.memref_slice %arg2[%dma_start3A_223, %dma_start3A_224] : memref<10000x64xf32, #tpu.memory_space<hbm>> -> memref<10000x64xf32, #tpu.memory_space<hbm>>
        tpu.enqueue_indirect_dma source(%dma_start3A_225 : memref<10000x64xf32, #tpu.memory_space<hbm>>) target(%dma_start3A_219 : memref<128x64xf32, #tpu.memory_space<vmem>>) offsets(%dma_start3A_222 : memref<128xi32, #tpu.memory_space<vmem>>) semaphore(%arg10 : memref<!tpu.dma_semaphore, #tpu.memory_space<semaphore_mem>>)
      } else {
      }
    }
    %scan3A_162 = arith.constant 80 : i32
    %scan3A_163 = arith.constant 0 : i32
    %scan3A_164 = arith.constant 72 : i32
    %scan3A_165 = arith.constant 8 : i32
    %scan3A_166 = arith.addi %scan3A_164, %scan3A_165 : i32
    %scan3A_167 = arith.constant 1 : i32
    scf.for %scan3A_174 = %scan3A_164 to %scan3A_166 step %scan3A_167  : i32 {
      %rem3A = arith.constant 8 : i32
      %rem3A_175 = arith.remsi %scan3A_174, %rem3A : i32
      %dma_wait3A_176 = arith.constant 0 : i32
      %dma_wait3A_177 = arith.constant 0 : i32
      %dma_wait3A_178 = tpu.memref_slice %arg8[%rem3A_175, %dma_wait3A_176, %dma_wait3A_177] : memref<8x128x64xf32, #tpu.memory_space<vmem>> -> memref<1x128x64xf32, #tpu.memory_space<vmem>>
      %dma_wait3A_179 = tpu.memref_squeeze %dma_wait3A_178 : memref<1x128x64xf32, #tpu.memory_space<vmem>> -> memref<128x64xf32, #tpu.memory_space<vmem>>
      %dma_wait3A_180 = arith.constant 0 : i32
      %dma_wait3A_181 = tpu.memref_slice %arg7[%scan3A_174, %dma_wait3A_180] : memref<80x128xi32, #tpu.memory_space<vmem>> -> memref<1x128xi32, #tpu.memory_space<vmem>>
      %dma_wait3A_182 = tpu.memref_squeeze %dma_wait3A_181 : memref<1x128xi32, #tpu.memory_space<vmem>> -> memref<128xi32, #tpu.memory_space<vmem>>
      %dma_wait3A_183 = arith.constant 0 : i32
      %dma_wait3A_184 = arith.constant 0 : i32
      %dma_wait3A_185 = tpu.memref_slice %arg9[%dma_wait3A_183, %dma_wait3A_184] : memref<10240x64xf32, #tpu.memory_space<vmem_shared>> -> memref<10240x64xf32, #tpu.memory_space<vmem_shared>>
      tpu.wait_indirect_dma semaphore(%arg11 : memref<!tpu.dma_semaphore, #tpu.memory_space<semaphore_mem>>) src(%dma_wait3A_179 : memref<128x64xf32, #tpu.memory_space<vmem>>) dst(%dma_wait3A_185 : memref<10240x64xf32, #tpu.memory_space<vmem_shared>>)
    }
    %scan3A_168 = arith.constant 8 : i32
    %barrier3A_169 = arith.constant 0 : index
    tpu.barrier barrier_id(%barrier3A_169)
    %mul3A_170 = arith.constant 640 : i32
    %mul3A_171 = arith.muli %arg1, %mul3A_170 : i32
    %mul3A_172 = arith.constant 640 : i32
    %mul3A_173 = arith.muli %arg1, %mul3A_172 : i32
    "tpu.region"() ({
      %run_scoped3A_174 = tpu.sem_alloc : memref<!tpu.dma_semaphore, #tpu.memory_space<semaphore_mem>>
      %dma_start3A_175 = arith.constant 0 : i32
      %dma_start3A_176 = arith.constant 0 : i32
      %dma_start3A_177 = tpu.memref_slice %arg5[%arg0, %dma_start3A_175, %dma_start3A_176] : memref<2x10240x64xf32, #tpu.memory_space<hbm>> -> memref<1x10240x64xf32, #tpu.memory_space<hbm>>
      %dma_start3A_178 = tpu.memref_squeeze %dma_start3A_177 : memref<1x10240x64xf32, #tpu.memory_space<hbm>> -> memref<10240x64xf32, #tpu.memory_space<hbm>>
      %dma_start3A_179 = arith.constant 0 : i32
      %dma_start3A_180 = tpu.memref_slice %dma_start3A_178[%mul3A_173, %dma_start3A_179] : memref<10240x64xf32, #tpu.memory_space<hbm>> -> memref<640x64xf32, #tpu.memory_space<hbm>>
      %dma_start3A_181 = arith.constant 0 : i32
      %dma_start3A_182 = tpu.memref_slice %arg9[%mul3A_171, %dma_start3A_181] : memref<10240x64xf32, #tpu.memory_space<vmem_shared>> -> memref<640x64xf32, #tpu.memory_space<vmem_shared>>
      tpu.enqueue_dma source(%dma_start3A_182 : memref<640x64xf32, #tpu.memory_space<vmem_shared>>) target(%dma_start3A_180 : memref<640x64xf32, #tpu.memory_space<hbm>>) target_semaphore(%run_scoped3A_174 : memref<!tpu.dma_semaphore, #tpu.memory_space<semaphore_mem>>)
      %dma_wait3A_183 = arith.constant 0 : i32
      %dma_wait3A_184 = arith.constant 0 : i32
      %dma_wait3A_185 = tpu.memref_slice %arg5[%arg0, %dma_wait3A_183, %dma_wait3A_184] : memref<2x10240x64xf32, #tpu.memory_space<hbm>> -> memref<1x10240x64xf32, #tpu.memory_space<hbm>>
      %dma_wait3A_186 = tpu.memref_squeeze %dma_wait3A_185 : memref<1x10240x64xf32, #tpu.memory_space<hbm>> -> memref<10240x64xf32, #tpu.memory_space<hbm>>
      %dma_wait3A_187 = arith.constant 0 : i32
      %dma_wait3A_188 = tpu.memref_slice %dma_wait3A_186[%mul3A_173, %dma_wait3A_187] : memref<10240x64xf32, #tpu.memory_space<hbm>> -> memref<640x64xf32, #tpu.memory_space<hbm>>
      %dma_wait3A_189 = arith.constant 0 : i32
      %dma_wait3A_190 = tpu.memref_slice %arg9[%mul3A_171, %dma_wait3A_189] : memref<10240x64xf32, #tpu.memory_space<vmem_shared>> -> memref<640x64xf32, #tpu.memory_space<vmem_shared>>
      tpu.wait_dma2 semaphore(%run_scoped3A_174 : memref<!tpu.dma_semaphore, #tpu.memory_space<semaphore_mem>>) src(%dma_wait3A_190 : memref<640x64xf32, #tpu.memory_space<vmem_shared>>) dst(%dma_wait3A_188 : memref<640x64xf32, #tpu.memory_space<hbm>>)
      tpu.yield
    }) : () -> ()
    return
  }
}

#map = affine_map<(d0, d1) -> (0, 0)>
#map1 = affine_map<(d0, d1) -> (0, 0, 0)>
module attributes {stable_mosaic.version = 14 : i64} {
  func.func @_agg_body(%arg0: i32, %arg1: i32, %arg2: memref<10000x64xf32, #tpu.memory_space<hbm>>, %arg3: memref<32x80x128xi32, #tpu.memory_space<hbm>>, %arg4: memref<32x80x128xi32, #tpu.memory_space<hbm>>, %arg5: memref<2x10240x64xf32, #tpu.memory_space<hbm>>, %arg6: memref<80x128xi32, #tpu.memory_space<vmem>>, %arg7: memref<80x128xi32, #tpu.memory_space<vmem>>, %arg8: memref<8x128x64xf32, #tpu.memory_space<vmem>>, %arg9: memref<10240x64xf32, #tpu.memory_space<vmem_shared>>, %arg10: memref<!tpu.dma_semaphore, #tpu.memory_space<semaphore_mem>>, %arg11: memref<!tpu.dma_semaphore, #tpu.memory_space<semaphore_mem>>) attributes {dimension_semantics = [#tpu.dimension_semantics<core_parallel>, #tpu.dimension_semantics<subcore_parallel>], iteration_bounds = array<i64: 2, 16>, scalar_prefetch = 0 : i64, scratch_operands = 6 : i64, tpu.core_type = #tpu.core_type<sc_vector_subcore>, window_params = [{transform_indices = #map}, {transform_indices = #map1}, {transform_indices = #map1}, {transform_indices = #map1}]} {
    %mul3A = arith.constant 16 : i32
    %mul3A_0 = arith.muli %arg0, %mul3A : i32
    %add3A = arith.addi %mul3A_0, %arg1 : i32
    %dma_start3A = arith.constant 0 : i32
    %dma_start3A_1 = arith.constant 0 : i32
    %dma_start3A_2 = tpu.memref_slice %arg3[%add3A, %dma_start3A, %dma_start3A_1] : memref<32x80x128xi32, #tpu.memory_space<hbm>> -> memref<1x80x128xi32, #tpu.memory_space<hbm>>
    %dma_start3A_3 = tpu.memref_squeeze %dma_start3A_2 : memref<1x80x128xi32, #tpu.memory_space<hbm>> -> memref<80x128xi32, #tpu.memory_space<hbm>>
    %dma_start3A_4 = arith.constant 0 : i32
    %dma_start3A_5 = arith.constant 0 : i32
    %dma_start3A_6 = tpu.memref_slice %arg3[%add3A, %dma_start3A_4, %dma_start3A_5] : memref<32x80x128xi32, #tpu.memory_space<hbm>> -> memref<1x80x128xi32, #tpu.memory_space<hbm>>
    %dma_start3A_7 = tpu.memref_squeeze %dma_start3A_6 : memref<1x80x128xi32, #tpu.memory_space<hbm>> -> memref<80x128xi32, #tpu.memory_space<hbm>>
    tpu.enqueue_dma source(%dma_start3A_7 : memref<80x128xi32, #tpu.memory_space<hbm>>) target(%arg6 : memref<80x128xi32, #tpu.memory_space<vmem>>) target_semaphore(%arg11 : memref<!tpu.dma_semaphore, #tpu.memory_space<semaphore_mem>>)
    %dma_start3A_8 = arith.constant 0 : i32
    %dma_start3A_9 = arith.constant 0 : i32
    %dma_start3A_10 = tpu.memref_slice %arg4[%add3A, %dma_start3A_8, %dma_start3A_9] : memref<32x80x128xi32, #tpu.memory_space<hbm>> -> memref<1x80x128xi32, #tpu.memory_space<hbm>>
    %dma_start3A_11 = tpu.memref_squeeze %dma_start3A_10 : memref<1x80x128xi32, #tpu.memory_space<hbm>> -> memref<80x128xi32, #tpu.memory_space<hbm>>
    %dma_start3A_12 = arith.constant 0 : i32
    %dma_start3A_13 = arith.constant 0 : i32
    %dma_start3A_14 = tpu.memref_slice %arg4[%add3A, %dma_start3A_12, %dma_start3A_13] : memref<32x80x128xi32, #tpu.memory_space<hbm>> -> memref<1x80x128xi32, #tpu.memory_space<hbm>>
    %dma_start3A_15 = tpu.memref_squeeze %dma_start3A_14 : memref<1x80x128xi32, #tpu.memory_space<hbm>> -> memref<80x128xi32, #tpu.memory_space<hbm>>
    tpu.enqueue_dma source(%dma_start3A_15 : memref<80x128xi32, #tpu.memory_space<hbm>>) target(%arg7 : memref<80x128xi32, #tpu.memory_space<vmem>>) target_semaphore(%arg11 : memref<!tpu.dma_semaphore, #tpu.memory_space<semaphore_mem>>)
    %broadcast_in_dim3A = arith.constant 0.000000e+00 : f32
    %broadcast_in_dim3A_16 = vector.broadcast %broadcast_in_dim3A : f32 to vector<16xf32>
    %scan3A = arith.constant 0 : i32
    %scan3A_17 = arith.constant 0 : i32
    %scan3A_18 = arith.constant 128 : i32
    %scan3A_19 = arith.addi %scan3A_17, %scan3A_18 : i32
    %scan3A_20 = arith.constant 1 : i32
    scf.for %scan3A_174 = %scan3A_17 to %scan3A_19 step %scan3A_20  : i32 {
      %swap3A = arith.constant 0 : i32
      %swap3A_175 = arith.index_cast %swap3A : i32 to index
      %swap3A_176 = arith.index_cast %scan3A_174 : i32 to index
      %swap3A_177 = arith.constant 0 : index
      %swap3A_178 = tpu.vector_load %arg8[%swap3A_175, %swap3A_176, %swap3A_177] {strides = array<i32>} : memref<8x128x64xf32, #tpu.memory_space<vmem>>, vector<1x1x16xf32>,
      %swap3A_179 = vector.shape_cast %swap3A_178 : vector<1x1x16xf32> to vector<16xf32>
      %swap3A_180 = vector.shape_cast %broadcast_in_dim3A_16 : vector<16xf32> to vector<1x1x16xf32>
      tpu.vector_store %arg8[%swap3A_175, %swap3A_176, %swap3A_177], %swap3A_180 {strides = array<i32>} : memref<8x128x64xf32, #tpu.memory_space<vmem>>, vector<1x1x16xf32>,
      %swap3A_181 = arith.constant 0 : i32
      %swap3A_182 = arith.index_cast %swap3A_181 : i32 to index
      %swap3A_183 = arith.index_cast %scan3A_174 : i32 to index
      %swap3A_184 = arith.constant 16 : index
      %swap3A_185 = tpu.vector_load %arg8[%swap3A_182, %swap3A_183, %swap3A_184] {strides = array<i32>} : memref<8x128x64xf32, #tpu.memory_space<vmem>>, vector<1x1x16xf32>,
      %swap3A_186 = vector.shape_cast %swap3A_185 : vector<1x1x16xf32> to vector<16xf32>
      %swap3A_187 = vector.shape_cast %broadcast_in_dim3A_16 : vector<16xf32> to vector<1x1x16xf32>
      tpu.vector_store %arg8[%swap3A_182, %swap3A_183, %swap3A_184], %swap3A_187 {strides = array<i32>} : memref<8x128x64xf32, #tpu.memory_space<vmem>>, vector<1x1x16xf32>,
      %swap3A_188 = arith.constant 0 : i32
      %swap3A_189 = arith.index_cast %swap3A_188 : i32 to index
      %swap3A_190 = arith.index_cast %scan3A_174 : i32 to index
      %swap3A_191 = arith.constant 32 : index
      %swap3A_192 = tpu.vector_load %arg8[%swap3A_189, %swap3A_190, %swap3A_191] {strides = array<i32>} : memref<8x128x64xf32, #tpu.memory_space<vmem>>, vector<1x1x16xf32>,
      %swap3A_193 = vector.shape_cast %swap3A_192 : vector<1x1x16xf32> to vector<16xf32>
      %swap3A_194 = vector.shape_cast %broadcast_in_dim3A_16 : vector<16xf32> to vector<1x1x16xf32>
      tpu.vector_store %arg8[%swap3A_189, %swap3A_190, %swap3A_191], %swap3A_194 {strides = array<i32>} : memref<8x128x64xf32, #tpu.memory_space<vmem>>, vector<1x1x16xf32>,
      %swap3A_195 = arith.constant 0 : i32
      %swap3A_196 = arith.index_cast %swap3A_195 : i32 to index
      %swap3A_197 = arith.index_cast %scan3A_174 : i32 to index
      %swap3A_198 = arith.constant 48 : index
      %swap3A_199 = tpu.vector_load %arg8[%swap3A_196, %swap3A_197, %swap3A_198] {strides = array<i32>} : memref<8x128x64xf32, #tpu.memory_space<vmem>>, vector<1x1x16xf32>,
      %swap3A_200 = vector.shape_cast %swap3A_199 : vector<1x1x16xf32> to vector<16xf32>
      %swap3A_201 = vector.shape_cast %broadcast_in_dim3A_16 : vector<16xf32> to vector<1x1x16xf32>
      tpu.vector_store %arg8[%swap3A_196, %swap3A_197, %swap3A_198], %swap3A_201 {strides = array<i32>} : memref<8x128x64xf32, #tpu.memory_space<vmem>>, vector<1x1x16xf32>,
    }
    %scan3A_21 = arith.constant 128 : i32
    %mul3A_22 = arith.constant 640 : i32
    %mul3A_23 = arith.muli %arg1, %mul3A_22 : i32
    %add3A_24 = arith.constant 0 : i32
    %add3A_25 = arith.addi %mul3A_23, %add3A_24 : i32
    %run_scoped3A = arith.constant 0 : i32
    "tpu.region"() ({
      %run_scoped3A_174 = tpu.sem_alloc : memref<!tpu.dma_semaphore, #tpu.memory_space<semaphore_mem>>
      %dma_start3A_175 = arith.constant 0 : i32
      %dma_start3A_176 = arith.constant 0 : i32
      %dma_start3A_177 = tpu.memref_slice %arg8[%run_scoped3A, %dma_start3A_175, %dma_start3A_176] : memref<8x128x64xf32, #tpu.memory_space<vmem>> -> memref<1x128x64xf32, #tpu.memory_space<vmem>>
      %dma_start3A_178 = tpu.memref_squeeze %dma_start3A_177 : memref<1x128x64xf32, #tpu.memory_space<vmem>> -> memref<128x64xf32, #tpu.memory_space<vmem>>
      %dma_start3A_179 = arith.constant 0 : i32
      %dma_start3A_180 = tpu.memref_slice %arg9[%add3A_25, %dma_start3A_179] : memref<10240x64xf32, #tpu.memory_space<vmem_shared>> -> memref<128x64xf32, #tpu.memory_space<vmem_shared>>
      %dma_start3A_181 = arith.constant 0 : i32
      %dma_start3A_182 = tpu.memref_slice %arg9[%add3A_25, %dma_start3A_181] : memref<10240x64xf32, #tpu.memory_space<vmem_shared>> -> memref<128x64xf32, #tpu.memory_space<vmem_shared>>
      %dma_start3A_183 = arith.constant 0 : i32
      %dma_start3A_184 = arith.constant 0 : i32
      %dma_start3A_185 = tpu.memref_slice %arg8[%run_scoped3A, %dma_start3A_183, %dma_start3A_184] : memref<8x128x64xf32, #tpu.memory_space<vmem>> -> memref<1x128x64xf32, #tpu.memory_space<vmem>>
      %dma_start3A_186 = tpu.memref_squeeze %dma_start3A_185 : memref<1x128x64xf32, #tpu.memory_space<vmem>> -> memref<128x64xf32, #tpu.memory_space<vmem>>
      tpu.enqueue_dma source(%dma_start3A_186 : memref<128x64xf32, #tpu.memory_space<vmem>>) target(%dma_start3A_182 : memref<128x64xf32, #tpu.memory_space<vmem_shared>>) target_semaphore(%run_scoped3A_174 : memref<!tpu.dma_semaphore, #tpu.memory_space<semaphore_mem>>)
      %dma_wait3A_187 = arith.constant 0 : i32
      %dma_wait3A_188 = arith.constant 0 : i32
      %dma_wait3A_189 = tpu.memref_slice %arg8[%run_scoped3A, %dma_wait3A_187, %dma_wait3A_188] : memref<8x128x64xf32, #tpu.memory_space<vmem>> -> memref<1x128x64xf32, #tpu.memory_space<vmem>>
      %dma_wait3A_190 = tpu.memref_squeeze %dma_wait3A_189 : memref<1x128x64xf32, #tpu.memory_space<vmem>> -> memref<128x64xf32, #tpu.memory_space<vmem>>
      %dma_wait3A_191 = arith.constant 0 : i32
      %dma_wait3A_192 = tpu.memref_slice %arg9[%add3A_25, %dma_wait3A_191] : memref<10240x64xf32, #tpu.memory_space<vmem_shared>> -> memref<128x64xf32, #tpu.memory_space<vmem_shared>>
      %dma_wait3A_193 = arith.constant 0 : i32
      %dma_wait3A_194 = tpu.memref_slice %arg9[%add3A_25, %dma_wait3A_193] : memref<10240x64xf32, #tpu.memory_space<vmem_shared>> -> memref<128x64xf32, #tpu.memory_space<vmem_shared>>
      %dma_wait3A_195 = arith.constant 0 : i32
      %dma_wait3A_196 = arith.constant 0 : i32
      %dma_wait3A_197 = tpu.memref_slice %arg8[%run_scoped3A, %dma_wait3A_195, %dma_wait3A_196] : memref<8x128x64xf32, #tpu.memory_space<vmem>> -> memref<1x128x64xf32, #tpu.memory_space<vmem>>
      %dma_wait3A_198 = tpu.memref_squeeze %dma_wait3A_197 : memref<1x128x64xf32, #tpu.memory_space<vmem>> -> memref<128x64xf32, #tpu.memory_space<vmem>>
      tpu.wait_dma2 semaphore(%run_scoped3A_174 : memref<!tpu.dma_semaphore, #tpu.memory_space<semaphore_mem>>) src(%dma_wait3A_198 : memref<128x64xf32, #tpu.memory_space<vmem>>) dst(%dma_wait3A_194 : memref<128x64xf32, #tpu.memory_space<vmem_shared>>)
      tpu.yield
    }) : () -> ()
    %mul3A_26 = arith.constant 640 : i32
    %mul3A_27 = arith.muli %arg1, %mul3A_26 : i32
    %add3A_28 = arith.constant 128 : i32
    %add3A_29 = arith.addi %mul3A_27, %add3A_28 : i32
    %run_scoped3A_30 = arith.constant 0 : i32
    "tpu.region"() ({
      %run_scoped3A_174 = tpu.sem_alloc : memref<!tpu.dma_semaphore, #tpu.memory_space<semaphore_mem>>
      %dma_start3A_175 = arith.constant 0 : i32
      %dma_start3A_176 = arith.constant 0 : i32
      %dma_start3A_177 = tpu.memref_slice %arg8[%run_scoped3A_30, %dma_start3A_175, %dma_start3A_176] : memref<8x128x64xf32, #tpu.memory_space<vmem>> -> memref<1x128x64xf32, #tpu.memory_space<vmem>>
      %dma_start3A_178 = tpu.memref_squeeze %dma_start3A_177 : memref<1x128x64xf32, #tpu.memory_space<vmem>> -> memref<128x64xf32, #tpu.memory_space<vmem>>
      %dma_start3A_179 = arith.constant 0 : i32
      %dma_start3A_180 = tpu.memref_slice %arg9[%add3A_29, %dma_start3A_179] : memref<10240x64xf32, #tpu.memory_space<vmem_shared>> -> memref<128x64xf32, #tpu.memory_space<vmem_shared>>
      %dma_start3A_181 = arith.constant 0 : i32
      %dma_start3A_182 = tpu.memref_slice %arg9[%add3A_29, %dma_start3A_181] : memref<10240x64xf32, #tpu.memory_space<vmem_shared>> -> memref<128x64xf32, #tpu.memory_space<vmem_shared>>
      %dma_start3A_183 = arith.constant 0 : i32
      %dma_start3A_184 = arith.constant 0 : i32
      %dma_start3A_185 = tpu.memref_slice %arg8[%run_scoped3A_30, %dma_start3A_183, %dma_start3A_184] : memref<8x128x64xf32, #tpu.memory_space<vmem>> -> memref<1x128x64xf32, #tpu.memory_space<vmem>>
      %dma_start3A_186 = tpu.memref_squeeze %dma_start3A_185 : memref<1x128x64xf32, #tpu.memory_space<vmem>> -> memref<128x64xf32, #tpu.memory_space<vmem>>
      tpu.enqueue_dma source(%dma_start3A_186 : memref<128x64xf32, #tpu.memory_space<vmem>>) target(%dma_start3A_182 : memref<128x64xf32, #tpu.memory_space<vmem_shared>>) target_semaphore(%run_scoped3A_174 : memref<!tpu.dma_semaphore, #tpu.memory_space<semaphore_mem>>)
      %dma_wait3A_187 = arith.constant 0 : i32
      %dma_wait3A_188 = arith.constant 0 : i32
      %dma_wait3A_189 = tpu.memref_slice %arg8[%run_scoped3A_30, %dma_wait3A_187, %dma_wait3A_188] : memref<8x128x64xf32, #tpu.memory_space<vmem>> -> memref<1x128x64xf32, #tpu.memory_space<vmem>>
      %dma_wait3A_190 = tpu.memref_squeeze %dma_wait3A_189 : memref<1x128x64xf32, #tpu.memory_space<vmem>> -> memref<128x64xf32, #tpu.memory_space<vmem>>
      %dma_wait3A_191 = arith.constant 0 : i32
      %dma_wait3A_192 = tpu.memref_slice %arg9[%add3A_29, %dma_wait3A_191] : memref<10240x64xf32, #tpu.memory_space<vmem_shared>> -> memref<128x64xf32, #tpu.memory_space<vmem_shared>>
      %dma_wait3A_193 = arith.constant 0 : i32
      %dma_wait3A_194 = tpu.memref_slice %arg9[%add3A_29, %dma_wait3A_193] : memref<10240x64xf32, #tpu.memory_space<vmem_shared>> -> memref<128x64xf32, #tpu.memory_space<vmem_shared>>
      %dma_wait3A_195 = arith.constant 0 : i32
      %dma_wait3A_196 = arith.constant 0 : i32
      %dma_wait3A_197 = tpu.memref_slice %arg8[%run_scoped3A_30, %dma_wait3A_195, %dma_wait3A_196] : memref<8x128x64xf32, #tpu.memory_space<vmem>> -> memref<1x128x64xf32, #tpu.memory_space<vmem>>
      %dma_wait3A_198 = tpu.memref_squeeze %dma_wait3A_197 : memref<1x128x64xf32, #tpu.memory_space<vmem>> -> memref<128x64xf32, #tpu.memory_space<vmem>>
      tpu.wait_dma2 semaphore(%run_scoped3A_174 : memref<!tpu.dma_semaphore, #tpu.memory_space<semaphore_mem>>) src(%dma_wait3A_198 : memref<128x64xf32, #tpu.memory_space<vmem>>) dst(%dma_wait3A_194 : memref<128x64xf32, #tpu.memory_space<vmem_shared>>)
      tpu.yield
    }) : () -> ()
    %mul3A_31 = arith.constant 640 : i32
    %mul3A_32 = arith.muli %arg1, %mul3A_31 : i32
    %add3A_33 = arith.constant 256 : i32
    %add3A_34 = arith.addi %mul3A_32, %add3A_33 : i32
    %run_scoped3A_35 = arith.constant 0 : i32
    "tpu.region"() ({
      %run_scoped3A_174 = tpu.sem_alloc : memref<!tpu.dma_semaphore, #tpu.memory_space<semaphore_mem>>
      %dma_start3A_175 = arith.constant 0 : i32
      %dma_start3A_176 = arith.constant 0 : i32
      %dma_start3A_177 = tpu.memref_slice %arg8[%run_scoped3A_35, %dma_start3A_175, %dma_start3A_176] : memref<8x128x64xf32, #tpu.memory_space<vmem>> -> memref<1x128x64xf32, #tpu.memory_space<vmem>>
      %dma_start3A_178 = tpu.memref_squeeze %dma_start3A_177 : memref<1x128x64xf32, #tpu.memory_space<vmem>> -> memref<128x64xf32, #tpu.memory_space<vmem>>
      %dma_start3A_179 = arith.constant 0 : i32
      %dma_start3A_180 = tpu.memref_slice %arg9[%add3A_34, %dma_start3A_179] : memref<10240x64xf32, #tpu.memory_space<vmem_shared>> -> memref<128x64xf32, #tpu.memory_space<vmem_shared>>
      %dma_start3A_181 = arith.constant 0 : i32
      %dma_start3A_182 = tpu.memref_slice %arg9[%add3A_34, %dma_start3A_181] : memref<10240x64xf32, #tpu.memory_space<vmem_shared>> -> memref<128x64xf32, #tpu.memory_space<vmem_shared>>
      %dma_start3A_183 = arith.constant 0 : i32
      %dma_start3A_184 = arith.constant 0 : i32
      %dma_start3A_185 = tpu.memref_slice %arg8[%run_scoped3A_35, %dma_start3A_183, %dma_start3A_184] : memref<8x128x64xf32, #tpu.memory_space<vmem>> -> memref<1x128x64xf32, #tpu.memory_space<vmem>>
      %dma_start3A_186 = tpu.memref_squeeze %dma_start3A_185 : memref<1x128x64xf32, #tpu.memory_space<vmem>> -> memref<128x64xf32, #tpu.memory_space<vmem>>
      tpu.enqueue_dma source(%dma_start3A_186 : memref<128x64xf32, #tpu.memory_space<vmem>>) target(%dma_start3A_182 : memref<128x64xf32, #tpu.memory_space<vmem_shared>>) target_semaphore(%run_scoped3A_174 : memref<!tpu.dma_semaphore, #tpu.memory_space<semaphore_mem>>)
      %dma_wait3A_187 = arith.constant 0 : i32
      %dma_wait3A_188 = arith.constant 0 : i32
      %dma_wait3A_189 = tpu.memref_slice %arg8[%run_scoped3A_35, %dma_wait3A_187, %dma_wait3A_188] : memref<8x128x64xf32, #tpu.memory_space<vmem>> -> memref<1x128x64xf32, #tpu.memory_space<vmem>>
      %dma_wait3A_190 = tpu.memref_squeeze %dma_wait3A_189 : memref<1x128x64xf32, #tpu.memory_space<vmem>> -> memref<128x64xf32, #tpu.memory_space<vmem>>
      %dma_wait3A_191 = arith.constant 0 : i32
      %dma_wait3A_192 = tpu.memref_slice %arg9[%add3A_34, %dma_wait3A_191] : memref<10240x64xf32, #tpu.memory_space<vmem_shared>> -> memref<128x64xf32, #tpu.memory_space<vmem_shared>>
      %dma_wait3A_193 = arith.constant 0 : i32
      %dma_wait3A_194 = tpu.memref_slice %arg9[%add3A_34, %dma_wait3A_193] : memref<10240x64xf32, #tpu.memory_space<vmem_shared>> -> memref<128x64xf32, #tpu.memory_space<vmem_shared>>
      %dma_wait3A_195 = arith.constant 0 : i32
      %dma_wait3A_196 = arith.constant 0 : i32
      %dma_wait3A_197 = tpu.memref_slice %arg8[%run_scoped3A_35, %dma_wait3A_195, %dma_wait3A_196] : memref<8x128x64xf32, #tpu.memory_space<vmem>> -> memref<1x128x64xf32, #tpu.memory_space<vmem>>
      %dma_wait3A_198 = tpu.memref_squeeze %dma_wait3A_197 : memref<1x128x64xf32, #tpu.memory_space<vmem>> -> memref<128x64xf32, #tpu.memory_space<vmem>>
      tpu.wait_dma2 semaphore(%run_scoped3A_174 : memref<!tpu.dma_semaphore, #tpu.memory_space<semaphore_mem>>) src(%dma_wait3A_198 : memref<128x64xf32, #tpu.memory_space<vmem>>) dst(%dma_wait3A_194 : memref<128x64xf32, #tpu.memory_space<vmem_shared>>)
      tpu.yield
    }) : () -> ()
    %mul3A_36 = arith.constant 640 : i32
    %mul3A_37 = arith.muli %arg1, %mul3A_36 : i32
    %add3A_38 = arith.constant 384 : i32
    %add3A_39 = arith.addi %mul3A_37, %add3A_38 : i32
    %run_scoped3A_40 = arith.constant 0 : i32
    "tpu.region"() ({
      %run_scoped3A_174 = tpu.sem_alloc : memref<!tpu.dma_semaphore, #tpu.memory_space<semaphore_mem>>
      %dma_start3A_175 = arith.constant 0 : i32
      %dma_start3A_176 = arith.constant 0 : i32
      %dma_start3A_177 = tpu.memref_slice %arg8[%run_scoped3A_40, %dma_start3A_175, %dma_start3A_176] : memref<8x128x64xf32, #tpu.memory_space<vmem>> -> memref<1x128x64xf32, #tpu.memory_space<vmem>>
      %dma_start3A_178 = tpu.memref_squeeze %dma_start3A_177 : memref<1x128x64xf32, #tpu.memory_space<vmem>> -> memref<128x64xf32, #tpu.memory_space<vmem>>
      %dma_start3A_179 = arith.constant 0 : i32
      %dma_start3A_180 = tpu.memref_slice %arg9[%add3A_39, %dma_start3A_179] : memref<10240x64xf32, #tpu.memory_space<vmem_shared>> -> memref<128x64xf32, #tpu.memory_space<vmem_shared>>
      %dma_start3A_181 = arith.constant 0 : i32
      %dma_start3A_182 = tpu.memref_slice %arg9[%add3A_39, %dma_start3A_181] : memref<10240x64xf32, #tpu.memory_space<vmem_shared>> -> memref<128x64xf32, #tpu.memory_space<vmem_shared>>
      %dma_start3A_183 = arith.constant 0 : i32
      %dma_start3A_184 = arith.constant 0 : i32
      %dma_start3A_185 = tpu.memref_slice %arg8[%run_scoped3A_40, %dma_start3A_183, %dma_start3A_184] : memref<8x128x64xf32, #tpu.memory_space<vmem>> -> memref<1x128x64xf32, #tpu.memory_space<vmem>>
      %dma_start3A_186 = tpu.memref_squeeze %dma_start3A_185 : memref<1x128x64xf32, #tpu.memory_space<vmem>> -> memref<128x64xf32, #tpu.memory_space<vmem>>
      tpu.enqueue_dma source(%dma_start3A_186 : memref<128x64xf32, #tpu.memory_space<vmem>>) target(%dma_start3A_182 : memref<128x64xf32, #tpu.memory_space<vmem_shared>>) target_semaphore(%run_scoped3A_174 : memref<!tpu.dma_semaphore, #tpu.memory_space<semaphore_mem>>)
      %dma_wait3A_187 = arith.constant 0 : i32
      %dma_wait3A_188 = arith.constant 0 : i32
      %dma_wait3A_189 = tpu.memref_slice %arg8[%run_scoped3A_40, %dma_wait3A_187, %dma_wait3A_188] : memref<8x128x64xf32, #tpu.memory_space<vmem>> -> memref<1x128x64xf32, #tpu.memory_space<vmem>>
      %dma_wait3A_190 = tpu.memref_squeeze %dma_wait3A_189 : memref<1x128x64xf32, #tpu.memory_space<vmem>> -> memref<128x64xf32, #tpu.memory_space<vmem>>
      %dma_wait3A_191 = arith.constant 0 : i32
      %dma_wait3A_192 = tpu.memref_slice %arg9[%add3A_39, %dma_wait3A_191] : memref<10240x64xf32, #tpu.memory_space<vmem_shared>> -> memref<128x64xf32, #tpu.memory_space<vmem_shared>>
      %dma_wait3A_193 = arith.constant 0 : i32
      %dma_wait3A_194 = tpu.memref_slice %arg9[%add3A_39, %dma_wait3A_193] : memref<10240x64xf32, #tpu.memory_space<vmem_shared>> -> memref<128x64xf32, #tpu.memory_space<vmem_shared>>
      %dma_wait3A_195 = arith.constant 0 : i32
      %dma_wait3A_196 = arith.constant 0 : i32
      %dma_wait3A_197 = tpu.memref_slice %arg8[%run_scoped3A_40, %dma_wait3A_195, %dma_wait3A_196] : memref<8x128x64xf32, #tpu.memory_space<vmem>> -> memref<1x128x64xf32, #tpu.memory_space<vmem>>
      %dma_wait3A_198 = tpu.memref_squeeze %dma_wait3A_197 : memref<1x128x64xf32, #tpu.memory_space<vmem>> -> memref<128x64xf32, #tpu.memory_space<vmem>>
      tpu.wait_dma2 semaphore(%run_scoped3A_174 : memref<!tpu.dma_semaphore, #tpu.memory_space<semaphore_mem>>) src(%dma_wait3A_198 : memref<128x64xf32, #tpu.memory_space<vmem>>) dst(%dma_wait3A_194 : memref<128x64xf32, #tpu.memory_space<vmem_shared>>)
      tpu.yield
    }) : () -> ()
    %mul3A_41 = arith.constant 640 : i32
    %mul3A_42 = arith.muli %arg1, %mul3A_41 : i32
    %add3A_43 = arith.constant 512 : i32
    %add3A_44 = arith.addi %mul3A_42, %add3A_43 : i32
    %run_scoped3A_45 = arith.constant 0 : i32
    "tpu.region"() ({
      %run_scoped3A_174 = tpu.sem_alloc : memref<!tpu.dma_semaphore, #tpu.memory_space<semaphore_mem>>
      %dma_start3A_175 = arith.constant 0 : i32
      %dma_start3A_176 = arith.constant 0 : i32
      %dma_start3A_177 = tpu.memref_slice %arg8[%run_scoped3A_45, %dma_start3A_175, %dma_start3A_176] : memref<8x128x64xf32, #tpu.memory_space<vmem>> -> memref<1x128x64xf32, #tpu.memory_space<vmem>>
      %dma_start3A_178 = tpu.memref_squeeze %dma_start3A_177 : memref<1x128x64xf32, #tpu.memory_space<vmem>> -> memref<128x64xf32, #tpu.memory_space<vmem>>
      %dma_start3A_179 = arith.constant 0 : i32
      %dma_start3A_180 = tpu.memref_slice %arg9[%add3A_44, %dma_start3A_179] : memref<10240x64xf32, #tpu.memory_space<vmem_shared>> -> memref<128x64xf32, #tpu.memory_space<vmem_shared>>
      %dma_start3A_181 = arith.constant 0 : i32
      %dma_start3A_182 = tpu.memref_slice %arg9[%add3A_44, %dma_start3A_181] : memref<10240x64xf32, #tpu.memory_space<vmem_shared>> -> memref<128x64xf32, #tpu.memory_space<vmem_shared>>
      %dma_start3A_183 = arith.constant 0 : i32
      %dma_start3A_184 = arith.constant 0 : i32
      %dma_start3A_185 = tpu.memref_slice %arg8[%run_scoped3A_45, %dma_start3A_183, %dma_start3A_184] : memref<8x128x64xf32, #tpu.memory_space<vmem>> -> memref<1x128x64xf32, #tpu.memory_space<vmem>>
      %dma_start3A_186 = tpu.memref_squeeze %dma_start3A_185 : memref<1x128x64xf32, #tpu.memory_space<vmem>> -> memref<128x64xf32, #tpu.memory_space<vmem>>
      tpu.enqueue_dma source(%dma_start3A_186 : memref<128x64xf32, #tpu.memory_space<vmem>>) target(%dma_start3A_182 : memref<128x64xf32, #tpu.memory_space<vmem_shared>>) target_semaphore(%run_scoped3A_174 : memref<!tpu.dma_semaphore, #tpu.memory_space<semaphore_mem>>)
      %dma_wait3A_187 = arith.constant 0 : i32
      %dma_wait3A_188 = arith.constant 0 : i32
      %dma_wait3A_189 = tpu.memref_slice %arg8[%run_scoped3A_45, %dma_wait3A_187, %dma_wait3A_188] : memref<8x128x64xf32, #tpu.memory_space<vmem>> -> memref<1x128x64xf32, #tpu.memory_space<vmem>>
      %dma_wait3A_190 = tpu.memref_squeeze %dma_wait3A_189 : memref<1x128x64xf32, #tpu.memory_space<vmem>> -> memref<128x64xf32, #tpu.memory_space<vmem>>
      %dma_wait3A_191 = arith.constant 0 : i32
      %dma_wait3A_192 = tpu.memref_slice %arg9[%add3A_44, %dma_wait3A_191] : memref<10240x64xf32, #tpu.memory_space<vmem_shared>> -> memref<128x64xf32, #tpu.memory_space<vmem_shared>>
      %dma_wait3A_193 = arith.constant 0 : i32
      %dma_wait3A_194 = tpu.memref_slice %arg9[%add3A_44, %dma_wait3A_193] : memref<10240x64xf32, #tpu.memory_space<vmem_shared>> -> memref<128x64xf32, #tpu.memory_space<vmem_shared>>
      %dma_wait3A_195 = arith.constant 0 : i32
      %dma_wait3A_196 = arith.constant 0 : i32
      %dma_wait3A_197 = tpu.memref_slice %arg8[%run_scoped3A_45, %dma_wait3A_195, %dma_wait3A_196] : memref<8x128x64xf32, #tpu.memory_space<vmem>> -> memref<1x128x64xf32, #tpu.memory_space<vmem>>
      %dma_wait3A_198 = tpu.memref_squeeze %dma_wait3A_197 : memref<1x128x64xf32, #tpu.memory_space<vmem>> -> memref<128x64xf32, #tpu.memory_space<vmem>>
      tpu.wait_dma2 semaphore(%run_scoped3A_174 : memref<!tpu.dma_semaphore, #tpu.memory_space<semaphore_mem>>) src(%dma_wait3A_198 : memref<128x64xf32, #tpu.memory_space<vmem>>) dst(%dma_wait3A_194 : memref<128x64xf32, #tpu.memory_space<vmem_shared>>)
      tpu.yield
    }) : () -> ()
    %dma_wait3A = arith.constant 0 : i32
    %dma_wait3A_46 = arith.constant 0 : i32
    %dma_wait3A_47 = tpu.memref_slice %arg3[%add3A, %dma_wait3A, %dma_wait3A_46] : memref<32x80x128xi32, #tpu.memory_space<hbm>> -> memref<1x80x128xi32, #tpu.memory_space<hbm>>
    %dma_wait3A_48 = tpu.memref_squeeze %dma_wait3A_47 : memref<1x80x128xi32, #tpu.memory_space<hbm>> -> memref<80x128xi32, #tpu.memory_space<hbm>>
    %dma_wait3A_49 = arith.constant 0 : i32
    %dma_wait3A_50 = arith.constant 0 : i32
    %dma_wait3A_51 = tpu.memref_slice %arg3[%add3A, %dma_wait3A_49, %dma_wait3A_50] : memref<32x80x128xi32, #tpu.memory_space<hbm>> -> memref<1x80x128xi32, #tpu.memory_space<hbm>>
    %dma_wait3A_52 = tpu.memref_squeeze %dma_wait3A_51 : memref<1x80x128xi32, #tpu.memory_space<hbm>> -> memref<80x128xi32, #tpu.memory_space<hbm>>
    tpu.wait_dma2 semaphore(%arg11 : memref<!tpu.dma_semaphore, #tpu.memory_space<semaphore_mem>>) src(%dma_wait3A_52 : memref<80x128xi32, #tpu.memory_space<hbm>>) dst(%arg6 : memref<80x128xi32, #tpu.memory_space<vmem>>)
    %dma_wait3A_53 = arith.constant 0 : i32
    %dma_wait3A_54 = arith.constant 0 : i32
    %dma_wait3A_55 = tpu.memref_slice %arg4[%add3A, %dma_wait3A_53, %dma_wait3A_54] : memref<32x80x128xi32, #tpu.memory_space<hbm>> -> memref<1x80x128xi32, #tpu.memory_space<hbm>>
    %dma_wait3A_56 = tpu.memref_squeeze %dma_wait3A_55 : memref<1x80x128xi32, #tpu.memory_space<hbm>> -> memref<80x128xi32, #tpu.memory_space<hbm>>
    %dma_wait3A_57 = arith.constant 0 : i32
    %dma_wait3A_58 = arith.constant 0 : i32
    %dma_wait3A_59 = tpu.memref_slice %arg4[%add3A, %dma_wait3A_57, %dma_wait3A_58] : memref<32x80x128xi32, #tpu.memory_space<hbm>> -> memref<1x80x128xi32, #tpu.memory_space<hbm>>
    %dma_wait3A_60 = tpu.memref_squeeze %dma_wait3A_59 : memref<1x80x128xi32, #tpu.memory_space<hbm>> -> memref<80x128xi32, #tpu.memory_space<hbm>>
    tpu.wait_dma2 semaphore(%arg11 : memref<!tpu.dma_semaphore, #tpu.memory_space<semaphore_mem>>) src(%dma_wait3A_60 : memref<80x128xi32, #tpu.memory_space<hbm>>) dst(%arg7 : memref<80x128xi32, #tpu.memory_space<vmem>>)
    %barrier3A = arith.constant 0 : index
    tpu.barrier barrier_id(%barrier3A)
    %dma_start3A_61 = arith.constant 0 : i32
    %dma_start3A_62 = arith.constant 0 : i32
    %dma_start3A_63 = arith.constant 0 : i32
    %dma_start3A_64 = arith.constant 0 : i32
    %dma_start3A_65 = tpu.memref_slice %arg8[%dma_start3A_62, %dma_start3A_63, %dma_start3A_64] : memref<8x128x64xf32, #tpu.memory_space<vmem>> -> memref<1x128x64xf32, #tpu.memory_space<vmem>>
    %dma_start3A_66 = tpu.memref_squeeze %dma_start3A_65 : memref<1x128x64xf32, #tpu.memory_space<vmem>> -> memref<128x64xf32, #tpu.memory_space<vmem>>
    %dma_start3A_67 = arith.constant 0 : i32
    %dma_start3A_68 = tpu.memref_slice %arg6[%dma_start3A_61, %dma_start3A_67] : memref<80x128xi32, #tpu.memory_space<vmem>> -> memref<1x128xi32, #tpu.memory_space<vmem>>
    %dma_start3A_69 = tpu.memref_squeeze %dma_start3A_68 : memref<1x128xi32, #tpu.memory_space<vmem>> -> memref<128xi32, #tpu.memory_space<vmem>>
    %dma_start3A_70 = arith.constant 0 : i32
    %dma_start3A_71 = arith.constant 0 : i32
    %dma_start3A_72 = tpu.memref_slice %arg2[%dma_start3A_70, %dma_start3A_71] : memref<10000x64xf32, #tpu.memory_space<hbm>> -> memref<10000x64xf32, #tpu.memory_space<hbm>>
    tpu.enqueue_indirect_dma source(%dma_start3A_72 : memref<10000x64xf32, #tpu.memory_space<hbm>>) target(%dma_start3A_66 : memref<128x64xf32, #tpu.memory_space<vmem>>) offsets(%dma_start3A_69 : memref<128xi32, #tpu.memory_space<vmem>>) semaphore(%arg10 : memref<!tpu.dma_semaphore, #tpu.memory_space<semaphore_mem>>)
    %dma_start3A_73 = arith.constant 1 : i32
    %dma_start3A_74 = arith.constant 1 : i32
    %dma_start3A_75 = arith.constant 0 : i32
    %dma_start3A_76 = arith.constant 0 : i32
    %dma_start3A_77 = tpu.memref_slice %arg8[%dma_start3A_74, %dma_start3A_75, %dma_start3A_76] : memref<8x128x64xf32, #tpu.memory_space<vmem>> -> memref<1x128x64xf32, #tpu.memory_space<vmem>>
    %dma_start3A_78 = tpu.memref_squeeze %dma_start3A_77 : memref<1x128x64xf32, #tpu.memory_space<vmem>> -> memref<128x64xf32, #tpu.memory_space<vmem>>
    %dma_start3A_79 = arith.constant 0 : i32
    %dma_start3A_80 = tpu.memref_slice %arg6[%dma_start3A_73, %dma_start3A_79] : memref<80x128xi32, #tpu.memory_space<vmem>> -> memref<1x128xi32, #tpu.memory_space<vmem>>
    %dma_start3A_81 = tpu.memref_squeeze %dma_start3A_80 : memref<1x128xi32, #tpu.memory_space<vmem>> -> memref<128xi32, #tpu.memory_space<vmem>>
    %dma_start3A_82 = arith.constant 0 : i32
    %dma_start3A_83 = arith.constant 0 : i32
    %dma_start3A_84 = tpu.memref_slice %arg2[%dma_start3A_82, %dma_start3A_83] : memref<10000x64xf32, #tpu.memory_space<hbm>> -> memref<10000x64xf32, #tpu.memory_space<hbm>>
    tpu.enqueue_indirect_dma source(%dma_start3A_84 : memref<10000x64xf32, #tpu.memory_space<hbm>>) target(%dma_start3A_78 : memref<128x64xf32, #tpu.memory_space<vmem>>) offsets(%dma_start3A_81 : memref<128xi32, #tpu.memory_space<vmem>>) semaphore(%arg10 : memref<!tpu.dma_semaphore, #tpu.memory_space<semaphore_mem>>)
    %dma_start3A_85 = arith.constant 2 : i32
    %dma_start3A_86 = arith.constant 2 : i32
    %dma_start3A_87 = arith.constant 0 : i32
    %dma_start3A_88 = arith.constant 0 : i32
    %dma_start3A_89 = tpu.memref_slice %arg8[%dma_start3A_86, %dma_start3A_87, %dma_start3A_88] : memref<8x128x64xf32, #tpu.memory_space<vmem>> -> memref<1x128x64xf32, #tpu.memory_space<vmem>>
    %dma_start3A_90 = tpu.memref_squeeze %dma_start3A_89 : memref<1x128x64xf32, #tpu.memory_space<vmem>> -> memref<128x64xf32, #tpu.memory_space<vmem>>
    %dma_start3A_91 = arith.constant 0 : i32
    %dma_start3A_92 = tpu.memref_slice %arg6[%dma_start3A_85, %dma_start3A_91] : memref<80x128xi32, #tpu.memory_space<vmem>> -> memref<1x128xi32, #tpu.memory_space<vmem>>
    %dma_start3A_93 = tpu.memref_squeeze %dma_start3A_92 : memref<1x128xi32, #tpu.memory_space<vmem>> -> memref<128xi32, #tpu.memory_space<vmem>>
    %dma_start3A_94 = arith.constant 0 : i32
    %dma_start3A_95 = arith.constant 0 : i32
    %dma_start3A_96 = tpu.memref_slice %arg2[%dma_start3A_94, %dma_start3A_95] : memref<10000x64xf32, #tpu.memory_space<hbm>> -> memref<10000x64xf32, #tpu.memory_space<hbm>>
    tpu.enqueue_indirect_dma source(%dma_start3A_96 : memref<10000x64xf32, #tpu.memory_space<hbm>>) target(%dma_start3A_90 : memref<128x64xf32, #tpu.memory_space<vmem>>) offsets(%dma_start3A_93 : memref<128xi32, #tpu.memory_space<vmem>>) semaphore(%arg10 : memref<!tpu.dma_semaphore, #tpu.memory_space<semaphore_mem>>)
    %dma_start3A_97 = arith.constant 3 : i32
    %dma_start3A_98 = arith.constant 3 : i32
    %dma_start3A_99 = arith.constant 0 : i32
    %dma_start3A_100 = arith.constant 0 : i32
    %dma_start3A_101 = tpu.memref_slice %arg8[%dma_start3A_98, %dma_start3A_99, %dma_start3A_100] : memref<8x128x64xf32, #tpu.memory_space<vmem>> -> memref<1x128x64xf32, #tpu.memory_space<vmem>>
    %dma_start3A_102 = tpu.memref_squeeze %dma_start3A_101 : memref<1x128x64xf32, #tpu.memory_space<vmem>> -> memref<128x64xf32, #tpu.memory_space<vmem>>
    %dma_start3A_103 = arith.constant 0 : i32
    %dma_start3A_104 = tpu.memref_slice %arg6[%dma_start3A_97, %dma_start3A_103] : memref<80x128xi32, #tpu.memory_space<vmem>> -> memref<1x128xi32, #tpu.memory_space<vmem>>
    %dma_start3A_105 = tpu.memref_squeeze %dma_start3A_104 : memref<1x128xi32, #tpu.memory_space<vmem>> -> memref<128xi32, #tpu.memory_space<vmem>>
    %dma_start3A_106 = arith.constant 0 : i32
    %dma_start3A_107 = arith.constant 0 : i32
    %dma_start3A_108 = tpu.memref_slice %arg2[%dma_start3A_106, %dma_start3A_107] : memref<10000x64xf32, #tpu.memory_space<hbm>> -> memref<10000x64xf32, #tpu.memory_space<hbm>>
    tpu.enqueue_indirect_dma source(%dma_start3A_108 : memref<10000x64xf32, #tpu.memory_space<hbm>>) target(%dma_start3A_102 : memref<128x64xf32, #tpu.memory_space<vmem>>) offsets(%dma_start3A_105 : memref<128xi32, #tpu.memory_space<vmem>>) semaphore(%arg10 : memref<!tpu.dma_semaphore, #tpu.memory_space<semaphore_mem>>)
    %dma_start3A_109 = arith.constant 4 : i32
    %dma_start3A_110 = arith.constant 4 : i32
    %dma_start3A_111 = arith.constant 0 : i32
    %dma_start3A_112 = arith.constant 0 : i32
    %dma_start3A_113 = tpu.memref_slice %arg8[%dma_start3A_110, %dma_start3A_111, %dma_start3A_112] : memref<8x128x64xf32, #tpu.memory_space<vmem>> -> memref<1x128x64xf32, #tpu.memory_space<vmem>>
    %dma_start3A_114 = tpu.memref_squeeze %dma_start3A_113 : memref<1x128x64xf32, #tpu.memory_space<vmem>> -> memref<128x64xf32, #tpu.memory_space<vmem>>
    %dma_start3A_115 = arith.constant 0 : i32
    %dma_start3A_116 = tpu.memref_slice %arg6[%dma_start3A_109, %dma_start3A_115] : memref<80x128xi32, #tpu.memory_space<vmem>> -> memref<1x128xi32, #tpu.memory_space<vmem>>
    %dma_start3A_117 = tpu.memref_squeeze %dma_start3A_116 : memref<1x128xi32, #tpu.memory_space<vmem>> -> memref<128xi32, #tpu.memory_space<vmem>>
    %dma_start3A_118 = arith.constant 0 : i32
    %dma_start3A_119 = arith.constant 0 : i32
    %dma_start3A_120 = tpu.memref_slice %arg2[%dma_start3A_118, %dma_start3A_119] : memref<10000x64xf32, #tpu.memory_space<hbm>> -> memref<10000x64xf32, #tpu.memory_space<hbm>>
    tpu.enqueue_indirect_dma source(%dma_start3A_120 : memref<10000x64xf32, #tpu.memory_space<hbm>>) target(%dma_start3A_114 : memref<128x64xf32, #tpu.memory_space<vmem>>) offsets(%dma_start3A_117 : memref<128xi32, #tpu.memory_space<vmem>>) semaphore(%arg10 : memref<!tpu.dma_semaphore, #tpu.memory_space<semaphore_mem>>)
    %dma_start3A_121 = arith.constant 5 : i32
    %dma_start3A_122 = arith.constant 5 : i32
    %dma_start3A_123 = arith.constant 0 : i32
    %dma_start3A_124 = arith.constant 0 : i32
    %dma_start3A_125 = tpu.memref_slice %arg8[%dma_start3A_122, %dma_start3A_123, %dma_start3A_124] : memref<8x128x64xf32, #tpu.memory_space<vmem>> -> memref<1x128x64xf32, #tpu.memory_space<vmem>>
    %dma_start3A_126 = tpu.memref_squeeze %dma_start3A_125 : memref<1x128x64xf32, #tpu.memory_space<vmem>> -> memref<128x64xf32, #tpu.memory_space<vmem>>
    %dma_start3A_127 = arith.constant 0 : i32
    %dma_start3A_128 = tpu.memref_slice %arg6[%dma_start3A_121, %dma_start3A_127] : memref<80x128xi32, #tpu.memory_space<vmem>> -> memref<1x128xi32, #tpu.memory_space<vmem>>
    %dma_start3A_129 = tpu.memref_squeeze %dma_start3A_128 : memref<1x128xi32, #tpu.memory_space<vmem>> -> memref<128xi32, #tpu.memory_space<vmem>>
    %dma_start3A_130 = arith.constant 0 : i32
    %dma_start3A_131 = arith.constant 0 : i32
    %dma_start3A_132 = tpu.memref_slice %arg2[%dma_start3A_130, %dma_start3A_131] : memref<10000x64xf32, #tpu.memory_space<hbm>> -> memref<10000x64xf32, #tpu.memory_space<hbm>>
    tpu.enqueue_indirect_dma source(%dma_start3A_132 : memref<10000x64xf32, #tpu.memory_space<hbm>>) target(%dma_start3A_126 : memref<128x64xf32, #tpu.memory_space<vmem>>) offsets(%dma_start3A_129 : memref<128xi32, #tpu.memory_space<vmem>>) semaphore(%arg10 : memref<!tpu.dma_semaphore, #tpu.memory_space<semaphore_mem>>)
    %dma_start3A_133 = arith.constant 6 : i32
    %dma_start3A_134 = arith.constant 6 : i32
    %dma_start3A_135 = arith.constant 0 : i32
    %dma_start3A_136 = arith.constant 0 : i32
    %dma_start3A_137 = tpu.memref_slice %arg8[%dma_start3A_134, %dma_start3A_135, %dma_start3A_136] : memref<8x128x64xf32, #tpu.memory_space<vmem>> -> memref<1x128x64xf32, #tpu.memory_space<vmem>>
    %dma_start3A_138 = tpu.memref_squeeze %dma_start3A_137 : memref<1x128x64xf32, #tpu.memory_space<vmem>> -> memref<128x64xf32, #tpu.memory_space<vmem>>
    %dma_start3A_139 = arith.constant 0 : i32
    %dma_start3A_140 = tpu.memref_slice %arg6[%dma_start3A_133, %dma_start3A_139] : memref<80x128xi32, #tpu.memory_space<vmem>> -> memref<1x128xi32, #tpu.memory_space<vmem>>
    %dma_start3A_141 = tpu.memref_squeeze %dma_start3A_140 : memref<1x128xi32, #tpu.memory_space<vmem>> -> memref<128xi32, #tpu.memory_space<vmem>>
    %dma_start3A_142 = arith.constant 0 : i32
    %dma_start3A_143 = arith.constant 0 : i32
    %dma_start3A_144 = tpu.memref_slice %arg2[%dma_start3A_142, %dma_start3A_143] : memref<10000x64xf32, #tpu.memory_space<hbm>> -> memref<10000x64xf32, #tpu.memory_space<hbm>>
    tpu.enqueue_indirect_dma source(%dma_start3A_144 : memref<10000x64xf32, #tpu.memory_space<hbm>>) target(%dma_start3A_138 : memref<128x64xf32, #tpu.memory_space<vmem>>) offsets(%dma_start3A_141 : memref<128xi32, #tpu.memory_space<vmem>>) semaphore(%arg10 : memref<!tpu.dma_semaphore, #tpu.memory_space<semaphore_mem>>)
    %dma_start3A_145 = arith.constant 7 : i32
    %dma_start3A_146 = arith.constant 7 : i32
    %dma_start3A_147 = arith.constant 0 : i32
    %dma_start3A_148 = arith.constant 0 : i32
    %dma_start3A_149 = tpu.memref_slice %arg8[%dma_start3A_146, %dma_start3A_147, %dma_start3A_148] : memref<8x128x64xf32, #tpu.memory_space<vmem>> -> memref<1x128x64xf32, #tpu.memory_space<vmem>>
    %dma_start3A_150 = tpu.memref_squeeze %dma_start3A_149 : memref<1x128x64xf32, #tpu.memory_space<vmem>> -> memref<128x64xf32, #tpu.memory_space<vmem>>
    %dma_start3A_151 = arith.constant 0 : i32
    %dma_start3A_152 = tpu.memref_slice %arg6[%dma_start3A_145, %dma_start3A_151] : memref<80x128xi32, #tpu.memory_space<vmem>> -> memref<1x128xi32, #tpu.memory_space<vmem>>
    %dma_start3A_153 = tpu.memref_squeeze %dma_start3A_152 : memref<1x128xi32, #tpu.memory_space<vmem>> -> memref<128xi32, #tpu.memory_space<vmem>>
    %dma_start3A_154 = arith.constant 0 : i32
    %dma_start3A_155 = arith.constant 0 : i32
    %dma_start3A_156 = tpu.memref_slice %arg2[%dma_start3A_154, %dma_start3A_155] : memref<10000x64xf32, #tpu.memory_space<hbm>> -> memref<10000x64xf32, #tpu.memory_space<hbm>>
    tpu.enqueue_indirect_dma source(%dma_start3A_156 : memref<10000x64xf32, #tpu.memory_space<hbm>>) target(%dma_start3A_150 : memref<128x64xf32, #tpu.memory_space<vmem>>) offsets(%dma_start3A_153 : memref<128xi32, #tpu.memory_space<vmem>>) semaphore(%arg10 : memref<!tpu.dma_semaphore, #tpu.memory_space<semaphore_mem>>)
    %scan3A_157 = arith.constant 0 : i32
    %scan3A_158 = arith.constant 0 : i32
    %scan3A_159 = arith.constant 80 : i32
    %scan3A_160 = arith.addi %scan3A_158, %scan3A_159 : i32
    %scan3A_161 = arith.constant 1 : i32
    scf.for %scan3A_174 = %scan3A_158 to %scan3A_160 step %scan3A_161  : i32 {
      %rem3A = arith.constant 8 : i32
      %rem3A_175 = arith.remsi %scan3A_174, %rem3A : i32
      %dma_wait3A_176 = arith.constant 0 : i32
      %dma_wait3A_177 = arith.constant 0 : i32
      %dma_wait3A_178 = tpu.memref_slice %arg8[%rem3A_175, %dma_wait3A_176, %dma_wait3A_177] : memref<8x128x64xf32, #tpu.memory_space<vmem>> -> memref<1x128x64xf32, #tpu.memory_space<vmem>>
      %dma_wait3A_179 = tpu.memref_squeeze %dma_wait3A_178 : memref<1x128x64xf32, #tpu.memory_space<vmem>> -> memref<128x64xf32, #tpu.memory_space<vmem>>
      %dma_wait3A_180 = arith.constant 0 : i32
      %dma_wait3A_181 = tpu.memref_slice %arg6[%scan3A_174, %dma_wait3A_180] : memref<80x128xi32, #tpu.memory_space<vmem>> -> memref<1x128xi32, #tpu.memory_space<vmem>>
      %dma_wait3A_182 = tpu.memref_squeeze %dma_wait3A_181 : memref<1x128xi32, #tpu.memory_space<vmem>> -> memref<128xi32, #tpu.memory_space<vmem>>
      %dma_wait3A_183 = arith.constant 0 : i32
      %dma_wait3A_184 = arith.constant 0 : i32
      %dma_wait3A_185 = tpu.memref_slice %arg2[%dma_wait3A_183, %dma_wait3A_184] : memref<10000x64xf32, #tpu.memory_space<hbm>> -> memref<10000x64xf32, #tpu.memory_space<hbm>>
      tpu.wait_indirect_dma semaphore(%arg10 : memref<!tpu.dma_semaphore, #tpu.memory_space<semaphore_mem>>) src(%dma_wait3A_185 : memref<10000x64xf32, #tpu.memory_space<hbm>>) dst(%dma_wait3A_179 : memref<128x64xf32, #tpu.memory_space<vmem>>)
      %dma_start3A_186 = arith.constant 0 : i32
      %dma_start3A_187 = arith.constant 0 : i32
      %dma_start3A_188 = tpu.memref_slice %arg8[%rem3A_175, %dma_start3A_186, %dma_start3A_187] : memref<8x128x64xf32, #tpu.memory_space<vmem>> -> memref<1x128x64xf32, #tpu.memory_space<vmem>>
      %dma_start3A_189 = tpu.memref_squeeze %dma_start3A_188 : memref<1x128x64xf32, #tpu.memory_space<vmem>> -> memref<128x64xf32, #tpu.memory_space<vmem>>
      %dma_start3A_190 = arith.constant 0 : i32
      %dma_start3A_191 = tpu.memref_slice %arg7[%scan3A_174, %dma_start3A_190] : memref<80x128xi32, #tpu.memory_space<vmem>> -> memref<1x128xi32, #tpu.memory_space<vmem>>
      %dma_start3A_192 = tpu.memref_squeeze %dma_start3A_191 : memref<1x128xi32, #tpu.memory_space<vmem>> -> memref<128xi32, #tpu.memory_space<vmem>>
      %dma_start3A_193 = arith.constant 0 : i32
      %dma_start3A_194 = arith.constant 0 : i32
      %dma_start3A_195 = tpu.memref_slice %arg9[%dma_start3A_193, %dma_start3A_194] : memref<10240x64xf32, #tpu.memory_space<vmem_shared>> -> memref<10240x64xf32, #tpu.memory_space<vmem_shared>>
      tpu.enqueue_indirect_dma source(%dma_start3A_189 : memref<128x64xf32, #tpu.memory_space<vmem>>) target(%dma_start3A_195 : memref<10240x64xf32, #tpu.memory_space<vmem_shared>>) offsets(%dma_start3A_192 : memref<128xi32, #tpu.memory_space<vmem>>) semaphore(%arg11 : memref<!tpu.dma_semaphore, #tpu.memory_space<semaphore_mem>>) {add = true}
      %sub3A = arith.constant 1 : i32
      %sub3A_196 = arith.subi %scan3A_174, %sub3A : i32
      %ge3A = arith.constant 0 : i32
      %ge3A_197 = arith.cmpi sge, %sub3A_196, %ge3A : i32
      %add3A_198 = arith.constant 8 : i32
      %add3A_199 = arith.addi %sub3A_196, %add3A_198 : i32
      %lt3A = arith.constant 80 : i32
      %lt3A_200 = arith.cmpi slt, %add3A_199, %lt3A : i32
      %and3A = arith.andi %ge3A_197, %lt3A_200 : i1
      %convert_element_type3A = arith.extui %and3A : i1 to i32
      %cond3A = arith.constant 0 : i32
      %cond3A_201 = arith.cmpi ne, %convert_element_type3A, %cond3A : i32
      scf.if %cond3A_201 {
        %rem3A_202 = arith.constant 8 : i32
        %rem3A_203 = arith.remsi %sub3A_196, %rem3A_202 : i32
        %dma_wait3A_204 = arith.constant 0 : i32
        %dma_wait3A_205 = arith.constant 0 : i32
        %dma_wait3A_206 = tpu.memref_slice %arg8[%rem3A_203, %dma_wait3A_204, %dma_wait3A_205] : memref<8x128x64xf32, #tpu.memory_space<vmem>> -> memref<1x128x64xf32, #tpu.memory_space<vmem>>
        %dma_wait3A_207 = tpu.memref_squeeze %dma_wait3A_206 : memref<1x128x64xf32, #tpu.memory_space<vmem>> -> memref<128x64xf32, #tpu.memory_space<vmem>>
        %dma_wait3A_208 = arith.constant 0 : i32
        %dma_wait3A_209 = tpu.memref_slice %arg7[%sub3A_196, %dma_wait3A_208] : memref<80x128xi32, #tpu.memory_space<vmem>> -> memref<1x128xi32, #tpu.memory_space<vmem>>
        %dma_wait3A_210 = tpu.memref_squeeze %dma_wait3A_209 : memref<1x128xi32, #tpu.memory_space<vmem>> -> memref<128xi32, #tpu.memory_space<vmem>>
        %dma_wait3A_211 = arith.constant 0 : i32
        %dma_wait3A_212 = arith.constant 0 : i32
        %dma_wait3A_213 = tpu.memref_slice %arg9[%dma_wait3A_211, %dma_wait3A_212] : memref<10240x64xf32, #tpu.memory_space<vmem_shared>> -> memref<10240x64xf32, #tpu.memory_space<vmem_shared>>
        tpu.wait_indirect_dma semaphore(%arg11 : memref<!tpu.dma_semaphore, #tpu.memory_space<semaphore_mem>>) src(%dma_wait3A_207 : memref<128x64xf32, #tpu.memory_space<vmem>>) dst(%dma_wait3A_213 : memref<10240x64xf32, #tpu.memory_space<vmem_shared>>)
        %add3A_214 = arith.constant 8 : i32
        %add3A_215 = arith.addi %sub3A_196, %add3A_214 : i32
        %dma_start3A_216 = arith.constant 0 : i32
        %dma_start3A_217 = arith.constant 0 : i32
        %dma_start3A_218 = tpu.memref_slice %arg8[%rem3A_203, %dma_start3A_216, %dma_start3A_217] : memref<8x128x64xf32, #tpu.memory_space<vmem>> -> memref<1x128x64xf32, #tpu.memory_space<vmem>>
        %dma_start3A_219 = tpu.memref_squeeze %dma_start3A_218 : memref<1x128x64xf32, #tpu.memory_space<vmem>> -> memref<128x64xf32, #tpu.memory_space<vmem>>
        %dma_start3A_220 = arith.constant 0 : i32
        %dma_start3A_221 = tpu.memref_slice %arg6[%add3A_215, %dma_start3A_220] : memref<80x128xi32, #tpu.memory_space<vmem>> -> memref<1x128xi32, #tpu.memory_space<vmem>>
        %dma_start3A_222 = tpu.memref_squeeze %dma_start3A_221 : memref<1x128xi32, #tpu.memory_space<vmem>> -> memref<128xi32, #tpu.memory_space<vmem>>
        %dma_start3A_223 = arith.constant 0 : i32
        %dma_start3A_224 = arith.constant 0 : i32
        %dma_start3A_225 = tpu.memref_slice %arg2[%dma_start3A_223, %dma_start3A_224] : memref<10000x64xf32, #tpu.memory_space<hbm>> -> memref<10000x64xf32, #tpu.memory_space<hbm>>
        tpu.enqueue_indirect_dma source(%dma_start3A_225 : memref<10000x64xf32, #tpu.memory_space<hbm>>) target(%dma_start3A_219 : memref<128x64xf32, #tpu.memory_space<vmem>>) offsets(%dma_start3A_222 : memref<128xi32, #tpu.memory_space<vmem>>) semaphore(%arg10 : memref<!tpu.dma_semaphore, #tpu.memory_space<semaphore_mem>>)
      } else {
      }
    }
    %scan3A_162 = arith.constant 80 : i32
    %scan3A_163 = arith.constant 0 : i32
    %scan3A_164 = arith.constant 72 : i32
    %scan3A_165 = arith.constant 8 : i32
    %scan3A_166 = arith.addi %scan3A_164, %scan3A_165 : i32
    %scan3A_167 = arith.constant 1 : i32
    scf.for %scan3A_174 = %scan3A_164 to %scan3A_166 step %scan3A_167  : i32 {
      %rem3A = arith.constant 8 : i32
      %rem3A_175 = arith.remsi %scan3A_174, %rem3A : i32
      %dma_wait3A_176 = arith.constant 0 : i32
      %dma_wait3A_177 = arith.constant 0 : i32
      %dma_wait3A_178 = tpu.memref_slice %arg8[%rem3A_175, %dma_wait3A_176, %dma_wait3A_177] : memref<8x128x64xf32, #tpu.memory_space<vmem>> -> memref<1x128x64xf32, #tpu.memory_space<vmem>>
      %dma_wait3A_179 = tpu.memref_squeeze %dma_wait3A_178 : memref<1x128x64xf32, #tpu.memory_space<vmem>> -> memref<128x64xf32, #tpu.memory_space<vmem>>
      %dma_wait3A_180 = arith.constant 0 : i32
      %dma_wait3A_181 = tpu.memref_slice %arg7[%scan3A_174, %dma_wait3A_180] : memref<80x128xi32, #tpu.memory_space<vmem>> -> memref<1x128xi32, #tpu.memory_space<vmem>>
      %dma_wait3A_182 = tpu.memref_squeeze %dma_wait3A_181 : memref<1x128xi32, #tpu.memory_space<vmem>> -> memref<128xi32, #tpu.memory_space<vmem>>
      %dma_wait3A_183 = arith.constant 0 : i32
      %dma_wait3A_184 = arith.constant 0 : i32
      %dma_wait3A_185 = tpu.memref_slice %arg9[%dma_wait3A_183, %dma_wait3A_184] : memref<10240x64xf32, #tpu.memory_space<vmem_shared>> -> memref<10240x64xf32, #tpu.memory_space<vmem_shared>>
      tpu.wait_indirect_dma semaphore(%arg11 : memref<!tpu.dma_semaphore, #tpu.memory_space<semaphore_mem>>) src(%dma_wait3A_179 : memref<128x64xf32, #tpu.memory_space<vmem>>) dst(%dma_wait3A_185 : memref<10240x64xf32, #tpu.memory_space<vmem_shared>>)
    }
    %scan3A_168 = arith.constant 8 : i32
    %barrier3A_169 = arith.constant 0 : index
    tpu.barrier barrier_id(%barrier3A_169)
    %mul3A_170 = arith.constant 640 : i32
    %mul3A_171 = arith.muli %arg1, %mul3A_170 : i32
    %mul3A_172 = arith.constant 640 : i32
    %mul3A_173 = arith.muli %arg1, %mul3A_172 : i32
    "tpu.region"() ({
      %run_scoped3A_174 = tpu.sem_alloc : memref<!tpu.dma_semaphore, #tpu.memory_space<semaphore_mem>>
      %dma_start3A_175 = arith.constant 0 : i32
      %dma_start3A_176 = arith.constant 0 : i32
      %dma_start3A_177 = tpu.memref_slice %arg5[%arg0, %dma_start3A_175, %dma_start3A_176] : memref<2x10240x64xf32, #tpu.memory_space<hbm>> -> memref<1x10240x64xf32, #tpu.memory_space<hbm>>
      %dma_start3A_178 = tpu.memref_squeeze %dma_start3A_177 : memref<1x10240x64xf32, #tpu.memory_space<hbm>> -> memref<10240x64xf32, #tpu.memory_space<hbm>>
      %dma_start3A_179 = arith.constant 0 : i32
      %dma_start3A_180 = tpu.memref_slice %dma_start3A_178[%mul3A_173, %dma_start3A_179] : memref<10240x64xf32, #tpu.memory_space<hbm>> -> memref<640x64xf32, #tpu.memory_space<hbm>>
      %dma_start3A_181 = arith.constant 0 : i32
      %dma_start3A_182 = tpu.memref_slice %arg9[%mul3A_171, %dma_start3A_181] : memref<10240x64xf32, #tpu.memory_space<vmem_shared>> -> memref<640x64xf32, #tpu.memory_space<vmem_shared>>
      tpu.enqueue_dma source(%dma_start3A_182 : memref<640x64xf32, #tpu.memory_space<vmem_shared>>) target(%dma_start3A_180 : memref<640x64xf32, #tpu.memory_space<hbm>>) target_semaphore(%run_scoped3A_174 : memref<!tpu.dma_semaphore, #tpu.memory_space<semaphore_mem>>)
      %dma_wait3A_183 = arith.constant 0 : i32
      %dma_wait3A_184 = arith.constant 0 : i32
      %dma_wait3A_185 = tpu.memref_slice %arg5[%arg0, %dma_wait3A_183, %dma_wait3A_184] : memref<2x10240x64xf32, #tpu.memory_space<hbm>> -> memref<1x10240x64xf32, #tpu.memory_space<hbm>>
      %dma_wait3A_186 = tpu.memref_squeeze %dma_wait3A_185 : memref<1x10240x64xf32, #tpu.memory_space<hbm>> -> memref<10240x64xf32, #tpu.memory_space<hbm>>
      %dma_wait3A_187 = arith.constant 0 : i32
      %dma_wait3A_188 = tpu.memref_slice %dma_wait3A_186[%mul3A_173, %dma_wait3A_187] : memref<10240x64xf32, #tpu.memory_space<hbm>> -> memref<640x64xf32, #tpu.memory_space<hbm>>
      %dma_wait3A_189 = arith.constant 0 : i32
      %dma_wait3A_190 = tpu.memref_slice %arg9[%mul3A_171, %dma_wait3A_189] : memref<10240x64xf32, #tpu.memory_space<vmem_shared>> -> memref<640x64xf32, #tpu.memory_space<vmem_shared>>
      tpu.wait_dma2 semaphore(%run_scoped3A_174 : memref<!tpu.dma_semaphore, #tpu.memory_space<semaphore_mem>>) src(%dma_wait3A_190 : memref<640x64xf32, #tpu.memory_space<vmem_shared>>) dst(%dma_wait3A_188 : memref<640x64xf32, #tpu.memory_space<hbm>>)
      tpu.yield
    }) : () -> ()
    return
  }
}

module attributes {stable_mosaic.version = 14 : i64} {
  func.func @_pre_body(%arg0: memref<10000x128xf32, #tpu.memory_space<vmem>>, %arg1: memref<128x64xf32, #tpu.memory_space<vmem>>, %arg2: memref<10000x64xf32, #tpu.memory_space<vmem>>) attributes {dimension_semantics = [], scalar_prefetch = 0 : i64, scratch_operands = 0 : i64, tpu.core_type = #tpu.core_type<tc>} {
    %get3A = arith.constant 0 : index
    %get3A_0 = arith.constant 0 : index
    %get3A_1 = vector.load %arg0[%get3A, %get3A_0] : memref<10000x128xf32, #tpu.memory_space<vmem>>, vector<10000x128xf32>
    %get3A_2 = arith.constant 0 : index
    %get3A_3 = arith.constant 0 : index
    %get3A_4 = vector.load %arg1[%get3A_2, %get3A_3] : memref<128x64xf32, #tpu.memory_space<vmem>>, vector<128x64xf32>
    %dot_general3A = arith.constant dense<0.000000e+00> : vector<10000x64xf32>
    %dot_general3A_5 = tpu.matmul %get3A_1, %get3A_4, %dot_general3A {dimension_numbers = #tpu.dot_dimension_numbers<[1], [0], [0], [1], [0, 0, 1, 1], [], []>, transpose_lhs_hint = false} : vector<10000x128xf32>, vector<128x64xf32>, vector<10000x64xf32> -> vector<10000x64xf32>
    %swap3A = arith.constant 0 : index
    %swap3A_6 = arith.constant 0 : index
    %swap3A_7 = vector.load %arg2[%swap3A, %swap3A_6] : memref<10000x64xf32, #tpu.memory_space<vmem>>, vector<10000x64xf32>
    tpu.vector_store %arg2[%swap3A, %swap3A_6], %dot_general3A_5 {strides = array<i32>} : memref<10000x64xf32, #tpu.memory_space<vmem>>, vector<10000x64xf32>,
    return
  }
}

module attributes {stable_mosaic.version = 14 : i64} {
  func.func @_layer_body(%arg0: memref<10000x64xf32, #tpu.memory_space<vmem>>, %arg1: memref<10000x64xf32, #tpu.memory_space<vmem>>, %arg2: memref<10000x64xf32, #tpu.memory_space<vmem>>, %arg3: memref<1x64xf32, #tpu.memory_space<vmem>>, %arg4: memref<64x64xf32, #tpu.memory_space<vmem>>, %arg5: memref<1x64xf32, #tpu.memory_space<vmem>>, %arg6: memref<1x64xf32, #tpu.memory_space<vmem>>, %arg7: memref<1x64xf32, #tpu.memory_space<vmem>>, %arg8: memref<64x64xf32, #tpu.memory_space<vmem>>, %arg9: memref<10000x64xf32, #tpu.memory_space<vmem>>, %arg10: memref<10000x64xf32, #tpu.memory_space<vmem>>) attributes {dimension_semantics = [], scalar_prefetch = 0 : i64, scratch_operands = 0 : i64, tpu.core_type = #tpu.core_type<tc>} {
    %get3A = arith.constant 0 : index
    %get3A_0 = arith.constant 0 : index
    %get3A_1 = vector.load %arg0[%get3A, %get3A_0] : memref<10000x64xf32, #tpu.memory_space<vmem>>, vector<10000x64xf32>
    %get3A_2 = arith.constant 0 : index
    %get3A_3 = arith.constant 0 : index
    %get3A_4 = vector.load %arg1[%get3A_2, %get3A_3] : memref<10000x64xf32, #tpu.memory_space<vmem>>, vector<10000x64xf32>
    %get3A_5 = arith.constant 0 : index
    %get3A_6 = arith.constant 0 : index
    %get3A_7 = vector.load %arg2[%get3A_5, %get3A_6] : memref<10000x64xf32, #tpu.memory_space<vmem>>, vector<10000x64xf32>
    %get3A_8 = arith.constant 0 : index
    %get3A_9 = arith.constant 0 : index
    %get3A_10 = vector.load %arg3[%get3A_8, %get3A_9] : memref<1x64xf32, #tpu.memory_space<vmem>>, vector<1x64xf32>
    %get3A_11 = arith.constant 0 : index
    %get3A_12 = arith.constant 0 : index
    %get3A_13 = vector.load %arg4[%get3A_11, %get3A_12] : memref<64x64xf32, #tpu.memory_space<vmem>>, vector<64x64xf32>
    %get3A_14 = arith.constant 0 : index
    %get3A_15 = arith.constant 0 : index
    %get3A_16 = vector.load %arg5[%get3A_14, %get3A_15] : memref<1x64xf32, #tpu.memory_space<vmem>>, vector<1x64xf32>
    %get3A_17 = arith.constant 0 : index
    %get3A_18 = arith.constant 0 : index
    %get3A_19 = vector.load %arg6[%get3A_17, %get3A_18] : memref<1x64xf32, #tpu.memory_space<vmem>>, vector<1x64xf32>
    %get3A_20 = arith.constant 0 : index
    %get3A_21 = arith.constant 0 : index
    %get3A_22 = vector.load %arg7[%get3A_20, %get3A_21] : memref<1x64xf32, #tpu.memory_space<vmem>>, vector<1x64xf32>
    %add3A = arith.addf %get3A_1, %get3A_4 : vector<10000x64xf32>
    %add3A_23 = arith.addf %add3A, %get3A_7 : vector<10000x64xf32>
    %add3A_24 = vector.broadcast %get3A_10 : vector<1x64xf32> to vector<10000x64xf32>
    %add3A_25 = arith.addf %add3A_23, %add3A_24 : vector<10000x64xf32>
    %max3A = arith.constant 0.000000e+00 : f32
    %max3A_26 = vector.broadcast %max3A : f32 to vector<10000x64xf32>
    %max3A_27 = arith.maximumf %add3A_25, %max3A_26 : vector<10000x64xf32>
    %dot_general3A = arith.constant dense<0.000000e+00> : vector<10000x64xf32>
    %dot_general3A_28 = tpu.matmul %max3A_27, %get3A_13, %dot_general3A {dimension_numbers = #tpu.dot_dimension_numbers<[1], [0], [0], [1], [0, 0, 1, 1], [], []>, transpose_lhs_hint = false} : vector<10000x64xf32>, vector<64x64xf32>, vector<10000x64xf32> -> vector<10000x64xf32>
    %add3A_29 = vector.broadcast %get3A_16 : vector<1x64xf32> to vector<10000x64xf32>
    %add3A_30 = arith.addf %dot_general3A_28, %add3A_29 : vector<10000x64xf32>
    %max3A_31 = arith.constant 0.000000e+00 : f32
    %max3A_32 = vector.broadcast %max3A_31 : f32 to vector<10000x64xf32>
    %max3A_33 = arith.maximumf %add3A_30, %max3A_32 : vector<10000x64xf32>
    %reduce_sum3A = arith.constant dense<0.000000e+00> : vector<64xf32>
    %reduce_sum3A_34 = vector.multi_reduction <add>, %max3A_33, %reduce_sum3A [0] : vector<10000x64xf32> to vector<64xf32>
    %broadcast_in_dim3A = vector.shape_cast %reduce_sum3A_34 : vector<64xf32> to vector<1x64xf32>
    %div3A = arith.constant 1.000000e+04 : f32
    %div3A_35 = vector.broadcast %div3A : f32 to vector<1x64xf32>
    %div3A_36 = arith.divf %broadcast_in_dim3A, %div3A_35 : vector<1x64xf32>
    %sub3A = vector.broadcast %div3A_36 : vector<1x64xf32> to vector<10000x64xf32>
    %sub3A_37 = arith.subf %max3A_33, %sub3A : vector<10000x64xf32>
    %mul3A = arith.mulf %sub3A_37, %sub3A_37 : vector<10000x64xf32>
    %reduce_sum3A_38 = arith.constant dense<0.000000e+00> : vector<64xf32>
    %reduce_sum3A_39 = vector.multi_reduction <add>, %mul3A, %reduce_sum3A_38 [0] : vector<10000x64xf32> to vector<64xf32>
    %broadcast_in_dim3A_40 = vector.shape_cast %reduce_sum3A_39 : vector<64xf32> to vector<1x64xf32>
    %div3A_41 = arith.constant 1.000000e+04 : f32
    %div3A_42 = vector.broadcast %div3A_41 : f32 to vector<1x64xf32>
    %div3A_43 = arith.divf %broadcast_in_dim3A_40, %div3A_42 : vector<1x64xf32>
    %add3A_44 = arith.constant 9.99999974E-6 : f32
    %add3A_45 = vector.broadcast %add3A_44 : f32 to vector<1x64xf32>
    %add3A_46 = arith.addf %div3A_43, %add3A_45 : vector<1x64xf32>
    %sqrt3A = math.sqrt %add3A_46 : vector<1x64xf32>
    %div3A_47 = vector.broadcast %sqrt3A : vector<1x64xf32> to vector<10000x64xf32>
    %div3A_48 = arith.divf %sub3A_37, %div3A_47 : vector<10000x64xf32>
    %mul3A_49 = vector.broadcast %get3A_19 : vector<1x64xf32> to vector<10000x64xf32>
    %mul3A_50 = arith.mulf %div3A_48, %mul3A_49 : vector<10000x64xf32>
    %add3A_51 = vector.broadcast %get3A_22 : vector<1x64xf32> to vector<10000x64xf32>
    %add3A_52 = arith.addf %mul3A_50, %add3A_51 : vector<10000x64xf32>
    %swap3A = arith.constant 0 : index
    %swap3A_53 = arith.constant 0 : index
    %swap3A_54 = vector.load %arg9[%swap3A, %swap3A_53] : memref<10000x64xf32, #tpu.memory_space<vmem>>, vector<10000x64xf32>
    tpu.vector_store %arg9[%swap3A, %swap3A_53], %add3A_52 {strides = array<i32>} : memref<10000x64xf32, #tpu.memory_space<vmem>>, vector<10000x64xf32>,
    %get3A_55 = arith.constant 0 : index
    %get3A_56 = arith.constant 0 : index
    %get3A_57 = vector.load %arg8[%get3A_55, %get3A_56] : memref<64x64xf32, #tpu.memory_space<vmem>>, vector<64x64xf32>
    %dot_general3A_58 = arith.constant dense<0.000000e+00> : vector<10000x64xf32>
    %dot_general3A_59 = tpu.matmul %add3A_52, %get3A_57, %dot_general3A_58 {dimension_numbers = #tpu.dot_dimension_numbers<[1], [0], [0], [1], [0, 0, 1, 1], [], []>, transpose_lhs_hint = false} : vector<10000x64xf32>, vector<64x64xf32>, vector<10000x64xf32> -> vector<10000x64xf32>
    %swap3A_60 = arith.constant 0 : index
    %swap3A_61 = arith.constant 0 : index
    %swap3A_62 = vector.load %arg10[%swap3A_60, %swap3A_61] : memref<10000x64xf32, #tpu.memory_space<vmem>>, vector<10000x64xf32>
    tpu.vector_store %arg10[%swap3A_60, %swap3A_61], %dot_general3A_59 {strides = array<i32>} : memref<10000x64xf32, #tpu.memory_space<vmem>>, vector<10000x64xf32>,
    return
  }
}

module attributes {stable_mosaic.version = 14 : i64} {
  func.func @_layer_last_body(%arg0: memref<10000x64xf32, #tpu.memory_space<vmem>>, %arg1: memref<10000x64xf32, #tpu.memory_space<vmem>>, %arg2: memref<10000x64xf32, #tpu.memory_space<vmem>>, %arg3: memref<1x64xf32, #tpu.memory_space<vmem>>, %arg4: memref<64x64xf32, #tpu.memory_space<vmem>>, %arg5: memref<1x64xf32, #tpu.memory_space<vmem>>, %arg6: memref<1x64xf32, #tpu.memory_space<vmem>>, %arg7: memref<1x64xf32, #tpu.memory_space<vmem>>, %arg8: memref<10000x64xf32, #tpu.memory_space<vmem>>) attributes {dimension_semantics = [], scalar_prefetch = 0 : i64, scratch_operands = 0 : i64, tpu.core_type = #tpu.core_type<tc>} {
    %get3A = arith.constant 0 : index
    %get3A_0 = arith.constant 0 : index
    %get3A_1 = vector.load %arg0[%get3A, %get3A_0] : memref<10000x64xf32, #tpu.memory_space<vmem>>, vector<10000x64xf32>
    %get3A_2 = arith.constant 0 : index
    %get3A_3 = arith.constant 0 : index
    %get3A_4 = vector.load %arg1[%get3A_2, %get3A_3] : memref<10000x64xf32, #tpu.memory_space<vmem>>, vector<10000x64xf32>
    %get3A_5 = arith.constant 0 : index
    %get3A_6 = arith.constant 0 : index
    %get3A_7 = vector.load %arg2[%get3A_5, %get3A_6] : memref<10000x64xf32, #tpu.memory_space<vmem>>, vector<10000x64xf32>
    %get3A_8 = arith.constant 0 : index
    %get3A_9 = arith.constant 0 : index
    %get3A_10 = vector.load %arg3[%get3A_8, %get3A_9] : memref<1x64xf32, #tpu.memory_space<vmem>>, vector<1x64xf32>
    %get3A_11 = arith.constant 0 : index
    %get3A_12 = arith.constant 0 : index
    %get3A_13 = vector.load %arg4[%get3A_11, %get3A_12] : memref<64x64xf32, #tpu.memory_space<vmem>>, vector<64x64xf32>
    %get3A_14 = arith.constant 0 : index
    %get3A_15 = arith.constant 0 : index
    %get3A_16 = vector.load %arg5[%get3A_14, %get3A_15] : memref<1x64xf32, #tpu.memory_space<vmem>>, vector<1x64xf32>
    %get3A_17 = arith.constant 0 : index
    %get3A_18 = arith.constant 0 : index
    %get3A_19 = vector.load %arg6[%get3A_17, %get3A_18] : memref<1x64xf32, #tpu.memory_space<vmem>>, vector<1x64xf32>
    %get3A_20 = arith.constant 0 : index
    %get3A_21 = arith.constant 0 : index
    %get3A_22 = vector.load %arg7[%get3A_20, %get3A_21] : memref<1x64xf32, #tpu.memory_space<vmem>>, vector<1x64xf32>
    %add3A = arith.addf %get3A_1, %get3A_4 : vector<10000x64xf32>
    %add3A_23 = arith.addf %add3A, %get3A_7 : vector<10000x64xf32>
    %add3A_24 = vector.broadcast %get3A_10 : vector<1x64xf32> to vector<10000x64xf32>
    %add3A_25 = arith.addf %add3A_23, %add3A_24 : vector<10000x64xf32>
    %max3A = arith.constant 0.000000e+00 : f32
    %max3A_26 = vector.broadcast %max3A : f32 to vector<10000x64xf32>
    %max3A_27 = arith.maximumf %add3A_25, %max3A_26 : vector<10000x64xf32>
    %dot_general3A = arith.constant dense<0.000000e+00> : vector<10000x64xf32>
    %dot_general3A_28 = tpu.matmul %max3A_27, %get3A_13, %dot_general3A {dimension_numbers = #tpu.dot_dimension_numbers<[1], [0], [0], [1], [0, 0, 1, 1], [], []>, transpose_lhs_hint = false} : vector<10000x64xf32>, vector<64x64xf32>, vector<10000x64xf32> -> vector<10000x64xf32>
    %add3A_29 = vector.broadcast %get3A_16 : vector<1x64xf32> to vector<10000x64xf32>
    %add3A_30 = arith.addf %dot_general3A_28, %add3A_29 : vector<10000x64xf32>
    %max3A_31 = arith.constant 0.000000e+00 : f32
    %max3A_32 = vector.broadcast %max3A_31 : f32 to vector<10000x64xf32>
    %max3A_33 = arith.maximumf %add3A_30, %max3A_32 : vector<10000x64xf32>
    %reduce_sum3A = arith.constant dense<0.000000e+00> : vector<64xf32>
    %reduce_sum3A_34 = vector.multi_reduction <add>, %max3A_33, %reduce_sum3A [0] : vector<10000x64xf32> to vector<64xf32>
    %broadcast_in_dim3A = vector.shape_cast %reduce_sum3A_34 : vector<64xf32> to vector<1x64xf32>
    %div3A = arith.constant 1.000000e+04 : f32
    %div3A_35 = vector.broadcast %div3A : f32 to vector<1x64xf32>
    %div3A_36 = arith.divf %broadcast_in_dim3A, %div3A_35 : vector<1x64xf32>
    %sub3A = vector.broadcast %div3A_36 : vector<1x64xf32> to vector<10000x64xf32>
    %sub3A_37 = arith.subf %max3A_33, %sub3A : vector<10000x64xf32>
    %mul3A = arith.mulf %sub3A_37, %sub3A_37 : vector<10000x64xf32>
    %reduce_sum3A_38 = arith.constant dense<0.000000e+00> : vector<64xf32>
    %reduce_sum3A_39 = vector.multi_reduction <add>, %mul3A, %reduce_sum3A_38 [0] : vector<10000x64xf32> to vector<64xf32>
    %broadcast_in_dim3A_40 = vector.shape_cast %reduce_sum3A_39 : vector<64xf32> to vector<1x64xf32>
    %div3A_41 = arith.constant 1.000000e+04 : f32
    %div3A_42 = vector.broadcast %div3A_41 : f32 to vector<1x64xf32>
    %div3A_43 = arith.divf %broadcast_in_dim3A_40, %div3A_42 : vector<1x64xf32>
    %add3A_44 = arith.constant 9.99999974E-6 : f32
    %add3A_45 = vector.broadcast %add3A_44 : f32 to vector<1x64xf32>
    %add3A_46 = arith.addf %div3A_43, %add3A_45 : vector<1x64xf32>
    %sqrt3A = math.sqrt %add3A_46 : vector<1x64xf32>
    %div3A_47 = vector.broadcast %sqrt3A : vector<1x64xf32> to vector<10000x64xf32>
    %div3A_48 = arith.divf %sub3A_37, %div3A_47 : vector<10000x64xf32>
    %mul3A_49 = vector.broadcast %get3A_19 : vector<1x64xf32> to vector<10000x64xf32>
    %mul3A_50 = arith.mulf %div3A_48, %mul3A_49 : vector<10000x64xf32>
    %add3A_51 = vector.broadcast %get3A_22 : vector<1x64xf32> to vector<10000x64xf32>
    %add3A_52 = arith.addf %mul3A_50, %add3A_51 : vector<10000x64xf32>
    %swap3A = arith.constant 0 : index
    %swap3A_53 = arith.constant 0 : index
    %swap3A_54 = vector.load %arg8[%swap3A, %swap3A_53] : memref<10000x64xf32, #tpu.memory_space<vmem>>, vector<10000x64xf32>
    tpu.vector_store %arg8[%swap3A, %swap3A_53], %add3A_52 {strides = array<i32>} : memref<10000x64xf32, #tpu.memory_space<vmem>>, vector<10000x64xf32>,
    return
  }
}

module attributes {stable_mosaic.version = 14 : i64} {
  func.func @_pool_body(%arg0: memref<10000x64xf32, #tpu.memory_space<vmem>>, %arg1: memref<10000x64xf32, #tpu.memory_space<vmem>>, %arg2: memref<10000x64xf32, #tpu.memory_space<vmem>>, %arg3: memref<10000x64xf32, #tpu.memory_space<vmem>>, %arg4: memref<10000x64xf32, #tpu.memory_space<vmem>>, %arg5: memref<1x10000xi32, #tpu.memory_space<vmem>>, %arg6: memref<200x320xf32, #tpu.memory_space<vmem>>, %arg7: memref<320x320xf32, #tpu.memory_space<vmem>>, %arg8: memref<1x320xf32, #tpu.memory_space<vmem>>, %arg9: memref<320x320xf32, #tpu.memory_space<vmem>>, %arg10: memref<1x320xf32, #tpu.memory_space<vmem>>, %arg11: memref<320x320xf32, #tpu.memory_space<vmem>>, %arg12: memref<1x320xf32, #tpu.memory_space<vmem>>, %arg13: memref<320x320xf32, #tpu.memory_space<vmem>>, %arg14: memref<1x320xf32, #tpu.memory_space<vmem>>, %arg15: memref<320x1xf32, #tpu.memory_space<vmem>>, %arg16: memref<1x1xf32, #tpu.memory_space<vmem>>, %arg17: memref<200x320xf32, #tpu.memory_space<vmem>>, %arg18: memref<200x320xf32, #tpu.memory_space<vmem>>, %arg19: memref<1x1xf32, #tpu.memory_space<vmem>>) attributes {dimension_semantics = [], scalar_prefetch = 0 : i64, scratch_operands = 0 : i64, tpu.core_type = #tpu.core_type<tc>} {
    %get3A = arith.constant 0 : index
    %get3A_0 = arith.constant 0 : index
    %get3A_1 = vector.load %arg0[%get3A, %get3A_0] : memref<10000x64xf32, #tpu.memory_space<vmem>>, vector<10000x64xf32>
    %get3A_2 = arith.constant 0 : index
    %get3A_3 = arith.constant 0 : index
    %get3A_4 = vector.load %arg1[%get3A_2, %get3A_3] : memref<10000x64xf32, #tpu.memory_space<vmem>>, vector<10000x64xf32>
    %get3A_5 = arith.constant 0 : index
    %get3A_6 = arith.constant 0 : index
    %get3A_7 = vector.load %arg2[%get3A_5, %get3A_6] : memref<10000x64xf32, #tpu.memory_space<vmem>>, vector<10000x64xf32>
    %get3A_8 = arith.constant 0 : index
    %get3A_9 = arith.constant 0 : index
    %get3A_10 = vector.load %arg3[%get3A_8, %get3A_9] : memref<10000x64xf32, #tpu.memory_space<vmem>>, vector<10000x64xf32>
    %get3A_11 = arith.constant 0 : index
    %get3A_12 = arith.constant 0 : index
    %get3A_13 = vector.load %arg4[%get3A_11, %get3A_12] : memref<10000x64xf32, #tpu.memory_space<vmem>>, vector<10000x64xf32>
    %concatenate3A = tpu.concatenate %get3A_1, %get3A_4, %get3A_7, %get3A_10, %get3A_13 in 1 : vector<10000x64xf32>, vector<10000x64xf32>, vector<10000x64xf32>, vector<10000x64xf32>, vector<10000x64xf32> -> vector<10000x320xf32>
    %iota3A = tpu.iota {dimensions = array<i32: 0>} : vector<200x10000xi32>
    %get3A_14 = arith.constant 0 : index
    %get3A_15 = arith.constant 0 : index
    %get3A_16 = vector.load %arg5[%get3A_14, %get3A_15] : memref<1x10000xi32, #tpu.memory_space<vmem>>, vector<1x10000xi32>
    %eq3A = vector.broadcast %get3A_16 : vector<1x10000xi32> to vector<200x10000xi32>
    %eq3A_17 = arith.cmpi eq, %eq3A, %iota3A : vector<200x10000xi32>
    %convert_element_type3A = arith.extui %eq3A_17 : vector<200x10000xi1> to vector<200x10000xi32>
    %convert_element_type3A_18 = arith.sitofp %convert_element_type3A : vector<200x10000xi32> to vector<200x10000xf32>
    %dot_general3A = arith.constant dense<0.000000e+00> : vector<200x320xf32>
    %dot_general3A_19 = tpu.matmul %convert_element_type3A_18, %concatenate3A, %dot_general3A {dimension_numbers = #tpu.dot_dimension_numbers<[1], [0], [0], [1], [0, 0, 1, 1], [], []>, precision = #tpu.contract_precision<fp32>, transpose_lhs_hint = false} : vector<200x10000xf32>, vector<10000x320xf32>, vector<200x320xf32> -> vector<200x320xf32>
    %swap3A = arith.constant 0 : index
    %swap3A_20 = arith.constant 0 : index
    %swap3A_21 = vector.load %arg17[%swap3A, %swap3A_20] : memref<200x320xf32, #tpu.memory_space<vmem>>, vector<200x320xf32>
    tpu.vector_store %arg17[%swap3A, %swap3A_20], %dot_general3A_19 {strides = array<i32>} : memref<200x320xf32, #tpu.memory_space<vmem>>, vector<200x320xf32>,
    %get3A_22 = arith.constant 0 : index
    %get3A_23 = arith.constant 0 : index
    %get3A_24 = vector.load %arg7[%get3A_22, %get3A_23] : memref<320x320xf32, #tpu.memory_space<vmem>>, vector<320x320xf32>
    %dot_general3A_25 = arith.constant dense<0.000000e+00> : vector<200x320xf32>
    %dot_general3A_26 = tpu.matmul %dot_general3A_19, %get3A_24, %dot_general3A_25 {dimension_numbers = #tpu.dot_dimension_numbers<[1], [0], [0], [1], [0, 0, 1, 1], [], []>, transpose_lhs_hint = false} : vector<200x320xf32>, vector<320x320xf32>, vector<200x320xf32> -> vector<200x320xf32>
    %get3A_27 = arith.constant 0 : index
    %get3A_28 = arith.constant 0 : index
    %get3A_29 = vector.load %arg8[%get3A_27, %get3A_28] : memref<1x320xf32, #tpu.memory_space<vmem>>, vector<1x320xf32>
    %add3A = vector.broadcast %get3A_29 : vector<1x320xf32> to vector<200x320xf32>
    %add3A_30 = arith.addf %dot_general3A_26, %add3A : vector<200x320xf32>
    %max3A = arith.constant 0.000000e+00 : f32
    %max3A_31 = vector.broadcast %max3A : f32 to vector<200x320xf32>
    %max3A_32 = arith.maximumf %add3A_30, %max3A_31 : vector<200x320xf32>
    %get3A_33 = arith.constant 0 : index
    %get3A_34 = arith.constant 0 : index
    %get3A_35 = vector.load %arg9[%get3A_33, %get3A_34] : memref<320x320xf32, #tpu.memory_space<vmem>>, vector<320x320xf32>
    %dot_general3A_36 = arith.constant dense<0.000000e+00> : vector<200x320xf32>
    %dot_general3A_37 = tpu.matmul %max3A_32, %get3A_35, %dot_general3A_36 {dimension_numbers = #tpu.dot_dimension_numbers<[1], [0], [0], [1], [0, 0, 1, 1], [], []>, transpose_lhs_hint = false} : vector<200x320xf32>, vector<320x320xf32>, vector<200x320xf32> -> vector<200x320xf32>
    %get3A_38 = arith.constant 0 : index
    %get3A_39 = arith.constant 0 : index
    %get3A_40 = vector.load %arg10[%get3A_38, %get3A_39] : memref<1x320xf32, #tpu.memory_space<vmem>>, vector<1x320xf32>
    %add3A_41 = vector.broadcast %get3A_40 : vector<1x320xf32> to vector<200x320xf32>
    %add3A_42 = arith.addf %dot_general3A_37, %add3A_41 : vector<200x320xf32>
    %max3A_43 = arith.constant 0.000000e+00 : f32
    %max3A_44 = vector.broadcast %max3A_43 : f32 to vector<200x320xf32>
    %max3A_45 = arith.maximumf %add3A_42, %max3A_44 : vector<200x320xf32>
    %get3A_46 = arith.constant 0 : index
    %get3A_47 = arith.constant 0 : index
    %get3A_48 = vector.load %arg11[%get3A_46, %get3A_47] : memref<320x320xf32, #tpu.memory_space<vmem>>, vector<320x320xf32>
    %dot_general3A_49 = arith.constant dense<0.000000e+00> : vector<200x320xf32>
    %dot_general3A_50 = tpu.matmul %dot_general3A_19, %get3A_48, %dot_general3A_49 {dimension_numbers = #tpu.dot_dimension_numbers<[1], [0], [0], [1], [0, 0, 1, 1], [], []>, transpose_lhs_hint = false} : vector<200x320xf32>, vector<320x320xf32>, vector<200x320xf32> -> vector<200x320xf32>
    %add3A_51 = arith.addf %max3A_45, %dot_general3A_50 : vector<200x320xf32>
    %get3A_52 = arith.constant 0 : index
    %get3A_53 = arith.constant 0 : index
    %get3A_54 = vector.load %arg12[%get3A_52, %get3A_53] : memref<1x320xf32, #tpu.memory_space<vmem>>, vector<1x320xf32>
    %add3A_55 = vector.broadcast %get3A_54 : vector<1x320xf32> to vector<200x320xf32>
    %add3A_56 = arith.addf %add3A_51, %add3A_55 : vector<200x320xf32>
    %swap3A_57 = arith.constant 0 : index
    %swap3A_58 = arith.constant 0 : index
    %swap3A_59 = vector.load %arg18[%swap3A_57, %swap3A_58] : memref<200x320xf32, #tpu.memory_space<vmem>>, vector<200x320xf32>
    tpu.vector_store %arg18[%swap3A_57, %swap3A_58], %add3A_56 {strides = array<i32>} : memref<200x320xf32, #tpu.memory_space<vmem>>, vector<200x320xf32>,
    %get3A_60 = arith.constant 0 : index
    %get3A_61 = arith.constant 0 : index
    %get3A_62 = vector.load %arg6[%get3A_60, %get3A_61] : memref<200x320xf32, #tpu.memory_space<vmem>>, vector<200x320xf32>
    %get3A_63 = arith.constant 0 : index
    %get3A_64 = arith.constant 0 : index
    %get3A_65 = vector.load %arg13[%get3A_63, %get3A_64] : memref<320x320xf32, #tpu.memory_space<vmem>>, vector<320x320xf32>
    %dot_general3A_66 = arith.constant dense<0.000000e+00> : vector<200x320xf32>
    %dot_general3A_67 = tpu.matmul %get3A_62, %get3A_65, %dot_general3A_66 {dimension_numbers = #tpu.dot_dimension_numbers<[1], [0], [0], [1], [0, 0, 1, 1], [], []>, transpose_lhs_hint = false} : vector<200x320xf32>, vector<320x320xf32>, vector<200x320xf32> -> vector<200x320xf32>
    %get3A_68 = arith.constant 0 : index
    %get3A_69 = arith.constant 0 : index
    %get3A_70 = vector.load %arg14[%get3A_68, %get3A_69] : memref<1x320xf32, #tpu.memory_space<vmem>>, vector<1x320xf32>
    %add3A_71 = vector.broadcast %get3A_70 : vector<1x320xf32> to vector<200x320xf32>
    %add3A_72 = arith.addf %dot_general3A_67, %add3A_71 : vector<200x320xf32>
    %neg3A = arith.constant 0.000000e+00 : f32
    %neg3A_73 = vector.broadcast %neg3A : f32 to vector<200x320xf32>
    %neg3A_74 = arith.subf %neg3A_73, %add3A_72 : vector<200x320xf32>
    %exp3A = math.exp %neg3A_74 : vector<200x320xf32>
    %add3A_75 = arith.constant 1.000000e+00 : f32
    %add3A_76 = vector.broadcast %add3A_75 : f32 to vector<200x320xf32>
    %add3A_77 = arith.addf %add3A_76, %exp3A : vector<200x320xf32>
    %div3A = arith.constant 1.000000e+00 : f32
    %div3A_78 = vector.broadcast %div3A : f32 to vector<200x320xf32>
    %div3A_79 = arith.divf %div3A_78, %add3A_77 : vector<200x320xf32>
    %get3A_80 = arith.constant 0 : index
    %get3A_81 = arith.constant 0 : index
    %get3A_82 = vector.load %arg15[%get3A_80, %get3A_81] : memref<320x1xf32, #tpu.memory_space<vmem>>, vector<320x1xf32>
    %dot_general3A_83 = arith.constant dense<0.000000e+00> : vector<200x1xf32>
    %dot_general3A_84 = tpu.matmul %div3A_79, %get3A_82, %dot_general3A_83 {dimension_numbers = #tpu.dot_dimension_numbers<[1], [0], [0], [1], [0, 0, 1, 1], [], []>, transpose_lhs_hint = false} : vector<200x320xf32>, vector<320x1xf32>, vector<200x1xf32> -> vector<200x1xf32>
    %get3A_85 = arith.constant 0 : index
    %get3A_86 = arith.constant 0 : index
    %get3A_87 = vector.load %arg16[%get3A_85, %get3A_86] : memref<1x1xf32, #tpu.memory_space<vmem>>, vector<1x1xf32>
    %add3A_88 = vector.broadcast %get3A_87 : vector<1x1xf32> to vector<200x1xf32>
    %add3A_89 = arith.addf %dot_general3A_84, %add3A_88 : vector<200x1xf32>
    %neg3A_90 = arith.constant 0.000000e+00 : f32
    %neg3A_91 = vector.broadcast %neg3A_90 : f32 to vector<200x1xf32>
    %neg3A_92 = arith.subf %neg3A_91, %add3A_89 : vector<200x1xf32>
    %exp3A_93 = math.exp %neg3A_92 : vector<200x1xf32>
    %add3A_94 = arith.constant 1.000000e+00 : f32
    %add3A_95 = vector.broadcast %add3A_94 : f32 to vector<200x1xf32>
    %add3A_96 = arith.addf %add3A_95, %exp3A_93 : vector<200x1xf32>
    %div3A_97 = arith.constant 1.000000e+00 : f32
    %div3A_98 = vector.broadcast %div3A_97 : f32 to vector<200x1xf32>
    %div3A_99 = arith.divf %div3A_98, %add3A_96 : vector<200x1xf32>
    %log3A = math.log %div3A_99 : vector<200x1xf32>
    %reduce_sum3A = vector.shape_cast %log3A : vector<200x1xf32> to vector<1x200x1xf32>
    %reduce_sum3A_100 = arith.constant dense<0.000000e+00> : vector<1xf32>
    %reduce_sum3A_101 = vector.multi_reduction <add>, %reduce_sum3A, %reduce_sum3A_100 [1, 2] : vector<1x200x1xf32> to vector<1xf32>
    %reduce_sum3A_102 = vector.shape_cast %reduce_sum3A_101 : vector<1xf32> to vector<1x1x1xf32>
    %reduce_sum3A_103 = vector.extract %reduce_sum3A_102[0, 0, 0] : f32 from vector<1x1x1xf32>
    %div3A_104 = arith.constant 2.000000e+02 : f32
    %div3A_105 = arith.divf %reduce_sum3A_103, %div3A_104 : f32
    %get3A_106 = arith.constant 0 : index
    %get3A_107 = arith.constant 0 : index
    %get3A_108 = vector.load %arg13[%get3A_106, %get3A_107] : memref<320x320xf32, #tpu.memory_space<vmem>>, vector<320x320xf32>
    %dot_general3A_109 = arith.constant dense<0.000000e+00> : vector<200x320xf32>
    %dot_general3A_110 = tpu.matmul %dot_general3A_19, %get3A_108, %dot_general3A_109 {dimension_numbers = #tpu.dot_dimension_numbers<[1], [0], [0], [1], [0, 0, 1, 1], [], []>, transpose_lhs_hint = false} : vector<200x320xf32>, vector<320x320xf32>, vector<200x320xf32> -> vector<200x320xf32>
    %get3A_111 = arith.constant 0 : index
    %get3A_112 = arith.constant 0 : index
    %get3A_113 = vector.load %arg14[%get3A_111, %get3A_112] : memref<1x320xf32, #tpu.memory_space<vmem>>, vector<1x320xf32>
    %add3A_114 = vector.broadcast %get3A_113 : vector<1x320xf32> to vector<200x320xf32>
    %add3A_115 = arith.addf %dot_general3A_110, %add3A_114 : vector<200x320xf32>
    %neg3A_116 = arith.constant 0.000000e+00 : f32
    %neg3A_117 = vector.broadcast %neg3A_116 : f32 to vector<200x320xf32>
    %neg3A_118 = arith.subf %neg3A_117, %add3A_115 : vector<200x320xf32>
    %exp3A_119 = math.exp %neg3A_118 : vector<200x320xf32>
    %add3A_120 = arith.constant 1.000000e+00 : f32
    %add3A_121 = vector.broadcast %add3A_120 : f32 to vector<200x320xf32>
    %add3A_122 = arith.addf %add3A_121, %exp3A_119 : vector<200x320xf32>
    %div3A_123 = arith.constant 1.000000e+00 : f32
    %div3A_124 = vector.broadcast %div3A_123 : f32 to vector<200x320xf32>
    %div3A_125 = arith.divf %div3A_124, %add3A_122 : vector<200x320xf32>
    %get3A_126 = arith.constant 0 : index
    %get3A_127 = arith.constant 0 : index
    %get3A_128 = vector.load %arg15[%get3A_126, %get3A_127] : memref<320x1xf32, #tpu.memory_space<vmem>>, vector<320x1xf32>
    %dot_general3A_129 = arith.constant dense<0.000000e+00> : vector<200x1xf32>
    %dot_general3A_130 = tpu.matmul %div3A_125, %get3A_128, %dot_general3A_129 {dimension_numbers = #tpu.dot_dimension_numbers<[1], [0], [0], [1], [0, 0, 1, 1], [], []>, transpose_lhs_hint = false} : vector<200x320xf32>, vector<320x1xf32>, vector<200x1xf32> -> vector<200x1xf32>
    %get3A_131 = arith.constant 0 : index
    %get3A_132 = arith.constant 0 : index
    %get3A_133 = vector.load %arg16[%get3A_131, %get3A_132] : memref<1x1xf32, #tpu.memory_space<vmem>>, vector<1x1xf32>
    %add3A_134 = vector.broadcast %get3A_133 : vector<1x1xf32> to vector<200x1xf32>
    %add3A_135 = arith.addf %dot_general3A_130, %add3A_134 : vector<200x1xf32>
    %neg3A_136 = arith.constant 0.000000e+00 : f32
    %neg3A_137 = vector.broadcast %neg3A_136 : f32 to vector<200x1xf32>
    %neg3A_138 = arith.subf %neg3A_137, %add3A_135 : vector<200x1xf32>
    %exp3A_139 = math.exp %neg3A_138 : vector<200x1xf32>
    %add3A_140 = arith.constant 1.000000e+00 : f32
    %add3A_141 = vector.broadcast %add3A_140 : f32 to vector<200x1xf32>
    %add3A_142 = arith.addf %add3A_141, %exp3A_139 : vector<200x1xf32>
    %div3A_143 = arith.constant 1.000000e+00 : f32
    %div3A_144 = vector.broadcast %div3A_143 : f32 to vector<200x1xf32>
    %div3A_145 = arith.divf %div3A_144, %add3A_142 : vector<200x1xf32>
    %sub3A = arith.constant 1.000000e+00 : f32
    %sub3A_146 = vector.broadcast %sub3A : f32 to vector<200x1xf32>
    %sub3A_147 = arith.subf %sub3A_146, %div3A_145 : vector<200x1xf32>
    %log3A_148 = math.log %sub3A_147 : vector<200x1xf32>
    %reduce_sum3A_149 = vector.shape_cast %log3A_148 : vector<200x1xf32> to vector<1x200x1xf32>
    %reduce_sum3A_150 = arith.constant dense<0.000000e+00> : vector<1xf32>
    %reduce_sum3A_151 = vector.multi_reduction <add>, %reduce_sum3A_149, %reduce_sum3A_150 [1, 2] : vector<1x200x1xf32> to vector<1xf32>
    %reduce_sum3A_152 = vector.shape_cast %reduce_sum3A_151 : vector<1xf32> to vector<1x1x1xf32>
    %reduce_sum3A_153 = vector.extract %reduce_sum3A_152[0, 0, 0] : f32 from vector<1x1x1xf32>
    %div3A_154 = arith.constant 2.000000e+02 : f32
    %div3A_155 = arith.divf %reduce_sum3A_153, %div3A_154 : f32
    %add3A_156 = arith.addf %div3A_105, %div3A_155 : f32
    %neg3A_157 = arith.constant 0.000000e+00 : f32
    %neg3A_158 = arith.subf %neg3A_157, %add3A_156 : f32
    %mul3A = arith.constant 1.000000e-01 : f32
    %mul3A_159 = arith.mulf %neg3A_158, %mul3A : f32
    %broadcast_in_dim3A = vector.broadcast %mul3A_159 : f32 to vector<1x1xf32>
    %swap3A_160 = arith.constant 0 : index
    %swap3A_161 = arith.constant 0 : index
    %swap3A_162 = vector.load %arg19[%swap3A_160, %swap3A_161] : memref<1x1xf32, #tpu.memory_space<vmem>>, vector<1x1xf32>
    tpu.vector_store %arg19[%swap3A_160, %swap3A_161], %broadcast_in_dim3A {strides = array<i32>} : memref<1x1xf32, #tpu.memory_space<vmem>>, vector<1x1xf32>,
    return
  }
}

module attributes {stable_mosaic.version = 14 : i64} {
  func.func @_loss_body(%arg0: i32, %arg1: memref<2000x64xf32, #tpu.memory_space<vmem>>, %arg2: memref<2000x64xf32, #tpu.memory_space<vmem>>, %arg3: memref<2000x64xf32, #tpu.memory_space<vmem>>, %arg4: memref<2000x64xf32, #tpu.memory_space<vmem>>, %arg5: memref<2000x64xf32, #tpu.memory_space<vmem>>, %arg6: memref<1x1x2000xi32, #tpu.memory_space<vmem>>, %arg7: memref<200x320xf32, #tpu.memory_space<vmem>>, %arg8: memref<320x320xf32, #tpu.memory_space<vmem>>, %arg9: memref<1x320xf32, #tpu.memory_space<vmem>>, %arg10: memref<320x320xf32, #tpu.memory_space<vmem>>, %arg11: memref<1x320xf32, #tpu.memory_space<vmem>>, %arg12: memref<320x320xf32, #tpu.memory_space<vmem>>, %arg13: memref<1x320xf32, #tpu.memory_space<vmem>>, %arg14: memref<1x1xf32, #tpu.memory_space<vmem>>, %arg15: memref<1x1xf32, #tpu.memory_space<vmem>>) attributes {dimension_semantics = [#tpu.dimension_semantics<arbitrary>], iteration_bounds = array<i64: 5>, scalar_prefetch = 0 : i64, scratch_operands = 0 : i64, tpu.core_type = #tpu.core_type<tc>, window_params = [{transform_indices = @transform_0, window_bounds = array<i64: 2000, 64>}, {transform_indices = @transform_1, window_bounds = array<i64: 2000, 64>}, {transform_indices = @transform_2, window_bounds = array<i64: 2000, 64>}, {transform_indices = @transform_3, window_bounds = array<i64: 2000, 64>}, {transform_indices = @transform_4, window_bounds = array<i64: 2000, 64>}, {transform_indices = @transform_5, window_bounds = array<i64: 1, 1, 2000>}, {pipeline_mode = #tpu.pipeline_mode<synchronous>, transform_indices = @transform_6, window_bounds = array<i64: 200, 320>}, {pipeline_mode = #tpu.pipeline_mode<synchronous>, transform_indices = @transform_7, window_bounds = array<i64: 320, 320>}, {pipeline_mode = #tpu.pipeline_mode<synchronous>, transform_indices = @transform_8, window_bounds = array<i64: 1, 320>}, {pipeline_mode = #tpu.pipeline_mode<synchronous>, transform_indices = @transform_9, window_bounds = array<i64: 320, 320>}, {pipeline_mode = #tpu.pipeline_mode<synchronous>, transform_indices = @transform_10, window_bounds = array<i64: 1, 320>}, {pipeline_mode = #tpu.pipeline_mode<synchronous>, transform_indices = @transform_11, window_bounds = array<i64: 320, 320>}, {pipeline_mode = #tpu.pipeline_mode<synchronous>, transform_indices = @transform_12, window_bounds = array<i64: 1, 320>}, {pipeline_mode = #tpu.pipeline_mode<synchronous>, transform_indices = @transform_13, window_bounds = array<i64: 1, 1>}, {pipeline_mode = #tpu.pipeline_mode<synchronous>, transform_indices = @transform_14, window_bounds = array<i64: 1, 1>}]} {
    %get3A = arith.constant 0 : index
    %get3A_0 = arith.constant 0 : index
    %get3A_1 = vector.load %arg1[%get3A, %get3A_0] : memref<2000x64xf32, #tpu.memory_space<vmem>>, vector<2000x64xf32>
    %get3A_2 = arith.constant 0 : index
    %get3A_3 = arith.constant 0 : index
    %get3A_4 = vector.load %arg2[%get3A_2, %get3A_3] : memref<2000x64xf32, #tpu.memory_space<vmem>>, vector<2000x64xf32>
    %get3A_5 = arith.constant 0 : index
    %get3A_6 = arith.constant 0 : index
    %get3A_7 = vector.load %arg3[%get3A_5, %get3A_6] : memref<2000x64xf32, #tpu.memory_space<vmem>>, vector<2000x64xf32>
    %get3A_8 = arith.constant 0 : index
    %get3A_9 = arith.constant 0 : index
    %get3A_10 = vector.load %arg4[%get3A_8, %get3A_9] : memref<2000x64xf32, #tpu.memory_space<vmem>>, vector<2000x64xf32>
    %get3A_11 = arith.constant 0 : index
    %get3A_12 = arith.constant 0 : index
    %get3A_13 = vector.load %arg5[%get3A_11, %get3A_12] : memref<2000x64xf32, #tpu.memory_space<vmem>>, vector<2000x64xf32>
    %concatenate3A = tpu.concatenate %get3A_1, %get3A_4, %get3A_7, %get3A_10, %get3A_13 in 1 : vector<2000x64xf32>, vector<2000x64xf32>, vector<2000x64xf32>, vector<2000x64xf32>, vector<2000x64xf32> -> vector<2000x320xf32>
    %get3A_14 = arith.constant 0 : index
    %get3A_15 = arith.constant 0 : index
    %get3A_16 = vector.load %arg8[%get3A_14, %get3A_15] : memref<320x320xf32, #tpu.memory_space<vmem>>, vector<320x320xf32>
    %dot_general3A = arith.constant dense<0.000000e+00> : vector<2000x320xf32>
    %dot_general3A_17 = tpu.matmul %concatenate3A, %get3A_16, %dot_general3A {dimension_numbers = #tpu.dot_dimension_numbers<[1], [0], [0], [1], [0, 0, 1, 1], [], []>, transpose_lhs_hint = false} : vector<2000x320xf32>, vector<320x320xf32>, vector<2000x320xf32> -> vector<2000x320xf32>
    %get3A_18 = arith.constant 0 : index
    %get3A_19 = arith.constant 0 : index
    %get3A_20 = vector.load %arg9[%get3A_18, %get3A_19] : memref<1x320xf32, #tpu.memory_space<vmem>>, vector<1x320xf32>
    %add3A = vector.broadcast %get3A_20 : vector<1x320xf32> to vector<2000x320xf32>
    %add3A_21 = arith.addf %dot_general3A_17, %add3A : vector<2000x320xf32>
    %max3A = arith.constant 0.000000e+00 : f32
    %max3A_22 = vector.broadcast %max3A : f32 to vector<2000x320xf32>
    %max3A_23 = arith.maximumf %add3A_21, %max3A_22 : vector<2000x320xf32>
    %get3A_24 = arith.constant 0 : index
    %get3A_25 = arith.constant 0 : index
    %get3A_26 = vector.load %arg10[%get3A_24, %get3A_25] : memref<320x320xf32, #tpu.memory_space<vmem>>, vector<320x320xf32>
    %dot_general3A_27 = arith.constant dense<0.000000e+00> : vector<2000x320xf32>
    %dot_general3A_28 = tpu.matmul %max3A_23, %get3A_26, %dot_general3A_27 {dimension_numbers = #tpu.dot_dimension_numbers<[1], [0], [0], [1], [0, 0, 1, 1], [], []>, transpose_lhs_hint = false} : vector<2000x320xf32>, vector<320x320xf32>, vector<2000x320xf32> -> vector<2000x320xf32>
    %get3A_29 = arith.constant 0 : index
    %get3A_30 = arith.constant 0 : index
    %get3A_31 = vector.load %arg11[%get3A_29, %get3A_30] : memref<1x320xf32, #tpu.memory_space<vmem>>, vector<1x320xf32>
    %add3A_32 = vector.broadcast %get3A_31 : vector<1x320xf32> to vector<2000x320xf32>
    %add3A_33 = arith.addf %dot_general3A_28, %add3A_32 : vector<2000x320xf32>
    %max3A_34 = arith.constant 0.000000e+00 : f32
    %max3A_35 = vector.broadcast %max3A_34 : f32 to vector<2000x320xf32>
    %max3A_36 = arith.maximumf %add3A_33, %max3A_35 : vector<2000x320xf32>
    %get3A_37 = arith.constant 0 : index
    %get3A_38 = arith.constant 0 : index
    %get3A_39 = vector.load %arg12[%get3A_37, %get3A_38] : memref<320x320xf32, #tpu.memory_space<vmem>>, vector<320x320xf32>
    %dot_general3A_40 = arith.constant dense<0.000000e+00> : vector<2000x320xf32>
    %dot_general3A_41 = tpu.matmul %concatenate3A, %get3A_39, %dot_general3A_40 {dimension_numbers = #tpu.dot_dimension_numbers<[1], [0], [0], [1], [0, 0, 1, 1], [], []>, transpose_lhs_hint = false} : vector<2000x320xf32>, vector<320x320xf32>, vector<2000x320xf32> -> vector<2000x320xf32>
    %add3A_42 = arith.addf %max3A_36, %dot_general3A_41 : vector<2000x320xf32>
    %get3A_43 = arith.constant 0 : index
    %get3A_44 = arith.constant 0 : index
    %get3A_45 = vector.load %arg13[%get3A_43, %get3A_44] : memref<1x320xf32, #tpu.memory_space<vmem>>, vector<1x320xf32>
    %add3A_46 = vector.broadcast %get3A_45 : vector<1x320xf32> to vector<2000x320xf32>
    %add3A_47 = arith.addf %add3A_42, %add3A_46 : vector<2000x320xf32>
    %get3A_48 = arith.constant 0 : index
    %get3A_49 = arith.constant 0 : index
    %get3A_50 = vector.load %arg7[%get3A_48, %get3A_49] : memref<200x320xf32, #tpu.memory_space<vmem>>, vector<200x320xf32>
    %dot_general3A_51 = arith.constant dense<0.000000e+00> : vector<200x2000xf32>
    %dot_general3A_52 = tpu.matmul %get3A_50, %add3A_47, %dot_general3A_51 {dimension_numbers = #tpu.dot_dimension_numbers<[1], [1], [0], [0], [0, 0, 1, 0], [], []>, transpose_lhs_hint = false} : vector<200x320xf32>, vector<2000x320xf32>, vector<200x2000xf32> -> vector<200x2000xf32>
    %iota3A = tpu.iota {dimensions = array<i32: 0>} : vector<200x2000xi32>
    %get3A_53 = arith.constant 0 : index
    %get3A_54 = arith.constant 0 : index
    %get3A_55 = arith.constant 0 : index
    %get3A_56 = vector.load %arg6[%get3A_53, %get3A_54, %get3A_55] : memref<1x1x2000xi32, #tpu.memory_space<vmem>>, vector<1x1x2000xi32>
    %get3A_57 = vector.shape_cast %get3A_56 : vector<1x1x2000xi32> to vector<1x2000xi32>
    %eq3A = vector.broadcast %get3A_57 : vector<1x2000xi32> to vector<200x2000xi32>
    %eq3A_58 = arith.cmpi eq, %eq3A, %iota3A : vector<200x2000xi32>
    %convert_element_type3A = arith.extui %eq3A_58 : vector<200x2000xi1> to vector<200x2000xi32>
    %convert_element_type3A_59 = arith.sitofp %convert_element_type3A : vector<200x2000xi32> to vector<200x2000xf32>
    %mul3A = arith.mulf %dot_general3A_52, %convert_element_type3A_59 : vector<200x2000xf32>
    %neg3A = arith.constant 0.000000e+00 : f32
    %neg3A_60 = vector.broadcast %neg3A : f32 to vector<200x2000xf32>
    %neg3A_61 = arith.subf %neg3A_60, %mul3A : vector<200x2000xf32>
    %max3A_62 = arith.constant 0.000000e+00 : f32
    %max3A_63 = vector.broadcast %max3A_62 : f32 to vector<200x2000xf32>
    %max3A_64 = arith.maximumf %neg3A_61, %max3A_63 : vector<200x2000xf32>
    %abs3A = math.absf %neg3A_61 : vector<200x2000xf32>
    %neg3A_65 = arith.constant 0.000000e+00 : f32
    %neg3A_66 = vector.broadcast %neg3A_65 : f32 to vector<200x2000xf32>
    %neg3A_67 = arith.subf %neg3A_66, %abs3A : vector<200x2000xf32>
    %exp3A = math.exp %neg3A_67 : vector<200x2000xf32>
    %log1p3A = math.log1p %exp3A : vector<200x2000xf32>
    %add3A_68 = arith.addf %max3A_64, %log1p3A : vector<200x2000xf32>
    %sub3A = arith.constant 0.693147182 : f32
    %sub3A_69 = vector.broadcast %sub3A : f32 to vector<200x2000xf32>
    %sub3A_70 = arith.subf %sub3A_69, %add3A_68 : vector<200x2000xf32>
    %reduce_sum3A = vector.shape_cast %sub3A_70 : vector<200x2000xf32> to vector<1x200x2000xf32>
    %reduce_sum3A_71 = arith.constant dense<0.000000e+00> : vector<1xf32>
    %reduce_sum3A_72 = vector.multi_reduction <add>, %reduce_sum3A, %reduce_sum3A_71 [1, 2] : vector<1x200x2000xf32> to vector<1xf32>
    %reduce_sum3A_73 = vector.shape_cast %reduce_sum3A_72 : vector<1xf32> to vector<1x1x1xf32>
    %reduce_sum3A_74 = vector.extract %reduce_sum3A_73[0, 0, 0] : f32 from vector<1x1x1xf32>
    %sub3A_75 = arith.constant 1.000000e+00 : f32
    %sub3A_76 = vector.broadcast %sub3A_75 : f32 to vector<200x2000xf32>
    %sub3A_77 = arith.subf %sub3A_76, %convert_element_type3A_59 : vector<200x2000xf32>
    %mul3A_78 = arith.mulf %dot_general3A_52, %sub3A_77 : vector<200x2000xf32>
    %neg3A_79 = arith.constant 0.000000e+00 : f32
    %neg3A_80 = vector.broadcast %neg3A_79 : f32 to vector<200x2000xf32>
    %neg3A_81 = arith.subf %neg3A_80, %mul3A_78 : vector<200x2000xf32>
    %max3A_82 = arith.constant 0.000000e+00 : f32
    %max3A_83 = vector.broadcast %max3A_82 : f32 to vector<200x2000xf32>
    %max3A_84 = arith.maximumf %neg3A_81, %max3A_83 : vector<200x2000xf32>
    %abs3A_85 = math.absf %neg3A_81 : vector<200x2000xf32>
    %neg3A_86 = arith.constant 0.000000e+00 : f32
    %neg3A_87 = vector.broadcast %neg3A_86 : f32 to vector<200x2000xf32>
    %neg3A_88 = arith.subf %neg3A_87, %abs3A_85 : vector<200x2000xf32>
    %exp3A_89 = math.exp %neg3A_88 : vector<200x2000xf32>
    %log1p3A_90 = math.log1p %exp3A_89 : vector<200x2000xf32>
    %add3A_91 = arith.addf %max3A_84, %log1p3A_90 : vector<200x2000xf32>
    %add3A_92 = arith.addf %add3A_91, %mul3A_78 : vector<200x2000xf32>
    %sub3A_93 = arith.constant 0.693147182 : f32
    %sub3A_94 = vector.broadcast %sub3A_93 : f32 to vector<200x2000xf32>
    %sub3A_95 = arith.subf %add3A_92, %sub3A_94 : vector<200x2000xf32>
    %reduce_sum3A_96 = vector.shape_cast %sub3A_95 : vector<200x2000xf32> to vector<1x200x2000xf32>
    %reduce_sum3A_97 = arith.constant dense<0.000000e+00> : vector<1xf32>
    %reduce_sum3A_98 = vector.multi_reduction <add>, %reduce_sum3A_96, %reduce_sum3A_97 [1, 2] : vector<1x200x2000xf32> to vector<1xf32>
    %reduce_sum3A_99 = vector.shape_cast %reduce_sum3A_98 : vector<1xf32> to vector<1x1x1xf32>
    %reduce_sum3A_100 = vector.extract %reduce_sum3A_99[0, 0, 0] : f32 from vector<1x1x1xf32>
    %eq3A_101 = arith.constant 0 : i32
    %eq3A_102 = arith.cmpi eq, %arg0, %eq3A_101 : i32
    %convert_element_type3A_103 = arith.extui %eq3A_102 : i1 to i32
    %cond3A = arith.constant 0 : i32
    %cond3A_104 = arith.cmpi ne, %convert_element_type3A_103, %cond3A : i32
    scf.if %cond3A_104 {
      %broadcast_in_dim3A = arith.constant 0.000000e+00 : f32
      %broadcast_in_dim3A_120 = vector.broadcast %broadcast_in_dim3A : f32 to vector<1x1xf32>
      %swap3A_121 = arith.constant 0 : index
      %swap3A_122 = arith.constant 0 : index
      %swap3A_123 = vector.load %arg14[%swap3A_121, %swap3A_122] : memref<1x1xf32, #tpu.memory_space<vmem>>, vector<1x1xf32>
      tpu.vector_store %arg14[%swap3A_121, %swap3A_122], %broadcast_in_dim3A_120 {strides = array<i32>} : memref<1x1xf32, #tpu.memory_space<vmem>>, vector<1x1xf32>,
      %broadcast_in_dim3A_124 = arith.constant 0.000000e+00 : f32
      %broadcast_in_dim3A_125 = vector.broadcast %broadcast_in_dim3A_124 : f32 to vector<1x1xf32>
      %swap3A_126 = arith.constant 0 : index
      %swap3A_127 = arith.constant 0 : index
      %swap3A_128 = vector.load %arg15[%swap3A_126, %swap3A_127] : memref<1x1xf32, #tpu.memory_space<vmem>>, vector<1x1xf32>
      tpu.vector_store %arg15[%swap3A_126, %swap3A_127], %broadcast_in_dim3A_125 {strides = array<i32>} : memref<1x1xf32, #tpu.memory_space<vmem>>, vector<1x1xf32>,
    } else {
    }
    %get3A_105 = arith.constant 0 : index
    %get3A_106 = arith.constant 0 : index
    %get3A_107 = vector.load %arg14[%get3A_105, %get3A_106] : memref<1x1xf32, #tpu.memory_space<vmem>>, vector<1x1xf32>
    %add3A_108 = vector.broadcast %reduce_sum3A_74 : f32 to vector<1x1xf32>
    %add3A_109 = arith.addf %get3A_107, %add3A_108 : vector<1x1xf32>
    %swap3A = arith.constant 0 : index
    %swap3A_110 = arith.constant 0 : index
    %swap3A_111 = vector.load %arg14[%swap3A, %swap3A_110] : memref<1x1xf32, #tpu.memory_space<vmem>>, vector<1x1xf32>
    tpu.vector_store %arg14[%swap3A, %swap3A_110], %add3A_109 {strides = array<i32>} : memref<1x1xf32, #tpu.memory_space<vmem>>, vector<1x1xf32>,
    %get3A_112 = arith.constant 0 : index
    %get3A_113 = arith.constant 0 : index
    %get3A_114 = vector.load %arg15[%get3A_112, %get3A_113] : memref<1x1xf32, #tpu.memory_space<vmem>>, vector<1x1xf32>
    %add3A_115 = vector.broadcast %reduce_sum3A_100 : f32 to vector<1x1xf32>
    %add3A_116 = arith.addf %get3A_114, %add3A_115 : vector<1x1xf32>
    %swap3A_117 = arith.constant 0 : index
    %swap3A_118 = arith.constant 0 : index
    %swap3A_119 = vector.load %arg15[%swap3A_117, %swap3A_118] : memref<1x1xf32, #tpu.memory_space<vmem>>, vector<1x1xf32>
    tpu.vector_store %arg15[%swap3A_117, %swap3A_118], %add3A_116 {strides = array<i32>} : memref<1x1xf32, #tpu.memory_space<vmem>>, vector<1x1xf32>,
    return
  }
  func.func @transform_0(%arg0: i32) -> (i32, i32) {
    %c0_i32 = arith.constant 0 : i32
    %c0_i32_0 = arith.constant 0 : i32
    return %arg0, %c0_i32 : i32, i32
  }
  func.func @transform_1(%arg0: i32) -> (i32, i32) {
    %c0_i32 = arith.constant 0 : i32
    %c0_i32_0 = arith.constant 0 : i32
    return %arg0, %c0_i32 : i32, i32
  }
  func.func @transform_2(%arg0: i32) -> (i32, i32) {
    %c0_i32 = arith.constant 0 : i32
    %c0_i32_0 = arith.constant 0 : i32
    return %arg0, %c0_i32 : i32, i32
  }
  func.func @transform_3(%arg0: i32) -> (i32, i32) {
    %c0_i32 = arith.constant 0 : i32
    %c0_i32_0 = arith.constant 0 : i32
    return %arg0, %c0_i32 : i32, i32
  }
  func.func @transform_4(%arg0: i32) -> (i32, i32) {
    %c0_i32 = arith.constant 0 : i32
    %c0_i32_0 = arith.constant 0 : i32
    return %arg0, %c0_i32 : i32, i32
  }
  func.func @transform_5(%arg0: i32) -> (i32, i32, i32) {
    %c0_i32 = arith.constant 0 : i32
    %c0_i32_0 = arith.constant 0 : i32
    %c0_i32_1 = arith.constant 0 : i32
    return %arg0, %c0_i32, %c0_i32_0 : i32, i32, i32
  }
  func.func @transform_6(%arg0: i32) -> (i32, i32) {
    %c0_i32 = arith.constant 0 : i32
    %c0_i32_0 = arith.constant 0 : i32
    %c0_i32_1 = arith.constant 0 : i32
    return %c0_i32, %c0_i32_0 : i32, i32
  }
  func.func @transform_7(%arg0: i32) -> (i32, i32) {
    %c0_i32 = arith.constant 0 : i32
    %c0_i32_0 = arith.constant 0 : i32
    %c0_i32_1 = arith.constant 0 : i32
    return %c0_i32, %c0_i32_0 : i32, i32
  }
  func.func @transform_8(%arg0: i32) -> (i32, i32) {
    %c0_i32 = arith.constant 0 : i32
    %c0_i32_0 = arith.constant 0 : i32
    %c0_i32_1 = arith.constant 0 : i32
    return %c0_i32, %c0_i32_0 : i32, i32
  }
  func.func @transform_9(%arg0: i32) -> (i32, i32) {
    %c0_i32 = arith.constant 0 : i32
    %c0_i32_0 = arith.constant 0 : i32
    %c0_i32_1 = arith.constant 0 : i32
    return %c0_i32, %c0_i32_0 : i32, i32
  }
  func.func @transform_10(%arg0: i32) -> (i32, i32) {
    %c0_i32 = arith.constant 0 : i32
    %c0_i32_0 = arith.constant 0 : i32
    %c0_i32_1 = arith.constant 0 : i32
    return %c0_i32, %c0_i32_0 : i32, i32
  }
  func.func @transform_11(%arg0: i32) -> (i32, i32) {
    %c0_i32 = arith.constant 0 : i32
    %c0_i32_0 = arith.constant 0 : i32
    %c0_i32_1 = arith.constant 0 : i32
    return %c0_i32, %c0_i32_0 : i32, i32
  }
  func.func @transform_12(%arg0: i32) -> (i32, i32) {
    %c0_i32 = arith.constant 0 : i32
    %c0_i32_0 = arith.constant 0 : i32
    %c0_i32_1 = arith.constant 0 : i32
    return %c0_i32, %c0_i32_0 : i32, i32
  }
  func.func @transform_13(%arg0: i32) -> (i32, i32) {
    %c0_i32 = arith.constant 0 : i32
    %c0_i32_0 = arith.constant 0 : i32
    %c0_i32_1 = arith.constant 0 : i32
    return %c0_i32, %c0_i32_0 : i32, i32
  }
  func.func @transform_14(%arg0: i32) -> (i32, i32) {
    %c0_i32 = arith.constant 0 : i32
    %c0_i32_0 = arith.constant 0 : i32
    %c0_i32_1 = arith.constant 0 : i32
    return %c0_i32, %c0_i32_0 : i32, i32
  }
}

</mosaic_0001>

<sc_bundles>
// kernel: kernel.15.cloned.1.call-start
scs
__scs_entry_jumppad:
0x0: {  	(pc) =	sbr.rel $0x88, $3  }
0x1: {  	(tag) =	ssettag $0x0;
	lr =	simm.s32 $0x1  }
0x2: {  	[smem:$0x3F6F] =	sst lr;
	_ =	strace $0xD0000000  }
0x3: {  	_ = 	snop  }
0x4: {  	_ = 	snop  }
0x5: {  	_ = 	snop  }
0x6: {  	_ = 	snop  }
0x7: {  	_ = 	snop  }
__scs_overlays_trampoline_lowered:
0x8: {  	[smem:$0x3F7E] =	sst s0  }
0x9: {  	[smem:$0x3F7F] =	sst s1  }
0xa: {  	[smem:$0x3F80] =	sst s2  }
0xb: {  	[smem:$0x3F81] =	sst s3  }
0xc: {  	[smem:$0x3F82] =	sst s4  }
0xd: {  	[smem:$0x3F83] =	sst s5  }
0xe: {  	[smem:$0x3F84] =	sst s6  }
0xf: {  	[smem:$0x3F85] =	sst s7  }
0x10: {  	[smem:$0x3F86] =	sst s8  }
0x11: {  	[smem:$0x3F87] =	sst s9;
	s0 =	simm.s32 @!p0 $0x0  }
0x12: {  	s1 =	sld [smem:$0x3F6D];
	s0 =	simm.s32 @p0 $0x1  }
0x13: {  	[smem:$0x3F88] =	sst s0;
	s0 =	simm.s32 @!p1 $0x0  }
0x14: {  	s2 =	sld [smem:$0x3F6C];
	s0 =	simm.s32 @p1 $0x1  }
0x15: {  	[smem:$0x3F89] =	sst s0;
	s0 =	simm.s32 @!p2 $0x0  }
0x16: {  	s3 =	sld [smem:$0x3FDB];
	s0 =	simm.s32 @p2 $0x1  }
0x17: {  	s4 =	simm.s32 $0x1BF5;
	[smem:$0x3F8B] =	sst s0  }
0x18: {  	s0 =	sld [smem:$0x3F6E];
	_ =	swait.ge [sflag:s4], $0x0  }
0x19: {  	s7 =	sld [smem:$0x3F6F]  }
0x1a: {  	s8 =	sadd.s32 $0xFFFFE003, lr  }
0x1b: {  	s9 =	sadd.s32 $0xFFFFFEF7, lr;
	s5 =	simm.s32 $0xFFFFFFFF;
	p2 =	slt.u32 s8, $0xFFFFF086  }
0x1c: {  	p1 =	slt.u32 s9, $0xF7A;
	s5 =	simm.s32 @!p2 $0x0  }
0x1d: {  	s5 =	simm.s32 @p1 $0x1;
	p0 =	seq.s32 s7, s2  }
0x1e: {  	s7 =	smul.u32 @!p0 $0xF7A, s2;
	p2 =	seq.s32 @!p0 s5, $0x0  }
0x1f: {  	s9 =	smul.u32 $0xF7A, s1;
	s8 =	simm.s32 @!p0 $0x1BF5;
	p2 =	por !p2, p0  }
0x20: {  	[sflag:s8] =	ssyncset.s32 @!p0 $0xFFFFF086;
	s6 =	sadd.s32 @!p0 s3, s7;
	s7 =	simm.s32 @!p0 $0x108  }
0x21: {  	s3 =	sadd.s32 s3, s9;
	s6 =	sadd.s32 @!p0 $0x88, s6;
	s7 =	simm.s32 @p2 $0x1082  }
0x22: {  	[simem:s7], [sflag:s8] =	dma.local @!p0 [hbm:s6], $0xF7A  }
0x23: {  	s9 =	sor.u32 $0xD0000000, s2;
	s6 =	simm.s32 $0x108;
	_ =	swait.ge @!p0 [sflag:s8], $0x0  }
0x24: {  	s3 =	sadd.s32 $0x88, s3;
	s6 =	simm.s32 @!p1 $0x1082;
	[sflag:s4] =	ssyncset.s32 $0xFFFFF086  }
0x25: {  	[simem:s6], [sflag:s4] =	dma.local [hbm:s3], $0xF7A  }
0x26: {  	[smem:$0x3F6F] =	sst s1;
	(tag) =	ssettag s2;
	_ =	strace s9  }
0x27: {  	s1 =	sld [smem:$0x3F7F]  }
0x28: {  	s2 =	sld [smem:$0x3F80]  }
0x29: {  	s4 =	sld [smem:$0x3F82]  }
0x2a: {  	p0 =	seq.s32 s5, $0x0;
	s5 =	sld [smem:$0x3F83]  }
0x2b: {  	s6 =	sld [smem:$0x3F84]  }
0x2c: {  	s7 =	sld [smem:$0x3F85]  }
0x2d: {  	s3 =	simm.s32 $0x108;
	s8 =	sld [smem:$0x3F86]  }
0x2e: {  	s3 =	simm.s32 @!p0 $0x1082;
	s9 =	sld [smem:$0x3F87]  }
0x2f: {  	lr =	sadd.s32 s0, s3;
	s0 =	sld [smem:$0x3F7E]  }
0x30: {  	s3 =	sld [smem:$0x3F81]  }
0x31: {  	[smem:$0x3F8A] =	sst s10  }
0x32: {  	s10 =	sld [smem:$0x3F88];
	_ =	sdelay $0x3  }
0x33: {  	p0 =	seq.s32 s10, $0x1;
	s10 =	sld [smem:$0x3F8A];
	_ =	sdelay $0x3  }
0x34: {  	[smem:$0x3F8A] =	sst s10  }
0x35: {  	s10 =	sld [smem:$0x3F89];
	_ =	sdelay $0x3  }
0x36: {  	p1 =	seq.s32 s10, $0x1;
	s10 =	sld [smem:$0x3F8A];
	_ =	sdelay $0x3  }
0x37: {  	[smem:$0x3F8A] =	sst s10  }
0x38: {  	s10 =	sld [smem:$0x3F8B]  }
0x39: {  	_ = 	snop;
	(pc) =	sbr.ind lr, $3  }
0x3a: {  	_ = 	snop  }
0x3b: {  	_ = 	snop  }
0x3c: {  	p2 =	seq.s32 s10, $0x1;
	s10 =	sld [smem:$0x3F8A]  }
0x3d: {  	_ =	shalt  }
0x3e: {  	_ =	shalt  }
0x3f: {  	_ =	shalt  }
0x40: {  	_ =	shalt  }
0x41: {  	_ =	shalt  }
0x42: {  	_ =	shalt  }
0x43: {  	_ =	shalt  }
0x44: {  	_ =	shalt  }
0x45: {  	_ =	shalt  }
0x46: {  	_ =	shalt  }
0x47: {  	_ =	shalt  }
0x48: {  	_ =	shalt  }
0x49: {  	_ =	shalt  }
0x4a: {  	_ =	shalt  }
0x4b: {  	_ =	shalt  }
0x4c: {  	_ =	shalt  }
0x4d: {  	_ =	shalt  }
0x4e: {  	_ =	shalt  }
0x4f: {  	_ =	shalt  }
0x50: {  	_ =	shalt  }
0x51: {  	_ =	shalt  }
0x52: {  	_ =	shalt  }
0x53: {  	_ =	shalt  }
0x54: {  	_ =	shalt  }
0x55: {  	_ =	shalt  }
0x56: {  	_ =	shalt  }
0x57: {  	_ =	shalt  }
0x58: {  	_ =	shalt  }
0x59: {  	_ =	shalt  }
0x5a: {  	_ =	shalt  }
0x5b: {  	_ =	shalt  }
0x5c: {  	_ =	shalt  }
0x5d: {  	_ =	shalt  }
0x5e: {  	_ =	shalt  }
0x5f: {  	_ =	shalt  }
0x60: {  	_ =	shalt  }
0x61: {  	_ =	shalt  }
0x62: {  	_ =	shalt  }
0x63: {  	_ =	shalt  }
0x64: {  	_ =	shalt  }
0x65: {  	_ =	shalt  }
0x66: {  	_ =	shalt  }
0x67: {  	_ =	shalt  }
0x68: {  	_ =	shalt  }
0x69: {  	_ =	shalt  }
0x6a: {  	_ =	shalt  }
0x6b: {  	_ =	shalt  }
0x6c: {  	_ =	shalt  }
0x6d: {  	_ =	shalt  }
0x6e: {  	_ =	shalt  }
0x6f: {  	_ =	shalt  }
0x70: {  	_ =	shalt  }
0x71: {  	_ =	shalt  }
0x72: {  	_ =	shalt  }
0x73: {  	_ =	shalt  }
0x74: {  	_ =	shalt  }
0x75: {  	_ =	shalt  }
0x76: {  	_ =	shalt  }
0x77: {  	_ =	shalt  }
0x78: {  	_ =	shalt  }
0x79: {  	_ =	shalt  }
0x7a: {  	_ =	shalt  }
0x7b: {  	_ =	shalt  }
0x7c: {  	_ =	shalt  }
0x7d: {  	_ =	shalt  }
0x7e: {  	_ =	shalt  }
0x7f: {  	_ =	shalt  }
0x80: {  	_ =	shalt  }
0x81: {  	_ =	shalt  }
0x82: {  	_ =	shalt  }
0x83: {  	_ =	shalt  }
0x84: {  	_ =	shalt  }
0x85: {  	_ =	shalt  }
0x86: {  	_ =	shalt  }
0x87: {  	_ =	shalt  }
.Lfunc_end0:
.L_simem_size_0:
called_computation_lowered:
.L_overlay_start_0:
0x88: {  	s2 =	sld [smem:$0x3FD9]  }
0x89: {  	s3 =	sld [smem:$0x3FFE];
	_ =	sdelay $0x1  }
0x8a: {  	s1 =	srdreg.scid  }
0x8b: {  	s0 =	sand.u32 $0x1, s1  }
0x8c: {  	s16 =	sshll.u32 s0, $0xA;
	s2 =	sadd.s32 s3, s2  }
0x8d: {  	s2 =	sadd.s32 s2, s16  }
0x8e: {  	[smem:$0x3F96] =	sst s2  }
0x8f: {  	_ = 	snop  }
0x90: {  	(tm) =	ssettm $0x1  }
0x91: {  	s17 =	sld [smem:$0x3FFB];
	_ =	sdelay $0x3  }
0x92: {  	_ =	strace s17  }
0x93: {  	s2 =	sld [smem:$0x3FFC];
	_ =	sdelay $0x3  }
0x94: {  	_ =	strace s2  }
0x95: {  	s2 =	sld [smem:$0x3FFD];
	_ =	sdelay $0x3  }
0x96: {  	_ =	strace s2  }
0x97: {  	_ =	strace $0x8FFFFFFF  }
0x98: {  	s18 =	sld [smem:$0x3FDB];
	_ =	sdelay $0x1  }
0x99: {  	s19 =	simm.s32 $_scs_section_size  }
0x9a: {  	s4 =	simm.s32 $_size__tile_overlayer_lowered;
	s5 =	simm.s32 $_tile_overlayer_lowered  }
0x9b: {  	s22 =	simm.s32 $0x1BFF;
	s21 =	sshll.u32 s5, $0x1;
	s2 =	sadd.s32 s19, s18  }
0x9c: {  	s6 =	simm.s32 $0x0;
	s20 =	sshll.u32 s4, $0x1;
	s4 =	sadd.s32 s21, s2  }
0x9d: {  	[timem:s6], [sflag:s22] =	dma.local [hbm:s4], s20  }
0x9e: {  	_ =	swait.ge [sflag:s22], s20  }
0x9f: {  	s3 =	ssub.s32 $0x0, s20;
	[sflag:s22] =	ssyncset.done $0x0  }
0xa0: {  	[sflag:s22] =	ssyncadd.s32 s3;
	_ =	sdelay $0x1  }
0xa1: {  	s23 =	simm.s32 $0x1B8B  }
0xa2: {  	_ =	swait.ge [sflag:s23], $0x1  }
0xa3: {  	[sflag:s23] =	ssyncset.done $0x0  }
0xa4: {  	s25 =	simm.s32 $0x1B8E;
	s24 =	sld [smem:$0x3FFE];
	[sflag:s23] =	ssyncadd.s32 $0xFFFFFFFF  }
0xa5: {  	s26 =	simm.s32 $execute0_lowered;
	[smem:$0x3FD2] =	sst s25  }
0xa6: {  	s4 =	sshll.u32 s26, $0x1;
	_ =	strace $0x80000046;
	[dreg:$0x1] =	wrdreg $0xFFFFFFFF  }
0xa7: {  	s28 =	simm.s32 $_size_execute0_lowered;
	s2 =	sadd.s32 s2, s4;
	[dreg:$0x0] =	wrdreg $0x0  }
0xa8: {  	s4 =	sshll.u32 s28, $0x1;
	[dreg:$0x2] =	wrdreg s2  }
0xa9: {  	[dreg:$0x3] =	wrdreg s4  }
0xaa: {  	[dreg:$0x4] =	wrdreg $0xC0  }
0xab: {  	_ =	task [dreg:s6], $0x5FFFF  }
0xac: {  	[dreg:$0x1] =	wrdreg $0xFFFFFFFF  }
0xad: {  	[dreg:$0x0] =	wrdreg $0x60  }
0xae: {  	[dreg:$0x2] =	wrdreg s24  }
0xaf: {  	[dreg:$0x3] =	wrdreg $0x150000  }
0xb0: {  	[dreg:$0x4] =	wrdreg $0x9  }
0xb1: {  	_ =	task.clear_ibuf [dreg:s6], $0x5FFFF;
	_ =	strace $0x90000046  }
0xb2: {  	s29 =	simm.s32 $0x9;
	_ =	strace $0x80000048  }
0xb3: {  	_ =	swait.ge [sflag:s29], $0x1  }
0xb4: {  	[sflag:s29] =	ssyncadd.s32 $0xFFFFFFFF  }
0xb5: {  	_ =	strace $0x90000048  }
0xb6: {  	_ =	sfence  }
0xb7: {  	s30 =	sld [smem:$0x0];
	_ =	sdelay $0x2  }
0xb8: {  	s31 =	sshll.u32 s1, $0xD;
	s1 =	sshrl.u32 s1, $0x2  }
0xb9: {  	s3 =	sand.u32 $0x4000, s31;
	s1 =	sadd.s32 s1, s30  }
0xba: {  	s0 =	sor.u32 s3, s0;
	s1 =	sshll.u32 s1, $0x11  }
0xbb: {  	s0 =	sor.u32 s1, s0  }
0xbc: {  	s0 =	sadd.s32 $0x8F2B, s0  }
0xbd: {  	[sflag:s0] =	ssyncadd.remote.s32 $0x1  }
0xbe: {  	_ =	sfence.sel $0xFFFF  }
0xbf: {  	[dreg:$0x0] =	wrdreg $0xFFFFFFFF;
	(pc) =	sbr.abs _section_cstart, $3  }
0xc0: {  	[dreg:$0x1] =	wrdreg $0xFFFFFFFF  }
0xc1: {  	_ =	task.clear_ibuf [dreg:s6], $0x2FFFF;
	_ =	strace $0x9FFFFFFF  }
0xc2: {  	(tm) =	ssettm $0x7FFFFFFF  }
0xc3: {  	_ =	shalt  }
tec
execute0_lowered:
.L_overlay_start_1:
0x0: {  	(tag) =	ssettag $0x1  }
0x1: {  	s0 =	srdreg.scid;
	s1 =	rddreg [dreg:$0x0]  }
0x2: {  	s2 =	rddreg [dreg:$0x1];
	s9 =	stileid.u32  }
0x3: {  	s3 =	simm.s32 $0x0;
	s14 =	simm.s32 $0x5000;
	s15 =	simm.s32 $0x3  }
0x4: {  	s16 =	simm.s32 $0x2;
	s17 =	simm.s32 $0x80;
	s28 =	simm.s32 $0xF000  }
0x5: {  	s29 =	simm.s32 $0x300;
	s30 =	simm.s32 $0x11000;
	s31 =	simm.s32 $0x13000  }
0x6: {  	s0 =	sand.u32 $0x1, s0;
	[smem:$0x7FF] =	sst s3;
	s8 =	smul.u32 $0x28000, s9  }
0x7: {  	s12 =	smul.u32 $0xA000, s9;
	s4 =	sshll.u32 s0, $0x4;
	_ =	strace $0x80000047  }
0x8: {  	s6 =	smul.u32 $0x14000, s0;
	s0 =	ssub.s32 $0x2, s0;
	s4 =	sor.u32 s9, s4  }
0x9: {  	s26 =	sshrl.u32 s0, $0x1;
	s8 =	sshrl.u32 s8, $0x2;
	s13 =	sshrl.u32 s12, $0x3  }
0xa: {  	s5 =	smul.u32 $0x500, s4;
	s4 =	sadd.s32 $0x9A00, s1;
	s11 =	sadd.s32 s8, s2  }
0xb: {  	s0 =	ssub.s32 s0, s26;
	s8 =	sadd.s32 $0x2000, s11;
	s9 =	sadd.s32 $0x4000, s11  }
0xc: {  	s10 =	sadd.s32 $0x6000, s11;
	s11 =	sadd.s32 $0x8000, s11;
	s7 =	sadd.s32 s5, s1  }
0xd: {  	s1 =	sadd.s32 s6, s1;
	s5 =	sadd.s32 $0x1D400, s7;
	s6 =	sadd.s32 $0x27400, s7  }
0xe: {  	s7 =	sadd.s32 s12, s2;
	s1 =	sadd.s32 $0x31400, s1;
	s12 =	smax.u32 s0, $0x1  }
0xf: {  	v0 =	vimm.f32 $0.0e+00;
	s0 =	simm.s32 $0x1;
	s24 =	sadd.s32 s13, s1;
	s1 =	simm.s32 $0x0  }
.LBB2_1:
0x10: {  	[tilespmem:s3], [sflag:$0x2] =	stream.linear.gather [hbm4b:s5+s3], $0x2800, $0x38;
	[tilespmem:$0x1F000] =	vst v63  }
0x11: {  	s13 =	simm.s32 $0x2800  }
0x12: {  	[tilespmem:s13], [sflag:$0x2] =	stream.linear.gather [hbm4b:s6+s3], $0x2800, $0x38;
	[tilespmem:$0x1F000] =	vst v63  }
0x13: {  	s18 =	simm.s32 $0x100;
	s13 =	simm.s32 $0x0  }
.LBB2_2:
0x14: {  	p0 =	sne.s32 s18, $0x7F00;
	[tilespmem:s13+$0x5030] =	vst v0;
	s19 =	smov.u32 s18;
	s18 =	sadd.s32 $0x100, s18  }
.Ltmp0:
0x15: {  	[tilespmem:s13+$0x5020] =	vst v0;
	(pc) =	sbr.rel @p0 .LBB2_2-.Ltmp0, $3  }
0x16: {  	[tilespmem:s13+$0x5000] =	vst v0  }
0x17: {  	[tilespmem:s13+$0x5010] =	vst v0;
	_ =	sdelay $0x1  }
0x18: {  	s13 =	sshra.s32 s19, $0x2  }
0x19: {  	[tilespmem:s13+$0x5030] =	vst v0  }
0x1a: {  	[tilespmem:s13+$0x5020] =	vst v0  }
0x1b: {  	[tilespmem:s13+$0x5000] =	vst v0  }
0x1c: {  	[tilespmem:s13+$0x5010] =	vst v0  }
0x1d: {  	[spmem:s7] =	stream.linear.scatter [tilespmem:s14], [sflag:$0x3], $0x2000, $0x38;
	[tilespmem:$0x1F000] =	vst v63  }
0x1e: {  	_ =	swait.ge [sflag:s15], $0x2000  }
0x1f: {  	[sflag:s15] =	ssyncset.done $0x0  }
0x20: {  	[sflag:s15] =	ssyncadd.s32 $0xFFFFE000  }
0x21: {  	[spmem:s8] =	stream.linear.scatter [tilespmem:s14], [sflag:$0x3], $0x2000, $0x38;
	[tilespmem:$0x1F000] =	vst v63  }
0x22: {  	_ =	swait.ge [sflag:s15], $0x2000  }
0x23: {  	[sflag:s15] =	ssyncset.done $0x0  }
0x24: {  	[sflag:s15] =	ssyncadd.s32 $0xFFFFE000  }
0x25: {  	[spmem:s9] =	stream.linear.scatter [tilespmem:s14], [sflag:$0x3], $0x2000, $0x38;
	[tilespmem:$0x1F000] =	vst v63  }
0x26: {  	_ =	swait.ge [sflag:s15], $0x2000  }
0x27: {  	[sflag:s15] =	ssyncset.done $0x0  }
0x28: {  	[sflag:s15] =	ssyncadd.s32 $0xFFFFE000  }
0x29: {  	[spmem:s10] =	stream.linear.scatter [tilespmem:s14], [sflag:$0x3], $0x2000, $0x38;
	[tilespmem:$0x1F000] =	vst v63  }
0x2a: {  	_ =	swait.ge [sflag:s15], $0x2000  }
0x2b: {  	[sflag:s15] =	ssyncset.done $0x0  }
0x2c: {  	[sflag:s15] =	ssyncadd.s32 $0xFFFFE000  }
0x2d: {  	[spmem:s11] =	stream.linear.scatter [tilespmem:s14], [sflag:$0x3], $0x2000, $0x38;
	[tilespmem:$0x1F000] =	vst v63  }
0x2e: {  	_ =	swait.ge [sflag:s15], $0x2000  }
0x2f: {  	[sflag:s15] =	ssyncset.done $0x0  }
0x30: {  	[sflag:s15] =	ssyncadd.s32 $0xFFFFE000  }
0x31: {  	_ =	swait.ge [sflag:s16], $0x2800  }
0x32: {  	[sflag:s16] =	ssyncset.done $0x0  }
0x33: {  	[sflag:s16] =	ssyncadd.s32 $0xFFFFD800  }
0x34: {  	_ =	swait.ge [sflag:s16], $0x2800  }
0x35: {  	[sflag:s16] =	ssyncset.done $0x0  }
0x36: {  	[sflag:s16] =	ssyncadd.s32 $0xFFFFD800  }
0x37: {  	s18 =	simm.s32 $0x0;
	[bflag:$0x0] =	sbarrier.arrive $0xFFFF  }
0x38: {  	[tilespmem:s14], [sflag:$0x1] =	stream.indirect.gather [hbm4b:s4+s17], $0x40, s18, s17, $0xb8;
	[tilespmem:$0x1F000] =	vst v63  }
0x39: {  	s25 =	simm.s32 $0x7000  }
0x3a: {  	[tilespmem:s25], [sflag:$0x1] =	stream.indirect.gather [hbm4b:s4+s17], $0x40, s17, s17, $0xb8;
	[tilespmem:$0x1F000] =	vst v63  }
0x3b: {  	s26 =	simm.s32 $0x100;
	s19 =	simm.s32 $0x9000  }
0x3c: {  	[tilespmem:s19], [sflag:$0x1] =	stream.indirect.gather [hbm4b:s4+s17], $0x40, s26, s17, $0xb8;
	[tilespmem:$0x1F000] =	vst v63  }
0x3d: {  	s20 =	simm.s32 $0x180;
	s21 =	simm.s32 $0xB000  }
0x3e: {  	[tilespmem:s21], [sflag:$0x1] =	stream.indirect.gather [hbm4b:s4+s17], $0x40, s20, s17, $0xb8;
	[tilespmem:$0x1F000] =	vst v63  }
0x3f: {  	s22 =	simm.s32 $0x200;
	s23 =	simm.s32 $0xD000  }
0x40: {  	[tilespmem:s23], [sflag:$0x1] =	stream.indirect.gather [hbm4b:s4+s17], $0x40, s22, s17, $0xb8;
	[tilespmem:$0x1F000] =	vst v63  }
0x41: {  	s18 =	sand.u32 $0x38000, s18;
	s25 =	simm.s32 $0x280  }
0x42: {  	[tilespmem:s28], [sflag:$0x1] =	stream.indirect.gather [hbm4b:s4+s17], $0x40, s25, s17, $0xb8;
	[tilespmem:$0x1F000] =	vst v63  }
0x43: {  	s13 =	simm.s32 $0x380;
	s18 =	sshrl.u32 s18, $0x2  }
0x44: {  	[tilespmem:s30], [sflag:$0x1] =	stream.indirect.gather [hbm4b:s4+s17], $0x40, s29, s17, $0xb8;
	[tilespmem:$0x1F000] =	vst v63  }
0x45: {  	p0 =	por $0x1, $0x1;
	s18 =	sadd.s32 $0x5000, s18;
	s19 =	simm.s32 $0xE000  }
0x46: {  	[tilespmem:s31], [sflag:$0x1] =	stream.indirect.gather [hbm4b:s4+s17], $0x40, s13, s17, $0xb8;
	[tilespmem:$0x1F000] =	vst v63  }
0x47: {  	s26 =	simm.s32 $0x2800;
	s20 =	sand.u32 @!p0 $0xE000, s19;
	_ =	swait.ge [sflag:s0], $0x2000  }
0x48: {  	s19 =	simm.s32 $0x0;
	s21 =	simm.s32 $0x2880;
	[sflag:s0] =	ssyncset.done $0x0  }
0x49: {  	s23 =	simm.s32 @!p0 $0x2;
	s22 =	simm.s32 $0x380;
	[sflag:s0] =	ssyncadd.s32 $0xFFFFE000  }
0x4a: {  	[spmem:s2] =	stream.indirect.scatter.add.f32 [tilespmem:s18], [sflag:$0x2], $0x40, s26, s17, $0xb8;
	[tilespmem:$0x1F000] =	vst v63  }
0x4b: {  	s25 =	sadd.s32 @!p0 $0x5000, s20;
	s20 =	simm.s32 $0x8000;
	_ =	swait.ge @!p0 [sflag:s23], $0x2000  }
0x4c: {  	s18 =	simm.s32 $0x10000;
	s26 =	simm.s32 @!p0 $0x80;
	[sflag:s23] =	ssyncset.done @!p0 $0x0  }
.LBB2_4:
0x4d: {  	[sflag:s23] =	ssyncadd.s32 @!p0 $0xFFFFE000  }
0x4e: {  	s13 =	sadd.s32 $0x80, s13;
	s23 =	smov.u32 s18;
	s18 =	sadd.s32 $0x2000, s18  }
0x4f: {  	[tilespmem:s25], [sflag:$0x1] =	stream.indirect.gather @!p0 [hbm4b:s4+s26], $0x40, s22, s26, $0xb8;
	[tilespmem:$0x1F000] =	vst v63  }
0x50: {  	p1 =	sne.s32 s18, $0xAE000;
	s22 =	smov.u32 s13  }
0x51: {  	s25 =	sand.u32 $0x38000, s20;
	_ =	swait.ge [sflag:s0], $0x2000  }
0x52: {  	p0 =	sgt.u32 s19, $0x47;
	s25 =	sshrl.u32 s25, $0x2;
	[sflag:s0] =	ssyncset.done $0x0  }
.Ltmp1:
0x53: {  	s25 =	sadd.s32 $0x5000, s25;
	[sflag:s0] =	ssyncadd.s32 $0xFFFFE000;
	(pc) =	sbr.rel @p1 .LBB2_4-.Ltmp1, $4  }
0x54: {  	[spmem:s2] =	stream.indirect.scatter.add.f32 [tilespmem:s25], [sflag:$0x2], $0x40, s21, s17, $0xb8;
	[tilespmem:$0x1F000] =	vst v63  }
0x55: {  	s19 =	sadd.s32 $0x1, s19;
	s25 =	sand.u32 @!p0 $0xE000, s23;
	s23 =	simm.s32 @!p0 $0x2  }
0x56: {  	s20 =	sadd.s32 $0x8000, s20;
	s25 =	sadd.s32 @!p0 $0x5000, s25;
	_ =	swait.ge @!p0 [sflag:s23], $0x2000  }
0x57: {  	s26 =	simm.s32 @!p0 $0x80;
	s21 =	sadd.s32 $0x80, s21;
	[sflag:s23] =	ssyncset.done @!p0 $0x0  }
0x58: {  	[sflag:s23] =	ssyncadd.s32 @!p0 $0xFFFFE000  }
0x59: {  	[tilespmem:s25], [sflag:$0x1] =	stream.indirect.gather @!p0 [hbm4b:s4+s26], $0x40, s22, s26, $0xb8;
	[tilespmem:$0x1F000] =	vst v63  }
0x5a: {  	_ =	swait.ge [sflag:s16], $0x2000  }
0x5b: {  	[sflag:s16] =	ssyncset.done $0x0  }
0x5c: {  	[sflag:s16] =	ssyncadd.s32 $0xFFFFE000  }
0x5d: {  	_ =	swait.ge [sflag:s16], $0x2000  }
0x5e: {  	[sflag:s16] =	ssyncset.done $0x0  }
0x5f: {  	[sflag:s16] =	ssyncadd.s32 $0xFFFFE000  }
0x60: {  	_ =	swait.ge [sflag:s16], $0x2000  }
0x61: {  	[sflag:s16] =	ssyncset.done $0x0  }
0x62: {  	[sflag:s16] =	ssyncadd.s32 $0xFFFFE000  }
0x63: {  	_ =	swait.ge [sflag:s16], $0x2000  }
0x64: {  	[sflag:s16] =	ssyncset.done $0x0  }
0x65: {  	[sflag:s16] =	ssyncadd.s32 $0xFFFFE000  }
0x66: {  	_ =	swait.ge [sflag:s16], $0x2000  }
0x67: {  	[sflag:s16] =	ssyncset.done $0x0  }
0x68: {  	[sflag:s16] =	ssyncadd.s32 $0xFFFFE000  }
0x69: {  	_ =	swait.ge [sflag:s16], $0x2000  }
0x6a: {  	[sflag:s16] =	ssyncset.done $0x0  }
0x6b: {  	[sflag:s16] =	ssyncadd.s32 $0xFFFFE000  }
0x6c: {  	_ =	swait.ge [sflag:s16], $0x2000  }
0x6d: {  	[sflag:s16] =	ssyncset.done $0x0  }
0x6e: {  	[sflag:s16] =	ssyncadd.s32 $0xFFFFE000  }
0x6f: {  	s13 =	stileid.u32;
	_ =	swait.ge [sflag:s16], $0x2000  }
0x70: {  	s18 =	sshrl.u32 s7, $0x3;
	s1 =	sadd.s32 $0x1, s1;
	[sflag:s16] =	ssyncset.done $0x0  }
0x71: {  	s13 =	sshll.u32 s13, $0x6;
	p0 =	sne.s32 s1, s12;
	[sflag:s16] =	ssyncadd.s32 $0xFFFFE000  }
.Ltmp2:
0x72: {  	s13 =	sor.u32 $0x1C03, s13;
	[bflag:$0x0] =	sbarrier.arrive $0xFFFF;
	(pc) =	sbr.rel @p0 .LBB2_1-.Ltmp2, $4  }
0x73: {  	[hbm:s24], [sflag:s13] =	dma.local [spmem:s18], $0x1400  }
0x74: {  	_ =	swait.ge [sflag:s15], $0x1400  }
0x75: {  	[sflag:s15] =	ssyncset.done $0x0  }
0x76: {  	[sflag:s15] =	ssyncadd.s32 $0xFFFFEC00  }
0x77: {  	_ =	sfence.sel $0x180000  }
0x78: {  	[bflag:$0x0] =	sbarrier.arrive $0xFFFF  }
0x79: {  	_ =	strace $0x90000047  }
0x7a: {  	s0 =	stileid.u32;
	[bflag:$0x2] =	sbarrier.arrive $0xFFFF  }
0x7b: {  	p0 =	sne.s32 s0, $0x0;
	s0 =	rddreg [dreg:$0x2]  }
0x7c: {  	s0 =	sadd.s32 @!p0 $0x100000, s0  }
0x7d: {  	[sflag:s0] =	ssyncadd.tile.s32 @!p0 $0x1;
	_ =	shalt  }
.Lfunc_end2:
_tile_overlayer_lowered:
.L_overlay_start_2:
0x7e: {  	(tag) =	ssettag $0x2  }
0x7f: {  	s0 =	rddreg [dreg:$0x0];
	s2 =	stileid.u32  }
0x80: {  	s1 =	rddreg [dreg:$0x1];
	p0 =	sne.s32 s2, $0x0  }
0x81: {  	s3 =	rddreg [dreg:$0x2];
	[bflag:$0x3] =	sbarrier.arrive $0xFFFF;
	s2 =	simm.s32 @!p0 $0x1C03  }
0x82: {  	[timem:s3], [sflag:s2] =	dma.local @!p0 [hbm:s0], s1  }
0x83: {  	s0 =	simm.s32 @!p0 $0x3  }
0x84: {  	_ =	swait.ge @!p0 [sflag:s0], s1  }
0x85: {  	s1 =	ssub.s32 @!p0 $0x0, s1;
	[sflag:s0] =	ssyncset.done @!p0 $0x0  }
0x86: {  	[sflag:s0] =	ssyncadd.s32 @!p0 s1  }
0x87: {  	[bflag:$0x3] =	sbarrier.arrive $0xFFFF  }
0x88: {  	_ =	shalt  }

// kernel: kernel.18.cloned.1.call-start
scs
__scs_entry_jumppad:
0x0: {  	(pc) =	sbr.rel $0x88, $3  }
0x1: {  	(tag) =	ssettag $0x0;
	lr =	simm.s32 $0x1  }
0x2: {  	[smem:$0x3F6F] =	sst lr;
	_ =	strace $0xD0000000  }
0x3: {  	_ = 	snop  }
0x4: {  	_ = 	snop  }
0x5: {  	_ = 	snop  }
0x6: {  	_ = 	snop  }
0x7: {  	_ = 	snop  }
__scs_overlays_trampoline_lowered:
0x8: {  	[smem:$0x3F7E] =	sst s0  }
0x9: {  	[smem:$0x3F7F] =	sst s1  }
0xa: {  	[smem:$0x3F80] =	sst s2  }
0xb: {  	[smem:$0x3F81] =	sst s3  }
0xc: {  	[smem:$0x3F82] =	sst s4  }
0xd: {  	[smem:$0x3F83] =	sst s5  }
0xe: {  	[smem:$0x3F84] =	sst s6  }
0xf: {  	[smem:$0x3F85] =	sst s7  }
0x10: {  	[smem:$0x3F86] =	sst s8  }
0x11: {  	[smem:$0x3F87] =	sst s9;
	s0 =	simm.s32 @!p0 $0x0  }
0x12: {  	s1 =	sld [smem:$0x3F6D];
	s0 =	simm.s32 @p0 $0x1  }
0x13: {  	[smem:$0x3F88] =	sst s0;
	s0 =	simm.s32 @!p1 $0x0  }
0x14: {  	s2 =	sld [smem:$0x3F6C];
	s0 =	simm.s32 @p1 $0x1  }
0x15: {  	[smem:$0x3F89] =	sst s0;
	s0 =	simm.s32 @!p2 $0x0  }
0x16: {  	s3 =	sld [smem:$0x3FDB];
	s0 =	simm.s32 @p2 $0x1  }
0x17: {  	s4 =	simm.s32 $0x1BF5;
	[smem:$0x3F8B] =	sst s0  }
0x18: {  	s0 =	sld [smem:$0x3F6E];
	_ =	swait.ge [sflag:s4], $0x0  }
0x19: {  	s7 =	sld [smem:$0x3F6F]  }
0x1a: {  	s8 =	sadd.s32 $0xFFFFE003, lr  }
0x1b: {  	s9 =	sadd.s32 $0xFFFFFEF7, lr;
	s5 =	simm.s32 $0xFFFFFFFF;
	p2 =	slt.u32 s8, $0xFFFFF086  }
0x1c: {  	p1 =	slt.u32 s9, $0xF7A;
	s5 =	simm.s32 @!p2 $0x0  }
0x1d: {  	s5 =	simm.s32 @p1 $0x1;
	p0 =	seq.s32 s7, s2  }
0x1e: {  	s7 =	smul.u32 @!p0 $0xF7A, s2;
	p2 =	seq.s32 @!p0 s5, $0x0  }
0x1f: {  	s9 =	smul.u32 $0xF7A, s1;
	s8 =	simm.s32 @!p0 $0x1BF5;
	p2 =	por !p2, p0  }
0x20: {  	[sflag:s8] =	ssyncset.s32 @!p0 $0xFFFFF086;
	s6 =	sadd.s32 @!p0 s3, s7;
	s7 =	simm.s32 @!p0 $0x108  }
0x21: {  	s3 =	sadd.s32 s3, s9;
	s6 =	sadd.s32 @!p0 $0x88, s6;
	s7 =	simm.s32 @p2 $0x1082  }
0x22: {  	[simem:s7], [sflag:s8] =	dma.local @!p0 [hbm:s6], $0xF7A  }
0x23: {  	s9 =	sor.u32 $0xD0000000, s2;
	s6 =	simm.s32 $0x108;
	_ =	swait.ge @!p0 [sflag:s8], $0x0  }
0x24: {  	s3 =	sadd.s32 $0x88, s3;
	s6 =	simm.s32 @!p1 $0x1082;
	[sflag:s4] =	ssyncset.s32 $0xFFFFF086  }
0x25: {  	[simem:s6], [sflag:s4] =	dma.local [hbm:s3], $0xF7A  }
0x26: {  	[smem:$0x3F6F] =	sst s1;
	(tag) =	ssettag s2;
	_ =	strace s9  }
0x27: {  	s1 =	sld [smem:$0x3F7F]  }
0x28: {  	s2 =	sld [smem:$0x3F80]  }
0x29: {  	s4 =	sld [smem:$0x3F82]  }
0x2a: {  	p0 =	seq.s32 s5, $0x0;
	s5 =	sld [smem:$0x3F83]  }
0x2b: {  	s6 =	sld [smem:$0x3F84]  }
0x2c: {  	s7 =	sld [smem:$0x3F85]  }
0x2d: {  	s3 =	simm.s32 $0x108;
	s8 =	sld [smem:$0x3F86]  }
0x2e: {  	s3 =	simm.s32 @!p0 $0x1082;
	s9 =	sld [smem:$0x3F87]  }
0x2f: {  	lr =	sadd.s32 s0, s3;
	s0 =	sld [smem:$0x3F7E]  }
0x30: {  	s3 =	sld [smem:$0x3F81]  }
0x31: {  	[smem:$0x3F8A] =	sst s10  }
0x32: {  	s10 =	sld [smem:$0x3F88];
	_ =	sdelay $0x3  }
0x33: {  	p0 =	seq.s32 s10, $0x1;
	s10 =	sld [smem:$0x3F8A];
	_ =	sdelay $0x3  }
0x34: {  	[smem:$0x3F8A] =	sst s10  }
0x35: {  	s10 =	sld [smem:$0x3F89];
	_ =	sdelay $0x3  }
0x36: {  	p1 =	seq.s32 s10, $0x1;
	s10 =	sld [smem:$0x3F8A];
	_ =	sdelay $0x3  }
0x37: {  	[smem:$0x3F8A] =	sst s10  }
0x38: {  	s10 =	sld [smem:$0x3F8B]  }
0x39: {  	_ = 	snop;
	(pc) =	sbr.ind lr, $3  }
0x3a: {  	_ = 	snop  }
0x3b: {  	_ = 	snop  }
0x3c: {  	p2 =	seq.s32 s10, $0x1;
	s10 =	sld [smem:$0x3F8A]  }
0x3d: {  	_ =	shalt  }
0x3e: {  	_ =	shalt  }
0x3f: {  	_ =	shalt  }
0x40: {  	_ =	shalt  }
0x41: {  	_ =	shalt  }
0x42: {  	_ =	shalt  }
0x43: {  	_ =	shalt  }
0x44: {  	_ =	shalt  }
0x45: {  	_ =	shalt  }
0x46: {  	_ =	shalt  }
0x47: {  	_ =	shalt  }
0x48: {  	_ =	shalt  }
0x49: {  	_ =	shalt  }
0x4a: {  	_ =	shalt  }
0x4b: {  	_ =	shalt  }
0x4c: {  	_ =	shalt  }
0x4d: {  	_ =	shalt  }
0x4e: {  	_ =	shalt  }
0x4f: {  	_ =	shalt  }
0x50: {  	_ =	shalt  }
0x51: {  	_ =	shalt  }
0x52: {  	_ =	shalt  }
0x53: {  	_ =	shalt  }
0x54: {  	_ =	shalt  }
0x55: {  	_ =	shalt  }
0x56: {  	_ =	shalt  }
0x57: {  	_ =	shalt  }
0x58: {  	_ =	shalt  }
0x59: {  	_ =	shalt  }
0x5a: {  	_ =	shalt  }
0x5b: {  	_ =	shalt  }
0x5c: {  	_ =	shalt  }
0x5d: {  	_ =	shalt  }
0x5e: {  	_ =	shalt  }
0x5f: {  	_ =	shalt  }
0x60: {  	_ =	shalt  }
0x61: {  	_ =	shalt  }
0x62: {  	_ =	shalt  }
0x63: {  	_ =	shalt  }
0x64: {  	_ =	shalt  }
0x65: {  	_ =	shalt  }
0x66: {  	_ =	shalt  }
0x67: {  	_ =	shalt  }
0x68: {  	_ =	shalt  }
0x69: {  	_ =	shalt  }
0x6a: {  	_ =	shalt  }
0x6b: {  	_ =	shalt  }
0x6c: {  	_ =	shalt  }
0x6d: {  	_ =	shalt  }
0x6e: {  	_ =	shalt  }
0x6f: {  	_ =	shalt  }
0x70: {  	_ =	shalt  }
0x71: {  	_ =	shalt  }
0x72: {  	_ =	shalt  }
0x73: {  	_ =	shalt  }
0x74: {  	_ =	shalt  }
0x75: {  	_ =	shalt  }
0x76: {  	_ =	shalt  }
0x77: {  	_ =	shalt  }
0x78: {  	_ =	shalt  }
0x79: {  	_ =	shalt  }
0x7a: {  	_ =	shalt  }
0x7b: {  	_ =	shalt  }
0x7c: {  	_ =	shalt  }
0x7d: {  	_ =	shalt  }
0x7e: {  	_ =	shalt  }
0x7f: {  	_ =	shalt  }
0x80: {  	_ =	shalt  }
0x81: {  	_ =	shalt  }
0x82: {  	_ =	shalt  }
0x83: {  	_ =	shalt  }
0x84: {  	_ =	shalt  }
0x85: {  	_ =	shalt  }
0x86: {  	_ =	shalt  }
0x87: {  	_ =	shalt  }
.Lfunc_end0:
.L_simem_size_0:
called_computation.1_lowered:
.L_overlay_start_0:
0x88: {  	s2 =	sld [smem:$0x3FD9]  }
0x89: {  	s3 =	sld [smem:$0x3FFE];
	_ =	sdelay $0x1  }
0x8a: {  	s1 =	srdreg.scid  }
0x8b: {  	s0 =	sand.u32 $0x1, s1  }
0x8c: {  	s16 =	sshll.u32 s0, $0xA;
	s2 =	sadd.s32 s3, s2  }
0x8d: {  	s2 =	sadd.s32 s2, s16  }
0x8e: {  	[smem:$0x3F96] =	sst s2  }
0x8f: {  	_ = 	snop  }
0x90: {  	(tm) =	ssettm $0x1  }
0x91: {  	s17 =	sld [smem:$0x3FFB];
	_ =	sdelay $0x3  }
0x92: {  	_ =	strace s17  }
0x93: {  	s2 =	sld [smem:$0x3FFC];
	_ =	sdelay $0x3  }
0x94: {  	_ =	strace s2  }
0x95: {  	s2 =	sld [smem:$0x3FFD];
	_ =	sdelay $0x3  }
0x96: {  	_ =	strace s2  }
0x97: {  	_ =	strace $0x8FFFFFFF  }
0x98: {  	s18 =	sld [smem:$0x3FDB];
	_ =	sdelay $0x1  }
0x99: {  	s19 =	simm.s32 $_scs_section_size  }
0x9a: {  	s4 =	simm.s32 $_size__tile_overlayer_lowered;
	s5 =	simm.s32 $_tile_overlayer_lowered  }
0x9b: {  	s22 =	simm.s32 $0x1BFF;
	s21 =	sshll.u32 s5, $0x1;
	s2 =	sadd.s32 s19, s18  }
0x9c: {  	s6 =	simm.s32 $0x0;
	s20 =	sshll.u32 s4, $0x1;
	s4 =	sadd.s32 s21, s2  }
0x9d: {  	[timem:s6], [sflag:s22] =	dma.local [hbm:s4], s20  }
0x9e: {  	_ =	swait.ge [sflag:s22], s20  }
0x9f: {  	s3 =	ssub.s32 $0x0, s20;
	[sflag:s22] =	ssyncset.done $0x0  }
0xa0: {  	[sflag:s22] =	ssyncadd.s32 s3;
	_ =	sdelay $0x1  }
0xa1: {  	s23 =	simm.s32 $0x1B8B  }
0xa2: {  	_ =	swait.ge [sflag:s23], $0x1  }
0xa3: {  	[sflag:s23] =	ssyncset.done $0x0  }
0xa4: {  	s25 =	simm.s32 $0x1B8E;
	s24 =	sld [smem:$0x3FFE];
	[sflag:s23] =	ssyncadd.s32 $0xFFFFFFFF  }
0xa5: {  	s26 =	simm.s32 $execute0_lowered;
	[smem:$0x3FD2] =	sst s25  }
0xa6: {  	s4 =	sshll.u32 s26, $0x1;
	_ =	strace $0x80000049;
	[dreg:$0x1] =	wrdreg $0xFFFFFFFF  }
0xa7: {  	s28 =	simm.s32 $_size_execute0_lowered;
	s2 =	sadd.s32 s2, s4;
	[dreg:$0x0] =	wrdreg $0x0  }
0xa8: {  	s4 =	sshll.u32 s28, $0x1;
	[dreg:$0x2] =	wrdreg s2  }
0xa9: {  	[dreg:$0x3] =	wrdreg s4  }
0xaa: {  	[dreg:$0x4] =	wrdreg $0xC0  }
0xab: {  	_ =	task [dreg:s6], $0x5FFFF  }
0xac: {  	[dreg:$0x1] =	wrdreg $0xFFFFFFFF  }
0xad: {  	[dreg:$0x0] =	wrdreg $0x60  }
0xae: {  	[dreg:$0x2] =	wrdreg s24  }
0xaf: {  	[dreg:$0x3] =	wrdreg $0x150000  }
0xb0: {  	[dreg:$0x4] =	wrdreg $0x9  }
0xb1: {  	_ =	task.clear_ibuf [dreg:s6], $0x5FFFF;
	_ =	strace $0x90000049  }
0xb2: {  	s29 =	simm.s32 $0x9;
	_ =	strace $0x8000004B  }
0xb3: {  	_ =	swait.ge [sflag:s29], $0x1  }
0xb4: {  	[sflag:s29] =	ssyncadd.s32 $0xFFFFFFFF  }
0xb5: {  	_ =	strace $0x9000004B  }
0xb6: {  	_ =	sfence  }
0xb7: {  	s30 =	sld [smem:$0x0];
	_ =	sdelay $0x2  }
0xb8: {  	s31 =	sshll.u32 s1, $0xD;
	s1 =	sshrl.u32 s1, $0x2  }
0xb9: {  	s3 =	sand.u32 $0x4000, s31;
	s1 =	sadd.s32 s1, s30  }
0xba: {  	s0 =	sor.u32 s3, s0;
	s1 =	sshll.u32 s1, $0x11  }
0xbb: {  	s0 =	sor.u32 s1, s0  }
0xbc: {  	s0 =	sadd.s32 $0x8F2B, s0  }
0xbd: {  	[sflag:s0] =	ssyncadd.remote.s32 $0x1  }
0xbe: {  	_ =	sfence.sel $0xFFFF  }
0xbf: {  	[dreg:$0x0] =	wrdreg $0xFFFFFFFF;
	(pc) =	sbr.abs _section_cstart, $3  }
0xc0: {  	[dreg:$0x1] =	wrdreg $0xFFFFFFFF  }
0xc1: {  	_ =	task.clear_ibuf [dreg:s6], $0x2FFFF;
	_ =	strace $0x9FFFFFFF  }
0xc2: {  	(tm) =	ssettm $0x7FFFFFFF  }
0xc3: {  	_ =	shalt  }
tec
execute0_lowered:
.L_overlay_start_1:
0x0: {  	(tag) =	ssettag $0x1  }
0x1: {  	s0 =	srdreg.scid;
	s1 =	rddreg [dreg:$0x0]  }
0x2: {  	s2 =	rddreg [dreg:$0x1];
	s9 =	stileid.u32  }
0x3: {  	s3 =	simm.s32 $0x0;
	s14 =	simm.s32 $0x5000;
	s15 =	simm.s32 $0x3  }
0x4: {  	s16 =	simm.s32 $0x2;
	s17 =	simm.s32 $0x80;
	s28 =	simm.s32 $0xF000  }
0x5: {  	s29 =	simm.s32 $0x300;
	s30 =	simm.s32 $0x11000;
	s31 =	simm.s32 $0x13000  }
0x6: {  	s0 =	sand.u32 $0x1, s0;
	[smem:$0x7FF] =	sst s3;
	s8 =	smul.u32 $0x28000, s9  }
0x7: {  	s12 =	smul.u32 $0xA000, s9;
	s4 =	sshll.u32 s0, $0x4;
	_ =	strace $0x8000004A  }
0x8: {  	s6 =	smul.u32 $0x14000, s0;
	s0 =	ssub.s32 $0x2, s0;
	s4 =	sor.u32 s9, s4  }
0x9: {  	s26 =	sshrl.u32 s0, $0x1;
	s8 =	sshrl.u32 s8, $0x2;
	s13 =	sshrl.u32 s12, $0x3  }
0xa: {  	s5 =	smul.u32 $0x500, s4;
	s4 =	sadd.s32 $0x9A00, s1;
	s11 =	sadd.s32 s8, s2  }
0xb: {  	s0 =	ssub.s32 s0, s26;
	s8 =	sadd.s32 $0x2000, s11;
	s9 =	sadd.s32 $0x4000, s11  }
0xc: {  	s10 =	sadd.s32 $0x6000, s11;
	s11 =	sadd.s32 $0x8000, s11;
	s7 =	sadd.s32 s5, s1  }
0xd: {  	s1 =	sadd.s32 s6, s1;
	s5 =	sadd.s32 $0x1D400, s7;
	s6 =	sadd.s32 $0x27400, s7  }
0xe: {  	s7 =	sadd.s32 s12, s2;
	s1 =	sadd.s32 $0x58600, s1;
	s12 =	smax.u32 s0, $0x1  }
0xf: {  	v0 =	vimm.f32 $0.0e+00;
	s0 =	simm.s32 $0x1;
	s24 =	sadd.s32 s13, s1;
	s1 =	simm.s32 $0x0  }
.LBB2_1:
0x10: {  	[tilespmem:s3], [sflag:$0x2] =	stream.linear.gather [hbm4b:s5+s3], $0x2800, $0x38;
	[tilespmem:$0x1F000] =	vst v63  }
0x11: {  	s13 =	simm.s32 $0x2800  }
0x12: {  	[tilespmem:s13], [sflag:$0x2] =	stream.linear.gather [hbm4b:s6+s3], $0x2800, $0x38;
	[tilespmem:$0x1F000] =	vst v63  }
0x13: {  	s18 =	simm.s32 $0x100;
	s13 =	simm.s32 $0x0  }
.LBB2_2:
0x14: {  	p0 =	sne.s32 s18, $0x7F00;
	[tilespmem:s13+$0x5030] =	vst v0;
	s19 =	smov.u32 s18;
	s18 =	sadd.s32 $0x100, s18  }
.Ltmp0:
0x15: {  	[tilespmem:s13+$0x5020] =	vst v0;
	(pc) =	sbr.rel @p0 .LBB2_2-.Ltmp0, $3  }
0x16: {  	[tilespmem:s13+$0x5000] =	vst v0  }
0x17: {  	[tilespmem:s13+$0x5010] =	vst v0;
	_ =	sdelay $0x1  }
0x18: {  	s13 =	sshra.s32 s19, $0x2  }
0x19: {  	[tilespmem:s13+$0x5030] =	vst v0  }
0x1a: {  	[tilespmem:s13+$0x5020] =	vst v0  }
0x1b: {  	[tilespmem:s13+$0x5000] =	vst v0  }
0x1c: {  	[tilespmem:s13+$0x5010] =	vst v0  }
0x1d: {  	[spmem:s7] =	stream.linear.scatter [tilespmem:s14], [sflag:$0x3], $0x2000, $0x38;
	[tilespmem:$0x1F000] =	vst v63  }
0x1e: {  	_ =	swait.ge [sflag:s15], $0x2000  }
0x1f: {  	[sflag:s15] =	ssyncset.done $0x0  }
0x20: {  	[sflag:s15] =	ssyncadd.s32 $0xFFFFE000  }
0x21: {  	[spmem:s8] =	stream.linear.scatter [tilespmem:s14], [sflag:$0x3], $0x2000, $0x38;
	[tilespmem:$0x1F000] =	vst v63  }
0x22: {  	_ =	swait.ge [sflag:s15], $0x2000  }
0x23: {  	[sflag:s15] =	ssyncset.done $0x0  }
0x24: {  	[sflag:s15] =	ssyncadd.s32 $0xFFFFE000  }
0x25: {  	[spmem:s9] =	stream.linear.scatter [tilespmem:s14], [sflag:$0x3], $0x2000, $0x38;
	[tilespmem:$0x1F000] =	vst v63  }
0x26: {  	_ =	swait.ge [sflag:s15], $0x2000  }
0x27: {  	[sflag:s15] =	ssyncset.done $0x0  }
0x28: {  	[sflag:s15] =	ssyncadd.s32 $0xFFFFE000  }
0x29: {  	[spmem:s10] =	stream.linear.scatter [tilespmem:s14], [sflag:$0x3], $0x2000, $0x38;
	[tilespmem:$0x1F000] =	vst v63  }
0x2a: {  	_ =	swait.ge [sflag:s15], $0x2000  }
0x2b: {  	[sflag:s15] =	ssyncset.done $0x0  }
0x2c: {  	[sflag:s15] =	ssyncadd.s32 $0xFFFFE000  }
0x2d: {  	[spmem:s11] =	stream.linear.scatter [tilespmem:s14], [sflag:$0x3], $0x2000, $0x38;
	[tilespmem:$0x1F000] =	vst v63  }
0x2e: {  	_ =	swait.ge [sflag:s15], $0x2000  }
0x2f: {  	[sflag:s15] =	ssyncset.done $0x0  }
0x30: {  	[sflag:s15] =	ssyncadd.s32 $0xFFFFE000  }
0x31: {  	_ =	swait.ge [sflag:s16], $0x2800  }
0x32: {  	[sflag:s16] =	ssyncset.done $0x0  }
0x33: {  	[sflag:s16] =	ssyncadd.s32 $0xFFFFD800  }
0x34: {  	_ =	swait.ge [sflag:s16], $0x2800  }
0x35: {  	[sflag:s16] =	ssyncset.done $0x0  }
0x36: {  	[sflag:s16] =	ssyncadd.s32 $0xFFFFD800  }
0x37: {  	s18 =	simm.s32 $0x0;
	[bflag:$0x0] =	sbarrier.arrive $0xFFFF  }
0x38: {  	[tilespmem:s14], [sflag:$0x1] =	stream.indirect.gather [hbm4b:s4+s17], $0x40, s18, s17, $0xb8;
	[tilespmem:$0x1F000] =	vst v63  }
0x39: {  	s25 =	simm.s32 $0x7000  }
0x3a: {  	[tilespmem:s25], [sflag:$0x1] =	stream.indirect.gather [hbm4b:s4+s17], $0x40, s17, s17, $0xb8;
	[tilespmem:$0x1F000] =	vst v63  }
0x3b: {  	s26 =	simm.s32 $0x100;
	s19 =	simm.s32 $0x9000  }
0x3c: {  	[tilespmem:s19], [sflag:$0x1] =	stream.indirect.gather [hbm4b:s4+s17], $0x40, s26, s17, $0xb8;
	[tilespmem:$0x1F000] =	vst v63  }
0x3d: {  	s20 =	simm.s32 $0x180;
	s21 =	simm.s32 $0xB000  }
0x3e: {  	[tilespmem:s21], [sflag:$0x1] =	stream.indirect.gather [hbm4b:s4+s17], $0x40, s20, s17, $0xb8;
	[tilespmem:$0x1F000] =	vst v63  }
0x3f: {  	s22 =	simm.s32 $0x200;
	s23 =	simm.s32 $0xD000  }
0x40: {  	[tilespmem:s23], [sflag:$0x1] =	stream.indirect.gather [hbm4b:s4+s17], $0x40, s22, s17, $0xb8;
	[tilespmem:$0x1F000] =	vst v63  }
0x41: {  	s18 =	sand.u32 $0x38000, s18;
	s25 =	simm.s32 $0x280  }
0x42: {  	[tilespmem:s28], [sflag:$0x1] =	stream.indirect.gather [hbm4b:s4+s17], $0x40, s25, s17, $0xb8;
	[tilespmem:$0x1F000] =	vst v63  }
0x43: {  	s13 =	simm.s32 $0x380;
	s18 =	sshrl.u32 s18, $0x2  }
0x44: {  	[tilespmem:s30], [sflag:$0x1] =	stream.indirect.gather [hbm4b:s4+s17], $0x40, s29, s17, $0xb8;
	[tilespmem:$0x1F000] =	vst v63  }
0x45: {  	p0 =	por $0x1, $0x1;
	s18 =	sadd.s32 $0x5000, s18;
	s19 =	simm.s32 $0xE000  }
0x46: {  	[tilespmem:s31], [sflag:$0x1] =	stream.indirect.gather [hbm4b:s4+s17], $0x40, s13, s17, $0xb8;
	[tilespmem:$0x1F000] =	vst v63  }
0x47: {  	s26 =	simm.s32 $0x2800;
	s20 =	sand.u32 @!p0 $0xE000, s19;
	_ =	swait.ge [sflag:s0], $0x2000  }
0x48: {  	s19 =	simm.s32 $0x0;
	s21 =	simm.s32 $0x2880;
	[sflag:s0] =	ssyncset.done $0x0  }
0x49: {  	s23 =	simm.s32 @!p0 $0x2;
	s22 =	simm.s32 $0x380;
	[sflag:s0] =	ssyncadd.s32 $0xFFFFE000  }
0x4a: {  	[spmem:s2] =	stream.indirect.scatter.add.f32 [tilespmem:s18], [sflag:$0x2], $0x40, s26, s17, $0xb8;
	[tilespmem:$0x1F000] =	vst v63  }
0x4b: {  	s25 =	sadd.s32 @!p0 $0x5000, s20;
	s20 =	simm.s32 $0x8000;
	_ =	swait.ge @!p0 [sflag:s23], $0x2000  }
0x4c: {  	s18 =	simm.s32 $0x10000;
	s26 =	simm.s32 @!p0 $0x80;
	[sflag:s23] =	ssyncset.done @!p0 $0x0  }
.LBB2_4:
0x4d: {  	[sflag:s23] =	ssyncadd.s32 @!p0 $0xFFFFE000  }
0x4e: {  	s13 =	sadd.s32 $0x80, s13;
	s23 =	smov.u32 s18;
	s18 =	sadd.s32 $0x2000, s18  }
0x4f: {  	[tilespmem:s25], [sflag:$0x1] =	stream.indirect.gather @!p0 [hbm4b:s4+s26], $0x40, s22, s26, $0xb8;
	[tilespmem:$0x1F000] =	vst v63  }
0x50: {  	p1 =	sne.s32 s18, $0xAE000;
	s22 =	smov.u32 s13  }
0x51: {  	s25 =	sand.u32 $0x38000, s20;
	_ =	swait.ge [sflag:s0], $0x2000  }
0x52: {  	p0 =	sgt.u32 s19, $0x47;
	s25 =	sshrl.u32 s25, $0x2;
	[sflag:s0] =	ssyncset.done $0x0  }
.Ltmp1:
0x53: {  	s25 =	sadd.s32 $0x5000, s25;
	[sflag:s0] =	ssyncadd.s32 $0xFFFFE000;
	(pc) =	sbr.rel @p1 .LBB2_4-.Ltmp1, $4  }
0x54: {  	[spmem:s2] =	stream.indirect.scatter.add.f32 [tilespmem:s25], [sflag:$0x2], $0x40, s21, s17, $0xb8;
	[tilespmem:$0x1F000] =	vst v63  }
0x55: {  	s19 =	sadd.s32 $0x1, s19;
	s25 =	sand.u32 @!p0 $0xE000, s23;
	s23 =	simm.s32 @!p0 $0x2  }
0x56: {  	s20 =	sadd.s32 $0x8000, s20;
	s25 =	sadd.s32 @!p0 $0x5000, s25;
	_ =	swait.ge @!p0 [sflag:s23], $0x2000  }
0x57: {  	s26 =	simm.s32 @!p0 $0x80;
	s21 =	sadd.s32 $0x80, s21;
	[sflag:s23] =	ssyncset.done @!p0 $0x0  }
0x58: {  	[sflag:s23] =	ssyncadd.s32 @!p0 $0xFFFFE000  }
0x59: {  	[tilespmem:s25], [sflag:$0x1] =	stream.indirect.gather @!p0 [hbm4b:s4+s26], $0x40, s22, s26, $0xb8;
	[tilespmem:$0x1F000] =	vst v63  }
0x5a: {  	_ =	swait.ge [sflag:s16], $0x2000  }
0x5b: {  	[sflag:s16] =	ssyncset.done $0x0  }
0x5c: {  	[sflag:s16] =	ssyncadd.s32 $0xFFFFE000  }
0x5d: {  	_ =	swait.ge [sflag:s16], $0x2000  }
0x5e: {  	[sflag:s16] =	ssyncset.done $0x0  }
0x5f: {  	[sflag:s16] =	ssyncadd.s32 $0xFFFFE000  }
0x60: {  	_ =	swait.ge [sflag:s16], $0x2000  }
0x61: {  	[sflag:s16] =	ssyncset.done $0x0  }
0x62: {  	[sflag:s16] =	ssyncadd.s32 $0xFFFFE000  }
0x63: {  	_ =	swait.ge [sflag:s16], $0x2000  }
0x64: {  	[sflag:s16] =	ssyncset.done $0x0  }
0x65: {  	[sflag:s16] =	ssyncadd.s32 $0xFFFFE000  }
0x66: {  	_ =	swait.ge [sflag:s16], $0x2000  }
0x67: {  	[sflag:s16] =	ssyncset.done $0x0  }
0x68: {  	[sflag:s16] =	ssyncadd.s32 $0xFFFFE000  }
0x69: {  	_ =	swait.ge [sflag:s16], $0x2000  }
0x6a: {  	[sflag:s16] =	ssyncset.done $0x0  }
0x6b: {  	[sflag:s16] =	ssyncadd.s32 $0xFFFFE000  }
0x6c: {  	_ =	swait.ge [sflag:s16], $0x2000  }
0x6d: {  	[sflag:s16] =	ssyncset.done $0x0  }
0x6e: {  	[sflag:s16] =	ssyncadd.s32 $0xFFFFE000  }
0x6f: {  	s13 =	stileid.u32;
	_ =	swait.ge [sflag:s16], $0x2000  }
0x70: {  	s18 =	sshrl.u32 s7, $0x3;
	s1 =	sadd.s32 $0x1, s1;
	[sflag:s16] =	ssyncset.done $0x0  }
0x71: {  	s13 =	sshll.u32 s13, $0x6;
	p0 =	sne.s32 s1, s12;
	[sflag:s16] =	ssyncadd.s32 $0xFFFFE000  }
.Ltmp2:
0x72: {  	s13 =	sor.u32 $0x1C03, s13;
	[bflag:$0x0] =	sbarrier.arrive $0xFFFF;
	(pc) =	sbr.rel @p0 .LBB2_1-.Ltmp2, $4  }
0x73: {  	[hbm:s24], [sflag:s13] =	dma.local [spmem:s18], $0x1400  }
0x74: {  	_ =	swait.ge [sflag:s15], $0x1400  }
0x75: {  	[sflag:s15] =	ssyncset.done $0x0  }
0x76: {  	[sflag:s15] =	ssyncadd.s32 $0xFFFFEC00  }
0x77: {  	_ =	sfence.sel $0x180000  }
0x78: {  	[bflag:$0x0] =	sbarrier.arrive $0xFFFF  }
0x79: {  	_ =	strace $0x9000004A  }
0x7a: {  	s0 =	stileid.u32;
	[bflag:$0x2] =	sbarrier.arrive $0xFFFF  }
0x7b: {  	p0 =	sne.s32 s0, $0x0;
	s0 =	rddreg [dreg:$0x2]  }
0x7c: {  	s0 =	sadd.s32 @!p0 $0x100000, s0  }
0x7d: {  	[sflag:s0] =	ssyncadd.tile.s32 @!p0 $0x1;
	_ =	shalt  }
.Lfunc_end2:
_tile_overlayer_lowered:
.L_overlay_start_2:
0x7e: {  	(tag) =	ssettag $0x2  }
0x7f: {  	s0 =	rddreg [dreg:$0x0];
	s2 =	stileid.u32  }
0x80: {  	s1 =	rddreg [dreg:$0x1];
	p0 =	sne.s32 s2, $0x0  }
0x81: {  	s3 =	rddreg [dreg:$0x2];
	[bflag:$0x3] =	sbarrier.arrive $0xFFFF;
	s2 =	simm.s32 @!p0 $0x1C03  }
0x82: {  	[timem:s3], [sflag:s2] =	dma.local @!p0 [hbm:s0], s1  }
0x83: {  	s0 =	simm.s32 @!p0 $0x3  }
0x84: {  	_ =	swait.ge @!p0 [sflag:s0], s1  }
0x85: {  	s1 =	ssub.s32 @!p0 $0x0, s1;
	[sflag:s0] =	ssyncset.done @!p0 $0x0  }
0x86: {  	[sflag:s0] =	ssyncadd.s32 @!p0 s1  }
0x87: {  	[bflag:$0x3] =	sbarrier.arrive $0xFFFF  }
0x88: {  	_ =	shalt  }

// kernel: kernel.21.cloned.1.call-start
scs
__scs_entry_jumppad:
0x0: {  	(pc) =	sbr.rel $0x88, $3  }
0x1: {  	(tag) =	ssettag $0x0;
	lr =	simm.s32 $0x1  }
0x2: {  	[smem:$0x3F6F] =	sst lr;
	_ =	strace $0xD0000000  }
0x3: {  	_ = 	snop  }
0x4: {  	_ = 	snop  }
0x5: {  	_ = 	snop  }
0x6: {  	_ = 	snop  }
0x7: {  	_ = 	snop  }
__scs_overlays_trampoline_lowered:
0x8: {  	[smem:$0x3F7E] =	sst s0  }
0x9: {  	[smem:$0x3F7F] =	sst s1  }
0xa: {  	[smem:$0x3F80] =	sst s2  }
0xb: {  	[smem:$0x3F81] =	sst s3  }
0xc: {  	[smem:$0x3F82] =	sst s4  }
0xd: {  	[smem:$0x3F83] =	sst s5  }
0xe: {  	[smem:$0x3F84] =	sst s6  }
0xf: {  	[smem:$0x3F85] =	sst s7  }
0x10: {  	[smem:$0x3F86] =	sst s8  }
0x11: {  	[smem:$0x3F87] =	sst s9;
	s0 =	simm.s32 @!p0 $0x0  }
0x12: {  	s1 =	sld [smem:$0x3F6D];
	s0 =	simm.s32 @p0 $0x1  }
0x13: {  	[smem:$0x3F88] =	sst s0;
	s0 =	simm.s32 @!p1 $0x0  }
0x14: {  	s2 =	sld [smem:$0x3F6C];
	s0 =	simm.s32 @p1 $0x1  }
0x15: {  	[smem:$0x3F89] =	sst s0;
	s0 =	simm.s32 @!p2 $0x0  }
0x16: {  	s3 =	sld [smem:$0x3FDB];
	s0 =	simm.s32 @p2 $0x1  }
0x17: {  	s4 =	simm.s32 $0x1BF5;
	[smem:$0x3F8B] =	sst s0  }
0x18: {  	s0 =	sld [smem:$0x3F6E];
	_ =	swait.ge [sflag:s4], $0x0  }
0x19: {  	s7 =	sld [smem:$0x3F6F]  }
0x1a: {  	s8 =	sadd.s32 $0xFFFFE003, lr  }
0x1b: {  	s9 =	sadd.s32 $0xFFFFFEF7, lr;
	s5 =	simm.s32 $0xFFFFFFFF;
	p2 =	slt.u32 s8, $0xFFFFF086  }
0x1c: {  	p1 =	slt.u32 s9, $0xF7A;
	s5 =	simm.s32 @!p2 $0x0  }
0x1d: {  	s5 =	simm.s32 @p1 $0x1;
	p0 =	seq.s32 s7, s2  }
0x1e: {  	s7 =	smul.u32 @!p0 $0xF7A, s2;
	p2 =	seq.s32 @!p0 s5, $0x0  }
0x1f: {  	s9 =	smul.u32 $0xF7A, s1;
	s8 =	simm.s32 @!p0 $0x1BF5;
	p2 =	por !p2, p0  }
0x20: {  	[sflag:s8] =	ssyncset.s32 @!p0 $0xFFFFF086;
	s6 =	sadd.s32 @!p0 s3, s7;
	s7 =	simm.s32 @!p0 $0x108  }
0x21: {  	s3 =	sadd.s32 s3, s9;
	s6 =	sadd.s32 @!p0 $0x88, s6;
	s7 =	simm.s32 @p2 $0x1082  }
0x22: {  	[simem:s7], [sflag:s8] =	dma.local @!p0 [hbm:s6], $0xF7A  }
0x23: {  	s9 =	sor.u32 $0xD0000000, s2;
	s6 =	simm.s32 $0x108;
	_ =	swait.ge @!p0 [sflag:s8], $0x0  }
0x24: {  	s3 =	sadd.s32 $0x88, s3;
	s6 =	simm.s32 @!p1 $0x1082;
	[sflag:s4] =	ssyncset.s32 $0xFFFFF086  }
0x25: {  	[simem:s6], [sflag:s4] =	dma.local [hbm:s3], $0xF7A  }
0x26: {  	[smem:$0x3F6F] =	sst s1;
	(tag) =	ssettag s2;
	_ =	strace s9  }
0x27: {  	s1 =	sld [smem:$0x3F7F]  }
0x28: {  	s2 =	sld [smem:$0x3F80]  }
0x29: {  	s4 =	sld [smem:$0x3F82]  }
0x2a: {  	p0 =	seq.s32 s5, $0x0;
	s5 =	sld [smem:$0x3F83]  }
0x2b: {  	s6 =	sld [smem:$0x3F84]  }
0x2c: {  	s7 =	sld [smem:$0x3F85]  }
0x2d: {  	s3 =	simm.s32 $0x108;
	s8 =	sld [smem:$0x3F86]  }
0x2e: {  	s3 =	simm.s32 @!p0 $0x1082;
	s9 =	sld [smem:$0x3F87]  }
0x2f: {  	lr =	sadd.s32 s0, s3;
	s0 =	sld [smem:$0x3F7E]  }
0x30: {  	s3 =	sld [smem:$0x3F81]  }
0x31: {  	[smem:$0x3F8A] =	sst s10  }
0x32: {  	s10 =	sld [smem:$0x3F88];
	_ =	sdelay $0x3  }
0x33: {  	p0 =	seq.s32 s10, $0x1;
	s10 =	sld [smem:$0x3F8A];
	_ =	sdelay $0x3  }
0x34: {  	[smem:$0x3F8A] =	sst s10  }
0x35: {  	s10 =	sld [smem:$0x3F89];
	_ =	sdelay $0x3  }
0x36: {  	p1 =	seq.s32 s10, $0x1;
	s10 =	sld [smem:$0x3F8A];
	_ =	sdelay $0x3  }
0x37: {  	[smem:$0x3F8A] =	sst s10  }
0x38: {  	s10 =	sld [smem:$0x3F8B]  }
0x39: {  	_ = 	snop;
	(pc) =	sbr.ind lr, $3  }
0x3a: {  	_ = 	snop  }
0x3b: {  	_ = 	snop  }
0x3c: {  	p2 =	seq.s32 s10, $0x1;
	s10 =	sld [smem:$0x3F8A]  }
0x3d: {  	_ =	shalt  }
0x3e: {  	_ =	shalt  }
0x3f: {  	_ =	shalt  }
0x40: {  	_ =	shalt  }
0x41: {  	_ =	shalt  }
0x42: {  	_ =	shalt  }
0x43: {  	_ =	shalt  }
0x44: {  	_ =	shalt  }
0x45: {  	_ =	shalt  }
0x46: {  	_ =	shalt  }
0x47: {  	_ =	shalt  }
0x48: {  	_ =	shalt  }
0x49: {  	_ =	shalt  }
0x4a: {  	_ =	shalt  }
0x4b: {  	_ =	shalt  }
0x4c: {  	_ =	shalt  }
0x4d: {  	_ =	shalt  }
0x4e: {  	_ =	shalt  }
0x4f: {  	_ =	shalt  }
0x50: {  	_ =	shalt  }
0x51: {  	_ =	shalt  }
0x52: {  	_ =	shalt  }
0x53: {  	_ =	shalt  }
0x54: {  	_ =	shalt  }
0x55: {  	_ =	shalt  }
0x56: {  	_ =	shalt  }
0x57: {  	_ =	shalt  }
0x58: {  	_ =	shalt  }
0x59: {  	_ =	shalt  }
0x5a: {  	_ =	shalt  }
0x5b: {  	_ =	shalt  }
0x5c: {  	_ =	shalt  }
0x5d: {  	_ =	shalt  }
0x5e: {  	_ =	shalt  }
0x5f: {  	_ =	shalt  }
0x60: {  	_ =	shalt  }
0x61: {  	_ =	shalt  }
0x62: {  	_ =	shalt  }
0x63: {  	_ =	shalt  }
0x64: {  	_ =	shalt  }
0x65: {  	_ =	shalt  }
0x66: {  	_ =	shalt  }
0x67: {  	_ =	shalt  }
0x68: {  	_ =	shalt  }
0x69: {  	_ =	shalt  }
0x6a: {  	_ =	shalt  }
0x6b: {  	_ =	shalt  }
0x6c: {  	_ =	shalt  }
0x6d: {  	_ =	shalt  }
0x6e: {  	_ =	shalt  }
0x6f: {  	_ =	shalt  }
0x70: {  	_ =	shalt  }
0x71: {  	_ =	shalt  }
0x72: {  	_ =	shalt  }
0x73: {  	_ =	shalt  }
0x74: {  	_ =	shalt  }
0x75: {  	_ =	shalt  }
0x76: {  	_ =	shalt  }
0x77: {  	_ =	shalt  }
0x78: {  	_ =	shalt  }
0x79: {  	_ =	shalt  }
0x7a: {  	_ =	shalt  }
0x7b: {  	_ =	shalt  }
0x7c: {  	_ =	shalt  }
0x7d: {  	_ =	shalt  }
0x7e: {  	_ =	shalt  }
0x7f: {  	_ =	shalt  }
0x80: {  	_ =	shalt  }
0x81: {  	_ =	shalt  }
0x82: {  	_ =	shalt  }
0x83: {  	_ =	shalt  }
0x84: {  	_ =	shalt  }
0x85: {  	_ =	shalt  }
0x86: {  	_ =	shalt  }
0x87: {  	_ =	shalt  }
.Lfunc_end0:
.L_simem_size_0:
called_computation.2_lowered:
.L_overlay_start_0:
0x88: {  	s2 =	sld [smem:$0x3FD9]  }
0x89: {  	s3 =	sld [smem:$0x3FFE];
	_ =	sdelay $0x1  }
0x8a: {  	s1 =	srdreg.scid  }
0x8b: {  	s0 =	sand.u32 $0x1, s1  }
0x8c: {  	s16 =	sshll.u32 s0, $0xA;
	s2 =	sadd.s32 s3, s2  }
0x8d: {  	s2 =	sadd.s32 s2, s16  }
0x8e: {  	[smem:$0x3F96] =	sst s2  }
0x8f: {  	_ = 	snop  }
0x90: {  	(tm) =	ssettm $0x1  }
0x91: {  	s17 =	sld [smem:$0x3FFB];
	_ =	sdelay $0x3  }
0x92: {  	_ =	strace s17  }
0x93: {  	s2 =	sld [smem:$0x3FFC];
	_ =	sdelay $0x3  }
0x94: {  	_ =	strace s2  }
0x95: {  	s2 =	sld [smem:$0x3FFD];
	_ =	sdelay $0x3  }
0x96: {  	_ =	strace s2  }
0x97: {  	_ =	strace $0x8FFFFFFF  }
0x98: {  	s18 =	sld [smem:$0x3FDB];
	_ =	sdelay $0x1  }
0x99: {  	s19 =	simm.s32 $_scs_section_size  }
0x9a: {  	s4 =	simm.s32 $_size__tile_overlayer_lowered;
	s5 =	simm.s32 $_tile_overlayer_lowered  }
0x9b: {  	s22 =	simm.s32 $0x1BFF;
	s21 =	sshll.u32 s5, $0x1;
	s2 =	sadd.s32 s19, s18  }
0x9c: {  	s6 =	simm.s32 $0x0;
	s20 =	sshll.u32 s4, $0x1;
	s4 =	sadd.s32 s21, s2  }
0x9d: {  	[timem:s6], [sflag:s22] =	dma.local [hbm:s4], s20  }
0x9e: {  	_ =	swait.ge [sflag:s22], s20  }
0x9f: {  	s3 =	ssub.s32 $0x0, s20;
	[sflag:s22] =	ssyncset.done $0x0  }
0xa0: {  	[sflag:s22] =	ssyncadd.s32 s3;
	_ =	sdelay $0x1  }
0xa1: {  	s23 =	simm.s32 $0x1B8B  }
0xa2: {  	_ =	swait.ge [sflag:s23], $0x1  }
0xa3: {  	[sflag:s23] =	ssyncset.done $0x0  }
0xa4: {  	s25 =	simm.s32 $0x1B8E;
	s24 =	sld [smem:$0x3FFE];
	[sflag:s23] =	ssyncadd.s32 $0xFFFFFFFF  }
0xa5: {  	s26 =	simm.s32 $execute0_lowered;
	[smem:$0x3FD2] =	sst s25  }
0xa6: {  	s4 =	sshll.u32 s26, $0x1;
	_ =	strace $0x8000004C;
	[dreg:$0x1] =	wrdreg $0xFFFFFFFF  }
0xa7: {  	s28 =	simm.s32 $_size_execute0_lowered;
	s2 =	sadd.s32 s2, s4;
	[dreg:$0x0] =	wrdreg $0x0  }
0xa8: {  	s4 =	sshll.u32 s28, $0x1;
	[dreg:$0x2] =	wrdreg s2  }
0xa9: {  	[dreg:$0x3] =	wrdreg s4  }
0xaa: {  	[dreg:$0x4] =	wrdreg $0xC0  }
0xab: {  	_ =	task [dreg:s6], $0x5FFFF  }
0xac: {  	[dreg:$0x1] =	wrdreg $0xFFFFFFFF  }
0xad: {  	[dreg:$0x0] =	wrdreg $0x60  }
0xae: {  	[dreg:$0x2] =	wrdreg s24  }
0xaf: {  	[dreg:$0x3] =	wrdreg $0x150000  }
0xb0: {  	[dreg:$0x4] =	wrdreg $0x9  }
0xb1: {  	_ =	task.clear_ibuf [dreg:s6], $0x5FFFF;
	_ =	strace $0x9000004C  }
0xb2: {  	s29 =	simm.s32 $0x9;
	_ =	strace $0x8000004E  }
0xb3: {  	_ =	swait.ge [sflag:s29], $0x1  }
0xb4: {  	[sflag:s29] =	ssyncadd.s32 $0xFFFFFFFF  }
0xb5: {  	_ =	strace $0x9000004E  }
0xb6: {  	_ =	sfence  }
0xb7: {  	s30 =	sld [smem:$0x0];
	_ =	sdelay $0x2  }
0xb8: {  	s31 =	sshll.u32 s1, $0xD;
	s1 =	sshrl.u32 s1, $0x2  }
0xb9: {  	s3 =	sand.u32 $0x4000, s31;
	s1 =	sadd.s32 s1, s30  }
0xba: {  	s0 =	sor.u32 s3, s0;
	s1 =	sshll.u32 s1, $0x11  }
0xbb: {  	s0 =	sor.u32 s1, s0  }
0xbc: {  	s0 =	sadd.s32 $0x8F2B, s0  }
0xbd: {  	[sflag:s0] =	ssyncadd.remote.s32 $0x1  }
0xbe: {  	_ =	sfence.sel $0xFFFF  }
0xbf: {  	[dreg:$0x0] =	wrdreg $0xFFFFFFFF;
	(pc) =	sbr.abs _section_cstart, $3  }
0xc0: {  	[dreg:$0x1] =	wrdreg $0xFFFFFFFF  }
0xc1: {  	_ =	task.clear_ibuf [dreg:s6], $0x2FFFF;
	_ =	strace $0x9FFFFFFF  }
0xc2: {  	(tm) =	ssettm $0x7FFFFFFF  }
0xc3: {  	_ =	shalt  }
tec
execute0_lowered:
.L_overlay_start_1:
0x0: {  	(tag) =	ssettag $0x1  }
0x1: {  	s0 =	srdreg.scid;
	s1 =	rddreg [dreg:$0x0]  }
0x2: {  	s2 =	rddreg [dreg:$0x1];
	s9 =	stileid.u32  }
0x3: {  	s3 =	simm.s32 $0x0;
	s14 =	simm.s32 $0x5000;
	s15 =	simm.s32 $0x3  }
0x4: {  	s16 =	simm.s32 $0x2;
	s17 =	simm.s32 $0x80;
	s28 =	simm.s32 $0xF000  }
0x5: {  	s29 =	simm.s32 $0x300;
	s30 =	simm.s32 $0x11000;
	s31 =	simm.s32 $0x13000  }
0x6: {  	s0 =	sand.u32 $0x1, s0;
	[smem:$0x7FF] =	sst s3;
	s8 =	smul.u32 $0x28000, s9  }
0x7: {  	s12 =	smul.u32 $0xA000, s9;
	s4 =	sshll.u32 s0, $0x4;
	_ =	strace $0x8000004D  }
0x8: {  	s6 =	smul.u32 $0x14000, s0;
	s0 =	ssub.s32 $0x2, s0;
	s4 =	sor.u32 s9, s4  }
0x9: {  	s26 =	sshrl.u32 s0, $0x1;
	s8 =	sshrl.u32 s8, $0x2;
	s13 =	sshrl.u32 s12, $0x3  }
0xa: {  	s5 =	smul.u32 $0x500, s4;
	s4 =	sadd.s32 $0x9A00, s1;
	s11 =	sadd.s32 s8, s2  }
0xb: {  	s0 =	ssub.s32 s0, s26;
	s8 =	sadd.s32 $0x2000, s11;
	s9 =	sadd.s32 $0x4000, s11  }
0xc: {  	s10 =	sadd.s32 $0x6000, s11;
	s11 =	sadd.s32 $0x8000, s11;
	s7 =	sadd.s32 s5, s1  }
0xd: {  	s1 =	sadd.s32 s6, s1;
	s5 =	sadd.s32 $0x1D400, s7;
	s6 =	sadd.s32 $0x27400, s7  }
0xe: {  	s7 =	sadd.s32 s12, s2;
	s1 =	sadd.s32 $0x58600, s1;
	s12 =	smax.u32 s0, $0x1  }
0xf: {  	v0 =	vimm.f32 $0.0e+00;
	s0 =	simm.s32 $0x1;
	s24 =	sadd.s32 s13, s1;
	s1 =	simm.s32 $0x0  }
.LBB2_1:
0x10: {  	[tilespmem:s3], [sflag:$0x2] =	stream.linear.gather [hbm4b:s5+s3], $0x2800, $0x38;
	[tilespmem:$0x1F000] =	vst v63  }
0x11: {  	s13 =	simm.s32 $0x2800  }
0x12: {  	[tilespmem:s13], [sflag:$0x2] =	stream.linear.gather [hbm4b:s6+s3], $0x2800, $0x38;
	[tilespmem:$0x1F000] =	vst v63  }
0x13: {  	s18 =	simm.s32 $0x100;
	s13 =	simm.s32 $0x0  }
.LBB2_2:
0x14: {  	p0 =	sne.s32 s18, $0x7F00;
	[tilespmem:s13+$0x5030] =	vst v0;
	s19 =	smov.u32 s18;
	s18 =	sadd.s32 $0x100, s18  }
.Ltmp0:
0x15: {  	[tilespmem:s13+$0x5020] =	vst v0;
	(pc) =	sbr.rel @p0 .LBB2_2-.Ltmp0, $3  }
0x16: {  	[tilespmem:s13+$0x5000] =	vst v0  }
0x17: {  	[tilespmem:s13+$0x5010] =	vst v0;
	_ =	sdelay $0x1  }
0x18: {  	s13 =	sshra.s32 s19, $0x2  }
0x19: {  	[tilespmem:s13+$0x5030] =	vst v0  }
0x1a: {  	[tilespmem:s13+$0x5020] =	vst v0  }
0x1b: {  	[tilespmem:s13+$0x5000] =	vst v0  }
0x1c: {  	[tilespmem:s13+$0x5010] =	vst v0  }
0x1d: {  	[spmem:s7] =	stream.linear.scatter [tilespmem:s14], [sflag:$0x3], $0x2000, $0x38;
	[tilespmem:$0x1F000] =	vst v63  }
0x1e: {  	_ =	swait.ge [sflag:s15], $0x2000  }
0x1f: {  	[sflag:s15] =	ssyncset.done $0x0  }
0x20: {  	[sflag:s15] =	ssyncadd.s32 $0xFFFFE000  }
0x21: {  	[spmem:s8] =	stream.linear.scatter [tilespmem:s14], [sflag:$0x3], $0x2000, $0x38;
	[tilespmem:$0x1F000] =	vst v63  }
0x22: {  	_ =	swait.ge [sflag:s15], $0x2000  }
0x23: {  	[sflag:s15] =	ssyncset.done $0x0  }
0x24: {  	[sflag:s15] =	ssyncadd.s32 $0xFFFFE000  }
0x25: {  	[spmem:s9] =	stream.linear.scatter [tilespmem:s14], [sflag:$0x3], $0x2000, $0x38;
	[tilespmem:$0x1F000] =	vst v63  }
0x26: {  	_ =	swait.ge [sflag:s15], $0x2000  }
0x27: {  	[sflag:s15] =	ssyncset.done $0x0  }
0x28: {  	[sflag:s15] =	ssyncadd.s32 $0xFFFFE000  }
0x29: {  	[spmem:s10] =	stream.linear.scatter [tilespmem:s14], [sflag:$0x3], $0x2000, $0x38;
	[tilespmem:$0x1F000] =	vst v63  }
0x2a: {  	_ =	swait.ge [sflag:s15], $0x2000  }
0x2b: {  	[sflag:s15] =	ssyncset.done $0x0  }
0x2c: {  	[sflag:s15] =	ssyncadd.s32 $0xFFFFE000  }
0x2d: {  	[spmem:s11] =	stream.linear.scatter [tilespmem:s14], [sflag:$0x3], $0x2000, $0x38;
	[tilespmem:$0x1F000] =	vst v63  }
0x2e: {  	_ =	swait.ge [sflag:s15], $0x2000  }
0x2f: {  	[sflag:s15] =	ssyncset.done $0x0  }
0x30: {  	[sflag:s15] =	ssyncadd.s32 $0xFFFFE000  }
0x31: {  	_ =	swait.ge [sflag:s16], $0x2800  }
0x32: {  	[sflag:s16] =	ssyncset.done $0x0  }
0x33: {  	[sflag:s16] =	ssyncadd.s32 $0xFFFFD800  }
0x34: {  	_ =	swait.ge [sflag:s16], $0x2800  }
0x35: {  	[sflag:s16] =	ssyncset.done $0x0  }
0x36: {  	[sflag:s16] =	ssyncadd.s32 $0xFFFFD800  }
0x37: {  	s18 =	simm.s32 $0x0;
	[bflag:$0x0] =	sbarrier.arrive $0xFFFF  }
0x38: {  	[tilespmem:s14], [sflag:$0x1] =	stream.indirect.gather [hbm4b:s4+s17], $0x40, s18, s17, $0xb8;
	[tilespmem:$0x1F000] =	vst v63  }
0x39: {  	s25 =	simm.s32 $0x7000  }
0x3a: {  	[tilespmem:s25], [sflag:$0x1] =	stream.indirect.gather [hbm4b:s4+s17], $0x40, s17, s17, $0xb8;
	[tilespmem:$0x1F000] =	vst v63  }
0x3b: {  	s26 =	simm.s32 $0x100;
	s19 =	simm.s32 $0x9000  }
0x3c: {  	[tilespmem:s19], [sflag:$0x1] =	stream.indirect.gather [hbm4b:s4+s17], $0x40, s26, s17, $0xb8;
	[tilespmem:$0x1F000] =	vst v63  }
0x3d: {  	s20 =	simm.s32 $0x180;
	s21 =	simm.s32 $0xB000  }
0x3e: {  	[tilespmem:s21], [sflag:$0x1] =	stream.indirect.gather [hbm4b:s4+s17], $0x40, s20, s17, $0xb8;
	[tilespmem:$0x1F000] =	vst v63  }
0x3f: {  	s22 =	simm.s32 $0x200;
	s23 =	simm.s32 $0xD000  }
0x40: {  	[tilespmem:s23], [sflag:$0x1] =	stream.indirect.gather [hbm4b:s4+s17], $0x40, s22, s17, $0xb8;
	[tilespmem:$0x1F000] =	vst v63  }
0x41: {  	s18 =	sand.u32 $0x38000, s18;
	s25 =	simm.s32 $0x280  }
0x42: {  	[tilespmem:s28], [sflag:$0x1] =	stream.indirect.gather [hbm4b:s4+s17], $0x40, s25, s17, $0xb8;
	[tilespmem:$0x1F000] =	vst v63  }
0x43: {  	s13 =	simm.s32 $0x380;
	s18 =	sshrl.u32 s18, $0x2  }
0x44: {  	[tilespmem:s30], [sflag:$0x1] =	stream.indirect.gather [hbm4b:s4+s17], $0x40, s29, s17, $0xb8;
	[tilespmem:$0x1F000] =	vst v63  }
0x45: {  	p0 =	por $0x1, $0x1;
	s18 =	sadd.s32 $0x5000, s18;
	s19 =	simm.s32 $0xE000  }
0x46: {  	[tilespmem:s31], [sflag:$0x1] =	stream.indirect.gather [hbm4b:s4+s17], $0x40, s13, s17, $0xb8;
	[tilespmem:$0x1F000] =	vst v63  }
0x47: {  	s26 =	simm.s32 $0x2800;
	s20 =	sand.u32 @!p0 $0xE000, s19;
	_ =	swait.ge [sflag:s0], $0x2000  }
0x48: {  	s19 =	simm.s32 $0x0;
	s21 =	simm.s32 $0x2880;
	[sflag:s0] =	ssyncset.done $0x0  }
0x49: {  	s23 =	simm.s32 @!p0 $0x2;
	s22 =	simm.s32 $0x380;
	[sflag:s0] =	ssyncadd.s32 $0xFFFFE000  }
0x4a: {  	[spmem:s2] =	stream.indirect.scatter.add.f32 [tilespmem:s18], [sflag:$0x2], $0x40, s26, s17, $0xb8;
	[tilespmem:$0x1F000] =	vst v63  }
0x4b: {  	s25 =	sadd.s32 @!p0 $0x5000, s20;
	s20 =	simm.s32 $0x8000;
	_ =	swait.ge @!p0 [sflag:s23], $0x2000  }
0x4c: {  	s18 =	simm.s32 $0x10000;
	s26 =	simm.s32 @!p0 $0x80;
	[sflag:s23] =	ssyncset.done @!p0 $0x0  }
.LBB2_4:
0x4d: {  	[sflag:s23] =	ssyncadd.s32 @!p0 $0xFFFFE000  }
0x4e: {  	s13 =	sadd.s32 $0x80, s13;
	s23 =	smov.u32 s18;
	s18 =	sadd.s32 $0x2000, s18  }
0x4f: {  	[tilespmem:s25], [sflag:$0x1] =	stream.indirect.gather @!p0 [hbm4b:s4+s26], $0x40, s22, s26, $0xb8;
	[tilespmem:$0x1F000] =	vst v63  }
0x50: {  	p1 =	sne.s32 s18, $0xAE000;
	s22 =	smov.u32 s13  }
0x51: {  	s25 =	sand.u32 $0x38000, s20;
	_ =	swait.ge [sflag:s0], $0x2000  }
0x52: {  	p0 =	sgt.u32 s19, $0x47;
	s25 =	sshrl.u32 s25, $0x2;
	[sflag:s0] =	ssyncset.done $0x0  }
.Ltmp1:
0x53: {  	s25 =	sadd.s32 $0x5000, s25;
	[sflag:s0] =	ssyncadd.s32 $0xFFFFE000;
	(pc) =	sbr.rel @p1 .LBB2_4-.Ltmp1, $4  }
0x54: {  	[spmem:s2] =	stream.indirect.scatter.add.f32 [tilespmem:s25], [sflag:$0x2], $0x40, s21, s17, $0xb8;
	[tilespmem:$0x1F000] =	vst v63  }
0x55: {  	s19 =	sadd.s32 $0x1, s19;
	s25 =	sand.u32 @!p0 $0xE000, s23;
	s23 =	simm.s32 @!p0 $0x2  }
0x56: {  	s20 =	sadd.s32 $0x8000, s20;
	s25 =	sadd.s32 @!p0 $0x5000, s25;
	_ =	swait.ge @!p0 [sflag:s23], $0x2000  }
0x57: {  	s26 =	simm.s32 @!p0 $0x80;
	s21 =	sadd.s32 $0x80, s21;
	[sflag:s23] =	ssyncset.done @!p0 $0x0  }
0x58: {  	[sflag:s23] =	ssyncadd.s32 @!p0 $0xFFFFE000  }
0x59: {  	[tilespmem:s25], [sflag:$0x1] =	stream.indirect.gather @!p0 [hbm4b:s4+s26], $0x40, s22, s26, $0xb8;
	[tilespmem:$0x1F000] =	vst v63  }
0x5a: {  	_ =	swait.ge [sflag:s16], $0x2000  }
0x5b: {  	[sflag:s16] =	ssyncset.done $0x0  }
0x5c: {  	[sflag:s16] =	ssyncadd.s32 $0xFFFFE000  }
0x5d: {  	_ =	swait.ge [sflag:s16], $0x2000  }
0x5e: {  	[sflag:s16] =	ssyncset.done $0x0  }
0x5f: {  	[sflag:s16] =	ssyncadd.s32 $0xFFFFE000  }
0x60: {  	_ =	swait.ge [sflag:s16], $0x2000  }
0x61: {  	[sflag:s16] =	ssyncset.done $0x0  }
0x62: {  	[sflag:s16] =	ssyncadd.s32 $0xFFFFE000  }
0x63: {  	_ =	swait.ge [sflag:s16], $0x2000  }
0x64: {  	[sflag:s16] =	ssyncset.done $0x0  }
0x65: {  	[sflag:s16] =	ssyncadd.s32 $0xFFFFE000  }
0x66: {  	_ =	swait.ge [sflag:s16], $0x2000  }
0x67: {  	[sflag:s16] =	ssyncset.done $0x0  }
0x68: {  	[sflag:s16] =	ssyncadd.s32 $0xFFFFE000  }
0x69: {  	_ =	swait.ge [sflag:s16], $0x2000  }
0x6a: {  	[sflag:s16] =	ssyncset.done $0x0  }
0x6b: {  	[sflag:s16] =	ssyncadd.s32 $0xFFFFE000  }
0x6c: {  	_ =	swait.ge [sflag:s16], $0x2000  }
0x6d: {  	[sflag:s16] =	ssyncset.done $0x0  }
0x6e: {  	[sflag:s16] =	ssyncadd.s32 $0xFFFFE000  }
0x6f: {  	s13 =	stileid.u32;
	_ =	swait.ge [sflag:s16], $0x2000  }
0x70: {  	s18 =	sshrl.u32 s7, $0x3;
	s1 =	sadd.s32 $0x1, s1;
	[sflag:s16] =	ssyncset.done $0x0  }
0x71: {  	s13 =	sshll.u32 s13, $0x6;
	p0 =	sne.s32 s1, s12;
	[sflag:s16] =	ssyncadd.s32 $0xFFFFE000  }
.Ltmp2:
0x72: {  	s13 =	sor.u32 $0x1C03, s13;
	[bflag:$0x0] =	sbarrier.arrive $0xFFFF;
	(pc) =	sbr.rel @p0 .LBB2_1-.Ltmp2, $4  }
0x73: {  	[hbm:s24], [sflag:s13] =	dma.local [spmem:s18], $0x1400  }
0x74: {  	_ =	swait.ge [sflag:s15], $0x1400  }
0x75: {  	[sflag:s15] =	ssyncset.done $0x0  }
0x76: {  	[sflag:s15] =	ssyncadd.s32 $0xFFFFEC00  }
0x77: {  	_ =	sfence.sel $0x180000  }
0x78: {  	[bflag:$0x0] =	sbarrier.arrive $0xFFFF  }
0x79: {  	_ =	strace $0x9000004D  }
0x7a: {  	s0 =	stileid.u32;
	[bflag:$0x2] =	sbarrier.arrive $0xFFFF  }
0x7b: {  	p0 =	sne.s32 s0, $0x0;
	s0 =	rddreg [dreg:$0x2]  }
0x7c: {  	s0 =	sadd.s32 @!p0 $0x100000, s0  }
0x7d: {  	[sflag:s0] =	ssyncadd.tile.s32 @!p0 $0x1;
	_ =	shalt  }
.Lfunc_end2:
_tile_overlayer_lowered:
.L_overlay_start_2:
0x7e: {  	(tag) =	ssettag $0x2  }
0x7f: {  	s0 =	rddreg [dreg:$0x0];
	s2 =	stileid.u32  }
0x80: {  	s1 =	rddreg [dreg:$0x1];
	p0 =	sne.s32 s2, $0x0  }
0x81: {  	s3 =	rddreg [dreg:$0x2];
	[bflag:$0x3] =	sbarrier.arrive $0xFFFF;
	s2 =	simm.s32 @!p0 $0x1C03  }
0x82: {  	[timem:s3], [sflag:s2] =	dma.local @!p0 [hbm:s0], s1  }
0x83: {  	s0 =	simm.s32 @!p0 $0x3  }
0x84: {  	_ =	swait.ge @!p0 [sflag:s0], s1  }
0x85: {  	s1 =	ssub.s32 @!p0 $0x0, s1;
	[sflag:s0] =	ssyncset.done @!p0 $0x0  }
0x86: {  	[sflag:s0] =	ssyncadd.s32 @!p0 s1  }
0x87: {  	[bflag:$0x3] =	sbarrier.arrive $0xFFFF  }
0x88: {  	_ =	shalt  }

// kernel: kernel.24.cloned.1.call-start
scs
__scs_entry_jumppad:
0x0: {  	(pc) =	sbr.rel $0x88, $3  }
0x1: {  	(tag) =	ssettag $0x0;
	lr =	simm.s32 $0x1  }
0x2: {  	[smem:$0x3F6F] =	sst lr;
	_ =	strace $0xD0000000  }
0x3: {  	_ = 	snop  }
0x4: {  	_ = 	snop  }
0x5: {  	_ = 	snop  }
0x6: {  	_ = 	snop  }
0x7: {  	_ = 	snop  }
__scs_overlays_trampoline_lowered:
0x8: {  	[smem:$0x3F7E] =	sst s0  }
0x9: {  	[smem:$0x3F7F] =	sst s1  }
0xa: {  	[smem:$0x3F80] =	sst s2  }
0xb: {  	[smem:$0x3F81] =	sst s3  }
0xc: {  	[smem:$0x3F82] =	sst s4  }
0xd: {  	[smem:$0x3F83] =	sst s5  }
0xe: {  	[smem:$0x3F84] =	sst s6  }
0xf: {  	[smem:$0x3F85] =	sst s7  }
0x10: {  	[smem:$0x3F86] =	sst s8  }
0x11: {  	[smem:$0x3F87] =	sst s9;
	s0 =	simm.s32 @!p0 $0x0  }
0x12: {  	s1 =	sld [smem:$0x3F6D];
	s0 =	simm.s32 @p0 $0x1  }
0x13: {  	[smem:$0x3F88] =	sst s0;
	s0 =	simm.s32 @!p1 $0x0  }
0x14: {  	s2 =	sld [smem:$0x3F6C];
	s0 =	simm.s32 @p1 $0x1  }
0x15: {  	[smem:$0x3F89] =	sst s0;
	s0 =	simm.s32 @!p2 $0x0  }
0x16: {  	s3 =	sld [smem:$0x3FDB];
	s0 =	simm.s32 @p2 $0x1  }
0x17: {  	s4 =	simm.s32 $0x1BF5;
	[smem:$0x3F8B] =	sst s0  }
0x18: {  	s0 =	sld [smem:$0x3F6E];
	_ =	swait.ge [sflag:s4], $0x0  }
0x19: {  	s7 =	sld [smem:$0x3F6F]  }
0x1a: {  	s8 =	sadd.s32 $0xFFFFE003, lr  }
0x1b: {  	s9 =	sadd.s32 $0xFFFFFEF7, lr;
	s5 =	simm.s32 $0xFFFFFFFF;
	p2 =	slt.u32 s8, $0xFFFFF086  }
0x1c: {  	p1 =	slt.u32 s9, $0xF7A;
	s5 =	simm.s32 @!p2 $0x0  }
0x1d: {  	s5 =	simm.s32 @p1 $0x1;
	p0 =	seq.s32 s7, s2  }
0x1e: {  	s7 =	smul.u32 @!p0 $0xF7A, s2;
	p2 =	seq.s32 @!p0 s5, $0x0  }
0x1f: {  	s9 =	smul.u32 $0xF7A, s1;
	s8 =	simm.s32 @!p0 $0x1BF5;
	p2 =	por !p2, p0  }
0x20: {  	[sflag:s8] =	ssyncset.s32 @!p0 $0xFFFFF086;
	s6 =	sadd.s32 @!p0 s3, s7;
	s7 =	simm.s32 @!p0 $0x108  }
0x21: {  	s3 =	sadd.s32 s3, s9;
	s6 =	sadd.s32 @!p0 $0x88, s6;
	s7 =	simm.s32 @p2 $0x1082  }
0x22: {  	[simem:s7], [sflag:s8] =	dma.local @!p0 [hbm:s6], $0xF7A  }
0x23: {  	s9 =	sor.u32 $0xD0000000, s2;
	s6 =	simm.s32 $0x108;
	_ =	swait.ge @!p0 [sflag:s8], $0x0  }
0x24: {  	s3 =	sadd.s32 $0x88, s3;
	s6 =	simm.s32 @!p1 $0x1082;
	[sflag:s4] =	ssyncset.s32 $0xFFFFF086  }
0x25: {  	[simem:s6], [sflag:s4] =	dma.local [hbm:s3], $0xF7A  }
0x26: {  	[smem:$0x3F6F] =	sst s1;
	(tag) =	ssettag s2;
	_ =	strace s9  }
0x27: {  	s1 =	sld [smem:$0x3F7F]  }
0x28: {  	s2 =	sld [smem:$0x3F80]  }
0x29: {  	s4 =	sld [smem:$0x3F82]  }
0x2a: {  	p0 =	seq.s32 s5, $0x0;
	s5 =	sld [smem:$0x3F83]  }
0x2b: {  	s6 =	sld [smem:$0x3F84]  }
0x2c: {  	s7 =	sld [smem:$0x3F85]  }
0x2d: {  	s3 =	simm.s32 $0x108;
	s8 =	sld [smem:$0x3F86]  }
0x2e: {  	s3 =	simm.s32 @!p0 $0x1082;
	s9 =	sld [smem:$0x3F87]  }
0x2f: {  	lr =	sadd.s32 s0, s3;
	s0 =	sld [smem:$0x3F7E]  }
0x30: {  	s3 =	sld [smem:$0x3F81]  }
0x31: {  	[smem:$0x3F8A] =	sst s10  }
0x32: {  	s10 =	sld [smem:$0x3F88];
	_ =	sdelay $0x3  }
0x33: {  	p0 =	seq.s32 s10, $0x1;
	s10 =	sld [smem:$0x3F8A];
	_ =	sdelay $0x3  }
0x34: {  	[smem:$0x3F8A] =	sst s10  }
0x35: {  	s10 =	sld [smem:$0x3F89];
	_ =	sdelay $0x3  }
0x36: {  	p1 =	seq.s32 s10, $0x1;
	s10 =	sld [smem:$0x3F8A];
	_ =	sdelay $0x3  }
0x37: {  	[smem:$0x3F8A] =	sst s10  }
0x38: {  	s10 =	sld [smem:$0x3F8B]  }
0x39: {  	_ = 	snop;
	(pc) =	sbr.ind lr, $3  }
0x3a: {  	_ = 	snop  }
0x3b: {  	_ = 	snop  }
0x3c: {  	p2 =	seq.s32 s10, $0x1;
	s10 =	sld [smem:$0x3F8A]  }
0x3d: {  	_ =	shalt  }
0x3e: {  	_ =	shalt  }
0x3f: {  	_ =	shalt  }
0x40: {  	_ =	shalt  }
0x41: {  	_ =	shalt  }
0x42: {  	_ =	shalt  }
0x43: {  	_ =	shalt  }
0x44: {  	_ =	shalt  }
0x45: {  	_ =	shalt  }
0x46: {  	_ =	shalt  }
0x47: {  	_ =	shalt  }
0x48: {  	_ =	shalt  }
0x49: {  	_ =	shalt  }
0x4a: {  	_ =	shalt  }
0x4b: {  	_ =	shalt  }
0x4c: {  	_ =	shalt  }
0x4d: {  	_ =	shalt  }
0x4e: {  	_ =	shalt  }
0x4f: {  	_ =	shalt  }
0x50: {  	_ =	shalt  }
0x51: {  	_ =	shalt  }
0x52: {  	_ =	shalt  }
0x53: {  	_ =	shalt  }
0x54: {  	_ =	shalt  }
0x55: {  	_ =	shalt  }
0x56: {  	_ =	shalt  }
0x57: {  	_ =	shalt  }
0x58: {  	_ =	shalt  }
0x59: {  	_ =	shalt  }
0x5a: {  	_ =	shalt  }
0x5b: {  	_ =	shalt  }
0x5c: {  	_ =	shalt  }
0x5d: {  	_ =	shalt  }
0x5e: {  	_ =	shalt  }
0x5f: {  	_ =	shalt  }
0x60: {  	_ =	shalt  }
0x61: {  	_ =	shalt  }
0x62: {  	_ =	shalt  }
0x63: {  	_ =	shalt  }
0x64: {  	_ =	shalt  }
0x65: {  	_ =	shalt  }
0x66: {  	_ =	shalt  }
0x67: {  	_ =	shalt  }
0x68: {  	_ =	shalt  }
0x69: {  	_ =	shalt  }
0x6a: {  	_ =	shalt  }
0x6b: {  	_ =	shalt  }
0x6c: {  	_ =	shalt  }
0x6d: {  	_ =	shalt  }
0x6e: {  	_ =	shalt  }
0x6f: {  	_ =	shalt  }
0x70: {  	_ =	shalt  }
0x71: {  	_ =	shalt  }
0x72: {  	_ =	shalt  }
0x73: {  	_ =	shalt  }
0x74: {  	_ =	shalt  }
0x75: {  	_ =	shalt  }
0x76: {  	_ =	shalt  }
0x77: {  	_ =	shalt  }
0x78: {  	_ =	shalt  }
0x79: {  	_ =	shalt  }
0x7a: {  	_ =	shalt  }
0x7b: {  	_ =	shalt  }
0x7c: {  	_ =	shalt  }
0x7d: {  	_ =	shalt  }
0x7e: {  	_ =	shalt  }
0x7f: {  	_ =	shalt  }
0x80: {  	_ =	shalt  }
0x81: {  	_ =	shalt  }
0x82: {  	_ =	shalt  }
0x83: {  	_ =	shalt  }
0x84: {  	_ =	shalt  }
0x85: {  	_ =	shalt  }
0x86: {  	_ =	shalt  }
0x87: {  	_ =	shalt  }
.Lfunc_end0:
.L_simem_size_0:
called_computation.3_lowered:
.L_overlay_start_0:
0x88: {  	s2 =	sld [smem:$0x3FD9]  }
0x89: {  	s3 =	sld [smem:$0x3FFE];
	_ =	sdelay $0x1  }
0x8a: {  	s1 =	srdreg.scid  }
0x8b: {  	s0 =	sand.u32 $0x1, s1  }
0x8c: {  	s16 =	sshll.u32 s0, $0xA;
	s2 =	sadd.s32 s3, s2  }
0x8d: {  	s2 =	sadd.s32 s2, s16  }
0x8e: {  	[smem:$0x3F96] =	sst s2  }
0x8f: {  	_ = 	snop  }
0x90: {  	(tm) =	ssettm $0x1  }
0x91: {  	s17 =	sld [smem:$0x3FFB];
	_ =	sdelay $0x3  }
0x92: {  	_ =	strace s17  }
0x93: {  	s2 =	sld [smem:$0x3FFC];
	_ =	sdelay $0x3  }
0x94: {  	_ =	strace s2  }
0x95: {  	s2 =	sld [smem:$0x3FFD];
	_ =	sdelay $0x3  }
0x96: {  	_ =	strace s2  }
0x97: {  	_ =	strace $0x8FFFFFFF  }
0x98: {  	s18 =	sld [smem:$0x3FDB];
	_ =	sdelay $0x1  }
0x99: {  	s19 =	simm.s32 $_scs_section_size  }
0x9a: {  	s4 =	simm.s32 $_size__tile_overlayer_lowered;
	s5 =	simm.s32 $_tile_overlayer_lowered  }
0x9b: {  	s22 =	simm.s32 $0x1BFF;
	s21 =	sshll.u32 s5, $0x1;
	s2 =	sadd.s32 s19, s18  }
0x9c: {  	s6 =	simm.s32 $0x0;
	s20 =	sshll.u32 s4, $0x1;
	s4 =	sadd.s32 s21, s2  }
0x9d: {  	[timem:s6], [sflag:s22] =	dma.local [hbm:s4], s20  }
0x9e: {  	_ =	swait.ge [sflag:s22], s20  }
0x9f: {  	s3 =	ssub.s32 $0x0, s20;
	[sflag:s22] =	ssyncset.done $0x0  }
0xa0: {  	[sflag:s22] =	ssyncadd.s32 s3;
	_ =	sdelay $0x1  }
0xa1: {  	s23 =	simm.s32 $0x1B8B  }
0xa2: {  	_ =	swait.ge [sflag:s23], $0x1  }
0xa3: {  	[sflag:s23] =	ssyncset.done $0x0  }
0xa4: {  	s25 =	simm.s32 $0x1B8E;
	s24 =	sld [smem:$0x3FFE];
	[sflag:s23] =	ssyncadd.s32 $0xFFFFFFFF  }
0xa5: {  	s26 =	simm.s32 $execute0_lowered;
	[smem:$0x3FD2] =	sst s25  }
0xa6: {  	s4 =	sshll.u32 s26, $0x1;
	_ =	strace $0x8000004F;
	[dreg:$0x1] =	wrdreg $0xFFFFFFFF  }
0xa7: {  	s28 =	simm.s32 $_size_execute0_lowered;
	s2 =	sadd.s32 s2, s4;
	[dreg:$0x0] =	wrdreg $0x0  }
0xa8: {  	s4 =	sshll.u32 s28, $0x1;
	[dreg:$0x2] =	wrdreg s2  }
0xa9: {  	[dreg:$0x3] =	wrdreg s4  }
0xaa: {  	[dreg:$0x4] =	wrdreg $0xC0  }
0xab: {  	_ =	task [dreg:s6], $0x5FFFF  }
0xac: {  	[dreg:$0x1] =	wrdreg $0xFFFFFFFF  }
0xad: {  	[dreg:$0x0] =	wrdreg $0x60  }
0xae: {  	[dreg:$0x2] =	wrdreg s24  }
0xaf: {  	[dreg:$0x3] =	wrdreg $0x150000  }
0xb0: {  	[dreg:$0x4] =	wrdreg $0x9  }
0xb1: {  	_ =	task.clear_ibuf [dreg:s6], $0x5FFFF;
	_ =	strace $0x9000004F  }
0xb2: {  	s29 =	simm.s32 $0x9;
	_ =	strace $0x80000051  }
0xb3: {  	_ =	swait.ge [sflag:s29], $0x1  }
0xb4: {  	[sflag:s29] =	ssyncadd.s32 $0xFFFFFFFF  }
0xb5: {  	_ =	strace $0x90000051  }
0xb6: {  	_ =	sfence  }
0xb7: {  	s30 =	sld [smem:$0x0];
	_ =	sdelay $0x2  }
0xb8: {  	s31 =	sshll.u32 s1, $0xD;
	s1 =	sshrl.u32 s1, $0x2  }
0xb9: {  	s3 =	sand.u32 $0x4000, s31;
	s1 =	sadd.s32 s1, s30  }
0xba: {  	s0 =	sor.u32 s3, s0;
	s1 =	sshll.u32 s1, $0x11  }
0xbb: {  	s0 =	sor.u32 s1, s0  }
0xbc: {  	s0 =	sadd.s32 $0x8F2B, s0  }
0xbd: {  	[sflag:s0] =	ssyncadd.remote.s32 $0x1  }
0xbe: {  	_ =	sfence.sel $0xFFFF  }
0xbf: {  	[dreg:$0x0] =	wrdreg $0xFFFFFFFF;
	(pc) =	sbr.abs _section_cstart, $3  }
0xc0: {  	[dreg:$0x1] =	wrdreg $0xFFFFFFFF  }
0xc1: {  	_ =	task.clear_ibuf [dreg:s6], $0x2FFFF;
	_ =	strace $0x9FFFFFFF  }
0xc2: {  	(tm) =	ssettm $0x7FFFFFFF  }
0xc3: {  	_ =	shalt  }
tec
execute0_lowered:
.L_overlay_start_1:
0x0: {  	(tag) =	ssettag $0x1  }
0x1: {  	s0 =	srdreg.scid;
	s1 =	rddreg [dreg:$0x0]  }
0x2: {  	s2 =	rddreg [dreg:$0x1];
	s9 =	stileid.u32  }
0x3: {  	s3 =	simm.s32 $0x0;
	s14 =	simm.s32 $0x5000;
	s15 =	simm.s32 $0x3  }
0x4: {  	s16 =	simm.s32 $0x2;
	s17 =	simm.s32 $0x80;
	s28 =	simm.s32 $0xF000  }
0x5: {  	s29 =	simm.s32 $0x300;
	s30 =	simm.s32 $0x11000;
	s31 =	simm.s32 $0x13000  }
0x6: {  	s0 =	sand.u32 $0x1, s0;
	[smem:$0x7FF] =	sst s3;
	s8 =	smul.u32 $0x28000, s9  }
0x7: {  	s12 =	smul.u32 $0xA000, s9;
	s4 =	sshll.u32 s0, $0x4;
	_ =	strace $0x80000050  }
0x8: {  	s6 =	smul.u32 $0x14000, s0;
	s0 =	ssub.s32 $0x2, s0;
	s4 =	sor.u32 s9, s4  }
0x9: {  	s26 =	sshrl.u32 s0, $0x1;
	s8 =	sshrl.u32 s8, $0x2;
	s13 =	sshrl.u32 s12, $0x3  }
0xa: {  	s5 =	smul.u32 $0x500, s4;
	s4 =	sadd.s32 $0x9A00, s1;
	s11 =	sadd.s32 s8, s2  }
0xb: {  	s0 =	ssub.s32 s0, s26;
	s8 =	sadd.s32 $0x2000, s11;
	s9 =	sadd.s32 $0x4000, s11  }
0xc: {  	s10 =	sadd.s32 $0x6000, s11;
	s11 =	sadd.s32 $0x8000, s11;
	s7 =	sadd.s32 s5, s1  }
0xd: {  	s1 =	sadd.s32 s6, s1;
	s5 =	sadd.s32 $0x1D400, s7;
	s6 =	sadd.s32 $0x27400, s7  }
0xe: {  	s7 =	sadd.s32 s12, s2;
	s1 =	sadd.s32 $0x7F800, s1;
	s12 =	smax.u32 s0, $0x1  }
0xf: {  	v0 =	vimm.f32 $0.0e+00;
	s0 =	simm.s32 $0x1;
	s24 =	sadd.s32 s13, s1;
	s1 =	simm.s32 $0x0  }
.LBB2_1:
0x10: {  	[tilespmem:s3], [sflag:$0x2] =	stream.linear.gather [hbm4b:s5+s3], $0x2800, $0x38;
	[tilespmem:$0x1F000] =	vst v63  }
0x11: {  	s13 =	simm.s32 $0x2800  }
0x12: {  	[tilespmem:s13], [sflag:$0x2] =	stream.linear.gather [hbm4b:s6+s3], $0x2800, $0x38;
	[tilespmem:$0x1F000] =	vst v63  }
0x13: {  	s18 =	simm.s32 $0x100;
	s13 =	simm.s32 $0x0  }
.LBB2_2:
0x14: {  	p0 =	sne.s32 s18, $0x7F00;
	[tilespmem:s13+$0x5030] =	vst v0;
	s19 =	smov.u32 s18;
	s18 =	sadd.s32 $0x100, s18  }
.Ltmp0:
0x15: {  	[tilespmem:s13+$0x5020] =	vst v0;
	(pc) =	sbr.rel @p0 .LBB2_2-.Ltmp0, $3  }
0x16: {  	[tilespmem:s13+$0x5000] =	vst v0  }
0x17: {  	[tilespmem:s13+$0x5010] =	vst v0;
	_ =	sdelay $0x1  }
0x18: {  	s13 =	sshra.s32 s19, $0x2  }
0x19: {  	[tilespmem:s13+$0x5030] =	vst v0  }
0x1a: {  	[tilespmem:s13+$0x5020] =	vst v0  }
0x1b: {  	[tilespmem:s13+$0x5000] =	vst v0  }
0x1c: {  	[tilespmem:s13+$0x5010] =	vst v0  }
0x1d: {  	[spmem:s7] =	stream.linear.scatter [tilespmem:s14], [sflag:$0x3], $0x2000, $0x38;
	[tilespmem:$0x1F000] =	vst v63  }
0x1e: {  	_ =	swait.ge [sflag:s15], $0x2000  }
0x1f: {  	[sflag:s15] =	ssyncset.done $0x0  }
0x20: {  	[sflag:s15] =	ssyncadd.s32 $0xFFFFE000  }
0x21: {  	[spmem:s8] =	stream.linear.scatter [tilespmem:s14], [sflag:$0x3], $0x2000, $0x38;
	[tilespmem:$0x1F000] =	vst v63  }
0x22: {  	_ =	swait.ge [sflag:s15], $0x2000  }
0x23: {  	[sflag:s15] =	ssyncset.done $0x0  }
0x24: {  	[sflag:s15] =	ssyncadd.s32 $0xFFFFE000  }
0x25: {  	[spmem:s9] =	stream.linear.scatter [tilespmem:s14], [sflag:$0x3], $0x2000, $0x38;
	[tilespmem:$0x1F000] =	vst v63  }
0x26: {  	_ =	swait.ge [sflag:s15], $0x2000  }
0x27: {  	[sflag:s15] =	ssyncset.done $0x0  }
0x28: {  	[sflag:s15] =	ssyncadd.s32 $0xFFFFE000  }
0x29: {  	[spmem:s10] =	stream.linear.scatter [tilespmem:s14], [sflag:$0x3], $0x2000, $0x38;
	[tilespmem:$0x1F000] =	vst v63  }
0x2a: {  	_ =	swait.ge [sflag:s15], $0x2000  }
0x2b: {  	[sflag:s15] =	ssyncset.done $0x0  }
0x2c: {  	[sflag:s15] =	ssyncadd.s32 $0xFFFFE000  }
0x2d: {  	[spmem:s11] =	stream.linear.scatter [tilespmem:s14], [sflag:$0x3], $0x2000, $0x38;
	[tilespmem:$0x1F000] =	vst v63  }
0x2e: {  	_ =	swait.ge [sflag:s15], $0x2000  }
0x2f: {  	[sflag:s15] =	ssyncset.done $0x0  }
0x30: {  	[sflag:s15] =	ssyncadd.s32 $0xFFFFE000  }
0x31: {  	_ =	swait.ge [sflag:s16], $0x2800  }
0x32: {  	[sflag:s16] =	ssyncset.done $0x0  }
0x33: {  	[sflag:s16] =	ssyncadd.s32 $0xFFFFD800  }
0x34: {  	_ =	swait.ge [sflag:s16], $0x2800  }
0x35: {  	[sflag:s16] =	ssyncset.done $0x0  }
0x36: {  	[sflag:s16] =	ssyncadd.s32 $0xFFFFD800  }
0x37: {  	s18 =	simm.s32 $0x0;
	[bflag:$0x0] =	sbarrier.arrive $0xFFFF  }
0x38: {  	[tilespmem:s14], [sflag:$0x1] =	stream.indirect.gather [hbm4b:s4+s17], $0x40, s18, s17, $0xb8;
	[tilespmem:$0x1F000] =	vst v63  }
0x39: {  	s25 =	simm.s32 $0x7000  }
0x3a: {  	[tilespmem:s25], [sflag:$0x1] =	stream.indirect.gather [hbm4b:s4+s17], $0x40, s17, s17, $0xb8;
	[tilespmem:$0x1F000] =	vst v63  }
0x3b: {  	s26 =	simm.s32 $0x100;
	s19 =	simm.s32 $0x9000  }
0x3c: {  	[tilespmem:s19], [sflag:$0x1] =	stream.indirect.gather [hbm4b:s4+s17], $0x40, s26, s17, $0xb8;
	[tilespmem:$0x1F000] =	vst v63  }
0x3d: {  	s20 =	simm.s32 $0x180;
	s21 =	simm.s32 $0xB000  }
0x3e: {  	[tilespmem:s21], [sflag:$0x1] =	stream.indirect.gather [hbm4b:s4+s17], $0x40, s20, s17, $0xb8;
	[tilespmem:$0x1F000] =	vst v63  }
0x3f: {  	s22 =	simm.s32 $0x200;
	s23 =	simm.s32 $0xD000  }
0x40: {  	[tilespmem:s23], [sflag:$0x1] =	stream.indirect.gather [hbm4b:s4+s17], $0x40, s22, s17, $0xb8;
	[tilespmem:$0x1F000] =	vst v63  }
0x41: {  	s18 =	sand.u32 $0x38000, s18;
	s25 =	simm.s32 $0x280  }
0x42: {  	[tilespmem:s28], [sflag:$0x1] =	stream.indirect.gather [hbm4b:s4+s17], $0x40, s25, s17, $0xb8;
	[tilespmem:$0x1F000] =	vst v63  }
0x43: {  	s13 =	simm.s32 $0x380;
	s18 =	sshrl.u32 s18, $0x2  }
0x44: {  	[tilespmem:s30], [sflag:$0x1] =	stream.indirect.gather [hbm4b:s4+s17], $0x40, s29, s17, $0xb8;
	[tilespmem:$0x1F000] =	vst v63  }
0x45: {  	p0 =	por $0x1, $0x1;
	s18 =	sadd.s32 $0x5000, s18;
	s19 =	simm.s32 $0xE000  }
0x46: {  	[tilespmem:s31], [sflag:$0x1] =	stream.indirect.gather [hbm4b:s4+s17], $0x40, s13, s17, $0xb8;
	[tilespmem:$0x1F000] =	vst v63  }
0x47: {  	s26 =	simm.s32 $0x2800;
	s20 =	sand.u32 @!p0 $0xE000, s19;
	_ =	swait.ge [sflag:s0], $0x2000  }
0x48: {  	s19 =	simm.s32 $0x0;
	s21 =	simm.s32 $0x2880;
	[sflag:s0] =	ssyncset.done $0x0  }
0x49: {  	s23 =	simm.s32 @!p0 $0x2;
	s22 =	simm.s32 $0x380;
	[sflag:s0] =	ssyncadd.s32 $0xFFFFE000  }
0x4a: {  	[spmem:s2] =	stream.indirect.scatter.add.f32 [tilespmem:s18], [sflag:$0x2], $0x40, s26, s17, $0xb8;
	[tilespmem:$0x1F000] =	vst v63  }
0x4b: {  	s25 =	sadd.s32 @!p0 $0x5000, s20;
	s20 =	simm.s32 $0x8000;
	_ =	swait.ge @!p0 [sflag:s23], $0x2000  }
0x4c: {  	s18 =	simm.s32 $0x10000;
	s26 =	simm.s32 @!p0 $0x80;
	[sflag:s23] =	ssyncset.done @!p0 $0x0  }
.LBB2_4:
0x4d: {  	[sflag:s23] =	ssyncadd.s32 @!p0 $0xFFFFE000  }
0x4e: {  	s13 =	sadd.s32 $0x80, s13;
	s23 =	smov.u32 s18;
	s18 =	sadd.s32 $0x2000, s18  }
0x4f: {  	[tilespmem:s25], [sflag:$0x1] =	stream.indirect.gather @!p0 [hbm4b:s4+s26], $0x40, s22, s26, $0xb8;
	[tilespmem:$0x1F000] =	vst v63  }
0x50: {  	p1 =	sne.s32 s18, $0xAE000;
	s22 =	smov.u32 s13  }
0x51: {  	s25 =	sand.u32 $0x38000, s20;
	_ =	swait.ge [sflag:s0], $0x2000  }
0x52: {  	p0 =	sgt.u32 s19, $0x47;
	s25 =	sshrl.u32 s25, $0x2;
	[sflag:s0] =	ssyncset.done $0x0  }
.Ltmp1:
0x53: {  	s25 =	sadd.s32 $0x5000, s25;
	[sflag:s0] =	ssyncadd.s32 $0xFFFFE000;
	(pc) =	sbr.rel @p1 .LBB2_4-.Ltmp1, $4  }
0x54: {  	[spmem:s2] =	stream.indirect.scatter.add.f32 [tilespmem:s25], [sflag:$0x2], $0x40, s21, s17, $0xb8;
	[tilespmem:$0x1F000] =	vst v63  }
0x55: {  	s19 =	sadd.s32 $0x1, s19;
	s25 =	sand.u32 @!p0 $0xE000, s23;
	s23 =	simm.s32 @!p0 $0x2  }
0x56: {  	s20 =	sadd.s32 $0x8000, s20;
	s25 =	sadd.s32 @!p0 $0x5000, s25;
	_ =	swait.ge @!p0 [sflag:s23], $0x2000  }
0x57: {  	s26 =	simm.s32 @!p0 $0x80;
	s21 =	sadd.s32 $0x80, s21;
	[sflag:s23] =	ssyncset.done @!p0 $0x0  }
0x58: {  	[sflag:s23] =	ssyncadd.s32 @!p0 $0xFFFFE000  }
0x59: {  	[tilespmem:s25], [sflag:$0x1] =	stream.indirect.gather @!p0 [hbm4b:s4+s26], $0x40, s22, s26, $0xb8;
	[tilespmem:$0x1F000] =	vst v63  }
0x5a: {  	_ =	swait.ge [sflag:s16], $0x2000  }
0x5b: {  	[sflag:s16] =	ssyncset.done $0x0  }
0x5c: {  	[sflag:s16] =	ssyncadd.s32 $0xFFFFE000  }
0x5d: {  	_ =	swait.ge [sflag:s16], $0x2000  }
0x5e: {  	[sflag:s16] =	ssyncset.done $0x0  }
0x5f: {  	[sflag:s16] =	ssyncadd.s32 $0xFFFFE000  }
0x60: {  	_ =	swait.ge [sflag:s16], $0x2000  }
0x61: {  	[sflag:s16] =	ssyncset.done $0x0  }
0x62: {  	[sflag:s16] =	ssyncadd.s32 $0xFFFFE000  }
0x63: {  	_ =	swait.ge [sflag:s16], $0x2000  }
0x64: {  	[sflag:s16] =	ssyncset.done $0x0  }
0x65: {  	[sflag:s16] =	ssyncadd.s32 $0xFFFFE000  }
0x66: {  	_ =	swait.ge [sflag:s16], $0x2000  }
0x67: {  	[sflag:s16] =	ssyncset.done $0x0  }
0x68: {  	[sflag:s16] =	ssyncadd.s32 $0xFFFFE000  }
0x69: {  	_ =	swait.ge [sflag:s16], $0x2000  }
0x6a: {  	[sflag:s16] =	ssyncset.done $0x0  }
0x6b: {  	[sflag:s16] =	ssyncadd.s32 $0xFFFFE000  }
0x6c: {  	_ =	swait.ge [sflag:s16], $0x2000  }
0x6d: {  	[sflag:s16] =	ssyncset.done $0x0  }
0x6e: {  	[sflag:s16] =	ssyncadd.s32 $0xFFFFE000  }
0x6f: {  	s13 =	stileid.u32;
	_ =	swait.ge [sflag:s16], $0x2000  }
0x70: {  	s18 =	sshrl.u32 s7, $0x3;
	s1 =	sadd.s32 $0x1, s1;
	[sflag:s16] =	ssyncset.done $0x0  }
0x71: {  	s13 =	sshll.u32 s13, $0x6;
	p0 =	sne.s32 s1, s12;
	[sflag:s16] =	ssyncadd.s32 $0xFFFFE000  }
.Ltmp2:
0x72: {  	s13 =	sor.u32 $0x1C03, s13;
	[bflag:$0x0] =	sbarrier.arrive $0xFFFF;
	(pc) =	sbr.rel @p0 .LBB2_1-.Ltmp2, $4  }
0x73: {  	[hbm:s24], [sflag:s13] =	dma.local [spmem:s18], $0x1400  }
0x74: {  	_ =	swait.ge [sflag:s15], $0x1400  }
0x75: {  	[sflag:s15] =	ssyncset.done $0x0  }
0x76: {  	[sflag:s15] =	ssyncadd.s32 $0xFFFFEC00  }
0x77: {  	_ =	sfence.sel $0x180000  }
0x78: {  	[bflag:$0x0] =	sbarrier.arrive $0xFFFF  }
0x79: {  	_ =	strace $0x90000050  }
0x7a: {  	s0 =	stileid.u32;
	[bflag:$0x2] =	sbarrier.arrive $0xFFFF  }
0x7b: {  	p0 =	sne.s32 s0, $0x0;
	s0 =	rddreg [dreg:$0x2]  }
0x7c: {  	s0 =	sadd.s32 @!p0 $0x100000, s0  }
0x7d: {  	[sflag:s0] =	ssyncadd.tile.s32 @!p0 $0x1;
	_ =	shalt  }
.Lfunc_end2:
_tile_overlayer_lowered:
.L_overlay_start_2:
0x7e: {  	(tag) =	ssettag $0x2  }
0x7f: {  	s0 =	rddreg [dreg:$0x0];
	s2 =	stileid.u32  }
0x80: {  	s1 =	rddreg [dreg:$0x1];
	p0 =	sne.s32 s2, $0x0  }
0x81: {  	s3 =	rddreg [dreg:$0x2];
	[bflag:$0x3] =	sbarrier.arrive $0xFFFF;
	s2 =	simm.s32 @!p0 $0x1C03  }
0x82: {  	[timem:s3], [sflag:s2] =	dma.local @!p0 [hbm:s0], s1  }
0x83: {  	s0 =	simm.s32 @!p0 $0x3  }
0x84: {  	_ =	swait.ge @!p0 [sflag:s0], s1  }
0x85: {  	s1 =	ssub.s32 @!p0 $0x0, s1;
	[sflag:s0] =	ssyncset.done @!p0 $0x0  }
0x86: {  	[sflag:s0] =	ssyncadd.s32 @!p0 s1  }
0x87: {  	[bflag:$0x3] =	sbarrier.arrive $0xFFFF  }
0x88: {  	_ =	shalt  }

// kernel: kernel.27.cloned.1.call-start
scs
__scs_entry_jumppad:
0x0: {  	(pc) =	sbr.rel $0x88, $3  }
0x1: {  	(tag) =	ssettag $0x0;
	lr =	simm.s32 $0x1  }
0x2: {  	[smem:$0x3F6F] =	sst lr;
	_ =	strace $0xD0000000  }
0x3: {  	_ = 	snop  }
0x4: {  	_ = 	snop  }
0x5: {  	_ = 	snop  }
0x6: {  	_ = 	snop  }
0x7: {  	_ = 	snop  }
__scs_overlays_trampoline_lowered:
0x8: {  	[smem:$0x3F7E] =	sst s0  }
0x9: {  	[smem:$0x3F7F] =	sst s1  }
0xa: {  	[smem:$0x3F80] =	sst s2  }
0xb: {  	[smem:$0x3F81] =	sst s3  }
0xc: {  	[smem:$0x3F82] =	sst s4  }
0xd: {  	[smem:$0x3F83] =	sst s5  }
0xe: {  	[smem:$0x3F84] =	sst s6  }
0xf: {  	[smem:$0x3F85] =	sst s7  }
0x10: {  	[smem:$0x3F86] =	sst s8  }
0x11: {  	[smem:$0x3F87] =	sst s9;
	s0 =	simm.s32 @!p0 $0x0  }
0x12: {  	s1 =	sld [smem:$0x3F6D];
	s0 =	simm.s32 @p0 $0x1  }
0x13: {  	[smem:$0x3F88] =	sst s0;
	s0 =	simm.s32 @!p1 $0x0  }
0x14: {  	s2 =	sld [smem:$0x3F6C];
	s0 =	simm.s32 @p1 $0x1  }
0x15: {  	[smem:$0x3F89] =	sst s0;
	s0 =	simm.s32 @!p2 $0x0  }
0x16: {  	s3 =	sld [smem:$0x3FDB];
	s0 =	simm.s32 @p2 $0x1  }
0x17: {  	s4 =	simm.s32 $0x1BF5;
	[smem:$0x3F8B] =	sst s0  }
0x18: {  	s0 =	sld [smem:$0x3F6E];
	_ =	swait.ge [sflag:s4], $0x0  }
0x19: {  	s7 =	sld [smem:$0x3F6F]  }
0x1a: {  	s8 =	sadd.s32 $0xFFFFE003, lr  }
0x1b: {  	s9 =	sadd.s32 $0xFFFFFEF7, lr;
	s5 =	simm.s32 $0xFFFFFFFF;
	p2 =	slt.u32 s8, $0xFFFFF086  }
0x1c: {  	p1 =	slt.u32 s9, $0xF7A;
	s5 =	simm.s32 @!p2 $0x0  }
0x1d: {  	s5 =	simm.s32 @p1 $0x1;
	p0 =	seq.s32 s7, s2  }
0x1e: {  	s7 =	smul.u32 @!p0 $0xF7A, s2;
	p2 =	seq.s32 @!p0 s5, $0x0  }
0x1f: {  	s9 =	smul.u32 $0xF7A, s1;
	s8 =	simm.s32 @!p0 $0x1BF5;
	p2 =	por !p2, p0  }
0x20: {  	[sflag:s8] =	ssyncset.s32 @!p0 $0xFFFFF086;
	s6 =	sadd.s32 @!p0 s3, s7;
	s7 =	simm.s32 @!p0 $0x108  }
0x21: {  	s3 =	sadd.s32 s3, s9;
	s6 =	sadd.s32 @!p0 $0x88, s6;
	s7 =	simm.s32 @p2 $0x1082  }
0x22: {  	[simem:s7], [sflag:s8] =	dma.local @!p0 [hbm:s6], $0xF7A  }
0x23: {  	s9 =	sor.u32 $0xD0000000, s2;
	s6 =	simm.s32 $0x108;
	_ =	swait.ge @!p0 [sflag:s8], $0x0  }
0x24: {  	s3 =	sadd.s32 $0x88, s3;
	s6 =	simm.s32 @!p1 $0x1082;
	[sflag:s4] =	ssyncset.s32 $0xFFFFF086  }
0x25: {  	[simem:s6], [sflag:s4] =	dma.local [hbm:s3], $0xF7A  }
0x26: {  	[smem:$0x3F6F] =	sst s1;
	(tag) =	ssettag s2;
	_ =	strace s9  }
0x27: {  	s1 =	sld [smem:$0x3F7F]  }
0x28: {  	s2 =	sld [smem:$0x3F80]  }
0x29: {  	s4 =	sld [smem:$0x3F82]  }
0x2a: {  	p0 =	seq.s32 s5, $0x0;
	s5 =	sld [smem:$0x3F83]  }
0x2b: {  	s6 =	sld [smem:$0x3F84]  }
0x2c: {  	s7 =	sld [smem:$0x3F85]  }
0x2d: {  	s3 =	simm.s32 $0x108;
	s8 =	sld [smem:$0x3F86]  }
0x2e: {  	s3 =	simm.s32 @!p0 $0x1082;
	s9 =	sld [smem:$0x3F87]  }
0x2f: {  	lr =	sadd.s32 s0, s3;
	s0 =	sld [smem:$0x3F7E]  }
0x30: {  	s3 =	sld [smem:$0x3F81]  }
0x31: {  	[smem:$0x3F8A] =	sst s10  }
0x32: {  	s10 =	sld [smem:$0x3F88];
	_ =	sdelay $0x3  }
0x33: {  	p0 =	seq.s32 s10, $0x1;
	s10 =	sld [smem:$0x3F8A];
	_ =	sdelay $0x3  }
0x34: {  	[smem:$0x3F8A] =	sst s10  }
0x35: {  	s10 =	sld [smem:$0x3F89];
	_ =	sdelay $0x3  }
0x36: {  	p1 =	seq.s32 s10, $0x1;
	s10 =	sld [smem:$0x3F8A];
	_ =	sdelay $0x3  }
0x37: {  	[smem:$0x3F8A] =	sst s10  }
0x38: {  	s10 =	sld [smem:$0x3F8B]  }
0x39: {  	_ = 	snop;
	(pc) =	sbr.ind lr, $3  }
0x3a: {  	_ = 	snop  }
0x3b: {  	_ = 	snop  }
0x3c: {  	p2 =	seq.s32 s10, $0x1;
	s10 =	sld [smem:$0x3F8A]  }
0x3d: {  	_ =	shalt  }
0x3e: {  	_ =	shalt  }
0x3f: {  	_ =	shalt  }
0x40: {  	_ =	shalt  }
0x41: {  	_ =	shalt  }
0x42: {  	_ =	shalt  }
0x43: {  	_ =	shalt  }
0x44: {  	_ =	shalt  }
0x45: {  	_ =	shalt  }
0x46: {  	_ =	shalt  }
0x47: {  	_ =	shalt  }
0x48: {  	_ =	shalt  }
0x49: {  	_ =	shalt  }
0x4a: {  	_ =	shalt  }
0x4b: {  	_ =	shalt  }
0x4c: {  	_ =	shalt  }
0x4d: {  	_ =	shalt  }
0x4e: {  	_ =	shalt  }
0x4f: {  	_ =	shalt  }
0x50: {  	_ =	shalt  }
0x51: {  	_ =	shalt  }
0x52: {  	_ =	shalt  }
0x53: {  	_ =	shalt  }
0x54: {  	_ =	shalt  }
0x55: {  	_ =	shalt  }
0x56: {  	_ =	shalt  }
0x57: {  	_ =	shalt  }
0x58: {  	_ =	shalt  }
0x59: {  	_ =	shalt  }
0x5a: {  	_ =	shalt  }
0x5b: {  	_ =	shalt  }
0x5c: {  	_ =	shalt  }
0x5d: {  	_ =	shalt  }
0x5e: {  	_ =	shalt  }
0x5f: {  	_ =	shalt  }
0x60: {  	_ =	shalt  }
0x61: {  	_ =	shalt  }
0x62: {  	_ =	shalt  }
0x63: {  	_ =	shalt  }
0x64: {  	_ =	shalt  }
0x65: {  	_ =	shalt  }
0x66: {  	_ =	shalt  }
0x67: {  	_ =	shalt  }
0x68: {  	_ =	shalt  }
0x69: {  	_ =	shalt  }
0x6a: {  	_ =	shalt  }
0x6b: {  	_ =	shalt  }
0x6c: {  	_ =	shalt  }
0x6d: {  	_ =	shalt  }
0x6e: {  	_ =	shalt  }
0x6f: {  	_ =	shalt  }
0x70: {  	_ =	shalt  }
0x71: {  	_ =	shalt  }
0x72: {  	_ =	shalt  }
0x73: {  	_ =	shalt  }
0x74: {  	_ =	shalt  }
0x75: {  	_ =	shalt  }
0x76: {  	_ =	shalt  }
0x77: {  	_ =	shalt  }
0x78: {  	_ =	shalt  }
0x79: {  	_ =	shalt  }
0x7a: {  	_ =	shalt  }
0x7b: {  	_ =	shalt  }
0x7c: {  	_ =	shalt  }
0x7d: {  	_ =	shalt  }
0x7e: {  	_ =	shalt  }
0x7f: {  	_ =	shalt  }
0x80: {  	_ =	shalt  }
0x81: {  	_ =	shalt  }
0x82: {  	_ =	shalt  }
0x83: {  	_ =	shalt  }
0x84: {  	_ =	shalt  }
0x85: {  	_ =	shalt  }
0x86: {  	_ =	shalt  }
0x87: {  	_ =	shalt  }
.Lfunc_end0:
.L_simem_size_0:
called_computation.4_lowered:
.L_overlay_start_0:
0x88: {  	s2 =	sld [smem:$0x3FD9]  }
0x89: {  	s3 =	sld [smem:$0x3FFE];
	_ =	sdelay $0x1  }
0x8a: {  	s1 =	srdreg.scid  }
0x8b: {  	s0 =	sand.u32 $0x1, s1  }
0x8c: {  	s16 =	sshll.u32 s0, $0xA;
	s2 =	sadd.s32 s3, s2  }
0x8d: {  	s2 =	sadd.s32 s2, s16  }
0x8e: {  	[smem:$0x3F96] =	sst s2  }
0x8f: {  	_ = 	snop  }
0x90: {  	(tm) =	ssettm $0x1  }
0x91: {  	s17 =	sld [smem:$0x3FFB];
	_ =	sdelay $0x3  }
0x92: {  	_ =	strace s17  }
0x93: {  	s2 =	sld [smem:$0x3FFC];
	_ =	sdelay $0x3  }
0x94: {  	_ =	strace s2  }
0x95: {  	s2 =	sld [smem:$0x3FFD];
	_ =	sdelay $0x3  }
0x96: {  	_ =	strace s2  }
0x97: {  	_ =	strace $0x8FFFFFFF  }
0x98: {  	s18 =	sld [smem:$0x3FDB];
	_ =	sdelay $0x1  }
0x99: {  	s19 =	simm.s32 $_scs_section_size  }
0x9a: {  	s4 =	simm.s32 $_size__tile_overlayer_lowered;
	s5 =	simm.s32 $_tile_overlayer_lowered  }
0x9b: {  	s22 =	simm.s32 $0x1BFF;
	s21 =	sshll.u32 s5, $0x1;
	s2 =	sadd.s32 s19, s18  }
0x9c: {  	s6 =	simm.s32 $0x0;
	s20 =	sshll.u32 s4, $0x1;
	s4 =	sadd.s32 s21, s2  }
0x9d: {  	[timem:s6], [sflag:s22] =	dma.local [hbm:s4], s20  }
0x9e: {  	_ =	swait.ge [sflag:s22], s20  }
0x9f: {  	s3 =	ssub.s32 $0x0, s20;
	[sflag:s22] =	ssyncset.done $0x0  }
0xa0: {  	[sflag:s22] =	ssyncadd.s32 s3;
	_ =	sdelay $0x1  }
0xa1: {  	s23 =	simm.s32 $0x1B8B  }
0xa2: {  	_ =	swait.ge [sflag:s23], $0x1  }
0xa3: {  	[sflag:s23] =	ssyncset.done $0x0  }
0xa4: {  	s25 =	simm.s32 $0x1B8E;
	s24 =	sld [smem:$0x3FFE];
	[sflag:s23] =	ssyncadd.s32 $0xFFFFFFFF  }
0xa5: {  	s26 =	simm.s32 $execute0_lowered;
	[smem:$0x3FD2] =	sst s25  }
0xa6: {  	s4 =	sshll.u32 s26, $0x1;
	_ =	strace $0x80000052;
	[dreg:$0x1] =	wrdreg $0xFFFFFFFF  }
0xa7: {  	s28 =	simm.s32 $_size_execute0_lowered;
	s2 =	sadd.s32 s2, s4;
	[dreg:$0x0] =	wrdreg $0x0  }
0xa8: {  	s4 =	sshll.u32 s28, $0x1;
	[dreg:$0x2] =	wrdreg s2  }
0xa9: {  	[dreg:$0x3] =	wrdreg s4  }
0xaa: {  	[dreg:$0x4] =	wrdreg $0xC0  }
0xab: {  	_ =	task [dreg:s6], $0x5FFFF  }
0xac: {  	[dreg:$0x1] =	wrdreg $0xFFFFFFFF  }
0xad: {  	[dreg:$0x0] =	wrdreg $0x60  }
0xae: {  	[dreg:$0x2] =	wrdreg s24  }
0xaf: {  	[dreg:$0x3] =	wrdreg $0x150000  }
0xb0: {  	[dreg:$0x4] =	wrdreg $0x9  }
0xb1: {  	_ =	task.clear_ibuf [dreg:s6], $0x5FFFF;
	_ =	strace $0x90000052  }
0xb2: {  	s29 =	simm.s32 $0x9;
	_ =	strace $0x80000054  }
0xb3: {  	_ =	swait.ge [sflag:s29], $0x1  }
0xb4: {  	[sflag:s29] =	ssyncadd.s32 $0xFFFFFFFF  }
0xb5: {  	_ =	strace $0x90000054  }
0xb6: {  	_ =	sfence  }
0xb7: {  	s30 =	sld [smem:$0x0];
	_ =	sdelay $0x2  }
0xb8: {  	s31 =	sshll.u32 s1, $0xD;
	s1 =	sshrl.u32 s1, $0x2  }
0xb9: {  	s3 =	sand.u32 $0x4000, s31;
	s1 =	sadd.s32 s1, s30  }
0xba: {  	s0 =	sor.u32 s3, s0;
	s1 =	sshll.u32 s1, $0x11  }
0xbb: {  	s0 =	sor.u32 s1, s0  }
0xbc: {  	s0 =	sadd.s32 $0x8F2B, s0  }
0xbd: {  	[sflag:s0] =	ssyncadd.remote.s32 $0x1  }
0xbe: {  	_ =	sfence.sel $0xFFFF  }
0xbf: {  	[dreg:$0x0] =	wrdreg $0xFFFFFFFF;
	(pc) =	sbr.abs _section_cstart, $3  }
0xc0: {  	[dreg:$0x1] =	wrdreg $0xFFFFFFFF  }
0xc1: {  	_ =	task.clear_ibuf [dreg:s6], $0x2FFFF;
	_ =	strace $0x9FFFFFFF  }
0xc2: {  	(tm) =	ssettm $0x7FFFFFFF  }
0xc3: {  	_ =	shalt  }
tec
execute0_lowered:
.L_overlay_start_1:
0x0: {  	(tag) =	ssettag $0x1  }
0x1: {  	s0 =	srdreg.scid;
	s1 =	rddreg [dreg:$0x0]  }
0x2: {  	s2 =	rddreg [dreg:$0x1];
	s9 =	stileid.u32  }
0x3: {  	s3 =	simm.s32 $0x0;
	s14 =	simm.s32 $0x5000;
	s15 =	simm.s32 $0x3  }
0x4: {  	s16 =	simm.s32 $0x2;
	s17 =	simm.s32 $0x80;
	s28 =	simm.s32 $0xF000  }
0x5: {  	s29 =	simm.s32 $0x300;
	s30 =	simm.s32 $0x11000;
	s31 =	simm.s32 $0x13000  }
0x6: {  	s0 =	sand.u32 $0x1, s0;
	[smem:$0x7FF] =	sst s3;
	s8 =	smul.u32 $0x28000, s9  }
0x7: {  	s12 =	smul.u32 $0xA000, s9;
	s4 =	sshll.u32 s0, $0x4;
	_ =	strace $0x80000053  }
0x8: {  	s6 =	smul.u32 $0x14000, s0;
	s0 =	ssub.s32 $0x2, s0;
	s4 =	sor.u32 s9, s4  }
0x9: {  	s26 =	sshrl.u32 s0, $0x1;
	s8 =	sshrl.u32 s8, $0x2;
	s13 =	sshrl.u32 s12, $0x3  }
0xa: {  	s5 =	smul.u32 $0x500, s4;
	s4 =	sadd.s32 $0x9A00, s1;
	s11 =	sadd.s32 s8, s2  }
0xb: {  	s0 =	ssub.s32 s0, s26;
	s8 =	sadd.s32 $0x2000, s11;
	s9 =	sadd.s32 $0x4000, s11  }
0xc: {  	s10 =	sadd.s32 $0x6000, s11;
	s11 =	sadd.s32 $0x8000, s11;
	s7 =	sadd.s32 s5, s1  }
0xd: {  	s1 =	sadd.s32 s6, s1;
	s5 =	sadd.s32 $0x1D400, s7;
	s6 =	sadd.s32 $0x27400, s7  }
0xe: {  	s7 =	sadd.s32 s12, s2;
	s1 =	sadd.s32 $0xA6A00, s1;
	s12 =	smax.u32 s0, $0x1  }
0xf: {  	v0 =	vimm.f32 $0.0e+00;
	s0 =	simm.s32 $0x1;
	s24 =	sadd.s32 s13, s1;
	s1 =	simm.s32 $0x0  }
.LBB2_1:
0x10: {  	[tilespmem:s3], [sflag:$0x2] =	stream.linear.gather [hbm4b:s5+s3], $0x2800, $0x38;
	[tilespmem:$0x1F000] =	vst v63  }
0x11: {  	s13 =	simm.s32 $0x2800  }
0x12: {  	[tilespmem:s13], [sflag:$0x2] =	stream.linear.gather [hbm4b:s6+s3], $0x2800, $0x38;
	[tilespmem:$0x1F000] =	vst v63  }
0x13: {  	s18 =	simm.s32 $0x100;
	s13 =	simm.s32 $0x0  }
.LBB2_2:
0x14: {  	p0 =	sne.s32 s18, $0x7F00;
	[tilespmem:s13+$0x5030] =	vst v0;
	s19 =	smov.u32 s18;
	s18 =	sadd.s32 $0x100, s18  }
.Ltmp0:
0x15: {  	[tilespmem:s13+$0x5020] =	vst v0;
	(pc) =	sbr.rel @p0 .LBB2_2-.Ltmp0, $3  }
0x16: {  	[tilespmem:s13+$0x5000] =	vst v0  }
0x17: {  	[tilespmem:s13+$0x5010] =	vst v0;
	_ =	sdelay $0x1  }
0x18: {  	s13 =	sshra.s32 s19, $0x2  }
0x19: {  	[tilespmem:s13+$0x5030] =	vst v0  }
0x1a: {  	[tilespmem:s13+$0x5020] =	vst v0  }
0x1b: {  	[tilespmem:s13+$0x5000] =	vst v0  }
0x1c: {  	[tilespmem:s13+$0x5010] =	vst v0  }
0x1d: {  	[spmem:s7] =	stream.linear.scatter [tilespmem:s14], [sflag:$0x3], $0x2000, $0x38;
	[tilespmem:$0x1F000] =	vst v63  }
0x1e: {  	_ =	swait.ge [sflag:s15], $0x2000  }
0x1f: {  	[sflag:s15] =	ssyncset.done $0x0  }
0x20: {  	[sflag:s15] =	ssyncadd.s32 $0xFFFFE000  }
0x21: {  	[spmem:s8] =	stream.linear.scatter [tilespmem:s14], [sflag:$0x3], $0x2000, $0x38;
	[tilespmem:$0x1F000] =	vst v63  }
0x22: {  	_ =	swait.ge [sflag:s15], $0x2000  }
0x23: {  	[sflag:s15] =	ssyncset.done $0x0  }
0x24: {  	[sflag:s15] =	ssyncadd.s32 $0xFFFFE000  }
0x25: {  	[spmem:s9] =	stream.linear.scatter [tilespmem:s14], [sflag:$0x3], $0x2000, $0x38;
	[tilespmem:$0x1F000] =	vst v63  }
0x26: {  	_ =	swait.ge [sflag:s15], $0x2000  }
0x27: {  	[sflag:s15] =	ssyncset.done $0x0  }
0x28: {  	[sflag:s15] =	ssyncadd.s32 $0xFFFFE000  }
0x29: {  	[spmem:s10] =	stream.linear.scatter [tilespmem:s14], [sflag:$0x3], $0x2000, $0x38;
	[tilespmem:$0x1F000] =	vst v63  }
0x2a: {  	_ =	swait.ge [sflag:s15], $0x2000  }
0x2b: {  	[sflag:s15] =	ssyncset.done $0x0  }
0x2c: {  	[sflag:s15] =	ssyncadd.s32 $0xFFFFE000  }
0x2d: {  	[spmem:s11] =	stream.linear.scatter [tilespmem:s14], [sflag:$0x3], $0x2000, $0x38;
	[tilespmem:$0x1F000] =	vst v63  }
0x2e: {  	_ =	swait.ge [sflag:s15], $0x2000  }
0x2f: {  	[sflag:s15] =	ssyncset.done $0x0  }
0x30: {  	[sflag:s15] =	ssyncadd.s32 $0xFFFFE000  }
0x31: {  	_ =	swait.ge [sflag:s16], $0x2800  }
0x32: {  	[sflag:s16] =	ssyncset.done $0x0  }
0x33: {  	[sflag:s16] =	ssyncadd.s32 $0xFFFFD800  }
0x34: {  	_ =	swait.ge [sflag:s16], $0x2800  }
0x35: {  	[sflag:s16] =	ssyncset.done $0x0  }
0x36: {  	[sflag:s16] =	ssyncadd.s32 $0xFFFFD800  }
0x37: {  	s18 =	simm.s32 $0x0;
	[bflag:$0x0] =	sbarrier.arrive $0xFFFF  }
0x38: {  	[tilespmem:s14], [sflag:$0x1] =	stream.indirect.gather [hbm4b:s4+s17], $0x40, s18, s17, $0xb8;
	[tilespmem:$0x1F000] =	vst v63  }
0x39: {  	s25 =	simm.s32 $0x7000  }
0x3a: {  	[tilespmem:s25], [sflag:$0x1] =	stream.indirect.gather [hbm4b:s4+s17], $0x40, s17, s17, $0xb8;
	[tilespmem:$0x1F000] =	vst v63  }
0x3b: {  	s26 =	simm.s32 $0x100;
	s19 =	simm.s32 $0x9000  }
0x3c: {  	[tilespmem:s19], [sflag:$0x1] =	stream.indirect.gather [hbm4b:s4+s17], $0x40, s26, s17, $0xb8;
	[tilespmem:$0x1F000] =	vst v63  }
0x3d: {  	s20 =	simm.s32 $0x180;
	s21 =	simm.s32 $0xB000  }
0x3e: {  	[tilespmem:s21], [sflag:$0x1] =	stream.indirect.gather [hbm4b:s4+s17], $0x40, s20, s17, $0xb8;
	[tilespmem:$0x1F000] =	vst v63  }
0x3f: {  	s22 =	simm.s32 $0x200;
	s23 =	simm.s32 $0xD000  }
0x40: {  	[tilespmem:s23], [sflag:$0x1] =	stream.indirect.gather [hbm4b:s4+s17], $0x40, s22, s17, $0xb8;
	[tilespmem:$0x1F000] =	vst v63  }
0x41: {  	s18 =	sand.u32 $0x38000, s18;
	s25 =	simm.s32 $0x280  }
0x42: {  	[tilespmem:s28], [sflag:$0x1] =	stream.indirect.gather [hbm4b:s4+s17], $0x40, s25, s17, $0xb8;
	[tilespmem:$0x1F000] =	vst v63  }
0x43: {  	s13 =	simm.s32 $0x380;
	s18 =	sshrl.u32 s18, $0x2  }
0x44: {  	[tilespmem:s30], [sflag:$0x1] =	stream.indirect.gather [hbm4b:s4+s17], $0x40, s29, s17, $0xb8;
	[tilespmem:$0x1F000] =	vst v63  }
0x45: {  	p0 =	por $0x1, $0x1;
	s18 =	sadd.s32 $0x5000, s18;
	s19 =	simm.s32 $0xE000  }
0x46: {  	[tilespmem:s31], [sflag:$0x1] =	stream.indirect.gather [hbm4b:s4+s17], $0x40, s13, s17, $0xb8;
	[tilespmem:$0x1F000] =	vst v63  }
0x47: {  	s26 =	simm.s32 $0x2800;
	s20 =	sand.u32 @!p0 $0xE000, s19;
	_ =	swait.ge [sflag:s0], $0x2000  }
0x48: {  	s19 =	simm.s32 $0x0;
	s21 =	simm.s32 $0x2880;
	[sflag:s0] =	ssyncset.done $0x0  }
0x49: {  	s23 =	simm.s32 @!p0 $0x2;
	s22 =	simm.s32 $0x380;
	[sflag:s0] =	ssyncadd.s32 $0xFFFFE000  }
0x4a: {  	[spmem:s2] =	stream.indirect.scatter.add.f32 [tilespmem:s18], [sflag:$0x2], $0x40, s26, s17, $0xb8;
	[tilespmem:$0x1F000] =	vst v63  }
0x4b: {  	s25 =	sadd.s32 @!p0 $0x5000, s20;
	s20 =	simm.s32 $0x8000;
	_ =	swait.ge @!p0 [sflag:s23], $0x2000  }
0x4c: {  	s18 =	simm.s32 $0x10000;
	s26 =	simm.s32 @!p0 $0x80;
	[sflag:s23] =	ssyncset.done @!p0 $0x0  }
.LBB2_4:
0x4d: {  	[sflag:s23] =	ssyncadd.s32 @!p0 $0xFFFFE000  }
0x4e: {  	s13 =	sadd.s32 $0x80, s13;
	s23 =	smov.u32 s18;
	s18 =	sadd.s32 $0x2000, s18  }
0x4f: {  	[tilespmem:s25], [sflag:$0x1] =	stream.indirect.gather @!p0 [hbm4b:s4+s26], $0x40, s22, s26, $0xb8;
	[tilespmem:$0x1F000] =	vst v63  }
0x50: {  	p1 =	sne.s32 s18, $0xAE000;
	s22 =	smov.u32 s13  }
0x51: {  	s25 =	sand.u32 $0x38000, s20;
	_ =	swait.ge [sflag:s0], $0x2000  }
0x52: {  	p0 =	sgt.u32 s19, $0x47;
	s25 =	sshrl.u32 s25, $0x2;
	[sflag:s0] =	ssyncset.done $0x0  }
.Ltmp1:
0x53: {  	s25 =	sadd.s32 $0x5000, s25;
	[sflag:s0] =	ssyncadd.s32 $0xFFFFE000;
	(pc) =	sbr.rel @p1 .LBB2_4-.Ltmp1, $4  }
0x54: {  	[spmem:s2] =	stream.indirect.scatter.add.f32 [tilespmem:s25], [sflag:$0x2], $0x40, s21, s17, $0xb8;
	[tilespmem:$0x1F000] =	vst v63  }
0x55: {  	s19 =	sadd.s32 $0x1, s19;
	s25 =	sand.u32 @!p0 $0xE000, s23;
	s23 =	simm.s32 @!p0 $0x2  }
0x56: {  	s20 =	sadd.s32 $0x8000, s20;
	s25 =	sadd.s32 @!p0 $0x5000, s25;
	_ =	swait.ge @!p0 [sflag:s23], $0x2000  }
0x57: {  	s26 =	simm.s32 @!p0 $0x80;
	s21 =	sadd.s32 $0x80, s21;
	[sflag:s23] =	ssyncset.done @!p0 $0x0  }
0x58: {  	[sflag:s23] =	ssyncadd.s32 @!p0 $0xFFFFE000  }
0x59: {  	[tilespmem:s25], [sflag:$0x1] =	stream.indirect.gather @!p0 [hbm4b:s4+s26], $0x40, s22, s26, $0xb8;
	[tilespmem:$0x1F000] =	vst v63  }
0x5a: {  	_ =	swait.ge [sflag:s16], $0x2000  }
0x5b: {  	[sflag:s16] =	ssyncset.done $0x0  }
0x5c: {  	[sflag:s16] =	ssyncadd.s32 $0xFFFFE000  }
0x5d: {  	_ =	swait.ge [sflag:s16], $0x2000  }
0x5e: {  	[sflag:s16] =	ssyncset.done $0x0  }
0x5f: {  	[sflag:s16] =	ssyncadd.s32 $0xFFFFE000  }
0x60: {  	_ =	swait.ge [sflag:s16], $0x2000  }
0x61: {  	[sflag:s16] =	ssyncset.done $0x0  }
0x62: {  	[sflag:s16] =	ssyncadd.s32 $0xFFFFE000  }
0x63: {  	_ =	swait.ge [sflag:s16], $0x2000  }
0x64: {  	[sflag:s16] =	ssyncset.done $0x0  }
0x65: {  	[sflag:s16] =	ssyncadd.s32 $0xFFFFE000  }
0x66: {  	_ =	swait.ge [sflag:s16], $0x2000  }
0x67: {  	[sflag:s16] =	ssyncset.done $0x0  }
0x68: {  	[sflag:s16] =	ssyncadd.s32 $0xFFFFE000  }
0x69: {  	_ =	swait.ge [sflag:s16], $0x2000  }
0x6a: {  	[sflag:s16] =	ssyncset.done $0x0  }
0x6b: {  	[sflag:s16] =	ssyncadd.s32 $0xFFFFE000  }
0x6c: {  	_ =	swait.ge [sflag:s16], $0x2000  }
0x6d: {  	[sflag:s16] =	ssyncset.done $0x0  }
0x6e: {  	[sflag:s16] =	ssyncadd.s32 $0xFFFFE000  }
0x6f: {  	s13 =	stileid.u32;
	_ =	swait.ge [sflag:s16], $0x2000  }
0x70: {  	s18 =	sshrl.u32 s7, $0x3;
	s1 =	sadd.s32 $0x1, s1;
	[sflag:s16] =	ssyncset.done $0x0  }
0x71: {  	s13 =	sshll.u32 s13, $0x6;
	p0 =	sne.s32 s1, s12;
	[sflag:s16] =	ssyncadd.s32 $0xFFFFE000  }
.Ltmp2:
0x72: {  	s13 =	sor.u32 $0x1C03, s13;
	[bflag:$0x0] =	sbarrier.arrive $0xFFFF;
	(pc) =	sbr.rel @p0 .LBB2_1-.Ltmp2, $4  }
0x73: {  	[hbm:s24], [sflag:s13] =	dma.local [spmem:s18], $0x1400  }
0x74: {  	_ =	swait.ge [sflag:s15], $0x1400  }
0x75: {  	[sflag:s15] =	ssyncset.done $0x0  }
0x76: {  	[sflag:s15] =	ssyncadd.s32 $0xFFFFEC00  }
0x77: {  	_ =	sfence.sel $0x180000  }
0x78: {  	[bflag:$0x0] =	sbarrier.arrive $0xFFFF  }
0x79: {  	_ =	strace $0x90000053  }
0x7a: {  	s0 =	stileid.u32;
	[bflag:$0x2] =	sbarrier.arrive $0xFFFF  }
0x7b: {  	p0 =	sne.s32 s0, $0x0;
	s0 =	rddreg [dreg:$0x2]  }
0x7c: {  	s0 =	sadd.s32 @!p0 $0x100000, s0  }
0x7d: {  	[sflag:s0] =	ssyncadd.tile.s32 @!p0 $0x1;
	_ =	shalt  }
.Lfunc_end2:
_tile_overlayer_lowered:
.L_overlay_start_2:
0x7e: {  	(tag) =	ssettag $0x2  }
0x7f: {  	s0 =	rddreg [dreg:$0x0];
	s2 =	stileid.u32  }
0x80: {  	s1 =	rddreg [dreg:$0x1];
	p0 =	sne.s32 s2, $0x0  }
0x81: {  	s3 =	rddreg [dreg:$0x2];
	[bflag:$0x3] =	sbarrier.arrive $0xFFFF;
	s2 =	simm.s32 @!p0 $0x1C03  }
0x82: {  	[timem:s3], [sflag:s2] =	dma.local @!p0 [hbm:s0], s1  }
0x83: {  	s0 =	simm.s32 @!p0 $0x3  }
0x84: {  	_ =	swait.ge @!p0 [sflag:s0], s1  }
0x85: {  	s1 =	ssub.s32 @!p0 $0x0, s1;
	[sflag:s0] =	ssyncset.done @!p0 $0x0  }
0x86: {  	[sflag:s0] =	ssyncadd.s32 @!p0 s1  }
0x87: {  	[bflag:$0x3] =	sbarrier.arrive $0xFFFF  }
0x88: {  	_ =	shalt  }

</sc_bundles>
